<compile_context>
chip_gen: v7x
topology: tpu7x:2x2x1
jax: 0.10.2.dev20260603
libtpu: 0.0.44.dev20260713+nightly
codegen_flags: <defaults>
</compile_context>

<pallas_src>
import functools

import jax
import jax.numpy as jnp
from jax import lax
from jax.experimental import pallas as pl
from jax.experimental.pallas import tpu as pltpu
from jax.experimental.pallas import tpu_sc as plsc

N_ENT = 10000
N_REL = 200
N_EDGE = 320000
D = 128

NPAD = 10240
RPAD = 256
RTBL = 201
NC, NS = 2, 16
NW = NC * NS
EPW = 10240
EPAD = NW * EPW
KB = 80
NB2 = EPW // KB
NI = NB2 // 4
FAST = 0
CBS = 16
CBF = 2 * NB2 - CBS


def _k1_body(relf_ref, ww_ref, wb_ref, aw_ref, ab_ref, wrel_ref,
             st_ref, relw_ref):
    relf = relf_ref[...]
    aw = aw_ref[...]
    a1 = aw[:, :D]
    a2 = aw[:, D:]
    ww = ww_ref[...]
    wb = wb_ref[...]
    v1 = jnp.dot(a1, ww, preferred_element_type=jnp.float32)
    v2 = jnp.dot(a2, ww, preferred_element_type=jnp.float32)
    c1 = jnp.sum(a1 * wb)
    c2 = jnp.sum(a2 * wb) + ab_ref[0]
    v12 = jnp.concatenate([v1, v2], axis=0)
    st = lax.dot_general(v12, relf, (((1,), (1,)), ((), ())),
                         preferred_element_type=jnp.float32)
    c12 = jnp.concatenate([c1.reshape(1, 1), c2.reshape(1, 1)], axis=0)
    st_ref[...] = st + c12
    relw_ref[...] = jnp.dot(relf, wrel_ref[...],
                            preferred_element_type=jnp.float32)


def _pass_a_body(rows_hbm, et_hbm, qt_hbm, st_hbm,
                 alpha_hbm, deg_hbm, sa_hbm,
                 rows_v, et_v, qt_v, alpha_v, st_v, deg_loc, sa_loc):
    cid = lax.axis_index("c")
    sid = lax.axis_index("s")
    wid = sid * NC + cid
    pltpu.sync_copy(rows_hbm.at[wid], rows_v)
    pltpu.sync_copy(et_hbm.at[wid], et_v)
    pltpu.sync_copy(qt_hbm.at[wid], qt_v)
    pltpu.sync_copy(st_hbm, st_v)

    zero16 = jnp.zeros((16,), jnp.float32)
    ones16 = jnp.ones((16,), jnp.float32)

    def zbody(i, _):
        deg_loc[pl.ds(i * 16, 16)] = zero16
        sa_loc[pl.ds(i * 16, 16)] = zero16
        return 0
    lax.fori_loop(0, NPAD // 16, zbody, 0)

    def body(i, _):
        off = i * 16
        r16 = rows_v[pl.ds(off, 16)]
        e16 = et_v[pl.ds(off, 16)]
        q16 = qt_v[pl.ds(off, 16)]
        sv = plsc.load_gather(st_v, [e16])
        tv = plsc.load_gather(st_v, [q16 + RPAD])
        x = sv + tv
        x = jnp.where(x >= 0.0, x, 0.01 * x)
        a = jnp.exp(x)
        alpha_v[pl.ds(off, 16)] = a
        plsc.addupdate_scatter(sa_loc, [r16], a)
        plsc.addupdate_scatter(deg_loc, [r16], ones16)
        return 0
    lax.fori_loop(0, EPW // 16, body, 0)

    pltpu.sync_copy(alpha_v, alpha_hbm.at[wid])
    pltpu.sync_copy(deg_loc, deg_hbm.at[wid])
    pltpu.sync_copy(sa_loc, sa_hbm.at[wid])


def _k3_body(deg_ref, sa_ref, dinv_ref, g_ref):
    deg = jnp.sum(deg_ref[...], axis=0)
    sa = jnp.sum(sa_ref[...], axis=0)
    dinv = jnp.where(deg > 0.0, lax.rsqrt(deg), 0.0)
    dinv_ref[...] = dinv
    g_ref[...] = jnp.where(sa > 0.0, dinv / sa, 0.0)


def _pass_c_body(rows_hbm, cols_hbm, et_hbm, alpha_hbm, dinv_hbm, g_hbm,
                 pk_hbm,
                 rows_v, cols_v, et_v, alpha_v, dinv_v, g_v, pkv):
    cid = lax.axis_index("c")
    sid = lax.axis_index("s")
    wid = sid * NC + cid
    pltpu.sync_copy(rows_hbm.at[wid], rows_v)
    pltpu.sync_copy(cols_hbm.at[wid], cols_v)
    pltpu.sync_copy(et_hbm.at[wid], et_v)
    pltpu.sync_copy(alpha_hbm.at[wid], alpha_v)
    pltpu.sync_copy(dinv_hbm, dinv_v)
    pltpu.sync_copy(g_hbm, g_v)

    def body(b2, _):
        for kc in range(KB // 16):
            off = b2 * KB + kc * 16
            sl16 = pl.ds(off, 16)
            r16 = rows_v[sl16]
            c16 = cols_v[sl16]
            coef = (alpha_v[sl16]
                    * plsc.load_gather(g_v, [r16])
                    * plsc.load_gather(dinv_v, [c16]))
            dsl = pl.ds(kc * 16, 16)
            pkv[b2, 0, dsl] = r16
            pkv[b2, 1, dsl] = c16
            pkv[b2, 2, dsl] = et_v[sl16]
            pkv[b2, 3, dsl] = plsc.bitcast(coef, jnp.int32)
        return 0
    lax.fori_loop(0, NB2, body, 0)
    pltpu.sync_copy(pkv, pk_hbm.at[wid])


def _pass_b_body(pk_hbm, rel_hbm, ent_hbm,
                 acc_hbm,
                 rel_v, xb0, xb1, eb0, eb1, eb2, eb3,
                 acc_sh, gs0, gs1, es0, es1, es2, es3, ss0, ss1):
    cid = lax.axis_index("c")
    sid = lax.axis_index("s")
    wid = sid * NC + cid
    xb = [xb0, xb1]
    eb = [eb0, eb1, eb2, eb3]
    gs = [gs0, gs1]
    es = [es0, es1, es2, es3]
    ss = [ss0, ss1]
    pltpu.sync_copy(rel_hbm, rel_v)

    zero16 = jnp.zeros((16,), jnp.float32)

    def zbody(i, _):
        for f in range(8):
            xb0[i, pl.ds(f * 16, 16)] = zero16
        return 0
    lax.fori_loop(0, KB, zbody, 0)
    for z in range(8):
        pltpu.sync_copy(xb0, acc_sh.at[pl.ds(sid * 640 + z * KB, KB)])
    plsc.subcore_barrier()

    iota16 = lax.iota(jnp.int32, 16)
    two16 = jnp.full((16,), 2, jnp.int32)
    three16 = jnp.full((16,), 3, jnp.int32)
    fiota = [jnp.int32(f * 16) + iota16 for f in range(8)]

    nit = jnp.where(cid == FAST, CBF // 4, CBS // 4)
    sib_off = 1 if FAST == 0 else -1

    def gbi(g):
        own = wid * NB2 + g
        sib = (wid + sib_off) * NB2 + (g - (NB2 - CBS))
        return jnp.where((cid == FAST) & (g >= NB2), sib, own)

    pltpu.sync_copy(pk_hbm.at[gbi(0)], eb[0])
    pltpu.async_copy(pk_hbm.at[gbi(1)], eb[1], es[1])
    pltpu.async_copy(ent_hbm.at[eb[0].at[1]], xb[0], gs[0])

    def outer(i, _):
        for sub in range(4):
            g = i * 4 + sub
            k = sub % 2
            kn = 1 - k
            sn = (sub + 1) % 4

            def issue_next_gather():
                pltpu.make_async_copy(pk_hbm.at[gbi(g + 1)], eb[sn],
                                      es[sn]).wait()
                pltpu.async_copy(ent_hbm.at[eb[sn].at[1]], xb[kn], gs[kn])

            def wait_prev_scatter():
                pltpu.make_async_copy(xb[kn], acc_sh.at[eb[(sub + 3) % 4]
                                                        .at[0]], ss[kn]).wait()
            if sub == 0:
                pl.when(i >= 1)(wait_prev_scatter)
            else:
                wait_prev_scatter()
            if sub == 3:
                pl.when(i < nit - 1)(issue_next_gather)
            else:
                issue_next_gather()

            pltpu.make_async_copy(ent_hbm.at[eb[sub].at[1]], xb[k],
                                  gs[k]).wait()

            @plsc.parallel_loop(0, KB, step=1, unroll=4)
            def edge(j):
                jv = jnp.full((16,), j, jnp.int32)
                e16 = plsc.load_gather(eb[sub], [two16, jv])
                c16i = plsc.load_gather(eb[sub], [three16, jv])
                c16 = plsc.bitcast(c16i, jnp.float32)
                base = e16 * D
                for f in range(8):
                    rv = plsc.load_gather(rel_v, [base + fiota[f]])
                    sl = pl.ds(f * 16, 16)
                    xb[k][j, sl] = xb[k][j, sl] * rv * c16

            pltpu.async_copy(xb[k], acc_sh.at[eb[sub].at[0]], ss[k],
                             add=True)

            def issue_next_edgedata():
                pltpu.async_copy(pk_hbm.at[gbi(g + 2)], eb[(sub + 2) % 4],
                                 es[(sub + 2) % 4])
            if sub >= 2:
                pl.when(i < nit - 1)(issue_next_edgedata)
            else:
                issue_next_edgedata()
        return 0
    lax.fori_loop(0, nit, outer, 0)
    pltpu.make_async_copy(xb[1], acc_sh.at[eb[3].at[0]], ss[1]).wait()
    plsc.subcore_barrier()
    pltpu.sync_copy(acc_sh.at[pl.ds(sid * 640, 640)],
                    acc_hbm.at[cid, pl.ds(sid * 640, 640)])


def _k5_body(acc_ref, ent_ref, lrel_ref, wout_ref, wloop_ref, bias_ref,
             gam_ref, bet_ref, out_ref):
    acc = acc_ref[0, :, :] + acc_ref[1, :, :]
    h = jnp.dot(acc, wout_ref[...], preferred_element_type=jnp.float32)
    lr = jnp.dot(ent_ref[...] * lrel_ref[...], wloop_ref[...],
                 preferred_element_type=jnp.float32)
    out = h * 0.5 + lr * 0.5 + bias_ref[...]
    mask = (lax.broadcasted_iota(jnp.int32, (NPAD, 1), 0)
            < N_ENT).astype(jnp.float32)
    om = out * mask
    mean = jnp.sum(om, axis=0, keepdims=True) / N_ENT
    var = jnp.sum(om * om, axis=0, keepdims=True) / N_ENT - mean * mean
    y = (out - mean) * lax.rsqrt(var + 1e-5) * gam_ref[...] + bet_ref[...]
    out_ref[...] = jnp.where(y >= 0.0, y, 0.01 * y)


@functools.cache
def _sc_kernels():
    sc_mesh = plsc.VectorSubcoreMesh(core_axis_name="c", subcore_axis_name="s",
                                     num_cores=NC, num_subcores=NS)
    params = pltpu.CompilerParams(needs_layout_passes=False)
    pass_a = pl.kernel(
        _pass_a_body,
        out_type=(
            jax.ShapeDtypeStruct((NW, EPW), jnp.float32),
            jax.ShapeDtypeStruct((NW, NPAD), jnp.float32),
            jax.ShapeDtypeStruct((NW, NPAD), jnp.float32),
        ),
        mesh=sc_mesh,
        compiler_params=params,
        scratch_types=[
            pltpu.VMEM((EPW,), jnp.int32),
            pltpu.VMEM((EPW,), jnp.int32),
            pltpu.VMEM((EPW,), jnp.int32),
            pltpu.VMEM((EPW,), jnp.float32),
            pltpu.VMEM((2 * RPAD,), jnp.float32),
            pltpu.VMEM((NPAD,), jnp.float32),
            pltpu.VMEM((NPAD,), jnp.float32),
        ],
    )

    pass_c = pl.kernel(
        _pass_c_body,
        out_type=jax.ShapeDtypeStruct((NW, NB2, 4, KB), jnp.int32),
        mesh=sc_mesh,
        compiler_params=params,
        scratch_types=[
            pltpu.VMEM((EPW,), jnp.int32),
            pltpu.VMEM((EPW,), jnp.int32),
            pltpu.VMEM((EPW,), jnp.int32),
            pltpu.VMEM((EPW,), jnp.float32),
            pltpu.VMEM((NPAD,), jnp.float32),
            pltpu.VMEM((NPAD,), jnp.float32),
            pltpu.VMEM((NB2, 4, KB), jnp.int32),
        ],
    )

    pass_b = pl.kernel(
        _pass_b_body,
        out_type=jax.ShapeDtypeStruct((NC, NPAD, D), jnp.float32),
        mesh=sc_mesh,
        compiler_params=params,
        scratch_types=[
            pltpu.VMEM((RTBL * D,), jnp.float32),
            pltpu.VMEM((KB, D), jnp.float32),
            pltpu.VMEM((KB, D), jnp.float32),
            pltpu.VMEM((4, KB), jnp.int32),
            pltpu.VMEM((4, KB), jnp.int32),
            pltpu.VMEM((4, KB), jnp.int32),
            pltpu.VMEM((4, KB), jnp.int32),
            pltpu.VMEM_SHARED((NPAD, D), jnp.float32),
            pltpu.SemaphoreType.DMA,
            pltpu.SemaphoreType.DMA,
            pltpu.SemaphoreType.DMA,
            pltpu.SemaphoreType.DMA,
            pltpu.SemaphoreType.DMA,
            pltpu.SemaphoreType.DMA,
            pltpu.SemaphoreType.DMA,
            pltpu.SemaphoreType.DMA,
        ],
    )
    return pass_a, pass_c, pass_b


def kernel(edge_index, edge_type, query_type, entity_embed, rel_embed,
           w_loop, w_out, w_rel, loop_rel, W_weight, W_bias, a_weight,
           a_bias, bias, bn_gamma, bn_beta):
    f32 = jnp.float32
    row = edge_index[0].astype(jnp.int32)
    col = edge_index[1].astype(jnp.int32)
    et = edge_type.astype(jnp.int32)
    qt = query_type.astype(jnp.int32)

    epad = EPAD - N_EDGE
    row_p = jnp.concatenate([row, jnp.full((epad,), N_ENT, jnp.int32)])
    col_p = jnp.concatenate([col, jnp.zeros((epad,), jnp.int32)])
    et_p = jnp.concatenate([et, jnp.zeros((epad,), jnp.int32)])
    qt_p = jnp.concatenate([qt, jnp.zeros((epad,), jnp.int32)])
    rows2 = row_p.reshape(NW, EPW)
    cols2 = col_p.reshape(NW, EPW)
    et2 = et_p.reshape(NW, EPW)
    qt2 = qt_p.reshape(NW, EPW)

    rel_full = jnp.concatenate([rel_embed, loop_rel], axis=0)
    relf = jnp.pad(rel_full, ((0, RPAD - RTBL), (0, 0)))
    ent_pad = jnp.pad(entity_embed, ((0, NPAD - N_ENT), (0, 0)))

    st, rel_w = pl.pallas_call(
        _k1_body,
        out_shape=(
            jax.ShapeDtypeStruct((2, RPAD), f32),
            jax.ShapeDtypeStruct((RPAD, D), f32),
        ),
    )(relf, W_weight, W_bias.reshape(1, D), a_weight,
      a_bias.reshape(1,), w_rel)

    pass_a, pass_c, pass_b = _sc_kernels()
    alpha2, deg_parts, sa_parts = pass_a(rows2, et2, qt2, st.reshape(-1))

    dinv, g = pl.pallas_call(
        _k3_body,
        out_shape=(
            jax.ShapeDtypeStruct((NPAD // 128, 128), f32),
            jax.ShapeDtypeStruct((NPAD // 128, 128), f32),
        ),
    )(deg_parts.reshape(NW, NPAD // 128, 128),
      sa_parts.reshape(NW, NPAD // 128, 128))

    pk = pass_c(rows2, cols2, et2, alpha2, dinv.reshape(-1), g.reshape(-1))

    acc_parts = pass_b(pk.reshape(NW * NB2, 4, KB), relf[:RTBL].reshape(-1),
                       ent_pad)

    node_out = pl.pallas_call(
        _k5_body,
        out_shape=jax.ShapeDtypeStruct((NPAD, D), f32),
    )(acc_parts, ent_pad, loop_rel, w_out, w_loop, bias.reshape(1, D),
      bn_gamma.reshape(1, D), bn_beta.reshape(1, D))

    return node_out[:N_ENT], rel_w[:N_REL]

# --- scband reference (transcript-rebuilt; emitter-appended) ---
"""Pipeline reference for scband-comp-gcnconv-27178553049425 (READ-ONLY COPY).

The authoritative reference and input builder live on the scoring server;
editing this copy changes nothing except your own understanding.
"""

import jax, jax.numpy as jnp
import numpy as np

N_ENT = 10000
N_REL = 200
N_EDGE = 320000
D_IN = 128
D_OUT = 128


def setup_inputs(seed: int = 0):
    key = jax.random.key(seed)
    ks = jax.random.split(key, 16)
    s = (2.0 / (D_IN + D_OUT)) ** 0.5
    inp = {}
    inp["edge_index"] = jax.random.randint(ks[0], (2, N_EDGE), 0, N_ENT)
    inp["edge_type"] = jax.random.randint(ks[1], (N_EDGE,), 0, N_REL)
    inp["query_type"] = jax.random.randint(ks[2], (N_EDGE,), 0, N_REL)
    inp["entity_embed"] = jax.random.normal(ks[3], (N_ENT, D_IN), dtype=jnp.float32)
    inp["rel_embed"] = jax.random.normal(ks[4], (N_REL, D_IN), dtype=jnp.float32)
    inp["w_loop"] = jax.random.normal(ks[5], (D_IN, D_OUT), dtype=jnp.float32) * s
    inp["w_out"] = jax.random.normal(ks[6], (D_IN, D_OUT), dtype=jnp.float32) * s
    inp["w_rel"] = jax.random.normal(ks[7], (D_IN, D_OUT), dtype=jnp.float32) * s
    inp["loop_rel"] = jax.random.normal(ks[8], (1, D_IN), dtype=jnp.float32) * s
    inp["W_weight"] = jax.random.normal(ks[9], (D_IN, D_IN), dtype=jnp.float32) * (1.0 / D_IN) ** 0.5
    inp["W_bias"] = jnp.zeros((D_IN,), dtype=jnp.float32)
    inp["a_weight"] = jax.random.normal(ks[10], (1, 2 * D_IN), dtype=jnp.float32) * (1.0 / (2 * D_IN)) ** 0.5
    inp["a_bias"] = jnp.zeros((1,), dtype=jnp.float32)
    inp["bias"] = jnp.zeros((D_OUT,), dtype=jnp.float32)
    inp["bn_gamma"] = jnp.ones((D_OUT,), dtype=jnp.float32)
    inp["bn_beta"] = jnp.zeros((D_OUT,), dtype=jnp.float32)
    return inp


def _leaky(x):
    return jnp.where(x >= 0, x, 0.01 * x)


def reference(edge_index, edge_type, query_type, entity_embed, rel_embed, w_loop, w_out, w_rel, loop_rel, W_weight, W_bias, a_weight, a_bias, bias, bn_gamma, bn_beta):
    # rel_embed extended with self-loop relation
    rel_full = jnp.concatenate([rel_embed, loop_rel], axis=0)
    num_ent = entity_embed.shape[0]
    row = edge_index[0]
    col = edge_index[1]
    # compute_norm: symmetric degree normalization over out edges
    deg = jnp.zeros((num_ent,), dtype=jnp.float32).at[row].add(1.0)
    deg_inv = jnp.where(deg > 0, deg ** -0.5, 0.0)
    norm = deg_inv[row] * deg_inv[col]
    # loop branch (p.loop=True): message over identity edges, rel_transform 'mult' with loop_rel
    loop_res = (entity_embed * loop_rel) @ w_loop
    # out branch message
    x_j = entity_embed[col % num_ent]
    rel_emb = rel_full[edge_type]
    xj_rel = x_j * rel_emb  # gcn_opn = 'mult'
    query_emb = rel_full[query_type]
    h = jnp.concatenate([rel_emb @ W_weight.T + W_bias, query_emb @ W_weight.T + W_bias], axis=-1)
    alpha = jnp.exp(_leaky(h @ a_weight.T + a_bias))  # [E, 1]
    sum_alpha = jnp.zeros((num_ent, 1), dtype=jnp.float32).at[row].add(alpha)
    alpha = alpha / sum_alpha[row]
    msg = (xj_rel @ w_out) * alpha * norm[:, None]
    out_res = jnp.zeros((num_ent, w_out.shape[1]), dtype=jnp.float32).at[row % num_ent].add(msg)
    # combine (dropout disabled / eval), bias, batchnorm (batch statistics)
    out = out_res * 0.5 + loop_res * 0.5 + bias
    mean = out.mean(axis=0)
    var = out.var(axis=0)
    out = (out - mean) / jnp.sqrt(var + 1e-5) * bn_gamma + bn_beta
    node_out = _leaky(out)
    rel_out = (rel_full @ w_rel)[:-1]
    return node_out, rel_out

if __name__ == "__main__":
    import jax
    _d = setup_inputs()
    print(jax.jit(kernel)(*tuple(_d.values())))

</pallas_src>

<mosaic_0001>
#map = affine_map<(d0, d1) -> (0, 0)>
#map1 = affine_map<(d0, d1) -> (0)>
module attributes {stable_mosaic.version = 14 : i64} {
  func.func @_pass_a_body(%arg0: i32, %arg1: i32, %arg2: memref<32x10240xi32, #tpu.memory_space<hbm>>, %arg3: memref<32x10240xi32, #tpu.memory_space<hbm>>, %arg4: memref<32x10240xi32, #tpu.memory_space<hbm>>, %arg5: memref<512xf32, #tpu.memory_space<hbm>>, %arg6: memref<32x10240xf32, #tpu.memory_space<hbm>>, %arg7: memref<32x10240xf32, #tpu.memory_space<hbm>>, %arg8: memref<32x10240xf32, #tpu.memory_space<hbm>>, %arg9: memref<10240xi32, #tpu.memory_space<vmem>>, %arg10: memref<10240xi32, #tpu.memory_space<vmem>>, %arg11: memref<10240xi32, #tpu.memory_space<vmem>>, %arg12: memref<10240xf32, #tpu.memory_space<vmem>>, %arg13: memref<512xf32, #tpu.memory_space<vmem>>, %arg14: memref<10240xf32, #tpu.memory_space<vmem>>, %arg15: memref<10240xf32, #tpu.memory_space<vmem>>) attributes {dimension_semantics = [#tpu.dimension_semantics<core_parallel>, #tpu.dimension_semantics<subcore_parallel>], iteration_bounds = array<i64: 2, 16>, scalar_prefetch = 0 : i64, scratch_operands = 7 : i64, tpu.core_type = #tpu.core_type<sc_vector_subcore>, window_params = [{transform_indices = #map}, {transform_indices = #map}, {transform_indices = #map}, {transform_indices = #map1}, {transform_indices = #map}, {transform_indices = #map}, {transform_indices = #map}]} {
    %mul3A = arith.constant 2 : i32
    %mul3A_0 = arith.muli %arg1, %mul3A : i32
    %add3A = arith.addi %mul3A_0, %arg0 : i32
    "tpu.region"() ({
      %run_scoped3A = tpu.sem_alloc : memref<!tpu.dma_semaphore, #tpu.memory_space<semaphore_mem>>
      %dma_start3A = arith.constant 0 : i32
      %dma_start3A_17 = tpu.memref_slice %arg2[%add3A, %dma_start3A] : memref<32x10240xi32, #tpu.memory_space<hbm>> -> memref<1x10240xi32, #tpu.memory_space<hbm>>
      %dma_start3A_18 = tpu.memref_squeeze %dma_start3A_17 : memref<1x10240xi32, #tpu.memory_space<hbm>> -> memref<10240xi32, #tpu.memory_space<hbm>>
      %dma_start3A_19 = arith.constant 0 : i32
      %dma_start3A_20 = tpu.memref_slice %arg2[%add3A, %dma_start3A_19] : memref<32x10240xi32, #tpu.memory_space<hbm>> -> memref<1x10240xi32, #tpu.memory_space<hbm>>
      %dma_start3A_21 = tpu.memref_squeeze %dma_start3A_20 : memref<1x10240xi32, #tpu.memory_space<hbm>> -> memref<10240xi32, #tpu.memory_space<hbm>>
      tpu.enqueue_dma source(%dma_start3A_21 : memref<10240xi32, #tpu.memory_space<hbm>>) target(%arg9 : memref<10240xi32, #tpu.memory_space<vmem>>) target_semaphore(%run_scoped3A : memref<!tpu.dma_semaphore, #tpu.memory_space<semaphore_mem>>)
      %dma_wait3A = arith.constant 0 : i32
      %dma_wait3A_22 = tpu.memref_slice %arg2[%add3A, %dma_wait3A] : memref<32x10240xi32, #tpu.memory_space<hbm>> -> memref<1x10240xi32, #tpu.memory_space<hbm>>
      %dma_wait3A_23 = tpu.memref_squeeze %dma_wait3A_22 : memref<1x10240xi32, #tpu.memory_space<hbm>> -> memref<10240xi32, #tpu.memory_space<hbm>>
      %dma_wait3A_24 = arith.constant 0 : i32
      %dma_wait3A_25 = tpu.memref_slice %arg2[%add3A, %dma_wait3A_24] : memref<32x10240xi32, #tpu.memory_space<hbm>> -> memref<1x10240xi32, #tpu.memory_space<hbm>>
      %dma_wait3A_26 = tpu.memref_squeeze %dma_wait3A_25 : memref<1x10240xi32, #tpu.memory_space<hbm>> -> memref<10240xi32, #tpu.memory_space<hbm>>
      tpu.wait_dma2 semaphore(%run_scoped3A : memref<!tpu.dma_semaphore, #tpu.memory_space<semaphore_mem>>) src(%dma_wait3A_26 : memref<10240xi32, #tpu.memory_space<hbm>>) dst(%arg9 : memref<10240xi32, #tpu.memory_space<vmem>>)
      tpu.yield
    }) : () -> ()
    "tpu.region"() ({
      %run_scoped3A = tpu.sem_alloc : memref<!tpu.dma_semaphore, #tpu.memory_space<semaphore_mem>>
      %dma_start3A = arith.constant 0 : i32
      %dma_start3A_17 = tpu.memref_slice %arg3[%add3A, %dma_start3A] : memref<32x10240xi32, #tpu.memory_space<hbm>> -> memref<1x10240xi32, #tpu.memory_space<hbm>>
      %dma_start3A_18 = tpu.memref_squeeze %dma_start3A_17 : memref<1x10240xi32, #tpu.memory_space<hbm>> -> memref<10240xi32, #tpu.memory_space<hbm>>
      %dma_start3A_19 = arith.constant 0 : i32
      %dma_start3A_20 = tpu.memref_slice %arg3[%add3A, %dma_start3A_19] : memref<32x10240xi32, #tpu.memory_space<hbm>> -> memref<1x10240xi32, #tpu.memory_space<hbm>>
      %dma_start3A_21 = tpu.memref_squeeze %dma_start3A_20 : memref<1x10240xi32, #tpu.memory_space<hbm>> -> memref<10240xi32, #tpu.memory_space<hbm>>
      tpu.enqueue_dma source(%dma_start3A_21 : memref<10240xi32, #tpu.memory_space<hbm>>) target(%arg10 : memref<10240xi32, #tpu.memory_space<vmem>>) target_semaphore(%run_scoped3A : memref<!tpu.dma_semaphore, #tpu.memory_space<semaphore_mem>>)
      %dma_wait3A = arith.constant 0 : i32
      %dma_wait3A_22 = tpu.memref_slice %arg3[%add3A, %dma_wait3A] : memref<32x10240xi32, #tpu.memory_space<hbm>> -> memref<1x10240xi32, #tpu.memory_space<hbm>>
      %dma_wait3A_23 = tpu.memref_squeeze %dma_wait3A_22 : memref<1x10240xi32, #tpu.memory_space<hbm>> -> memref<10240xi32, #tpu.memory_space<hbm>>
      %dma_wait3A_24 = arith.constant 0 : i32
      %dma_wait3A_25 = tpu.memref_slice %arg3[%add3A, %dma_wait3A_24] : memref<32x10240xi32, #tpu.memory_space<hbm>> -> memref<1x10240xi32, #tpu.memory_space<hbm>>
      %dma_wait3A_26 = tpu.memref_squeeze %dma_wait3A_25 : memref<1x10240xi32, #tpu.memory_space<hbm>> -> memref<10240xi32, #tpu.memory_space<hbm>>
      tpu.wait_dma2 semaphore(%run_scoped3A : memref<!tpu.dma_semaphore, #tpu.memory_space<semaphore_mem>>) src(%dma_wait3A_26 : memref<10240xi32, #tpu.memory_space<hbm>>) dst(%arg10 : memref<10240xi32, #tpu.memory_space<vmem>>)
      tpu.yield
    }) : () -> ()
    "tpu.region"() ({
      %run_scoped3A = tpu.sem_alloc : memref<!tpu.dma_semaphore, #tpu.memory_space<semaphore_mem>>
      %dma_start3A = arith.constant 0 : i32
      %dma_start3A_17 = tpu.memref_slice %arg4[%add3A, %dma_start3A] : memref<32x10240xi32, #tpu.memory_space<hbm>> -> memref<1x10240xi32, #tpu.memory_space<hbm>>
      %dma_start3A_18 = tpu.memref_squeeze %dma_start3A_17 : memref<1x10240xi32, #tpu.memory_space<hbm>> -> memref<10240xi32, #tpu.memory_space<hbm>>
      %dma_start3A_19 = arith.constant 0 : i32
      %dma_start3A_20 = tpu.memref_slice %arg4[%add3A, %dma_start3A_19] : memref<32x10240xi32, #tpu.memory_space<hbm>> -> memref<1x10240xi32, #tpu.memory_space<hbm>>
      %dma_start3A_21 = tpu.memref_squeeze %dma_start3A_20 : memref<1x10240xi32, #tpu.memory_space<hbm>> -> memref<10240xi32, #tpu.memory_space<hbm>>
      tpu.enqueue_dma source(%dma_start3A_21 : memref<10240xi32, #tpu.memory_space<hbm>>) target(%arg11 : memref<10240xi32, #tpu.memory_space<vmem>>) target_semaphore(%run_scoped3A : memref<!tpu.dma_semaphore, #tpu.memory_space<semaphore_mem>>)
      %dma_wait3A = arith.constant 0 : i32
      %dma_wait3A_22 = tpu.memref_slice %arg4[%add3A, %dma_wait3A] : memref<32x10240xi32, #tpu.memory_space<hbm>> -> memref<1x10240xi32, #tpu.memory_space<hbm>>
      %dma_wait3A_23 = tpu.memref_squeeze %dma_wait3A_22 : memref<1x10240xi32, #tpu.memory_space<hbm>> -> memref<10240xi32, #tpu.memory_space<hbm>>
      %dma_wait3A_24 = arith.constant 0 : i32
      %dma_wait3A_25 = tpu.memref_slice %arg4[%add3A, %dma_wait3A_24] : memref<32x10240xi32, #tpu.memory_space<hbm>> -> memref<1x10240xi32, #tpu.memory_space<hbm>>
      %dma_wait3A_26 = tpu.memref_squeeze %dma_wait3A_25 : memref<1x10240xi32, #tpu.memory_space<hbm>> -> memref<10240xi32, #tpu.memory_space<hbm>>
      tpu.wait_dma2 semaphore(%run_scoped3A : memref<!tpu.dma_semaphore, #tpu.memory_space<semaphore_mem>>) src(%dma_wait3A_26 : memref<10240xi32, #tpu.memory_space<hbm>>) dst(%arg11 : memref<10240xi32, #tpu.memory_space<vmem>>)
      tpu.yield
    }) : () -> ()
    "tpu.region"() ({
      %run_scoped3A = tpu.sem_alloc : memref<!tpu.dma_semaphore, #tpu.memory_space<semaphore_mem>>
      tpu.enqueue_dma source(%arg5 : memref<512xf32, #tpu.memory_space<hbm>>) target(%arg13 : memref<512xf32, #tpu.memory_space<vmem>>) target_semaphore(%run_scoped3A : memref<!tpu.dma_semaphore, #tpu.memory_space<semaphore_mem>>)
      tpu.wait_dma2 semaphore(%run_scoped3A : memref<!tpu.dma_semaphore, #tpu.memory_space<semaphore_mem>>) src(%arg5 : memref<512xf32, #tpu.memory_space<hbm>>) dst(%arg13 : memref<512xf32, #tpu.memory_space<vmem>>)
      tpu.yield
    }) : () -> ()
    %broadcast_in_dim3A = arith.constant 0.000000e+00 : f32
    %broadcast_in_dim3A_1 = vector.broadcast %broadcast_in_dim3A : f32 to vector<16xf32>
    %broadcast_in_dim3A_2 = arith.constant 1.000000e+00 : f32
    %broadcast_in_dim3A_3 = vector.broadcast %broadcast_in_dim3A_2 : f32 to vector<16xf32>
    %scan3A = arith.constant 0 : i32
    %scan3A_4 = arith.constant 0 : i32
    %scan3A_5 = arith.constant 640 : i32
    %scan3A_6 = arith.addi %scan3A_4, %scan3A_5 : i32
    %scan3A_7 = arith.constant 1 : i32
    %scan3A_8 = scf.for %scan3A_17 = %scan3A_4 to %scan3A_6 step %scan3A_7 iter_args(%scan3A_18 = %scan3A) -> (i32)  : i32 {
      %mul3A_19 = arith.constant 16 : i32
      %mul3A_20 = arith.muli %scan3A_17, %mul3A_19 : i32
      %swap3A = arith.index_cast %mul3A_20 : i32 to index
      %swap3A_21 = tpu.vector_load %arg14[%swap3A] {strides = array<i32>} : memref<10240xf32, #tpu.memory_space<vmem>>, vector<16xf32>,
      tpu.vector_store %arg14[%swap3A], %broadcast_in_dim3A_1 {strides = array<i32>} : memref<10240xf32, #tpu.memory_space<vmem>>, vector<16xf32>,
      %mul3A_22 = arith.constant 16 : i32
      %mul3A_23 = arith.muli %scan3A_17, %mul3A_22 : i32
      %swap3A_24 = arith.index_cast %mul3A_23 : i32 to index
      %swap3A_25 = tpu.vector_load %arg15[%swap3A_24] {strides = array<i32>} : memref<10240xf32, #tpu.memory_space<vmem>>, vector<16xf32>,
      tpu.vector_store %arg15[%swap3A_24], %broadcast_in_dim3A_1 {strides = array<i32>} : memref<10240xf32, #tpu.memory_space<vmem>>, vector<16xf32>,
      %scan3A_26 = arith.constant 0 : i32
      scf.yield %scan3A_26 : i32
    }
    %scan3A_9 = arith.constant 640 : i32
    %scan3A_10 = arith.constant 0 : i32
    %scan3A_11 = arith.constant 0 : i32
    %scan3A_12 = arith.constant 640 : i32
    %scan3A_13 = arith.addi %scan3A_11, %scan3A_12 : i32
    %scan3A_14 = arith.constant 1 : i32
    %scan3A_15 = scf.for %scan3A_17 = %scan3A_11 to %scan3A_13 step %scan3A_14 iter_args(%scan3A_18 = %scan3A_10) -> (i32)  : i32 {
      %mul3A_19 = arith.constant 16 : i32
      %mul3A_20 = arith.muli %scan3A_17, %mul3A_19 : i32
      %get3A = arith.index_cast %mul3A_20 : i32 to index
      %get3A_21 = tpu.vector_load %arg9[%get3A] {strides = array<i32>} : memref<10240xi32, #tpu.memory_space<vmem>>, vector<16xi32>,
      %get3A_22 = arith.index_cast %mul3A_20 : i32 to index
      %get3A_23 = tpu.vector_load %arg10[%get3A_22] {strides = array<i32>} : memref<10240xi32, #tpu.memory_space<vmem>>, vector<16xi32>,
      %get3A_24 = arith.index_cast %mul3A_20 : i32 to index
      %get3A_25 = tpu.vector_load %arg11[%get3A_24] {strides = array<i32>} : memref<10240xi32, #tpu.memory_space<vmem>>, vector<16xi32>,
      %gather3A = tpu.vector_load_idx %arg13[%get3A_23] : memref<512xf32, #tpu.memory_space<vmem>>[vector<16xi32>], vector<16xf32>,
      %add3A_26 = arith.constant 256 : i32
      %add3A_27 = vector.broadcast %add3A_26 : i32 to vector<16xi32>
      %add3A_28 = arith.addi %get3A_25, %add3A_27 : vector<16xi32>
      %gather3A_29 = tpu.vector_load_idx %arg13[%add3A_28] : memref<512xf32, #tpu.memory_space<vmem>>[vector<16xi32>], vector<16xf32>,
      %add3A_30 = arith.addf %gather3A, %gather3A_29 : vector<16xf32>
      %ge3A = arith.constant 0.000000e+00 : f32
      %ge3A_31 = vector.broadcast %ge3A : f32 to vector<16xf32>
      %ge3A_32 = arith.cmpf oge, %add3A_30, %ge3A_31 : vector<16xf32>
      %mul3A_33 = arith.constant 0.00999999977 : f32
      %mul3A_34 = vector.broadcast %mul3A_33 : f32 to vector<16xf32>
      %mul3A_35 = arith.mulf %mul3A_34, %add3A_30 : vector<16xf32>
      %select_n3A = arith.select %ge3A_32, %add3A_30, %mul3A_35 : vector<16xi1>, vector<16xf32>
      %exp3A = math.exp %select_n3A : vector<16xf32>
      %swap3A = arith.index_cast %mul3A_20 : i32 to index
      %swap3A_36 = tpu.vector_load %arg12[%swap3A] {strides = array<i32>} : memref<10240xf32, #tpu.memory_space<vmem>>, vector<16xf32>,
      tpu.vector_store %arg12[%swap3A], %exp3A {strides = array<i32>} : memref<10240xf32, #tpu.memory_space<vmem>>, vector<16xf32>,
      tpu.vector_store_idx %arg15[%get3A_21], %exp3A {add = true} : memref<10240xf32, #tpu.memory_space<vmem>>[vector<16xi32>], vector<16xf32>,
      tpu.vector_store_idx %arg14[%get3A_21], %broadcast_in_dim3A_3 {add = true} : memref<10240xf32, #tpu.memory_space<vmem>>[vector<16xi32>], vector<16xf32>,
      %scan3A_37 = arith.constant 0 : i32
      scf.yield %scan3A_37 : i32
    }
    %scan3A_16 = arith.constant 640 : i32
    "tpu.region"() ({
      %run_scoped3A = tpu.sem_alloc : memref<!tpu.dma_semaphore, #tpu.memory_space<semaphore_mem>>
      %dma_start3A = arith.constant 0 : i32
      %dma_start3A_17 = tpu.memref_slice %arg6[%add3A, %dma_start3A] : memref<32x10240xf32, #tpu.memory_space<hbm>> -> memref<1x10240xf32, #tpu.memory_space<hbm>>
      %dma_start3A_18 = tpu.memref_squeeze %dma_start3A_17 : memref<1x10240xf32, #tpu.memory_space<hbm>> -> memref<10240xf32, #tpu.memory_space<hbm>>
      %dma_start3A_19 = arith.constant 0 : i32
      %dma_start3A_20 = tpu.memref_slice %arg6[%add3A, %dma_start3A_19] : memref<32x10240xf32, #tpu.memory_space<hbm>> -> memref<1x10240xf32, #tpu.memory_space<hbm>>
      %dma_start3A_21 = tpu.memref_squeeze %dma_start3A_20 : memref<1x10240xf32, #tpu.memory_space<hbm>> -> memref<10240xf32, #tpu.memory_space<hbm>>
      tpu.enqueue_dma source(%arg12 : memref<10240xf32, #tpu.memory_space<vmem>>) target(%dma_start3A_21 : memref<10240xf32, #tpu.memory_space<hbm>>) target_semaphore(%run_scoped3A : memref<!tpu.dma_semaphore, #tpu.memory_space<semaphore_mem>>)
      %dma_wait3A = arith.constant 0 : i32
      %dma_wait3A_22 = tpu.memref_slice %arg6[%add3A, %dma_wait3A] : memref<32x10240xf32, #tpu.memory_space<hbm>> -> memref<1x10240xf32, #tpu.memory_space<hbm>>
      %dma_wait3A_23 = tpu.memref_squeeze %dma_wait3A_22 : memref<1x10240xf32, #tpu.memory_space<hbm>> -> memref<10240xf32, #tpu.memory_space<hbm>>
      %dma_wait3A_24 = arith.constant 0 : i32
      %dma_wait3A_25 = tpu.memref_slice %arg6[%add3A, %dma_wait3A_24] : memref<32x10240xf32, #tpu.memory_space<hbm>> -> memref<1x10240xf32, #tpu.memory_space<hbm>>
      %dma_wait3A_26 = tpu.memref_squeeze %dma_wait3A_25 : memref<1x10240xf32, #tpu.memory_space<hbm>> -> memref<10240xf32, #tpu.memory_space<hbm>>
      tpu.wait_dma2 semaphore(%run_scoped3A : memref<!tpu.dma_semaphore, #tpu.memory_space<semaphore_mem>>) src(%arg12 : memref<10240xf32, #tpu.memory_space<vmem>>) dst(%dma_wait3A_26 : memref<10240xf32, #tpu.memory_space<hbm>>)
      tpu.yield
    }) : () -> ()
    "tpu.region"() ({
      %run_scoped3A = tpu.sem_alloc : memref<!tpu.dma_semaphore, #tpu.memory_space<semaphore_mem>>
      %dma_start3A = arith.constant 0 : i32
      %dma_start3A_17 = tpu.memref_slice %arg7[%add3A, %dma_start3A] : memref<32x10240xf32, #tpu.memory_space<hbm>> -> memref<1x10240xf32, #tpu.memory_space<hbm>>
      %dma_start3A_18 = tpu.memref_squeeze %dma_start3A_17 : memref<1x10240xf32, #tpu.memory_space<hbm>> -> memref<10240xf32, #tpu.memory_space<hbm>>
      %dma_start3A_19 = arith.constant 0 : i32
      %dma_start3A_20 = tpu.memref_slice %arg7[%add3A, %dma_start3A_19] : memref<32x10240xf32, #tpu.memory_space<hbm>> -> memref<1x10240xf32, #tpu.memory_space<hbm>>
      %dma_start3A_21 = tpu.memref_squeeze %dma_start3A_20 : memref<1x10240xf32, #tpu.memory_space<hbm>> -> memref<10240xf32, #tpu.memory_space<hbm>>
      tpu.enqueue_dma source(%arg14 : memref<10240xf32, #tpu.memory_space<vmem>>) target(%dma_start3A_21 : memref<10240xf32, #tpu.memory_space<hbm>>) target_semaphore(%run_scoped3A : memref<!tpu.dma_semaphore, #tpu.memory_space<semaphore_mem>>)
      %dma_wait3A = arith.constant 0 : i32
      %dma_wait3A_22 = tpu.memref_slice %arg7[%add3A, %dma_wait3A] : memref<32x10240xf32, #tpu.memory_space<hbm>> -> memref<1x10240xf32, #tpu.memory_space<hbm>>
      %dma_wait3A_23 = tpu.memref_squeeze %dma_wait3A_22 : memref<1x10240xf32, #tpu.memory_space<hbm>> -> memref<10240xf32, #tpu.memory_space<hbm>>
      %dma_wait3A_24 = arith.constant 0 : i32
      %dma_wait3A_25 = tpu.memref_slice %arg7[%add3A, %dma_wait3A_24] : memref<32x10240xf32, #tpu.memory_space<hbm>> -> memref<1x10240xf32, #tpu.memory_space<hbm>>
      %dma_wait3A_26 = tpu.memref_squeeze %dma_wait3A_25 : memref<1x10240xf32, #tpu.memory_space<hbm>> -> memref<10240xf32, #tpu.memory_space<hbm>>
      tpu.wait_dma2 semaphore(%run_scoped3A : memref<!tpu.dma_semaphore, #tpu.memory_space<semaphore_mem>>) src(%arg14 : memref<10240xf32, #tpu.memory_space<vmem>>) dst(%dma_wait3A_26 : memref<10240xf32, #tpu.memory_space<hbm>>)
      tpu.yield
    }) : () -> ()
    "tpu.region"() ({
      %run_scoped3A = tpu.sem_alloc : memref<!tpu.dma_semaphore, #tpu.memory_space<semaphore_mem>>
      %dma_start3A = arith.constant 0 : i32
      %dma_start3A_17 = tpu.memref_slice %arg8[%add3A, %dma_start3A] : memref<32x10240xf32, #tpu.memory_space<hbm>> -> memref<1x10240xf32, #tpu.memory_space<hbm>>
      %dma_start3A_18 = tpu.memref_squeeze %dma_start3A_17 : memref<1x10240xf32, #tpu.memory_space<hbm>> -> memref<10240xf32, #tpu.memory_space<hbm>>
      %dma_start3A_19 = arith.constant 0 : i32
      %dma_start3A_20 = tpu.memref_slice %arg8[%add3A, %dma_start3A_19] : memref<32x10240xf32, #tpu.memory_space<hbm>> -> memref<1x10240xf32, #tpu.memory_space<hbm>>
      %dma_start3A_21 = tpu.memref_squeeze %dma_start3A_20 : memref<1x10240xf32, #tpu.memory_space<hbm>> -> memref<10240xf32, #tpu.memory_space<hbm>>
      tpu.enqueue_dma source(%arg15 : memref<10240xf32, #tpu.memory_space<vmem>>) target(%dma_start3A_21 : memref<10240xf32, #tpu.memory_space<hbm>>) target_semaphore(%run_scoped3A : memref<!tpu.dma_semaphore, #tpu.memory_space<semaphore_mem>>)
      %dma_wait3A = arith.constant 0 : i32
      %dma_wait3A_22 = tpu.memref_slice %arg8[%add3A, %dma_wait3A] : memref<32x10240xf32, #tpu.memory_space<hbm>> -> memref<1x10240xf32, #tpu.memory_space<hbm>>
      %dma_wait3A_23 = tpu.memref_squeeze %dma_wait3A_22 : memref<1x10240xf32, #tpu.memory_space<hbm>> -> memref<10240xf32, #tpu.memory_space<hbm>>
      %dma_wait3A_24 = arith.constant 0 : i32
      %dma_wait3A_25 = tpu.memref_slice %arg8[%add3A, %dma_wait3A_24] : memref<32x10240xf32, #tpu.memory_space<hbm>> -> memref<1x10240xf32, #tpu.memory_space<hbm>>
      %dma_wait3A_26 = tpu.memref_squeeze %dma_wait3A_25 : memref<1x10240xf32, #tpu.memory_space<hbm>> -> memref<10240xf32, #tpu.memory_space<hbm>>
      tpu.wait_dma2 semaphore(%run_scoped3A : memref<!tpu.dma_semaphore, #tpu.memory_space<semaphore_mem>>) src(%arg15 : memref<10240xf32, #tpu.memory_space<vmem>>) dst(%dma_wait3A_26 : memref<10240xf32, #tpu.memory_space<hbm>>)
      tpu.yield
    }) : () -> ()
    return
  }
}

#map = affine_map<(d0, d1) -> (0, 0, 0)>
#map1 = affine_map<(d0, d1) -> (0)>
#map2 = affine_map<(d0, d1) -> (0, 0)>
module attributes {stable_mosaic.version = 14 : i64} {
  func.func @_pass_b_body(%arg0: i32, %arg1: i32, %arg2: memref<4096x4x80xi32, #tpu.memory_space<hbm>>, %arg3: memref<25728xf32, #tpu.memory_space<hbm>>, %arg4: memref<10240x128xf32, #tpu.memory_space<hbm>>, %arg5: memref<2x10240x128xf32, #tpu.memory_space<hbm>>, %arg6: memref<25728xf32, #tpu.memory_space<vmem>>, %arg7: memref<80x128xf32, #tpu.memory_space<vmem>>, %arg8: memref<80x128xf32, #tpu.memory_space<vmem>>, %arg9: memref<4x80xi32, #tpu.memory_space<vmem>>, %arg10: memref<4x80xi32, #tpu.memory_space<vmem>>, %arg11: memref<4x80xi32, #tpu.memory_space<vmem>>, %arg12: memref<4x80xi32, #tpu.memory_space<vmem>>, %arg13: memref<10240x128xf32, #tpu.memory_space<vmem_shared>>, %arg14: memref<!tpu.dma_semaphore, #tpu.memory_space<semaphore_mem>>, %arg15: memref<!tpu.dma_semaphore, #tpu.memory_space<semaphore_mem>>, %arg16: memref<!tpu.dma_semaphore, #tpu.memory_space<semaphore_mem>>, %arg17: memref<!tpu.dma_semaphore, #tpu.memory_space<semaphore_mem>>, %arg18: memref<!tpu.dma_semaphore, #tpu.memory_space<semaphore_mem>>, %arg19: memref<!tpu.dma_semaphore, #tpu.memory_space<semaphore_mem>>, %arg20: memref<!tpu.dma_semaphore, #tpu.memory_space<semaphore_mem>>, %arg21: memref<!tpu.dma_semaphore, #tpu.memory_space<semaphore_mem>>) attributes {dimension_semantics = [#tpu.dimension_semantics<core_parallel>, #tpu.dimension_semantics<subcore_parallel>], iteration_bounds = array<i64: 2, 16>, scalar_prefetch = 0 : i64, scratch_operands = 16 : i64, tpu.core_type = #tpu.core_type<sc_vector_subcore>, window_params = [{transform_indices = #map}, {transform_indices = #map1}, {transform_indices = #map2}, {transform_indices = #map}]} {
    %mul3A = arith.constant 2 : i32
    %mul3A_0 = arith.muli %arg1, %mul3A : i32
    %add3A = arith.addi %mul3A_0, %arg0 : i32
    "tpu.region"() ({
      %run_scoped3A = tpu.sem_alloc : memref<!tpu.dma_semaphore, #tpu.memory_space<semaphore_mem>>
      tpu.enqueue_dma source(%arg3 : memref<25728xf32, #tpu.memory_space<hbm>>) target(%arg6 : memref<25728xf32, #tpu.memory_space<vmem>>) target_semaphore(%run_scoped3A : memref<!tpu.dma_semaphore, #tpu.memory_space<semaphore_mem>>)
      tpu.wait_dma2 semaphore(%run_scoped3A : memref<!tpu.dma_semaphore, #tpu.memory_space<semaphore_mem>>) src(%arg3 : memref<25728xf32, #tpu.memory_space<hbm>>) dst(%arg6 : memref<25728xf32, #tpu.memory_space<vmem>>)
      tpu.yield
    }) : () -> ()
    %broadcast_in_dim3A = arith.constant 0.000000e+00 : f32
    %broadcast_in_dim3A_1 = vector.broadcast %broadcast_in_dim3A : f32 to vector<16xf32>
    %scan3A = arith.constant 0 : i32
    %scan3A_2 = arith.constant 0 : i32
    %scan3A_3 = arith.constant 80 : i32
    %scan3A_4 = arith.addi %scan3A_2, %scan3A_3 : i32
    %scan3A_5 = arith.constant 1 : i32
    %scan3A_6 = scf.for %scan3A_135 = %scan3A_2 to %scan3A_4 step %scan3A_5 iter_args(%scan3A_136 = %scan3A) -> (i32)  : i32 {
      %swap3A = arith.index_cast %scan3A_135 : i32 to index
      %swap3A_137 = arith.constant 0 : index
      %swap3A_138 = tpu.vector_load %arg7[%swap3A, %swap3A_137] {strides = array<i32>} : memref<80x128xf32, #tpu.memory_space<vmem>>, vector<16xf32>,
      tpu.vector_store %arg7[%swap3A, %swap3A_137], %broadcast_in_dim3A_1 {strides = array<i32>} : memref<80x128xf32, #tpu.memory_space<vmem>>, vector<16xf32>,
      %swap3A_139 = arith.index_cast %scan3A_135 : i32 to index
      %swap3A_140 = arith.constant 16 : index
      %swap3A_141 = tpu.vector_load %arg7[%swap3A_139, %swap3A_140] {strides = array<i32>} : memref<80x128xf32, #tpu.memory_space<vmem>>, vector<16xf32>,
      tpu.vector_store %arg7[%swap3A_139, %swap3A_140], %broadcast_in_dim3A_1 {strides = array<i32>} : memref<80x128xf32, #tpu.memory_space<vmem>>, vector<16xf32>,
      %swap3A_142 = arith.index_cast %scan3A_135 : i32 to index
      %swap3A_143 = arith.constant 32 : index
      %swap3A_144 = tpu.vector_load %arg7[%swap3A_142, %swap3A_143] {strides = array<i32>} : memref<80x128xf32, #tpu.memory_space<vmem>>, vector<16xf32>,
      tpu.vector_store %arg7[%swap3A_142, %swap3A_143], %broadcast_in_dim3A_1 {strides = array<i32>} : memref<80x128xf32, #tpu.memory_space<vmem>>, vector<16xf32>,
      %swap3A_145 = arith.index_cast %scan3A_135 : i32 to index
      %swap3A_146 = arith.constant 48 : index
      %swap3A_147 = tpu.vector_load %arg7[%swap3A_145, %swap3A_146] {strides = array<i32>} : memref<80x128xf32, #tpu.memory_space<vmem>>, vector<16xf32>,
      tpu.vector_store %arg7[%swap3A_145, %swap3A_146], %broadcast_in_dim3A_1 {strides = array<i32>} : memref<80x128xf32, #tpu.memory_space<vmem>>, vector<16xf32>,
      %swap3A_148 = arith.index_cast %scan3A_135 : i32 to index
      %swap3A_149 = arith.constant 64 : index
      %swap3A_150 = tpu.vector_load %arg7[%swap3A_148, %swap3A_149] {strides = array<i32>} : memref<80x128xf32, #tpu.memory_space<vmem>>, vector<16xf32>,
      tpu.vector_store %arg7[%swap3A_148, %swap3A_149], %broadcast_in_dim3A_1 {strides = array<i32>} : memref<80x128xf32, #tpu.memory_space<vmem>>, vector<16xf32>,
      %swap3A_151 = arith.index_cast %scan3A_135 : i32 to index
      %swap3A_152 = arith.constant 80 : index
      %swap3A_153 = tpu.vector_load %arg7[%swap3A_151, %swap3A_152] {strides = array<i32>} : memref<80x128xf32, #tpu.memory_space<vmem>>, vector<16xf32>,
      tpu.vector_store %arg7[%swap3A_151, %swap3A_152], %broadcast_in_dim3A_1 {strides = array<i32>} : memref<80x128xf32, #tpu.memory_space<vmem>>, vector<16xf32>,
      %swap3A_154 = arith.index_cast %scan3A_135 : i32 to index
      %swap3A_155 = arith.constant 96 : index
      %swap3A_156 = tpu.vector_load %arg7[%swap3A_154, %swap3A_155] {strides = array<i32>} : memref<80x128xf32, #tpu.memory_space<vmem>>, vector<16xf32>,
      tpu.vector_store %arg7[%swap3A_154, %swap3A_155], %broadcast_in_dim3A_1 {strides = array<i32>} : memref<80x128xf32, #tpu.memory_space<vmem>>, vector<16xf32>,
      %swap3A_157 = arith.index_cast %scan3A_135 : i32 to index
      %swap3A_158 = arith.constant 112 : index
      %swap3A_159 = tpu.vector_load %arg7[%swap3A_157, %swap3A_158] {strides = array<i32>} : memref<80x128xf32, #tpu.memory_space<vmem>>, vector<16xf32>,
      tpu.vector_store %arg7[%swap3A_157, %swap3A_158], %broadcast_in_dim3A_1 {strides = array<i32>} : memref<80x128xf32, #tpu.memory_space<vmem>>, vector<16xf32>,
      %scan3A_160 = arith.constant 0 : i32
      scf.yield %scan3A_160 : i32
    }
    %scan3A_7 = arith.constant 80 : i32
    %mul3A_8 = arith.constant 640 : i32
    %mul3A_9 = arith.muli %arg1, %mul3A_8 : i32
    %add3A_10 = arith.constant 0 : i32
    %add3A_11 = arith.addi %mul3A_9, %add3A_10 : i32
    "tpu.region"() ({
      %run_scoped3A = tpu.sem_alloc : memref<!tpu.dma_semaphore, #tpu.memory_space<semaphore_mem>>
      %dma_start3A_135 = arith.constant 0 : i32
      %dma_start3A_136 = tpu.memref_slice %arg13[%add3A_11, %dma_start3A_135] : memref<10240x128xf32, #tpu.memory_space<vmem_shared>> -> memref<80x128xf32, #tpu.memory_space<vmem_shared>>
      %dma_start3A_137 = arith.constant 0 : i32
      %dma_start3A_138 = tpu.memref_slice %arg13[%add3A_11, %dma_start3A_137] : memref<10240x128xf32, #tpu.memory_space<vmem_shared>> -> memref<80x128xf32, #tpu.memory_space<vmem_shared>>
      tpu.enqueue_dma source(%arg7 : memref<80x128xf32, #tpu.memory_space<vmem>>) target(%dma_start3A_138 : memref<80x128xf32, #tpu.memory_space<vmem_shared>>) target_semaphore(%run_scoped3A : memref<!tpu.dma_semaphore, #tpu.memory_space<semaphore_mem>>)
      %dma_wait3A_139 = arith.constant 0 : i32
      %dma_wait3A_140 = tpu.memref_slice %arg13[%add3A_11, %dma_wait3A_139] : memref<10240x128xf32, #tpu.memory_space<vmem_shared>> -> memref<80x128xf32, #tpu.memory_space<vmem_shared>>
      %dma_wait3A_141 = arith.constant 0 : i32
      %dma_wait3A_142 = tpu.memref_slice %arg13[%add3A_11, %dma_wait3A_141] : memref<10240x128xf32, #tpu.memory_space<vmem_shared>> -> memref<80x128xf32, #tpu.memory_space<vmem_shared>>
      tpu.wait_dma2 semaphore(%run_scoped3A : memref<!tpu.dma_semaphore, #tpu.memory_space<semaphore_mem>>) src(%arg7 : memref<80x128xf32, #tpu.memory_space<vmem>>) dst(%dma_wait3A_142 : memref<80x128xf32, #tpu.memory_space<vmem_shared>>)
      tpu.yield
    }) : () -> ()
    %mul3A_12 = arith.constant 640 : i32
    %mul3A_13 = arith.muli %arg1, %mul3A_12 : i32
    %add3A_14 = arith.constant 80 : i32
    %add3A_15 = arith.addi %mul3A_13, %add3A_14 : i32
    "tpu.region"() ({
      %run_scoped3A = tpu.sem_alloc : memref<!tpu.dma_semaphore, #tpu.memory_space<semaphore_mem>>
      %dma_start3A_135 = arith.constant 0 : i32
      %dma_start3A_136 = tpu.memref_slice %arg13[%add3A_15, %dma_start3A_135] : memref<10240x128xf32, #tpu.memory_space<vmem_shared>> -> memref<80x128xf32, #tpu.memory_space<vmem_shared>>
      %dma_start3A_137 = arith.constant 0 : i32
      %dma_start3A_138 = tpu.memref_slice %arg13[%add3A_15, %dma_start3A_137] : memref<10240x128xf32, #tpu.memory_space<vmem_shared>> -> memref<80x128xf32, #tpu.memory_space<vmem_shared>>
      tpu.enqueue_dma source(%arg7 : memref<80x128xf32, #tpu.memory_space<vmem>>) target(%dma_start3A_138 : memref<80x128xf32, #tpu.memory_space<vmem_shared>>) target_semaphore(%run_scoped3A : memref<!tpu.dma_semaphore, #tpu.memory_space<semaphore_mem>>)
      %dma_wait3A_139 = arith.constant 0 : i32
      %dma_wait3A_140 = tpu.memref_slice %arg13[%add3A_15, %dma_wait3A_139] : memref<10240x128xf32, #tpu.memory_space<vmem_shared>> -> memref<80x128xf32, #tpu.memory_space<vmem_shared>>
      %dma_wait3A_141 = arith.constant 0 : i32
      %dma_wait3A_142 = tpu.memref_slice %arg13[%add3A_15, %dma_wait3A_141] : memref<10240x128xf32, #tpu.memory_space<vmem_shared>> -> memref<80x128xf32, #tpu.memory_space<vmem_shared>>
      tpu.wait_dma2 semaphore(%run_scoped3A : memref<!tpu.dma_semaphore, #tpu.memory_space<semaphore_mem>>) src(%arg7 : memref<80x128xf32, #tpu.memory_space<vmem>>) dst(%dma_wait3A_142 : memref<80x128xf32, #tpu.memory_space<vmem_shared>>)
      tpu.yield
    }) : () -> ()
    %mul3A_16 = arith.constant 640 : i32
    %mul3A_17 = arith.muli %arg1, %mul3A_16 : i32
    %add3A_18 = arith.constant 160 : i32
    %add3A_19 = arith.addi %mul3A_17, %add3A_18 : i32
    "tpu.region"() ({
      %run_scoped3A = tpu.sem_alloc : memref<!tpu.dma_semaphore, #tpu.memory_space<semaphore_mem>>
      %dma_start3A_135 = arith.constant 0 : i32
      %dma_start3A_136 = tpu.memref_slice %arg13[%add3A_19, %dma_start3A_135] : memref<10240x128xf32, #tpu.memory_space<vmem_shared>> -> memref<80x128xf32, #tpu.memory_space<vmem_shared>>
      %dma_start3A_137 = arith.constant 0 : i32
      %dma_start3A_138 = tpu.memref_slice %arg13[%add3A_19, %dma_start3A_137] : memref<10240x128xf32, #tpu.memory_space<vmem_shared>> -> memref<80x128xf32, #tpu.memory_space<vmem_shared>>
      tpu.enqueue_dma source(%arg7 : memref<80x128xf32, #tpu.memory_space<vmem>>) target(%dma_start3A_138 : memref<80x128xf32, #tpu.memory_space<vmem_shared>>) target_semaphore(%run_scoped3A : memref<!tpu.dma_semaphore, #tpu.memory_space<semaphore_mem>>)
      %dma_wait3A_139 = arith.constant 0 : i32
      %dma_wait3A_140 = tpu.memref_slice %arg13[%add3A_19, %dma_wait3A_139] : memref<10240x128xf32, #tpu.memory_space<vmem_shared>> -> memref<80x128xf32, #tpu.memory_space<vmem_shared>>
      %dma_wait3A_141 = arith.constant 0 : i32
      %dma_wait3A_142 = tpu.memref_slice %arg13[%add3A_19, %dma_wait3A_141] : memref<10240x128xf32, #tpu.memory_space<vmem_shared>> -> memref<80x128xf32, #tpu.memory_space<vmem_shared>>
      tpu.wait_dma2 semaphore(%run_scoped3A : memref<!tpu.dma_semaphore, #tpu.memory_space<semaphore_mem>>) src(%arg7 : memref<80x128xf32, #tpu.memory_space<vmem>>) dst(%dma_wait3A_142 : memref<80x128xf32, #tpu.memory_space<vmem_shared>>)
      tpu.yield
    }) : () -> ()
    %mul3A_20 = arith.constant 640 : i32
    %mul3A_21 = arith.muli %arg1, %mul3A_20 : i32
    %add3A_22 = arith.constant 240 : i32
    %add3A_23 = arith.addi %mul3A_21, %add3A_22 : i32
    "tpu.region"() ({
      %run_scoped3A = tpu.sem_alloc : memref<!tpu.dma_semaphore, #tpu.memory_space<semaphore_mem>>
      %dma_start3A_135 = arith.constant 0 : i32
      %dma_start3A_136 = tpu.memref_slice %arg13[%add3A_23, %dma_start3A_135] : memref<10240x128xf32, #tpu.memory_space<vmem_shared>> -> memref<80x128xf32, #tpu.memory_space<vmem_shared>>
      %dma_start3A_137 = arith.constant 0 : i32
      %dma_start3A_138 = tpu.memref_slice %arg13[%add3A_23, %dma_start3A_137] : memref<10240x128xf32, #tpu.memory_space<vmem_shared>> -> memref<80x128xf32, #tpu.memory_space<vmem_shared>>
      tpu.enqueue_dma source(%arg7 : memref<80x128xf32, #tpu.memory_space<vmem>>) target(%dma_start3A_138 : memref<80x128xf32, #tpu.memory_space<vmem_shared>>) target_semaphore(%run_scoped3A : memref<!tpu.dma_semaphore, #tpu.memory_space<semaphore_mem>>)
      %dma_wait3A_139 = arith.constant 0 : i32
      %dma_wait3A_140 = tpu.memref_slice %arg13[%add3A_23, %dma_wait3A_139] : memref<10240x128xf32, #tpu.memory_space<vmem_shared>> -> memref<80x128xf32, #tpu.memory_space<vmem_shared>>
      %dma_wait3A_141 = arith.constant 0 : i32
      %dma_wait3A_142 = tpu.memref_slice %arg13[%add3A_23, %dma_wait3A_141] : memref<10240x128xf32, #tpu.memory_space<vmem_shared>> -> memref<80x128xf32, #tpu.memory_space<vmem_shared>>
      tpu.wait_dma2 semaphore(%run_scoped3A : memref<!tpu.dma_semaphore, #tpu.memory_space<semaphore_mem>>) src(%arg7 : memref<80x128xf32, #tpu.memory_space<vmem>>) dst(%dma_wait3A_142 : memref<80x128xf32, #tpu.memory_space<vmem_shared>>)
      tpu.yield
    }) : () -> ()
    %mul3A_24 = arith.constant 640 : i32
    %mul3A_25 = arith.muli %arg1, %mul3A_24 : i32
    %add3A_26 = arith.constant 320 : i32
    %add3A_27 = arith.addi %mul3A_25, %add3A_26 : i32
    "tpu.region"() ({
      %run_scoped3A = tpu.sem_alloc : memref<!tpu.dma_semaphore, #tpu.memory_space<semaphore_mem>>
      %dma_start3A_135 = arith.constant 0 : i32
      %dma_start3A_136 = tpu.memref_slice %arg13[%add3A_27, %dma_start3A_135] : memref<10240x128xf32, #tpu.memory_space<vmem_shared>> -> memref<80x128xf32, #tpu.memory_space<vmem_shared>>
      %dma_start3A_137 = arith.constant 0 : i32
      %dma_start3A_138 = tpu.memref_slice %arg13[%add3A_27, %dma_start3A_137] : memref<10240x128xf32, #tpu.memory_space<vmem_shared>> -> memref<80x128xf32, #tpu.memory_space<vmem_shared>>
      tpu.enqueue_dma source(%arg7 : memref<80x128xf32, #tpu.memory_space<vmem>>) target(%dma_start3A_138 : memref<80x128xf32, #tpu.memory_space<vmem_shared>>) target_semaphore(%run_scoped3A : memref<!tpu.dma_semaphore, #tpu.memory_space<semaphore_mem>>)
      %dma_wait3A_139 = arith.constant 0 : i32
      %dma_wait3A_140 = tpu.memref_slice %arg13[%add3A_27, %dma_wait3A_139] : memref<10240x128xf32, #tpu.memory_space<vmem_shared>> -> memref<80x128xf32, #tpu.memory_space<vmem_shared>>
      %dma_wait3A_141 = arith.constant 0 : i32
      %dma_wait3A_142 = tpu.memref_slice %arg13[%add3A_27, %dma_wait3A_141] : memref<10240x128xf32, #tpu.memory_space<vmem_shared>> -> memref<80x128xf32, #tpu.memory_space<vmem_shared>>
      tpu.wait_dma2 semaphore(%run_scoped3A : memref<!tpu.dma_semaphore, #tpu.memory_space<semaphore_mem>>) src(%arg7 : memref<80x128xf32, #tpu.memory_space<vmem>>) dst(%dma_wait3A_142 : memref<80x128xf32, #tpu.memory_space<vmem_shared>>)
      tpu.yield
    }) : () -> ()
    %mul3A_28 = arith.constant 640 : i32
    %mul3A_29 = arith.muli %arg1, %mul3A_28 : i32
    %add3A_30 = arith.constant 400 : i32
    %add3A_31 = arith.addi %mul3A_29, %add3A_30 : i32
    "tpu.region"() ({
      %run_scoped3A = tpu.sem_alloc : memref<!tpu.dma_semaphore, #tpu.memory_space<semaphore_mem>>
      %dma_start3A_135 = arith.constant 0 : i32
      %dma_start3A_136 = tpu.memref_slice %arg13[%add3A_31, %dma_start3A_135] : memref<10240x128xf32, #tpu.memory_space<vmem_shared>> -> memref<80x128xf32, #tpu.memory_space<vmem_shared>>
      %dma_start3A_137 = arith.constant 0 : i32
      %dma_start3A_138 = tpu.memref_slice %arg13[%add3A_31, %dma_start3A_137] : memref<10240x128xf32, #tpu.memory_space<vmem_shared>> -> memref<80x128xf32, #tpu.memory_space<vmem_shared>>
      tpu.enqueue_dma source(%arg7 : memref<80x128xf32, #tpu.memory_space<vmem>>) target(%dma_start3A_138 : memref<80x128xf32, #tpu.memory_space<vmem_shared>>) target_semaphore(%run_scoped3A : memref<!tpu.dma_semaphore, #tpu.memory_space<semaphore_mem>>)
      %dma_wait3A_139 = arith.constant 0 : i32
      %dma_wait3A_140 = tpu.memref_slice %arg13[%add3A_31, %dma_wait3A_139] : memref<10240x128xf32, #tpu.memory_space<vmem_shared>> -> memref<80x128xf32, #tpu.memory_space<vmem_shared>>
      %dma_wait3A_141 = arith.constant 0 : i32
      %dma_wait3A_142 = tpu.memref_slice %arg13[%add3A_31, %dma_wait3A_141] : memref<10240x128xf32, #tpu.memory_space<vmem_shared>> -> memref<80x128xf32, #tpu.memory_space<vmem_shared>>
      tpu.wait_dma2 semaphore(%run_scoped3A : memref<!tpu.dma_semaphore, #tpu.memory_space<semaphore_mem>>) src(%arg7 : memref<80x128xf32, #tpu.memory_space<vmem>>) dst(%dma_wait3A_142 : memref<80x128xf32, #tpu.memory_space<vmem_shared>>)
      tpu.yield
    }) : () -> ()
    %mul3A_32 = arith.constant 640 : i32
    %mul3A_33 = arith.muli %arg1, %mul3A_32 : i32
    %add3A_34 = arith.constant 480 : i32
    %add3A_35 = arith.addi %mul3A_33, %add3A_34 : i32
    "tpu.region"() ({
      %run_scoped3A = tpu.sem_alloc : memref<!tpu.dma_semaphore, #tpu.memory_space<semaphore_mem>>
      %dma_start3A_135 = arith.constant 0 : i32
      %dma_start3A_136 = tpu.memref_slice %arg13[%add3A_35, %dma_start3A_135] : memref<10240x128xf32, #tpu.memory_space<vmem_shared>> -> memref<80x128xf32, #tpu.memory_space<vmem_shared>>
      %dma_start3A_137 = arith.constant 0 : i32
      %dma_start3A_138 = tpu.memref_slice %arg13[%add3A_35, %dma_start3A_137] : memref<10240x128xf32, #tpu.memory_space<vmem_shared>> -> memref<80x128xf32, #tpu.memory_space<vmem_shared>>
      tpu.enqueue_dma source(%arg7 : memref<80x128xf32, #tpu.memory_space<vmem>>) target(%dma_start3A_138 : memref<80x128xf32, #tpu.memory_space<vmem_shared>>) target_semaphore(%run_scoped3A : memref<!tpu.dma_semaphore, #tpu.memory_space<semaphore_mem>>)
      %dma_wait3A_139 = arith.constant 0 : i32
      %dma_wait3A_140 = tpu.memref_slice %arg13[%add3A_35, %dma_wait3A_139] : memref<10240x128xf32, #tpu.memory_space<vmem_shared>> -> memref<80x128xf32, #tpu.memory_space<vmem_shared>>
      %dma_wait3A_141 = arith.constant 0 : i32
      %dma_wait3A_142 = tpu.memref_slice %arg13[%add3A_35, %dma_wait3A_141] : memref<10240x128xf32, #tpu.memory_space<vmem_shared>> -> memref<80x128xf32, #tpu.memory_space<vmem_shared>>
      tpu.wait_dma2 semaphore(%run_scoped3A : memref<!tpu.dma_semaphore, #tpu.memory_space<semaphore_mem>>) src(%arg7 : memref<80x128xf32, #tpu.memory_space<vmem>>) dst(%dma_wait3A_142 : memref<80x128xf32, #tpu.memory_space<vmem_shared>>)
      tpu.yield
    }) : () -> ()
    %mul3A_36 = arith.constant 640 : i32
    %mul3A_37 = arith.muli %arg1, %mul3A_36 : i32
    %add3A_38 = arith.constant 560 : i32
    %add3A_39 = arith.addi %mul3A_37, %add3A_38 : i32
    "tpu.region"() ({
      %run_scoped3A = tpu.sem_alloc : memref<!tpu.dma_semaphore, #tpu.memory_space<semaphore_mem>>
      %dma_start3A_135 = arith.constant 0 : i32
      %dma_start3A_136 = tpu.memref_slice %arg13[%add3A_39, %dma_start3A_135] : memref<10240x128xf32, #tpu.memory_space<vmem_shared>> -> memref<80x128xf32, #tpu.memory_space<vmem_shared>>
      %dma_start3A_137 = arith.constant 0 : i32
      %dma_start3A_138 = tpu.memref_slice %arg13[%add3A_39, %dma_start3A_137] : memref<10240x128xf32, #tpu.memory_space<vmem_shared>> -> memref<80x128xf32, #tpu.memory_space<vmem_shared>>
      tpu.enqueue_dma source(%arg7 : memref<80x128xf32, #tpu.memory_space<vmem>>) target(%dma_start3A_138 : memref<80x128xf32, #tpu.memory_space<vmem_shared>>) target_semaphore(%run_scoped3A : memref<!tpu.dma_semaphore, #tpu.memory_space<semaphore_mem>>)
      %dma_wait3A_139 = arith.constant 0 : i32
      %dma_wait3A_140 = tpu.memref_slice %arg13[%add3A_39, %dma_wait3A_139] : memref<10240x128xf32, #tpu.memory_space<vmem_shared>> -> memref<80x128xf32, #tpu.memory_space<vmem_shared>>
      %dma_wait3A_141 = arith.constant 0 : i32
      %dma_wait3A_142 = tpu.memref_slice %arg13[%add3A_39, %dma_wait3A_141] : memref<10240x128xf32, #tpu.memory_space<vmem_shared>> -> memref<80x128xf32, #tpu.memory_space<vmem_shared>>
      tpu.wait_dma2 semaphore(%run_scoped3A : memref<!tpu.dma_semaphore, #tpu.memory_space<semaphore_mem>>) src(%arg7 : memref<80x128xf32, #tpu.memory_space<vmem>>) dst(%dma_wait3A_142 : memref<80x128xf32, #tpu.memory_space<vmem_shared>>)
      tpu.yield
    }) : () -> ()
    %barrier3A = arith.constant 0 : index
    tpu.barrier barrier_id(%barrier3A)
    %iota3A = tpu.iota {dimensions = array<i32: 0>} : vector<16xi32>
    %broadcast_in_dim3A_40 = arith.constant 2 : i32
    %broadcast_in_dim3A_41 = vector.broadcast %broadcast_in_dim3A_40 : i32 to vector<16xi32>
    %broadcast_in_dim3A_42 = arith.constant 3 : i32
    %broadcast_in_dim3A_43 = vector.broadcast %broadcast_in_dim3A_42 : i32 to vector<16xi32>
    %add3A_44 = arith.constant 0 : i32
    %add3A_45 = vector.broadcast %add3A_44 : i32 to vector<16xi32>
    %add3A_46 = arith.addi %add3A_45, %iota3A : vector<16xi32>
    %add3A_47 = arith.constant 16 : i32
    %add3A_48 = vector.broadcast %add3A_47 : i32 to vector<16xi32>
    %add3A_49 = arith.addi %add3A_48, %iota3A : vector<16xi32>
    %add3A_50 = arith.constant 32 : i32
    %add3A_51 = vector.broadcast %add3A_50 : i32 to vector<16xi32>
    %add3A_52 = arith.addi %add3A_51, %iota3A : vector<16xi32>
    %add3A_53 = arith.constant 48 : i32
    %add3A_54 = vector.broadcast %add3A_53 : i32 to vector<16xi32>
    %add3A_55 = arith.addi %add3A_54, %iota3A : vector<16xi32>
    %add3A_56 = arith.constant 64 : i32
    %add3A_57 = vector.broadcast %add3A_56 : i32 to vector<16xi32>
    %add3A_58 = arith.addi %add3A_57, %iota3A : vector<16xi32>
    %add3A_59 = arith.constant 80 : i32
    %add3A_60 = vector.broadcast %add3A_59 : i32 to vector<16xi32>
    %add3A_61 = arith.addi %add3A_60, %iota3A : vector<16xi32>
    %add3A_62 = arith.constant 96 : i32
    %add3A_63 = vector.broadcast %add3A_62 : i32 to vector<16xi32>
    %add3A_64 = arith.addi %add3A_63, %iota3A : vector<16xi32>
    %add3A_65 = arith.constant 112 : i32
    %add3A_66 = vector.broadcast %add3A_65 : i32 to vector<16xi32>
    %add3A_67 = arith.addi %add3A_66, %iota3A : vector<16xi32>
    %eq3A = arith.constant 0 : i32
    %eq3A_68 = arith.cmpi eq, %arg0, %eq3A : i32
    %jit3A = arith.constant 60 : i32
    %jit3A_69 = arith.constant 4 : i32
    %select_n3A = arith.select %eq3A_68, %jit3A, %jit3A_69 : i32
    %mul3A_70 = arith.constant 128 : i32
    %mul3A_71 = arith.muli %add3A, %mul3A_70 : i32
    %add3A_72 = arith.constant 0 : i32
    %add3A_73 = arith.addi %mul3A_71, %add3A_72 : i32
    %add3A_74 = arith.constant 1 : i32
    %add3A_75 = arith.addi %add3A, %add3A_74 : i32
    %mul3A_76 = arith.constant 128 : i32
    %mul3A_77 = arith.muli %add3A_75, %mul3A_76 : i32
    %add3A_78 = arith.constant -112 : i32
    %add3A_79 = arith.addi %mul3A_77, %add3A_78 : i32
    %eq3A_80 = arith.constant 0 : i32
    %eq3A_81 = arith.cmpi eq, %arg0, %eq3A_80 : i32
    %and3A = arith.constant false
    %and3A_82 = arith.andi %eq3A_81, %and3A : i1
    %select_n3A_83 = arith.select %and3A_82, %add3A_79, %add3A_73 : i32
    "tpu.region"() ({
      %run_scoped3A = tpu.sem_alloc : memref<!tpu.dma_semaphore, #tpu.memory_space<semaphore_mem>>
      %dma_start3A_135 = arith.constant 0 : i32
      %dma_start3A_136 = arith.constant 0 : i32
      %dma_start3A_137 = tpu.memref_slice %arg2[%select_n3A_83, %dma_start3A_135, %dma_start3A_136] : memref<4096x4x80xi32, #tpu.memory_space<hbm>> -> memref<1x4x80xi32, #tpu.memory_space<hbm>>
      %dma_start3A_138 = tpu.memref_squeeze %dma_start3A_137 : memref<1x4x80xi32, #tpu.memory_space<hbm>> -> memref<4x80xi32, #tpu.memory_space<hbm>>
      %dma_start3A_139 = arith.constant 0 : i32
      %dma_start3A_140 = arith.constant 0 : i32
      %dma_start3A_141 = tpu.memref_slice %arg2[%select_n3A_83, %dma_start3A_139, %dma_start3A_140] : memref<4096x4x80xi32, #tpu.memory_space<hbm>> -> memref<1x4x80xi32, #tpu.memory_space<hbm>>
      %dma_start3A_142 = tpu.memref_squeeze %dma_start3A_141 : memref<1x4x80xi32, #tpu.memory_space<hbm>> -> memref<4x80xi32, #tpu.memory_space<hbm>>
      tpu.enqueue_dma source(%dma_start3A_142 : memref<4x80xi32, #tpu.memory_space<hbm>>) target(%arg9 : memref<4x80xi32, #tpu.memory_space<vmem>>) target_semaphore(%run_scoped3A : memref<!tpu.dma_semaphore, #tpu.memory_space<semaphore_mem>>)
      %dma_wait3A_143 = arith.constant 0 : i32
      %dma_wait3A_144 = arith.constant 0 : i32
      %dma_wait3A_145 = tpu.memref_slice %arg2[%select_n3A_83, %dma_wait3A_143, %dma_wait3A_144] : memref<4096x4x80xi32, #tpu.memory_space<hbm>> -> memref<1x4x80xi32, #tpu.memory_space<hbm>>
      %dma_wait3A_146 = tpu.memref_squeeze %dma_wait3A_145 : memref<1x4x80xi32, #tpu.memory_space<hbm>> -> memref<4x80xi32, #tpu.memory_space<hbm>>
      %dma_wait3A_147 = arith.constant 0 : i32
      %dma_wait3A_148 = arith.constant 0 : i32
      %dma_wait3A_149 = tpu.memref_slice %arg2[%select_n3A_83, %dma_wait3A_147, %dma_wait3A_148] : memref<4096x4x80xi32, #tpu.memory_space<hbm>> -> memref<1x4x80xi32, #tpu.memory_space<hbm>>
      %dma_wait3A_150 = tpu.memref_squeeze %dma_wait3A_149 : memref<1x4x80xi32, #tpu.memory_space<hbm>> -> memref<4x80xi32, #tpu.memory_space<hbm>>
      tpu.wait_dma2 semaphore(%run_scoped3A : memref<!tpu.dma_semaphore, #tpu.memory_space<semaphore_mem>>) src(%dma_wait3A_150 : memref<4x80xi32, #tpu.memory_space<hbm>>) dst(%arg9 : memref<4x80xi32, #tpu.memory_space<vmem>>)
      tpu.yield
    }) : () -> ()
    %mul3A_84 = arith.constant 128 : i32
    %mul3A_85 = arith.muli %add3A, %mul3A_84 : i32
    %add3A_86 = arith.constant 1 : i32
    %add3A_87 = arith.addi %mul3A_85, %add3A_86 : i32
    %add3A_88 = arith.constant 1 : i32
    %add3A_89 = arith.addi %add3A, %add3A_88 : i32
    %mul3A_90 = arith.constant 128 : i32
    %mul3A_91 = arith.muli %add3A_89, %mul3A_90 : i32
    %add3A_92 = arith.constant -111 : i32
    %add3A_93 = arith.addi %mul3A_91, %add3A_92 : i32
    %eq3A_94 = arith.constant 0 : i32
    %eq3A_95 = arith.cmpi eq, %arg0, %eq3A_94 : i32
    %and3A_96 = arith.constant false
    %and3A_97 = arith.andi %eq3A_95, %and3A_96 : i1
    %select_n3A_98 = arith.select %and3A_97, %add3A_93, %add3A_87 : i32
    %dma_start3A = arith.constant 0 : i32
    %dma_start3A_99 = arith.constant 0 : i32
    %dma_start3A_100 = tpu.memref_slice %arg2[%select_n3A_98, %dma_start3A, %dma_start3A_99] : memref<4096x4x80xi32, #tpu.memory_space<hbm>> -> memref<1x4x80xi32, #tpu.memory_space<hbm>>
    %dma_start3A_101 = tpu.memref_squeeze %dma_start3A_100 : memref<1x4x80xi32, #tpu.memory_space<hbm>> -> memref<4x80xi32, #tpu.memory_space<hbm>>
    %dma_start3A_102 = arith.constant 0 : i32
    %dma_start3A_103 = arith.constant 0 : i32
    %dma_start3A_104 = tpu.memref_slice %arg2[%select_n3A_98, %dma_start3A_102, %dma_start3A_103] : memref<4096x4x80xi32, #tpu.memory_space<hbm>> -> memref<1x4x80xi32, #tpu.memory_space<hbm>>
    %dma_start3A_105 = tpu.memref_squeeze %dma_start3A_104 : memref<1x4x80xi32, #tpu.memory_space<hbm>> -> memref<4x80xi32, #tpu.memory_space<hbm>>
    tpu.enqueue_dma source(%dma_start3A_105 : memref<4x80xi32, #tpu.memory_space<hbm>>) target(%arg10 : memref<4x80xi32, #tpu.memory_space<vmem>>) target_semaphore(%arg17 : memref<!tpu.dma_semaphore, #tpu.memory_space<semaphore_mem>>)
    %dma_start3A_106 = arith.constant 1 : i32
    %dma_start3A_107 = arith.constant 0 : i32
    %dma_start3A_108 = tpu.memref_slice %arg9[%dma_start3A_106, %dma_start3A_107] : memref<4x80xi32, #tpu.memory_space<vmem>> -> memref<1x80xi32, #tpu.memory_space<vmem>>
    %dma_start3A_109 = tpu.memref_squeeze %dma_start3A_108 : memref<1x80xi32, #tpu.memory_space<vmem>> -> memref<80xi32, #tpu.memory_space<vmem>>
    %dma_start3A_110 = arith.constant 0 : i32
    %dma_start3A_111 = arith.constant 0 : i32
    %dma_start3A_112 = tpu.memref_slice %arg4[%dma_start3A_110, %dma_start3A_111] : memref<10240x128xf32, #tpu.memory_space<hbm>> -> memref<10240x128xf32, #tpu.memory_space<hbm>>
    tpu.enqueue_indirect_dma source(%dma_start3A_112 : memref<10240x128xf32, #tpu.memory_space<hbm>>) target(%arg7 : memref<80x128xf32, #tpu.memory_space<vmem>>) offsets(%dma_start3A_109 : memref<80xi32, #tpu.memory_space<vmem>>) semaphore(%arg14 : memref<!tpu.dma_semaphore, #tpu.memory_space<semaphore_mem>>)
    %while3A = arith.constant 0 : i32
    %while3A_113 = arith.constant 0 : i32
    %while3A_114 = arith.subi %select_n3A, %while3A : i32
    %while3A_115 = arith.addi %while3A, %while3A_114 : i32
    %while3A_116 = arith.constant 1 : i32
    %while3A_117 = arith.divsi %while3A_114, %while3A_116 : i32
    %while3A_118 = arith.muli %while3A_117, %while3A_116 : i32
    %while3A_119 = arith.addi %while3A, %while3A_118 : i32
    %while3A_120 = arith.constant 1 : i32
    %while3A_121 = scf.for %while3A_135 = %while3A to %while3A_119 step %while3A_120 iter_args(%while3A_136 = %while3A_113) -> (i32)  : i32 {
      %mul3A_137 = arith.constant 4 : i32
      %mul3A_138 = arith.muli %while3A_135, %mul3A_137 : i32
      %add3A_139 = arith.constant 0 : i32
      %add3A_140 = arith.addi %mul3A_138, %add3A_139 : i32
      %ge3A = arith.constant 1 : i32
      %ge3A_141 = arith.cmpi sge, %while3A_135, %ge3A : i32
      %convert_element_type3A = arith.extui %ge3A_141 : i1 to i32
      %cond3A = arith.constant 0 : i32
      %cond3A_142 = arith.cmpi ne, %convert_element_type3A, %cond3A : i32
      scf.if %cond3A_142 {
        %dma_wait3A_411 = arith.constant 0 : i32
        %dma_wait3A_412 = arith.constant 0 : i32
        %dma_wait3A_413 = tpu.memref_slice %arg12[%dma_wait3A_411, %dma_wait3A_412] : memref<4x80xi32, #tpu.memory_space<vmem>> -> memref<1x80xi32, #tpu.memory_space<vmem>>
        %dma_wait3A_414 = tpu.memref_squeeze %dma_wait3A_413 : memref<1x80xi32, #tpu.memory_space<vmem>> -> memref<80xi32, #tpu.memory_space<vmem>>
        %dma_wait3A_415 = arith.constant 0 : i32
        %dma_wait3A_416 = arith.constant 0 : i32
        %dma_wait3A_417 = tpu.memref_slice %arg13[%dma_wait3A_415, %dma_wait3A_416] : memref<10240x128xf32, #tpu.memory_space<vmem_shared>> -> memref<10240x128xf32, #tpu.memory_space<vmem_shared>>
        tpu.wait_indirect_dma semaphore(%arg21 : memref<!tpu.dma_semaphore, #tpu.memory_space<semaphore_mem>>) src(%arg8 : memref<80x128xf32, #tpu.memory_space<vmem>>) dst(%dma_wait3A_417 : memref<10240x128xf32, #tpu.memory_space<vmem_shared>>)
      } else {
      }
      %add3A_143 = arith.constant 1 : i32
      %add3A_144 = arith.addi %add3A_140, %add3A_143 : i32
      %mul3A_145 = arith.constant 128 : i32
      %mul3A_146 = arith.muli %add3A, %mul3A_145 : i32
      %add3A_147 = arith.addi %mul3A_146, %add3A_144 : i32
      %add3A_148 = arith.constant 1 : i32
      %add3A_149 = arith.addi %add3A, %add3A_148 : i32
      %mul3A_150 = arith.constant 128 : i32
      %mul3A_151 = arith.muli %add3A_149, %mul3A_150 : i32
      %sub3A = arith.constant 112 : i32
      %sub3A_152 = arith.subi %add3A_144, %sub3A : i32
      %add3A_153 = arith.addi %mul3A_151, %sub3A_152 : i32
      %eq3A_154 = arith.constant 0 : i32
      %eq3A_155 = arith.cmpi eq, %arg0, %eq3A_154 : i32
      %ge3A_156 = arith.constant 128 : i32
      %ge3A_157 = arith.cmpi sge, %add3A_144, %ge3A_156 : i32
      %and3A_158 = arith.andi %eq3A_155, %ge3A_157 : i1
      %select_n3A_159 = arith.select %and3A_158, %add3A_153, %add3A_147 : i32
      %dma_wait3A_160 = arith.constant 0 : i32
      %dma_wait3A_161 = arith.constant 0 : i32
      %dma_wait3A_162 = tpu.memref_slice %arg2[%select_n3A_159, %dma_wait3A_160, %dma_wait3A_161] : memref<4096x4x80xi32, #tpu.memory_space<hbm>> -> memref<1x4x80xi32, #tpu.memory_space<hbm>>
      %dma_wait3A_163 = tpu.memref_squeeze %dma_wait3A_162 : memref<1x4x80xi32, #tpu.memory_space<hbm>> -> memref<4x80xi32, #tpu.memory_space<hbm>>
      %dma_wait3A_164 = arith.constant 0 : i32
      %dma_wait3A_165 = arith.constant 0 : i32
      %dma_wait3A_166 = tpu.memref_slice %arg2[%select_n3A_159, %dma_wait3A_164, %dma_wait3A_165] : memref<4096x4x80xi32, #tpu.memory_space<hbm>> -> memref<1x4x80xi32, #tpu.memory_space<hbm>>
      %dma_wait3A_167 = tpu.memref_squeeze %dma_wait3A_166 : memref<1x4x80xi32, #tpu.memory_space<hbm>> -> memref<4x80xi32, #tpu.memory_space<hbm>>
      tpu.wait_dma2 semaphore(%arg17 : memref<!tpu.dma_semaphore, #tpu.memory_space<semaphore_mem>>) src(%dma_wait3A_167 : memref<4x80xi32, #tpu.memory_space<hbm>>) dst(%arg10 : memref<4x80xi32, #tpu.memory_space<vmem>>)
      %dma_start3A_168 = arith.constant 1 : i32
      %dma_start3A_169 = arith.constant 0 : i32
      %dma_start3A_170 = tpu.memref_slice %arg10[%dma_start3A_168, %dma_start3A_169] : memref<4x80xi32, #tpu.memory_space<vmem>> -> memref<1x80xi32, #tpu.memory_space<vmem>>
      %dma_start3A_171 = tpu.memref_squeeze %dma_start3A_170 : memref<1x80xi32, #tpu.memory_space<vmem>> -> memref<80xi32, #tpu.memory_space<vmem>>
      %dma_start3A_172 = arith.constant 0 : i32
      %dma_start3A_173 = arith.constant 0 : i32
      %dma_start3A_174 = tpu.memref_slice %arg4[%dma_start3A_172, %dma_start3A_173] : memref<10240x128xf32, #tpu.memory_space<hbm>> -> memref<10240x128xf32, #tpu.memory_space<hbm>>
      tpu.enqueue_indirect_dma source(%dma_start3A_174 : memref<10240x128xf32, #tpu.memory_space<hbm>>) target(%arg8 : memref<80x128xf32, #tpu.memory_space<vmem>>) offsets(%dma_start3A_171 : memref<80xi32, #tpu.memory_space<vmem>>) semaphore(%arg15 : memref<!tpu.dma_semaphore, #tpu.memory_space<semaphore_mem>>)
      %dma_wait3A_175 = arith.constant 1 : i32
      %dma_wait3A_176 = arith.constant 0 : i32
      %dma_wait3A_177 = tpu.memref_slice %arg9[%dma_wait3A_175, %dma_wait3A_176] : memref<4x80xi32, #tpu.memory_space<vmem>> -> memref<1x80xi32, #tpu.memory_space<vmem>>
      %dma_wait3A_178 = tpu.memref_squeeze %dma_wait3A_177 : memref<1x80xi32, #tpu.memory_space<vmem>> -> memref<80xi32, #tpu.memory_space<vmem>>
      %dma_wait3A_179 = arith.constant 0 : i32
      %dma_wait3A_180 = arith.constant 0 : i32
      %dma_wait3A_181 = tpu.memref_slice %arg4[%dma_wait3A_179, %dma_wait3A_180] : memref<10240x128xf32, #tpu.memory_space<hbm>> -> memref<10240x128xf32, #tpu.memory_space<hbm>>
      tpu.wait_indirect_dma semaphore(%arg14 : memref<!tpu.dma_semaphore, #tpu.memory_space<semaphore_mem>>) src(%dma_wait3A_181 : memref<10240x128xf32, #tpu.memory_space<hbm>>) dst(%arg7 : memref<80x128xf32, #tpu.memory_space<vmem>>)
      %parallel_loop3A = arith.constant 0 : i32
      %parallel_loop3A_182 = arith.constant 80 : i32
      %parallel_loop3A_183 = arith.constant 1 : i32
      scf.for %parallel_loop3A_411 = %parallel_loop3A to %parallel_loop3A_182 step %parallel_loop3A_183  : i32 {
        %parallel_loop3A_412 = vector.broadcast %parallel_loop3A_411 : i32 to vector<16xi32>
        %parallel_loop3A_413 = tpu.vector_load_idx %arg9[%broadcast_in_dim3A_41, %parallel_loop3A_412] : memref<4x80xi32, #tpu.memory_space<vmem>>[vector<16xi32>, vector<16xi32>], vector<16xi32>,
        %parallel_loop3A_414 = tpu.vector_load_idx %arg9[%broadcast_in_dim3A_43, %parallel_loop3A_412] : memref<4x80xi32, #tpu.memory_space<vmem>>[vector<16xi32>, vector<16xi32>], vector<16xi32>,
        %parallel_loop3A_415 = vector.bitcast %parallel_loop3A_414 : vector<16xi32> to vector<16xf32>
        %parallel_loop3A_416 = arith.constant 128 : i32
        %parallel_loop3A_417 = vector.broadcast %parallel_loop3A_416 : i32 to vector<16xi32>
        %parallel_loop3A_418 = arith.muli %parallel_loop3A_413, %parallel_loop3A_417 : vector<16xi32>
        %parallel_loop3A_419 = arith.addi %parallel_loop3A_418, %add3A_46 : vector<16xi32>
        %parallel_loop3A_420 = tpu.vector_load_idx %arg6[%parallel_loop3A_419] : memref<25728xf32, #tpu.memory_space<vmem>>[vector<16xi32>], vector<16xf32>,
        %parallel_loop3A_421 = arith.index_cast %parallel_loop3A_411 : i32 to index
        %parallel_loop3A_422 = arith.constant 0 : index
        %parallel_loop3A_423 = tpu.vector_load %arg7[%parallel_loop3A_421, %parallel_loop3A_422] {strides = array<i32>} : memref<80x128xf32, #tpu.memory_space<vmem>>, vector<16xf32>,
        %parallel_loop3A_424 = arith.mulf %parallel_loop3A_423, %parallel_loop3A_420 : vector<16xf32>
        %parallel_loop3A_425 = arith.mulf %parallel_loop3A_424, %parallel_loop3A_415 : vector<16xf32>
        %parallel_loop3A_426 = arith.index_cast %parallel_loop3A_411 : i32 to index
        %parallel_loop3A_427 = arith.constant 0 : index
        %parallel_loop3A_428 = tpu.vector_load %arg7[%parallel_loop3A_426, %parallel_loop3A_427] {strides = array<i32>} : memref<80x128xf32, #tpu.memory_space<vmem>>, vector<16xf32>,
        tpu.vector_store %arg7[%parallel_loop3A_426, %parallel_loop3A_427], %parallel_loop3A_425 {strides = array<i32>} : memref<80x128xf32, #tpu.memory_space<vmem>>, vector<16xf32>,
        %parallel_loop3A_429 = arith.addi %parallel_loop3A_418, %add3A_49 : vector<16xi32>
        %parallel_loop3A_430 = tpu.vector_load_idx %arg6[%parallel_loop3A_429] : memref<25728xf32, #tpu.memory_space<vmem>>[vector<16xi32>], vector<16xf32>,
        %parallel_loop3A_431 = arith.index_cast %parallel_loop3A_411 : i32 to index
        %parallel_loop3A_432 = arith.constant 16 : index
        %parallel_loop3A_433 = tpu.vector_load %arg7[%parallel_loop3A_431, %parallel_loop3A_432] {strides = array<i32>} : memref<80x128xf32, #tpu.memory_space<vmem>>, vector<16xf32>,
        %parallel_loop3A_434 = arith.mulf %parallel_loop3A_433, %parallel_loop3A_430 : vector<16xf32>
        %parallel_loop3A_435 = arith.mulf %parallel_loop3A_434, %parallel_loop3A_415 : vector<16xf32>
        %parallel_loop3A_436 = arith.index_cast %parallel_loop3A_411 : i32 to index
        %parallel_loop3A_437 = arith.constant 16 : index
        %parallel_loop3A_438 = tpu.vector_load %arg7[%parallel_loop3A_436, %parallel_loop3A_437] {strides = array<i32>} : memref<80x128xf32, #tpu.memory_space<vmem>>, vector<16xf32>,
        tpu.vector_store %arg7[%parallel_loop3A_436, %parallel_loop3A_437], %parallel_loop3A_435 {strides = array<i32>} : memref<80x128xf32, #tpu.memory_space<vmem>>, vector<16xf32>,
        %parallel_loop3A_439 = arith.addi %parallel_loop3A_418, %add3A_52 : vector<16xi32>
        %parallel_loop3A_440 = tpu.vector_load_idx %arg6[%parallel_loop3A_439] : memref<25728xf32, #tpu.memory_space<vmem>>[vector<16xi32>], vector<16xf32>,
        %parallel_loop3A_441 = arith.index_cast %parallel_loop3A_411 : i32 to index
        %parallel_loop3A_442 = arith.constant 32 : index
        %parallel_loop3A_443 = tpu.vector_load %arg7[%parallel_loop3A_441, %parallel_loop3A_442] {strides = array<i32>} : memref<80x128xf32, #tpu.memory_space<vmem>>, vector<16xf32>,
        %parallel_loop3A_444 = arith.mulf %parallel_loop3A_443, %parallel_loop3A_440 : vector<16xf32>
        %parallel_loop3A_445 = arith.mulf %parallel_loop3A_444, %parallel_loop3A_415 : vector<16xf32>
        %parallel_loop3A_446 = arith.index_cast %parallel_loop3A_411 : i32 to index
        %parallel_loop3A_447 = arith.constant 32 : index
        %parallel_loop3A_448 = tpu.vector_load %arg7[%parallel_loop3A_446, %parallel_loop3A_447] {strides = array<i32>} : memref<80x128xf32, #tpu.memory_space<vmem>>, vector<16xf32>,
        tpu.vector_store %arg7[%parallel_loop3A_446, %parallel_loop3A_447], %parallel_loop3A_445 {strides = array<i32>} : memref<80x128xf32, #tpu.memory_space<vmem>>, vector<16xf32>,
        %parallel_loop3A_449 = arith.addi %parallel_loop3A_418, %add3A_55 : vector<16xi32>
        %parallel_loop3A_450 = tpu.vector_load_idx %arg6[%parallel_loop3A_449] : memref<25728xf32, #tpu.memory_space<vmem>>[vector<16xi32>], vector<16xf32>,
        %parallel_loop3A_451 = arith.index_cast %parallel_loop3A_411 : i32 to index
        %parallel_loop3A_452 = arith.constant 48 : index
        %parallel_loop3A_453 = tpu.vector_load %arg7[%parallel_loop3A_451, %parallel_loop3A_452] {strides = array<i32>} : memref<80x128xf32, #tpu.memory_space<vmem>>, vector<16xf32>,
        %parallel_loop3A_454 = arith.mulf %parallel_loop3A_453, %parallel_loop3A_450 : vector<16xf32>
        %parallel_loop3A_455 = arith.mulf %parallel_loop3A_454, %parallel_loop3A_415 : vector<16xf32>
        %parallel_loop3A_456 = arith.index_cast %parallel_loop3A_411 : i32 to index
        %parallel_loop3A_457 = arith.constant 48 : index
        %parallel_loop3A_458 = tpu.vector_load %arg7[%parallel_loop3A_456, %parallel_loop3A_457] {strides = array<i32>} : memref<80x128xf32, #tpu.memory_space<vmem>>, vector<16xf32>,
        tpu.vector_store %arg7[%parallel_loop3A_456, %parallel_loop3A_457], %parallel_loop3A_455 {strides = array<i32>} : memref<80x128xf32, #tpu.memory_space<vmem>>, vector<16xf32>,
        %parallel_loop3A_459 = arith.addi %parallel_loop3A_418, %add3A_58 : vector<16xi32>
        %parallel_loop3A_460 = tpu.vector_load_idx %arg6[%parallel_loop3A_459] : memref<25728xf32, #tpu.memory_space<vmem>>[vector<16xi32>], vector<16xf32>,
        %parallel_loop3A_461 = arith.index_cast %parallel_loop3A_411 : i32 to index
        %parallel_loop3A_462 = arith.constant 64 : index
        %parallel_loop3A_463 = tpu.vector_load %arg7[%parallel_loop3A_461, %parallel_loop3A_462] {strides = array<i32>} : memref<80x128xf32, #tpu.memory_space<vmem>>, vector<16xf32>,
        %parallel_loop3A_464 = arith.mulf %parallel_loop3A_463, %parallel_loop3A_460 : vector<16xf32>
        %parallel_loop3A_465 = arith.mulf %parallel_loop3A_464, %parallel_loop3A_415 : vector<16xf32>
        %parallel_loop3A_466 = arith.index_cast %parallel_loop3A_411 : i32 to index
        %parallel_loop3A_467 = arith.constant 64 : index
        %parallel_loop3A_468 = tpu.vector_load %arg7[%parallel_loop3A_466, %parallel_loop3A_467] {strides = array<i32>} : memref<80x128xf32, #tpu.memory_space<vmem>>, vector<16xf32>,
        tpu.vector_store %arg7[%parallel_loop3A_466, %parallel_loop3A_467], %parallel_loop3A_465 {strides = array<i32>} : memref<80x128xf32, #tpu.memory_space<vmem>>, vector<16xf32>,
        %parallel_loop3A_469 = arith.addi %parallel_loop3A_418, %add3A_61 : vector<16xi32>
        %parallel_loop3A_470 = tpu.vector_load_idx %arg6[%parallel_loop3A_469] : memref<25728xf32, #tpu.memory_space<vmem>>[vector<16xi32>], vector<16xf32>,
        %parallel_loop3A_471 = arith.index_cast %parallel_loop3A_411 : i32 to index
        %parallel_loop3A_472 = arith.constant 80 : index
        %parallel_loop3A_473 = tpu.vector_load %arg7[%parallel_loop3A_471, %parallel_loop3A_472] {strides = array<i32>} : memref<80x128xf32, #tpu.memory_space<vmem>>, vector<16xf32>,
        %parallel_loop3A_474 = arith.mulf %parallel_loop3A_473, %parallel_loop3A_470 : vector<16xf32>
        %parallel_loop3A_475 = arith.mulf %parallel_loop3A_474, %parallel_loop3A_415 : vector<16xf32>
        %parallel_loop3A_476 = arith.index_cast %parallel_loop3A_411 : i32 to index
        %parallel_loop3A_477 = arith.constant 80 : index
        %parallel_loop3A_478 = tpu.vector_load %arg7[%parallel_loop3A_476, %parallel_loop3A_477] {strides = array<i32>} : memref<80x128xf32, #tpu.memory_space<vmem>>, vector<16xf32>,
        tpu.vector_store %arg7[%parallel_loop3A_476, %parallel_loop3A_477], %parallel_loop3A_475 {strides = array<i32>} : memref<80x128xf32, #tpu.memory_space<vmem>>, vector<16xf32>,
        %parallel_loop3A_479 = arith.addi %parallel_loop3A_418, %add3A_64 : vector<16xi32>
        %parallel_loop3A_480 = tpu.vector_load_idx %arg6[%parallel_loop3A_479] : memref<25728xf32, #tpu.memory_space<vmem>>[vector<16xi32>], vector<16xf32>,
        %parallel_loop3A_481 = arith.index_cast %parallel_loop3A_411 : i32 to index
        %parallel_loop3A_482 = arith.constant 96 : index
        %parallel_loop3A_483 = tpu.vector_load %arg7[%parallel_loop3A_481, %parallel_loop3A_482] {strides = array<i32>} : memref<80x128xf32, #tpu.memory_space<vmem>>, vector<16xf32>,
        %parallel_loop3A_484 = arith.mulf %parallel_loop3A_483, %parallel_loop3A_480 : vector<16xf32>
        %parallel_loop3A_485 = arith.mulf %parallel_loop3A_484, %parallel_loop3A_415 : vector<16xf32>
        %parallel_loop3A_486 = arith.index_cast %parallel_loop3A_411 : i32 to index
        %parallel_loop3A_487 = arith.constant 96 : index
        %parallel_loop3A_488 = tpu.vector_load %arg7[%parallel_loop3A_486, %parallel_loop3A_487] {strides = array<i32>} : memref<80x128xf32, #tpu.memory_space<vmem>>, vector<16xf32>,
        tpu.vector_store %arg7[%parallel_loop3A_486, %parallel_loop3A_487], %parallel_loop3A_485 {strides = array<i32>} : memref<80x128xf32, #tpu.memory_space<vmem>>, vector<16xf32>,
        %parallel_loop3A_489 = arith.addi %parallel_loop3A_418, %add3A_67 : vector<16xi32>
        %parallel_loop3A_490 = tpu.vector_load_idx %arg6[%parallel_loop3A_489] : memref<25728xf32, #tpu.memory_space<vmem>>[vector<16xi32>], vector<16xf32>,
        %parallel_loop3A_491 = arith.index_cast %parallel_loop3A_411 : i32 to index
        %parallel_loop3A_492 = arith.constant 112 : index
        %parallel_loop3A_493 = tpu.vector_load %arg7[%parallel_loop3A_491, %parallel_loop3A_492] {strides = array<i32>} : memref<80x128xf32, #tpu.memory_space<vmem>>, vector<16xf32>,
        %parallel_loop3A_494 = arith.mulf %parallel_loop3A_493, %parallel_loop3A_490 : vector<16xf32>
        %parallel_loop3A_495 = arith.mulf %parallel_loop3A_494, %parallel_loop3A_415 : vector<16xf32>
        %parallel_loop3A_496 = arith.index_cast %parallel_loop3A_411 : i32 to index
        %parallel_loop3A_497 = arith.constant 112 : index
        %parallel_loop3A_498 = tpu.vector_load %arg7[%parallel_loop3A_496, %parallel_loop3A_497] {strides = array<i32>} : memref<80x128xf32, #tpu.memory_space<vmem>>, vector<16xf32>,
        tpu.vector_store %arg7[%parallel_loop3A_496, %parallel_loop3A_497], %parallel_loop3A_495 {strides = array<i32>} : memref<80x128xf32, #tpu.memory_space<vmem>>, vector<16xf32>,
      } {sc.loop_unroll_factor = 4 : i64, sc.parallel_access}
      %dma_start3A_184 = arith.constant 0 : i32
      %dma_start3A_185 = arith.constant 0 : i32
      %dma_start3A_186 = tpu.memref_slice %arg9[%dma_start3A_184, %dma_start3A_185] : memref<4x80xi32, #tpu.memory_space<vmem>> -> memref<1x80xi32, #tpu.memory_space<vmem>>
      %dma_start3A_187 = tpu.memref_squeeze %dma_start3A_186 : memref<1x80xi32, #tpu.memory_space<vmem>> -> memref<80xi32, #tpu.memory_space<vmem>>
      %dma_start3A_188 = arith.constant 0 : i32
      %dma_start3A_189 = arith.constant 0 : i32
      %dma_start3A_190 = tpu.memref_slice %arg13[%dma_start3A_188, %dma_start3A_189] : memref<10240x128xf32, #tpu.memory_space<vmem_shared>> -> memref<10240x128xf32, #tpu.memory_space<vmem_shared>>
      tpu.enqueue_indirect_dma source(%arg7 : memref<80x128xf32, #tpu.memory_space<vmem>>) target(%dma_start3A_190 : memref<10240x128xf32, #tpu.memory_space<vmem_shared>>) offsets(%dma_start3A_187 : memref<80xi32, #tpu.memory_space<vmem>>) semaphore(%arg20 : memref<!tpu.dma_semaphore, #tpu.memory_space<semaphore_mem>>) {add = true}
      %add3A_191 = arith.constant 2 : i32
      %add3A_192 = arith.addi %add3A_140, %add3A_191 : i32
      %mul3A_193 = arith.constant 128 : i32
      %mul3A_194 = arith.muli %add3A, %mul3A_193 : i32
      %add3A_195 = arith.addi %mul3A_194, %add3A_192 : i32
      %add3A_196 = arith.constant 1 : i32
      %add3A_197 = arith.addi %add3A, %add3A_196 : i32
      %mul3A_198 = arith.constant 128 : i32
      %mul3A_199 = arith.muli %add3A_197, %mul3A_198 : i32
      %sub3A_200 = arith.constant 112 : i32
      %sub3A_201 = arith.subi %add3A_192, %sub3A_200 : i32
      %add3A_202 = arith.addi %mul3A_199, %sub3A_201 : i32
      %eq3A_203 = arith.constant 0 : i32
      %eq3A_204 = arith.cmpi eq, %arg0, %eq3A_203 : i32
      %ge3A_205 = arith.constant 128 : i32
      %ge3A_206 = arith.cmpi sge, %add3A_192, %ge3A_205 : i32
      %and3A_207 = arith.andi %eq3A_204, %ge3A_206 : i1
      %select_n3A_208 = arith.select %and3A_207, %add3A_202, %add3A_195 : i32
      %dma_start3A_209 = arith.constant 0 : i32
      %dma_start3A_210 = arith.constant 0 : i32
      %dma_start3A_211 = tpu.memref_slice %arg2[%select_n3A_208, %dma_start3A_209, %dma_start3A_210] : memref<4096x4x80xi32, #tpu.memory_space<hbm>> -> memref<1x4x80xi32, #tpu.memory_space<hbm>>
      %dma_start3A_212 = tpu.memref_squeeze %dma_start3A_211 : memref<1x4x80xi32, #tpu.memory_space<hbm>> -> memref<4x80xi32, #tpu.memory_space<hbm>>
      %dma_start3A_213 = arith.constant 0 : i32
      %dma_start3A_214 = arith.constant 0 : i32
      %dma_start3A_215 = tpu.memref_slice %arg2[%select_n3A_208, %dma_start3A_213, %dma_start3A_214] : memref<4096x4x80xi32, #tpu.memory_space<hbm>> -> memref<1x4x80xi32, #tpu.memory_space<hbm>>
      %dma_start3A_216 = tpu.memref_squeeze %dma_start3A_215 : memref<1x4x80xi32, #tpu.memory_space<hbm>> -> memref<4x80xi32, #tpu.memory_space<hbm>>
      tpu.enqueue_dma source(%dma_start3A_216 : memref<4x80xi32, #tpu.memory_space<hbm>>) target(%arg11 : memref<4x80xi32, #tpu.memory_space<vmem>>) target_semaphore(%arg18 : memref<!tpu.dma_semaphore, #tpu.memory_space<semaphore_mem>>)
      %mul3A_217 = arith.constant 4 : i32
      %mul3A_218 = arith.muli %while3A_135, %mul3A_217 : i32
      %add3A_219 = arith.constant 1 : i32
      %add3A_220 = arith.addi %mul3A_218, %add3A_219 : i32
      %dma_wait3A_221 = arith.constant 0 : i32
      %dma_wait3A_222 = arith.constant 0 : i32
      %dma_wait3A_223 = tpu.memref_slice %arg9[%dma_wait3A_221, %dma_wait3A_222] : memref<4x80xi32, #tpu.memory_space<vmem>> -> memref<1x80xi32, #tpu.memory_space<vmem>>
      %dma_wait3A_224 = tpu.memref_squeeze %dma_wait3A_223 : memref<1x80xi32, #tpu.memory_space<vmem>> -> memref<80xi32, #tpu.memory_space<vmem>>
      %dma_wait3A_225 = arith.constant 0 : i32
      %dma_wait3A_226 = arith.constant 0 : i32
      %dma_wait3A_227 = tpu.memref_slice %arg13[%dma_wait3A_225, %dma_wait3A_226] : memref<10240x128xf32, #tpu.memory_space<vmem_shared>> -> memref<10240x128xf32, #tpu.memory_space<vmem_shared>>
      tpu.wait_indirect_dma semaphore(%arg20 : memref<!tpu.dma_semaphore, #tpu.memory_space<semaphore_mem>>) src(%arg7 : memref<80x128xf32, #tpu.memory_space<vmem>>) dst(%dma_wait3A_227 : memref<10240x128xf32, #tpu.memory_space<vmem_shared>>)
      %add3A_228 = arith.constant 1 : i32
      %add3A_229 = arith.addi %add3A_220, %add3A_228 : i32
      %mul3A_230 = arith.constant 128 : i32
      %mul3A_231 = arith.muli %add3A, %mul3A_230 : i32
      %add3A_232 = arith.addi %mul3A_231, %add3A_229 : i32
      %add3A_233 = arith.constant 1 : i32
      %add3A_234 = arith.addi %add3A, %add3A_233 : i32
      %mul3A_235 = arith.constant 128 : i32
      %mul3A_236 = arith.muli %add3A_234, %mul3A_235 : i32
      %sub3A_237 = arith.constant 112 : i32
      %sub3A_238 = arith.subi %add3A_229, %sub3A_237 : i32
      %add3A_239 = arith.addi %mul3A_236, %sub3A_238 : i32
      %eq3A_240 = arith.constant 0 : i32
      %eq3A_241 = arith.cmpi eq, %arg0, %eq3A_240 : i32
      %ge3A_242 = arith.constant 128 : i32
      %ge3A_243 = arith.cmpi sge, %add3A_229, %ge3A_242 : i32
      %and3A_244 = arith.andi %eq3A_241, %ge3A_243 : i1
      %select_n3A_245 = arith.select %and3A_244, %add3A_239, %add3A_232 : i32
      %dma_wait3A_246 = arith.constant 0 : i32
      %dma_wait3A_247 = arith.constant 0 : i32
      %dma_wait3A_248 = tpu.memref_slice %arg2[%select_n3A_245, %dma_wait3A_246, %dma_wait3A_247] : memref<4096x4x80xi32, #tpu.memory_space<hbm>> -> memref<1x4x80xi32, #tpu.memory_space<hbm>>
      %dma_wait3A_249 = tpu.memref_squeeze %dma_wait3A_248 : memref<1x4x80xi32, #tpu.memory_space<hbm>> -> memref<4x80xi32, #tpu.memory_space<hbm>>
      %dma_wait3A_250 = arith.constant 0 : i32
      %dma_wait3A_251 = arith.constant 0 : i32
      %dma_wait3A_252 = tpu.memref_slice %arg2[%select_n3A_245, %dma_wait3A_250, %dma_wait3A_251] : memref<4096x4x80xi32, #tpu.memory_space<hbm>> -> memref<1x4x80xi32, #tpu.memory_space<hbm>>
      %dma_wait3A_253 = tpu.memref_squeeze %dma_wait3A_252 : memref<1x4x80xi32, #tpu.memory_space<hbm>> -> memref<4x80xi32, #tpu.memory_space<hbm>>
      tpu.wait_dma2 semaphore(%arg18 : memref<!tpu.dma_semaphore, #tpu.memory_space<semaphore_mem>>) src(%dma_wait3A_253 : memref<4x80xi32, #tpu.memory_space<hbm>>) dst(%arg11 : memref<4x80xi32, #tpu.memory_space<vmem>>)
      %dma_start3A_254 = arith.constant 1 : i32
      %dma_start3A_255 = arith.constant 0 : i32
      %dma_start3A_256 = tpu.memref_slice %arg11[%dma_start3A_254, %dma_start3A_255] : memref<4x80xi32, #tpu.memory_space<vmem>> -> memref<1x80xi32, #tpu.memory_space<vmem>>
      %dma_start3A_257 = tpu.memref_squeeze %dma_start3A_256 : memref<1x80xi32, #tpu.memory_space<vmem>> -> memref<80xi32, #tpu.memory_space<vmem>>
      %dma_start3A_258 = arith.constant 0 : i32
      %dma_start3A_259 = arith.constant 0 : i32
      %dma_start3A_260 = tpu.memref_slice %arg4[%dma_start3A_258, %dma_start3A_259] : memref<10240x128xf32, #tpu.memory_space<hbm>> -> memref<10240x128xf32, #tpu.memory_space<hbm>>
      tpu.enqueue_indirect_dma source(%dma_start3A_260 : memref<10240x128xf32, #tpu.memory_space<hbm>>) target(%arg7 : memref<80x128xf32, #tpu.memory_space<vmem>>) offsets(%dma_start3A_257 : memref<80xi32, #tpu.memory_space<vmem>>) semaphore(%arg14 : memref<!tpu.dma_semaphore, #tpu.memory_space<semaphore_mem>>)
      %dma_wait3A_261 = arith.constant 1 : i32
      %dma_wait3A_262 = arith.constant 0 : i32
      %dma_wait3A_263 = tpu.memref_slice %arg10[%dma_wait3A_261, %dma_wait3A_262] : memref<4x80xi32, #tpu.memory_space<vmem>> -> memref<1x80xi32, #tpu.memory_space<vmem>>
      %dma_wait3A_264 = tpu.memref_squeeze %dma_wait3A_263 : memref<1x80xi32, #tpu.memory_space<vmem>> -> memref<80xi32, #tpu.memory_space<vmem>>
      %dma_wait3A_265 = arith.constant 0 : i32
      %dma_wait3A_266 = arith.constant 0 : i32
      %dma_wait3A_267 = tpu.memref_slice %arg4[%dma_wait3A_265, %dma_wait3A_266] : memref<10240x128xf32, #tpu.memory_space<hbm>> -> memref<10240x128xf32, #tpu.memory_space<hbm>>
      tpu.wait_indirect_dma semaphore(%arg15 : memref<!tpu.dma_semaphore, #tpu.memory_space<semaphore_mem>>) src(%dma_wait3A_267 : memref<10240x128xf32, #tpu.memory_space<hbm>>) dst(%arg8 : memref<80x128xf32, #tpu.memory_space<vmem>>)
      %parallel_loop3A_268 = arith.constant 0 : i32
      %parallel_loop3A_269 = arith.constant 80 : i32
      %parallel_loop3A_270 = arith.constant 1 : i32
      scf.for %parallel_loop3A_411 = %parallel_loop3A_268 to %parallel_loop3A_269 step %parallel_loop3A_270  : i32 {
        %parallel_loop3A_412 = vector.broadcast %parallel_loop3A_411 : i32 to vector<16xi32>
        %parallel_loop3A_413 = tpu.vector_load_idx %arg10[%broadcast_in_dim3A_41, %parallel_loop3A_412] : memref<4x80xi32, #tpu.memory_space<vmem>>[vector<16xi32>, vector<16xi32>], vector<16xi32>,
        %parallel_loop3A_414 = tpu.vector_load_idx %arg10[%broadcast_in_dim3A_43, %parallel_loop3A_412] : memref<4x80xi32, #tpu.memory_space<vmem>>[vector<16xi32>, vector<16xi32>], vector<16xi32>,
        %parallel_loop3A_415 = vector.bitcast %parallel_loop3A_414 : vector<16xi32> to vector<16xf32>
        %parallel_loop3A_416 = arith.constant 128 : i32
        %parallel_loop3A_417 = vector.broadcast %parallel_loop3A_416 : i32 to vector<16xi32>
        %parallel_loop3A_418 = arith.muli %parallel_loop3A_413, %parallel_loop3A_417 : vector<16xi32>
        %parallel_loop3A_419 = arith.addi %parallel_loop3A_418, %add3A_46 : vector<16xi32>
        %parallel_loop3A_420 = tpu.vector_load_idx %arg6[%parallel_loop3A_419] : memref<25728xf32, #tpu.memory_space<vmem>>[vector<16xi32>], vector<16xf32>,
        %parallel_loop3A_421 = arith.index_cast %parallel_loop3A_411 : i32 to index
        %parallel_loop3A_422 = arith.constant 0 : index
        %parallel_loop3A_423 = tpu.vector_load %arg8[%parallel_loop3A_421, %parallel_loop3A_422] {strides = array<i32>} : memref<80x128xf32, #tpu.memory_space<vmem>>, vector<16xf32>,
        %parallel_loop3A_424 = arith.mulf %parallel_loop3A_423, %parallel_loop3A_420 : vector<16xf32>
        %parallel_loop3A_425 = arith.mulf %parallel_loop3A_424, %parallel_loop3A_415 : vector<16xf32>
        %parallel_loop3A_426 = arith.index_cast %parallel_loop3A_411 : i32 to index
        %parallel_loop3A_427 = arith.constant 0 : index
        %parallel_loop3A_428 = tpu.vector_load %arg8[%parallel_loop3A_426, %parallel_loop3A_427] {strides = array<i32>} : memref<80x128xf32, #tpu.memory_space<vmem>>, vector<16xf32>,
        tpu.vector_store %arg8[%parallel_loop3A_426, %parallel_loop3A_427], %parallel_loop3A_425 {strides = array<i32>} : memref<80x128xf32, #tpu.memory_space<vmem>>, vector<16xf32>,
        %parallel_loop3A_429 = arith.addi %parallel_loop3A_418, %add3A_49 : vector<16xi32>
        %parallel_loop3A_430 = tpu.vector_load_idx %arg6[%parallel_loop3A_429] : memref<25728xf32, #tpu.memory_space<vmem>>[vector<16xi32>], vector<16xf32>,
        %parallel_loop3A_431 = arith.index_cast %parallel_loop3A_411 : i32 to index
        %parallel_loop3A_432 = arith.constant 16 : index
        %parallel_loop3A_433 = tpu.vector_load %arg8[%parallel_loop3A_431, %parallel_loop3A_432] {strides = array<i32>} : memref<80x128xf32, #tpu.memory_space<vmem>>, vector<16xf32>,
        %parallel_loop3A_434 = arith.mulf %parallel_loop3A_433, %parallel_loop3A_430 : vector<16xf32>
        %parallel_loop3A_435 = arith.mulf %parallel_loop3A_434, %parallel_loop3A_415 : vector<16xf32>
        %parallel_loop3A_436 = arith.index_cast %parallel_loop3A_411 : i32 to index
        %parallel_loop3A_437 = arith.constant 16 : index
        %parallel_loop3A_438 = tpu.vector_load %arg8[%parallel_loop3A_436, %parallel_loop3A_437] {strides = array<i32>} : memref<80x128xf32, #tpu.memory_space<vmem>>, vector<16xf32>,
        tpu.vector_store %arg8[%parallel_loop3A_436, %parallel_loop3A_437], %parallel_loop3A_435 {strides = array<i32>} : memref<80x128xf32, #tpu.memory_space<vmem>>, vector<16xf32>,
        %parallel_loop3A_439 = arith.addi %parallel_loop3A_418, %add3A_52 : vector<16xi32>
        %parallel_loop3A_440 = tpu.vector_load_idx %arg6[%parallel_loop3A_439] : memref<25728xf32, #tpu.memory_space<vmem>>[vector<16xi32>], vector<16xf32>,
        %parallel_loop3A_441 = arith.index_cast %parallel_loop3A_411 : i32 to index
        %parallel_loop3A_442 = arith.constant 32 : index
        %parallel_loop3A_443 = tpu.vector_load %arg8[%parallel_loop3A_441, %parallel_loop3A_442] {strides = array<i32>} : memref<80x128xf32, #tpu.memory_space<vmem>>, vector<16xf32>,
        %parallel_loop3A_444 = arith.mulf %parallel_loop3A_443, %parallel_loop3A_440 : vector<16xf32>
        %parallel_loop3A_445 = arith.mulf %parallel_loop3A_444, %parallel_loop3A_415 : vector<16xf32>
        %parallel_loop3A_446 = arith.index_cast %parallel_loop3A_411 : i32 to index
        %parallel_loop3A_447 = arith.constant 32 : index
        %parallel_loop3A_448 = tpu.vector_load %arg8[%parallel_loop3A_446, %parallel_loop3A_447] {strides = array<i32>} : memref<80x128xf32, #tpu.memory_space<vmem>>, vector<16xf32>,
        tpu.vector_store %arg8[%parallel_loop3A_446, %parallel_loop3A_447], %parallel_loop3A_445 {strides = array<i32>} : memref<80x128xf32, #tpu.memory_space<vmem>>, vector<16xf32>,
        %parallel_loop3A_449 = arith.addi %parallel_loop3A_418, %add3A_55 : vector<16xi32>
        %parallel_loop3A_450 = tpu.vector_load_idx %arg6[%parallel_loop3A_449] : memref<25728xf32, #tpu.memory_space<vmem>>[vector<16xi32>], vector<16xf32>,
        %parallel_loop3A_451 = arith.index_cast %parallel_loop3A_411 : i32 to index
        %parallel_loop3A_452 = arith.constant 48 : index
        %parallel_loop3A_453 = tpu.vector_load %arg8[%parallel_loop3A_451, %parallel_loop3A_452] {strides = array<i32>} : memref<80x128xf32, #tpu.memory_space<vmem>>, vector<16xf32>,
        %parallel_loop3A_454 = arith.mulf %parallel_loop3A_453, %parallel_loop3A_450 : vector<16xf32>
        %parallel_loop3A_455 = arith.mulf %parallel_loop3A_454, %parallel_loop3A_415 : vector<16xf32>
        %parallel_loop3A_456 = arith.index_cast %parallel_loop3A_411 : i32 to index
        %parallel_loop3A_457 = arith.constant 48 : index
        %parallel_loop3A_458 = tpu.vector_load %arg8[%parallel_loop3A_456, %parallel_loop3A_457] {strides = array<i32>} : memref<80x128xf32, #tpu.memory_space<vmem>>, vector<16xf32>,
        tpu.vector_store %arg8[%parallel_loop3A_456, %parallel_loop3A_457], %parallel_loop3A_455 {strides = array<i32>} : memref<80x128xf32, #tpu.memory_space<vmem>>, vector<16xf32>,
        %parallel_loop3A_459 = arith.addi %parallel_loop3A_418, %add3A_58 : vector<16xi32>
        %parallel_loop3A_460 = tpu.vector_load_idx %arg6[%parallel_loop3A_459] : memref<25728xf32, #tpu.memory_space<vmem>>[vector<16xi32>], vector<16xf32>,
        %parallel_loop3A_461 = arith.index_cast %parallel_loop3A_411 : i32 to index
        %parallel_loop3A_462 = arith.constant 64 : index
        %parallel_loop3A_463 = tpu.vector_load %arg8[%parallel_loop3A_461, %parallel_loop3A_462] {strides = array<i32>} : memref<80x128xf32, #tpu.memory_space<vmem>>, vector<16xf32>,
        %parallel_loop3A_464 = arith.mulf %parallel_loop3A_463, %parallel_loop3A_460 : vector<16xf32>
        %parallel_loop3A_465 = arith.mulf %parallel_loop3A_464, %parallel_loop3A_415 : vector<16xf32>
        %parallel_loop3A_466 = arith.index_cast %parallel_loop3A_411 : i32 to index
        %parallel_loop3A_467 = arith.constant 64 : index
        %parallel_loop3A_468 = tpu.vector_load %arg8[%parallel_loop3A_466, %parallel_loop3A_467] {strides = array<i32>} : memref<80x128xf32, #tpu.memory_space<vmem>>, vector<16xf32>,
        tpu.vector_store %arg8[%parallel_loop3A_466, %parallel_loop3A_467], %parallel_loop3A_465 {strides = array<i32>} : memref<80x128xf32, #tpu.memory_space<vmem>>, vector<16xf32>,
        %parallel_loop3A_469 = arith.addi %parallel_loop3A_418, %add3A_61 : vector<16xi32>
        %parallel_loop3A_470 = tpu.vector_load_idx %arg6[%parallel_loop3A_469] : memref<25728xf32, #tpu.memory_space<vmem>>[vector<16xi32>], vector<16xf32>,
        %parallel_loop3A_471 = arith.index_cast %parallel_loop3A_411 : i32 to index
        %parallel_loop3A_472 = arith.constant 80 : index
        %parallel_loop3A_473 = tpu.vector_load %arg8[%parallel_loop3A_471, %parallel_loop3A_472] {strides = array<i32>} : memref<80x128xf32, #tpu.memory_space<vmem>>, vector<16xf32>,
        %parallel_loop3A_474 = arith.mulf %parallel_loop3A_473, %parallel_loop3A_470 : vector<16xf32>
        %parallel_loop3A_475 = arith.mulf %parallel_loop3A_474, %parallel_loop3A_415 : vector<16xf32>
        %parallel_loop3A_476 = arith.index_cast %parallel_loop3A_411 : i32 to index
        %parallel_loop3A_477 = arith.constant 80 : index
        %parallel_loop3A_478 = tpu.vector_load %arg8[%parallel_loop3A_476, %parallel_loop3A_477] {strides = array<i32>} : memref<80x128xf32, #tpu.memory_space<vmem>>, vector<16xf32>,
        tpu.vector_store %arg8[%parallel_loop3A_476, %parallel_loop3A_477], %parallel_loop3A_475 {strides = array<i32>} : memref<80x128xf32, #tpu.memory_space<vmem>>, vector<16xf32>,
        %parallel_loop3A_479 = arith.addi %parallel_loop3A_418, %add3A_64 : vector<16xi32>
        %parallel_loop3A_480 = tpu.vector_load_idx %arg6[%parallel_loop3A_479] : memref<25728xf32, #tpu.memory_space<vmem>>[vector<16xi32>], vector<16xf32>,
        %parallel_loop3A_481 = arith.index_cast %parallel_loop3A_411 : i32 to index
        %parallel_loop3A_482 = arith.constant 96 : index
        %parallel_loop3A_483 = tpu.vector_load %arg8[%parallel_loop3A_481, %parallel_loop3A_482] {strides = array<i32>} : memref<80x128xf32, #tpu.memory_space<vmem>>, vector<16xf32>,
        %parallel_loop3A_484 = arith.mulf %parallel_loop3A_483, %parallel_loop3A_480 : vector<16xf32>
        %parallel_loop3A_485 = arith.mulf %parallel_loop3A_484, %parallel_loop3A_415 : vector<16xf32>
        %parallel_loop3A_486 = arith.index_cast %parallel_loop3A_411 : i32 to index
        %parallel_loop3A_487 = arith.constant 96 : index
        %parallel_loop3A_488 = tpu.vector_load %arg8[%parallel_loop3A_486, %parallel_loop3A_487] {strides = array<i32>} : memref<80x128xf32, #tpu.memory_space<vmem>>, vector<16xf32>,
        tpu.vector_store %arg8[%parallel_loop3A_486, %parallel_loop3A_487], %parallel_loop3A_485 {strides = array<i32>} : memref<80x128xf32, #tpu.memory_space<vmem>>, vector<16xf32>,
        %parallel_loop3A_489 = arith.addi %parallel_loop3A_418, %add3A_67 : vector<16xi32>
        %parallel_loop3A_490 = tpu.vector_load_idx %arg6[%parallel_loop3A_489] : memref<25728xf32, #tpu.memory_space<vmem>>[vector<16xi32>], vector<16xf32>,
        %parallel_loop3A_491 = arith.index_cast %parallel_loop3A_411 : i32 to index
        %parallel_loop3A_492 = arith.constant 112 : index
        %parallel_loop3A_493 = tpu.vector_load %arg8[%parallel_loop3A_491, %parallel_loop3A_492] {strides = array<i32>} : memref<80x128xf32, #tpu.memory_space<vmem>>, vector<16xf32>,
        %parallel_loop3A_494 = arith.mulf %parallel_loop3A_493, %parallel_loop3A_490 : vector<16xf32>
        %parallel_loop3A_495 = arith.mulf %parallel_loop3A_494, %parallel_loop3A_415 : vector<16xf32>
        %parallel_loop3A_496 = arith.index_cast %parallel_loop3A_411 : i32 to index
        %parallel_loop3A_497 = arith.constant 112 : index
        %parallel_loop3A_498 = tpu.vector_load %arg8[%parallel_loop3A_496, %parallel_loop3A_497] {strides = array<i32>} : memref<80x128xf32, #tpu.memory_space<vmem>>, vector<16xf32>,
        tpu.vector_store %arg8[%parallel_loop3A_496, %parallel_loop3A_497], %parallel_loop3A_495 {strides = array<i32>} : memref<80x128xf32, #tpu.memory_space<vmem>>, vector<16xf32>,
      } {sc.loop_unroll_factor = 4 : i64, sc.parallel_access}
      %dma_start3A_271 = arith.constant 0 : i32
      %dma_start3A_272 = arith.constant 0 : i32
      %dma_start3A_273 = tpu.memref_slice %arg10[%dma_start3A_271, %dma_start3A_272] : memref<4x80xi32, #tpu.memory_space<vmem>> -> memref<1x80xi32, #tpu.memory_space<vmem>>
      %dma_start3A_274 = tpu.memref_squeeze %dma_start3A_273 : memref<1x80xi32, #tpu.memory_space<vmem>> -> memref<80xi32, #tpu.memory_space<vmem>>
      %dma_start3A_275 = arith.constant 0 : i32
      %dma_start3A_276 = arith.constant 0 : i32
      %dma_start3A_277 = tpu.memref_slice %arg13[%dma_start3A_275, %dma_start3A_276] : memref<10240x128xf32, #tpu.memory_space<vmem_shared>> -> memref<10240x128xf32, #tpu.memory_space<vmem_shared>>
      tpu.enqueue_indirect_dma source(%arg8 : memref<80x128xf32, #tpu.memory_space<vmem>>) target(%dma_start3A_277 : memref<10240x128xf32, #tpu.memory_space<vmem_shared>>) offsets(%dma_start3A_274 : memref<80xi32, #tpu.memory_space<vmem>>) semaphore(%arg21 : memref<!tpu.dma_semaphore, #tpu.memory_space<semaphore_mem>>) {add = true}
      %add3A_278 = arith.constant 2 : i32
      %add3A_279 = arith.addi %add3A_220, %add3A_278 : i32
      %mul3A_280 = arith.constant 128 : i32
      %mul3A_281 = arith.muli %add3A, %mul3A_280 : i32
      %add3A_282 = arith.addi %mul3A_281, %add3A_279 : i32
      %add3A_283 = arith.constant 1 : i32
      %add3A_284 = arith.addi %add3A, %add3A_283 : i32
      %mul3A_285 = arith.constant 128 : i32
      %mul3A_286 = arith.muli %add3A_284, %mul3A_285 : i32
      %sub3A_287 = arith.constant 112 : i32
      %sub3A_288 = arith.subi %add3A_279, %sub3A_287 : i32
      %add3A_289 = arith.addi %mul3A_286, %sub3A_288 : i32
      %eq3A_290 = arith.constant 0 : i32
      %eq3A_291 = arith.cmpi eq, %arg0, %eq3A_290 : i32
      %ge3A_292 = arith.constant 128 : i32
      %ge3A_293 = arith.cmpi sge, %add3A_279, %ge3A_292 : i32
      %and3A_294 = arith.andi %eq3A_291, %ge3A_293 : i1
      %select_n3A_295 = arith.select %and3A_294, %add3A_289, %add3A_282 : i32
      %dma_start3A_296 = arith.constant 0 : i32
      %dma_start3A_297 = arith.constant 0 : i32
      %dma_start3A_298 = tpu.memref_slice %arg2[%select_n3A_295, %dma_start3A_296, %dma_start3A_297] : memref<4096x4x80xi32, #tpu.memory_space<hbm>> -> memref<1x4x80xi32, #tpu.memory_space<hbm>>
      %dma_start3A_299 = tpu.memref_squeeze %dma_start3A_298 : memref<1x4x80xi32, #tpu.memory_space<hbm>> -> memref<4x80xi32, #tpu.memory_space<hbm>>
      %dma_start3A_300 = arith.constant 0 : i32
      %dma_start3A_301 = arith.constant 0 : i32
      %dma_start3A_302 = tpu.memref_slice %arg2[%select_n3A_295, %dma_start3A_300, %dma_start3A_301] : memref<4096x4x80xi32, #tpu.memory_space<hbm>> -> memref<1x4x80xi32, #tpu.memory_space<hbm>>
      %dma_start3A_303 = tpu.memref_squeeze %dma_start3A_302 : memref<1x4x80xi32, #tpu.memory_space<hbm>> -> memref<4x80xi32, #tpu.memory_space<hbm>>
      tpu.enqueue_dma source(%dma_start3A_303 : memref<4x80xi32, #tpu.memory_space<hbm>>) target(%arg12 : memref<4x80xi32, #tpu.memory_space<vmem>>) target_semaphore(%arg19 : memref<!tpu.dma_semaphore, #tpu.memory_space<semaphore_mem>>)
      %mul3A_304 = arith.constant 4 : i32
      %mul3A_305 = arith.muli %while3A_135, %mul3A_304 : i32
      %add3A_306 = arith.constant 2 : i32
      %add3A_307 = arith.addi %mul3A_305, %add3A_306 : i32
      %dma_wait3A_308 = arith.constant 0 : i32
      %dma_wait3A_309 = arith.constant 0 : i32
      %dma_wait3A_310 = tpu.memref_slice %arg10[%dma_wait3A_308, %dma_wait3A_309] : memref<4x80xi32, #tpu.memory_space<vmem>> -> memref<1x80xi32, #tpu.memory_space<vmem>>
      %dma_wait3A_311 = tpu.memref_squeeze %dma_wait3A_310 : memref<1x80xi32, #tpu.memory_space<vmem>> -> memref<80xi32, #tpu.memory_space<vmem>>
      %dma_wait3A_312 = arith.constant 0 : i32
      %dma_wait3A_313 = arith.constant 0 : i32
      %dma_wait3A_314 = tpu.memref_slice %arg13[%dma_wait3A_312, %dma_wait3A_313] : memref<10240x128xf32, #tpu.memory_space<vmem_shared>> -> memref<10240x128xf32, #tpu.memory_space<vmem_shared>>
      tpu.wait_indirect_dma semaphore(%arg21 : memref<!tpu.dma_semaphore, #tpu.memory_space<semaphore_mem>>) src(%arg8 : memref<80x128xf32, #tpu.memory_space<vmem>>) dst(%dma_wait3A_314 : memref<10240x128xf32, #tpu.memory_space<vmem_shared>>)
      %add3A_315 = arith.constant 1 : i32
      %add3A_316 = arith.addi %add3A_307, %add3A_315 : i32
      %mul3A_317 = arith.constant 128 : i32
      %mul3A_318 = arith.muli %add3A, %mul3A_317 : i32
      %add3A_319 = arith.addi %mul3A_318, %add3A_316 : i32
      %add3A_320 = arith.constant 1 : i32
      %add3A_321 = arith.addi %add3A, %add3A_320 : i32
      %mul3A_322 = arith.constant 128 : i32
      %mul3A_323 = arith.muli %add3A_321, %mul3A_322 : i32
      %sub3A_324 = arith.constant 112 : i32
      %sub3A_325 = arith.subi %add3A_316, %sub3A_324 : i32
      %add3A_326 = arith.addi %mul3A_323, %sub3A_325 : i32
      %eq3A_327 = arith.constant 0 : i32
      %eq3A_328 = arith.cmpi eq, %arg0, %eq3A_327 : i32
      %ge3A_329 = arith.constant 128 : i32
      %ge3A_330 = arith.cmpi sge, %add3A_316, %ge3A_329 : i32
      %and3A_331 = arith.andi %eq3A_328, %ge3A_330 : i1
      %select_n3A_332 = arith.select %and3A_331, %add3A_326, %add3A_319 : i32
      %dma_wait3A_333 = arith.constant 0 : i32
      %dma_wait3A_334 = arith.constant 0 : i32
      %dma_wait3A_335 = tpu.memref_slice %arg2[%select_n3A_332, %dma_wait3A_333, %dma_wait3A_334] : memref<4096x4x80xi32, #tpu.memory_space<hbm>> -> memref<1x4x80xi32, #tpu.memory_space<hbm>>
      %dma_wait3A_336 = tpu.memref_squeeze %dma_wait3A_335 : memref<1x4x80xi32, #tpu.memory_space<hbm>> -> memref<4x80xi32, #tpu.memory_space<hbm>>
      %dma_wait3A_337 = arith.constant 0 : i32
      %dma_wait3A_338 = arith.constant 0 : i32
      %dma_wait3A_339 = tpu.memref_slice %arg2[%select_n3A_332, %dma_wait3A_337, %dma_wait3A_338] : memref<4096x4x80xi32, #tpu.memory_space<hbm>> -> memref<1x4x80xi32, #tpu.memory_space<hbm>>
      %dma_wait3A_340 = tpu.memref_squeeze %dma_wait3A_339 : memref<1x4x80xi32, #tpu.memory_space<hbm>> -> memref<4x80xi32, #tpu.memory_space<hbm>>
      tpu.wait_dma2 semaphore(%arg19 : memref<!tpu.dma_semaphore, #tpu.memory_space<semaphore_mem>>) src(%dma_wait3A_340 : memref<4x80xi32, #tpu.memory_space<hbm>>) dst(%arg12 : memref<4x80xi32, #tpu.memory_space<vmem>>)
      %dma_start3A_341 = arith.constant 1 : i32
      %dma_start3A_342 = arith.constant 0 : i32
      %dma_start3A_343 = tpu.memref_slice %arg12[%dma_start3A_341, %dma_start3A_342] : memref<4x80xi32, #tpu.memory_space<vmem>> -> memref<1x80xi32, #tpu.memory_space<vmem>>
      %dma_start3A_344 = tpu.memref_squeeze %dma_start3A_343 : memref<1x80xi32, #tpu.memory_space<vmem>> -> memref<80xi32, #tpu.memory_space<vmem>>
      %dma_start3A_345 = arith.constant 0 : i32
      %dma_start3A_346 = arith.constant 0 : i32
      %dma_start3A_347 = tpu.memref_slice %arg4[%dma_start3A_345, %dma_start3A_346] : memref<10240x128xf32, #tpu.memory_space<hbm>> -> memref<10240x128xf32, #tpu.memory_space<hbm>>
      tpu.enqueue_indirect_dma source(%dma_start3A_347 : memref<10240x128xf32, #tpu.memory_space<hbm>>) target(%arg8 : memref<80x128xf32, #tpu.memory_space<vmem>>) offsets(%dma_start3A_344 : memref<80xi32, #tpu.memory_space<vmem>>) semaphore(%arg15 : memref<!tpu.dma_semaphore, #tpu.memory_space<semaphore_mem>>)
      %dma_wait3A_348 = arith.constant 1 : i32
      %dma_wait3A_349 = arith.constant 0 : i32
      %dma_wait3A_350 = tpu.memref_slice %arg11[%dma_wait3A_348, %dma_wait3A_349] : memref<4x80xi32, #tpu.memory_space<vmem>> -> memref<1x80xi32, #tpu.memory_space<vmem>>
      %dma_wait3A_351 = tpu.memref_squeeze %dma_wait3A_350 : memref<1x80xi32, #tpu.memory_space<vmem>> -> memref<80xi32, #tpu.memory_space<vmem>>
      %dma_wait3A_352 = arith.constant 0 : i32
      %dma_wait3A_353 = arith.constant 0 : i32
      %dma_wait3A_354 = tpu.memref_slice %arg4[%dma_wait3A_352, %dma_wait3A_353] : memref<10240x128xf32, #tpu.memory_space<hbm>> -> memref<10240x128xf32, #tpu.memory_space<hbm>>
      tpu.wait_indirect_dma semaphore(%arg14 : memref<!tpu.dma_semaphore, #tpu.memory_space<semaphore_mem>>) src(%dma_wait3A_354 : memref<10240x128xf32, #tpu.memory_space<hbm>>) dst(%arg7 : memref<80x128xf32, #tpu.memory_space<vmem>>)
      %parallel_loop3A_355 = arith.constant 0 : i32
      %parallel_loop3A_356 = arith.constant 80 : i32
      %parallel_loop3A_357 = arith.constant 1 : i32
      scf.for %parallel_loop3A_411 = %parallel_loop3A_355 to %parallel_loop3A_356 step %parallel_loop3A_357  : i32 {
        %parallel_loop3A_412 = vector.broadcast %parallel_loop3A_411 : i32 to vector<16xi32>
        %parallel_loop3A_413 = tpu.vector_load_idx %arg11[%broadcast_in_dim3A_41, %parallel_loop3A_412] : memref<4x80xi32, #tpu.memory_space<vmem>>[vector<16xi32>, vector<16xi32>], vector<16xi32>,
        %parallel_loop3A_414 = tpu.vector_load_idx %arg11[%broadcast_in_dim3A_43, %parallel_loop3A_412] : memref<4x80xi32, #tpu.memory_space<vmem>>[vector<16xi32>, vector<16xi32>], vector<16xi32>,
        %parallel_loop3A_415 = vector.bitcast %parallel_loop3A_414 : vector<16xi32> to vector<16xf32>
        %parallel_loop3A_416 = arith.constant 128 : i32
        %parallel_loop3A_417 = vector.broadcast %parallel_loop3A_416 : i32 to vector<16xi32>
        %parallel_loop3A_418 = arith.muli %parallel_loop3A_413, %parallel_loop3A_417 : vector<16xi32>
        %parallel_loop3A_419 = arith.addi %parallel_loop3A_418, %add3A_46 : vector<16xi32>
        %parallel_loop3A_420 = tpu.vector_load_idx %arg6[%parallel_loop3A_419] : memref<25728xf32, #tpu.memory_space<vmem>>[vector<16xi32>], vector<16xf32>,
        %parallel_loop3A_421 = arith.index_cast %parallel_loop3A_411 : i32 to index
        %parallel_loop3A_422 = arith.constant 0 : index
        %parallel_loop3A_423 = tpu.vector_load %arg7[%parallel_loop3A_421, %parallel_loop3A_422] {strides = array<i32>} : memref<80x128xf32, #tpu.memory_space<vmem>>, vector<16xf32>,
        %parallel_loop3A_424 = arith.mulf %parallel_loop3A_423, %parallel_loop3A_420 : vector<16xf32>
        %parallel_loop3A_425 = arith.mulf %parallel_loop3A_424, %parallel_loop3A_415 : vector<16xf32>
        %parallel_loop3A_426 = arith.index_cast %parallel_loop3A_411 : i32 to index
        %parallel_loop3A_427 = arith.constant 0 : index
        %parallel_loop3A_428 = tpu.vector_load %arg7[%parallel_loop3A_426, %parallel_loop3A_427] {strides = array<i32>} : memref<80x128xf32, #tpu.memory_space<vmem>>, vector<16xf32>,
        tpu.vector_store %arg7[%parallel_loop3A_426, %parallel_loop3A_427], %parallel_loop3A_425 {strides = array<i32>} : memref<80x128xf32, #tpu.memory_space<vmem>>, vector<16xf32>,
        %parallel_loop3A_429 = arith.addi %parallel_loop3A_418, %add3A_49 : vector<16xi32>
        %parallel_loop3A_430 = tpu.vector_load_idx %arg6[%parallel_loop3A_429] : memref<25728xf32, #tpu.memory_space<vmem>>[vector<16xi32>], vector<16xf32>,
        %parallel_loop3A_431 = arith.index_cast %parallel_loop3A_411 : i32 to index
        %parallel_loop3A_432 = arith.constant 16 : index
        %parallel_loop3A_433 = tpu.vector_load %arg7[%parallel_loop3A_431, %parallel_loop3A_432] {strides = array<i32>} : memref<80x128xf32, #tpu.memory_space<vmem>>, vector<16xf32>,
        %parallel_loop3A_434 = arith.mulf %parallel_loop3A_433, %parallel_loop3A_430 : vector<16xf32>
        %parallel_loop3A_435 = arith.mulf %parallel_loop3A_434, %parallel_loop3A_415 : vector<16xf32>
        %parallel_loop3A_436 = arith.index_cast %parallel_loop3A_411 : i32 to index
        %parallel_loop3A_437 = arith.constant 16 : index
        %parallel_loop3A_438 = tpu.vector_load %arg7[%parallel_loop3A_436, %parallel_loop3A_437] {strides = array<i32>} : memref<80x128xf32, #tpu.memory_space<vmem>>, vector<16xf32>,
        tpu.vector_store %arg7[%parallel_loop3A_436, %parallel_loop3A_437], %parallel_loop3A_435 {strides = array<i32>} : memref<80x128xf32, #tpu.memory_space<vmem>>, vector<16xf32>,
        %parallel_loop3A_439 = arith.addi %parallel_loop3A_418, %add3A_52 : vector<16xi32>
        %parallel_loop3A_440 = tpu.vector_load_idx %arg6[%parallel_loop3A_439] : memref<25728xf32, #tpu.memory_space<vmem>>[vector<16xi32>], vector<16xf32>,
        %parallel_loop3A_441 = arith.index_cast %parallel_loop3A_411 : i32 to index
        %parallel_loop3A_442 = arith.constant 32 : index
        %parallel_loop3A_443 = tpu.vector_load %arg7[%parallel_loop3A_441, %parallel_loop3A_442] {strides = array<i32>} : memref<80x128xf32, #tpu.memory_space<vmem>>, vector<16xf32>,
        %parallel_loop3A_444 = arith.mulf %parallel_loop3A_443, %parallel_loop3A_440 : vector<16xf32>
        %parallel_loop3A_445 = arith.mulf %parallel_loop3A_444, %parallel_loop3A_415 : vector<16xf32>
        %parallel_loop3A_446 = arith.index_cast %parallel_loop3A_411 : i32 to index
        %parallel_loop3A_447 = arith.constant 32 : index
        %parallel_loop3A_448 = tpu.vector_load %arg7[%parallel_loop3A_446, %parallel_loop3A_447] {strides = array<i32>} : memref<80x128xf32, #tpu.memory_space<vmem>>, vector<16xf32>,
        tpu.vector_store %arg7[%parallel_loop3A_446, %parallel_loop3A_447], %parallel_loop3A_445 {strides = array<i32>} : memref<80x128xf32, #tpu.memory_space<vmem>>, vector<16xf32>,
        %parallel_loop3A_449 = arith.addi %parallel_loop3A_418, %add3A_55 : vector<16xi32>
        %parallel_loop3A_450 = tpu.vector_load_idx %arg6[%parallel_loop3A_449] : memref<25728xf32, #tpu.memory_space<vmem>>[vector<16xi32>], vector<16xf32>,
        %parallel_loop3A_451 = arith.index_cast %parallel_loop3A_411 : i32 to index
        %parallel_loop3A_452 = arith.constant 48 : index
        %parallel_loop3A_453 = tpu.vector_load %arg7[%parallel_loop3A_451, %parallel_loop3A_452] {strides = array<i32>} : memref<80x128xf32, #tpu.memory_space<vmem>>, vector<16xf32>,
        %parallel_loop3A_454 = arith.mulf %parallel_loop3A_453, %parallel_loop3A_450 : vector<16xf32>
        %parallel_loop3A_455 = arith.mulf %parallel_loop3A_454, %parallel_loop3A_415 : vector<16xf32>
        %parallel_loop3A_456 = arith.index_cast %parallel_loop3A_411 : i32 to index
        %parallel_loop3A_457 = arith.constant 48 : index
        %parallel_loop3A_458 = tpu.vector_load %arg7[%parallel_loop3A_456, %parallel_loop3A_457] {strides = array<i32>} : memref<80x128xf32, #tpu.memory_space<vmem>>, vector<16xf32>,
        tpu.vector_store %arg7[%parallel_loop3A_456, %parallel_loop3A_457], %parallel_loop3A_455 {strides = array<i32>} : memref<80x128xf32, #tpu.memory_space<vmem>>, vector<16xf32>,
        %parallel_loop3A_459 = arith.addi %parallel_loop3A_418, %add3A_58 : vector<16xi32>
        %parallel_loop3A_460 = tpu.vector_load_idx %arg6[%parallel_loop3A_459] : memref<25728xf32, #tpu.memory_space<vmem>>[vector<16xi32>], vector<16xf32>,
        %parallel_loop3A_461 = arith.index_cast %parallel_loop3A_411 : i32 to index
        %parallel_loop3A_462 = arith.constant 64 : index
        %parallel_loop3A_463 = tpu.vector_load %arg7[%parallel_loop3A_461, %parallel_loop3A_462] {strides = array<i32>} : memref<80x128xf32, #tpu.memory_space<vmem>>, vector<16xf32>,
        %parallel_loop3A_464 = arith.mulf %parallel_loop3A_463, %parallel_loop3A_460 : vector<16xf32>
        %parallel_loop3A_465 = arith.mulf %parallel_loop3A_464, %parallel_loop3A_415 : vector<16xf32>
        %parallel_loop3A_466 = arith.index_cast %parallel_loop3A_411 : i32 to index
        %parallel_loop3A_467 = arith.constant 64 : index
        %parallel_loop3A_468 = tpu.vector_load %arg7[%parallel_loop3A_466, %parallel_loop3A_467] {strides = array<i32>} : memref<80x128xf32, #tpu.memory_space<vmem>>, vector<16xf32>,
        tpu.vector_store %arg7[%parallel_loop3A_466, %parallel_loop3A_467], %parallel_loop3A_465 {strides = array<i32>} : memref<80x128xf32, #tpu.memory_space<vmem>>, vector<16xf32>,
        %parallel_loop3A_469 = arith.addi %parallel_loop3A_418, %add3A_61 : vector<16xi32>
        %parallel_loop3A_470 = tpu.vector_load_idx %arg6[%parallel_loop3A_469] : memref<25728xf32, #tpu.memory_space<vmem>>[vector<16xi32>], vector<16xf32>,
        %parallel_loop3A_471 = arith.index_cast %parallel_loop3A_411 : i32 to index
        %parallel_loop3A_472 = arith.constant 80 : index
        %parallel_loop3A_473 = tpu.vector_load %arg7[%parallel_loop3A_471, %parallel_loop3A_472] {strides = array<i32>} : memref<80x128xf32, #tpu.memory_space<vmem>>, vector<16xf32>,
        %parallel_loop3A_474 = arith.mulf %parallel_loop3A_473, %parallel_loop3A_470 : vector<16xf32>
        %parallel_loop3A_475 = arith.mulf %parallel_loop3A_474, %parallel_loop3A_415 : vector<16xf32>
        %parallel_loop3A_476 = arith.index_cast %parallel_loop3A_411 : i32 to index
        %parallel_loop3A_477 = arith.constant 80 : index
        %parallel_loop3A_478 = tpu.vector_load %arg7[%parallel_loop3A_476, %parallel_loop3A_477] {strides = array<i32>} : memref<80x128xf32, #tpu.memory_space<vmem>>, vector<16xf32>,
        tpu.vector_store %arg7[%parallel_loop3A_476, %parallel_loop3A_477], %parallel_loop3A_475 {strides = array<i32>} : memref<80x128xf32, #tpu.memory_space<vmem>>, vector<16xf32>,
        %parallel_loop3A_479 = arith.addi %parallel_loop3A_418, %add3A_64 : vector<16xi32>
        %parallel_loop3A_480 = tpu.vector_load_idx %arg6[%parallel_loop3A_479] : memref<25728xf32, #tpu.memory_space<vmem>>[vector<16xi32>], vector<16xf32>,
        %parallel_loop3A_481 = arith.index_cast %parallel_loop3A_411 : i32 to index
        %parallel_loop3A_482 = arith.constant 96 : index
        %parallel_loop3A_483 = tpu.vector_load %arg7[%parallel_loop3A_481, %parallel_loop3A_482] {strides = array<i32>} : memref<80x128xf32, #tpu.memory_space<vmem>>, vector<16xf32>,
        %parallel_loop3A_484 = arith.mulf %parallel_loop3A_483, %parallel_loop3A_480 : vector<16xf32>
        %parallel_loop3A_485 = arith.mulf %parallel_loop3A_484, %parallel_loop3A_415 : vector<16xf32>
        %parallel_loop3A_486 = arith.index_cast %parallel_loop3A_411 : i32 to index
        %parallel_loop3A_487 = arith.constant 96 : index
        %parallel_loop3A_488 = tpu.vector_load %arg7[%parallel_loop3A_486, %parallel_loop3A_487] {strides = array<i32>} : memref<80x128xf32, #tpu.memory_space<vmem>>, vector<16xf32>,
        tpu.vector_store %arg7[%parallel_loop3A_486, %parallel_loop3A_487], %parallel_loop3A_485 {strides = array<i32>} : memref<80x128xf32, #tpu.memory_space<vmem>>, vector<16xf32>,
        %parallel_loop3A_489 = arith.addi %parallel_loop3A_418, %add3A_67 : vector<16xi32>
        %parallel_loop3A_490 = tpu.vector_load_idx %arg6[%parallel_loop3A_489] : memref<25728xf32, #tpu.memory_space<vmem>>[vector<16xi32>], vector<16xf32>,
        %parallel_loop3A_491 = arith.index_cast %parallel_loop3A_411 : i32 to index
        %parallel_loop3A_492 = arith.constant 112 : index
        %parallel_loop3A_493 = tpu.vector_load %arg7[%parallel_loop3A_491, %parallel_loop3A_492] {strides = array<i32>} : memref<80x128xf32, #tpu.memory_space<vmem>>, vector<16xf32>,
        %parallel_loop3A_494 = arith.mulf %parallel_loop3A_493, %parallel_loop3A_490 : vector<16xf32>
        %parallel_loop3A_495 = arith.mulf %parallel_loop3A_494, %parallel_loop3A_415 : vector<16xf32>
        %parallel_loop3A_496 = arith.index_cast %parallel_loop3A_411 : i32 to index
        %parallel_loop3A_497 = arith.constant 112 : index
        %parallel_loop3A_498 = tpu.vector_load %arg7[%parallel_loop3A_496, %parallel_loop3A_497] {strides = array<i32>} : memref<80x128xf32, #tpu.memory_space<vmem>>, vector<16xf32>,
        tpu.vector_store %arg7[%parallel_loop3A_496, %parallel_loop3A_497], %parallel_loop3A_495 {strides = array<i32>} : memref<80x128xf32, #tpu.memory_space<vmem>>, vector<16xf32>,
      } {sc.loop_unroll_factor = 4 : i64, sc.parallel_access}
      %dma_start3A_358 = arith.constant 0 : i32
      %dma_start3A_359 = arith.constant 0 : i32
      %dma_start3A_360 = tpu.memref_slice %arg11[%dma_start3A_358, %dma_start3A_359] : memref<4x80xi32, #tpu.memory_space<vmem>> -> memref<1x80xi32, #tpu.memory_space<vmem>>
      %dma_start3A_361 = tpu.memref_squeeze %dma_start3A_360 : memref<1x80xi32, #tpu.memory_space<vmem>> -> memref<80xi32, #tpu.memory_space<vmem>>
      %dma_start3A_362 = arith.constant 0 : i32
      %dma_start3A_363 = arith.constant 0 : i32
      %dma_start3A_364 = tpu.memref_slice %arg13[%dma_start3A_362, %dma_start3A_363] : memref<10240x128xf32, #tpu.memory_space<vmem_shared>> -> memref<10240x128xf32, #tpu.memory_space<vmem_shared>>
      tpu.enqueue_indirect_dma source(%arg7 : memref<80x128xf32, #tpu.memory_space<vmem>>) target(%dma_start3A_364 : memref<10240x128xf32, #tpu.memory_space<vmem_shared>>) offsets(%dma_start3A_361 : memref<80xi32, #tpu.memory_space<vmem>>) semaphore(%arg20 : memref<!tpu.dma_semaphore, #tpu.memory_space<semaphore_mem>>) {add = true}
      %sub3A_365 = arith.constant 1 : i32
      %sub3A_366 = arith.subi %select_n3A, %sub3A_365 : i32
      %lt3A = arith.cmpi slt, %while3A_135, %sub3A_366 : i32
      %convert_element_type3A_367 = arith.extui %lt3A : i1 to i32
      %cond3A_368 = arith.constant 0 : i32
      %cond3A_369 = arith.cmpi ne, %convert_element_type3A_367, %cond3A_368 : i32
      scf.if %cond3A_369 {
        %add3A_411 = arith.constant 2 : i32
        %add3A_412 = arith.addi %add3A_307, %add3A_411 : i32
        %mul3A_413 = arith.constant 128 : i32
        %mul3A_414 = arith.muli %add3A, %mul3A_413 : i32
        %add3A_415 = arith.addi %mul3A_414, %add3A_412 : i32
        %add3A_416 = arith.constant 1 : i32
        %add3A_417 = arith.addi %add3A, %add3A_416 : i32
        %mul3A_418 = arith.constant 128 : i32
        %mul3A_419 = arith.muli %add3A_417, %mul3A_418 : i32
        %sub3A_420 = arith.constant 112 : i32
        %sub3A_421 = arith.subi %add3A_412, %sub3A_420 : i32
        %add3A_422 = arith.addi %mul3A_419, %sub3A_421 : i32
        %eq3A_423 = arith.constant 0 : i32
        %eq3A_424 = arith.cmpi eq, %arg0, %eq3A_423 : i32
        %ge3A_425 = arith.constant 128 : i32
        %ge3A_426 = arith.cmpi sge, %add3A_412, %ge3A_425 : i32
        %and3A_427 = arith.andi %eq3A_424, %ge3A_426 : i1
        %select_n3A_428 = arith.select %and3A_427, %add3A_422, %add3A_415 : i32
        %dma_start3A_429 = arith.constant 0 : i32
        %dma_start3A_430 = arith.constant 0 : i32
        %dma_start3A_431 = tpu.memref_slice %arg2[%select_n3A_428, %dma_start3A_429, %dma_start3A_430] : memref<4096x4x80xi32, #tpu.memory_space<hbm>> -> memref<1x4x80xi32, #tpu.memory_space<hbm>>
        %dma_start3A_432 = tpu.memref_squeeze %dma_start3A_431 : memref<1x4x80xi32, #tpu.memory_space<hbm>> -> memref<4x80xi32, #tpu.memory_space<hbm>>
        %dma_start3A_433 = arith.constant 0 : i32
        %dma_start3A_434 = arith.constant 0 : i32
        %dma_start3A_435 = tpu.memref_slice %arg2[%select_n3A_428, %dma_start3A_433, %dma_start3A_434] : memref<4096x4x80xi32, #tpu.memory_space<hbm>> -> memref<1x4x80xi32, #tpu.memory_space<hbm>>
        %dma_start3A_436 = tpu.memref_squeeze %dma_start3A_435 : memref<1x4x80xi32, #tpu.memory_space<hbm>> -> memref<4x80xi32, #tpu.memory_space<hbm>>
        tpu.enqueue_dma source(%dma_start3A_436 : memref<4x80xi32, #tpu.memory_space<hbm>>) target(%arg9 : memref<4x80xi32, #tpu.memory_space<vmem>>) target_semaphore(%arg16 : memref<!tpu.dma_semaphore, #tpu.memory_space<semaphore_mem>>)
      } else {
      }
      %mul3A_370 = arith.constant 4 : i32
      %mul3A_371 = arith.muli %while3A_135, %mul3A_370 : i32
      %add3A_372 = arith.constant 3 : i32
      %add3A_373 = arith.addi %mul3A_371, %add3A_372 : i32
      %dma_wait3A_374 = arith.constant 0 : i32
      %dma_wait3A_375 = arith.constant 0 : i32
      %dma_wait3A_376 = tpu.memref_slice %arg11[%dma_wait3A_374, %dma_wait3A_375] : memref<4x80xi32, #tpu.memory_space<vmem>> -> memref<1x80xi32, #tpu.memory_space<vmem>>
      %dma_wait3A_377 = tpu.memref_squeeze %dma_wait3A_376 : memref<1x80xi32, #tpu.memory_space<vmem>> -> memref<80xi32, #tpu.memory_space<vmem>>
      %dma_wait3A_378 = arith.constant 0 : i32
      %dma_wait3A_379 = arith.constant 0 : i32
      %dma_wait3A_380 = tpu.memref_slice %arg13[%dma_wait3A_378, %dma_wait3A_379] : memref<10240x128xf32, #tpu.memory_space<vmem_shared>> -> memref<10240x128xf32, #tpu.memory_space<vmem_shared>>
      tpu.wait_indirect_dma semaphore(%arg20 : memref<!tpu.dma_semaphore, #tpu.memory_space<semaphore_mem>>) src(%arg7 : memref<80x128xf32, #tpu.memory_space<vmem>>) dst(%dma_wait3A_380 : memref<10240x128xf32, #tpu.memory_space<vmem_shared>>)
      %sub3A_381 = arith.constant 1 : i32
      %sub3A_382 = arith.subi %select_n3A, %sub3A_381 : i32
      %lt3A_383 = arith.cmpi slt, %while3A_135, %sub3A_382 : i32
      %convert_element_type3A_384 = arith.extui %lt3A_383 : i1 to i32
      %cond3A_385 = arith.constant 0 : i32
      %cond3A_386 = arith.cmpi ne, %convert_element_type3A_384, %cond3A_385 : i32
      scf.if %cond3A_386 {
        %add3A_411 = arith.constant 1 : i32
        %add3A_412 = arith.addi %add3A_373, %add3A_411 : i32
        %mul3A_413 = arith.constant 128 : i32
        %mul3A_414 = arith.muli %add3A, %mul3A_413 : i32
        %add3A_415 = arith.addi %mul3A_414, %add3A_412 : i32
        %add3A_416 = arith.constant 1 : i32
        %add3A_417 = arith.addi %add3A, %add3A_416 : i32
        %mul3A_418 = arith.constant 128 : i32
        %mul3A_419 = arith.muli %add3A_417, %mul3A_418 : i32
        %sub3A_420 = arith.constant 112 : i32
        %sub3A_421 = arith.subi %add3A_412, %sub3A_420 : i32
        %add3A_422 = arith.addi %mul3A_419, %sub3A_421 : i32
        %eq3A_423 = arith.constant 0 : i32
        %eq3A_424 = arith.cmpi eq, %arg0, %eq3A_423 : i32
        %ge3A_425 = arith.constant 128 : i32
        %ge3A_426 = arith.cmpi sge, %add3A_412, %ge3A_425 : i32
        %and3A_427 = arith.andi %eq3A_424, %ge3A_426 : i1
        %select_n3A_428 = arith.select %and3A_427, %add3A_422, %add3A_415 : i32
        %dma_wait3A_429 = arith.constant 0 : i32
        %dma_wait3A_430 = arith.constant 0 : i32
        %dma_wait3A_431 = tpu.memref_slice %arg2[%select_n3A_428, %dma_wait3A_429, %dma_wait3A_430] : memref<4096x4x80xi32, #tpu.memory_space<hbm>> -> memref<1x4x80xi32, #tpu.memory_space<hbm>>
        %dma_wait3A_432 = tpu.memref_squeeze %dma_wait3A_431 : memref<1x4x80xi32, #tpu.memory_space<hbm>> -> memref<4x80xi32, #tpu.memory_space<hbm>>
        %dma_wait3A_433 = arith.constant 0 : i32
        %dma_wait3A_434 = arith.constant 0 : i32
        %dma_wait3A_435 = tpu.memref_slice %arg2[%select_n3A_428, %dma_wait3A_433, %dma_wait3A_434] : memref<4096x4x80xi32, #tpu.memory_space<hbm>> -> memref<1x4x80xi32, #tpu.memory_space<hbm>>
        %dma_wait3A_436 = tpu.memref_squeeze %dma_wait3A_435 : memref<1x4x80xi32, #tpu.memory_space<hbm>> -> memref<4x80xi32, #tpu.memory_space<hbm>>
        tpu.wait_dma2 semaphore(%arg16 : memref<!tpu.dma_semaphore, #tpu.memory_space<semaphore_mem>>) src(%dma_wait3A_436 : memref<4x80xi32, #tpu.memory_space<hbm>>) dst(%arg9 : memref<4x80xi32, #tpu.memory_space<vmem>>)
        %dma_start3A_437 = arith.constant 1 : i32
        %dma_start3A_438 = arith.constant 0 : i32
        %dma_start3A_439 = tpu.memref_slice %arg9[%dma_start3A_437, %dma_start3A_438] : memref<4x80xi32, #tpu.memory_space<vmem>> -> memref<1x80xi32, #tpu.memory_space<vmem>>
        %dma_start3A_440 = tpu.memref_squeeze %dma_start3A_439 : memref<1x80xi32, #tpu.memory_space<vmem>> -> memref<80xi32, #tpu.memory_space<vmem>>
        %dma_start3A_441 = arith.constant 0 : i32
        %dma_start3A_442 = arith.constant 0 : i32
        %dma_start3A_443 = tpu.memref_slice %arg4[%dma_start3A_441, %dma_start3A_442] : memref<10240x128xf32, #tpu.memory_space<hbm>> -> memref<10240x128xf32, #tpu.memory_space<hbm>>
        tpu.enqueue_indirect_dma source(%dma_start3A_443 : memref<10240x128xf32, #tpu.memory_space<hbm>>) target(%arg7 : memref<80x128xf32, #tpu.memory_space<vmem>>) offsets(%dma_start3A_440 : memref<80xi32, #tpu.memory_space<vmem>>) semaphore(%arg14 : memref<!tpu.dma_semaphore, #tpu.memory_space<semaphore_mem>>)
      } else {
      }
      %dma_wait3A_387 = arith.constant 1 : i32
      %dma_wait3A_388 = arith.constant 0 : i32
      %dma_wait3A_389 = tpu.memref_slice %arg12[%dma_wait3A_387, %dma_wait3A_388] : memref<4x80xi32, #tpu.memory_space<vmem>> -> memref<1x80xi32, #tpu.memory_space<vmem>>
      %dma_wait3A_390 = tpu.memref_squeeze %dma_wait3A_389 : memref<1x80xi32, #tpu.memory_space<vmem>> -> memref<80xi32, #tpu.memory_space<vmem>>
      %dma_wait3A_391 = arith.constant 0 : i32
      %dma_wait3A_392 = arith.constant 0 : i32
      %dma_wait3A_393 = tpu.memref_slice %arg4[%dma_wait3A_391, %dma_wait3A_392] : memref<10240x128xf32, #tpu.memory_space<hbm>> -> memref<10240x128xf32, #tpu.memory_space<hbm>>
      tpu.wait_indirect_dma semaphore(%arg15 : memref<!tpu.dma_semaphore, #tpu.memory_space<semaphore_mem>>) src(%dma_wait3A_393 : memref<10240x128xf32, #tpu.memory_space<hbm>>) dst(%arg8 : memref<80x128xf32, #tpu.memory_space<vmem>>)
      %parallel_loop3A_394 = arith.constant 0 : i32
      %parallel_loop3A_395 = arith.constant 80 : i32
      %parallel_loop3A_396 = arith.constant 1 : i32
      scf.for %parallel_loop3A_411 = %parallel_loop3A_394 to %parallel_loop3A_395 step %parallel_loop3A_396  : i32 {
        %parallel_loop3A_412 = vector.broadcast %parallel_loop3A_411 : i32 to vector<16xi32>
        %parallel_loop3A_413 = tpu.vector_load_idx %arg12[%broadcast_in_dim3A_41, %parallel_loop3A_412] : memref<4x80xi32, #tpu.memory_space<vmem>>[vector<16xi32>, vector<16xi32>], vector<16xi32>,
        %parallel_loop3A_414 = tpu.vector_load_idx %arg12[%broadcast_in_dim3A_43, %parallel_loop3A_412] : memref<4x80xi32, #tpu.memory_space<vmem>>[vector<16xi32>, vector<16xi32>], vector<16xi32>,
        %parallel_loop3A_415 = vector.bitcast %parallel_loop3A_414 : vector<16xi32> to vector<16xf32>
        %parallel_loop3A_416 = arith.constant 128 : i32
        %parallel_loop3A_417 = vector.broadcast %parallel_loop3A_416 : i32 to vector<16xi32>
        %parallel_loop3A_418 = arith.muli %parallel_loop3A_413, %parallel_loop3A_417 : vector<16xi32>
        %parallel_loop3A_419 = arith.addi %parallel_loop3A_418, %add3A_46 : vector<16xi32>
        %parallel_loop3A_420 = tpu.vector_load_idx %arg6[%parallel_loop3A_419] : memref<25728xf32, #tpu.memory_space<vmem>>[vector<16xi32>], vector<16xf32>,
        %parallel_loop3A_421 = arith.index_cast %parallel_loop3A_411 : i32 to index
        %parallel_loop3A_422 = arith.constant 0 : index
        %parallel_loop3A_423 = tpu.vector_load %arg8[%parallel_loop3A_421, %parallel_loop3A_422] {strides = array<i32>} : memref<80x128xf32, #tpu.memory_space<vmem>>, vector<16xf32>,
        %parallel_loop3A_424 = arith.mulf %parallel_loop3A_423, %parallel_loop3A_420 : vector<16xf32>
        %parallel_loop3A_425 = arith.mulf %parallel_loop3A_424, %parallel_loop3A_415 : vector<16xf32>
        %parallel_loop3A_426 = arith.index_cast %parallel_loop3A_411 : i32 to index
        %parallel_loop3A_427 = arith.constant 0 : index
        %parallel_loop3A_428 = tpu.vector_load %arg8[%parallel_loop3A_426, %parallel_loop3A_427] {strides = array<i32>} : memref<80x128xf32, #tpu.memory_space<vmem>>, vector<16xf32>,
        tpu.vector_store %arg8[%parallel_loop3A_426, %parallel_loop3A_427], %parallel_loop3A_425 {strides = array<i32>} : memref<80x128xf32, #tpu.memory_space<vmem>>, vector<16xf32>,
        %parallel_loop3A_429 = arith.addi %parallel_loop3A_418, %add3A_49 : vector<16xi32>
        %parallel_loop3A_430 = tpu.vector_load_idx %arg6[%parallel_loop3A_429] : memref<25728xf32, #tpu.memory_space<vmem>>[vector<16xi32>], vector<16xf32>,
        %parallel_loop3A_431 = arith.index_cast %parallel_loop3A_411 : i32 to index
        %parallel_loop3A_432 = arith.constant 16 : index
        %parallel_loop3A_433 = tpu.vector_load %arg8[%parallel_loop3A_431, %parallel_loop3A_432] {strides = array<i32>} : memref<80x128xf32, #tpu.memory_space<vmem>>, vector<16xf32>,
        %parallel_loop3A_434 = arith.mulf %parallel_loop3A_433, %parallel_loop3A_430 : vector<16xf32>
        %parallel_loop3A_435 = arith.mulf %parallel_loop3A_434, %parallel_loop3A_415 : vector<16xf32>
        %parallel_loop3A_436 = arith.index_cast %parallel_loop3A_411 : i32 to index
        %parallel_loop3A_437 = arith.constant 16 : index
        %parallel_loop3A_438 = tpu.vector_load %arg8[%parallel_loop3A_436, %parallel_loop3A_437] {strides = array<i32>} : memref<80x128xf32, #tpu.memory_space<vmem>>, vector<16xf32>,
        tpu.vector_store %arg8[%parallel_loop3A_436, %parallel_loop3A_437], %parallel_loop3A_435 {strides = array<i32>} : memref<80x128xf32, #tpu.memory_space<vmem>>, vector<16xf32>,
        %parallel_loop3A_439 = arith.addi %parallel_loop3A_418, %add3A_52 : vector<16xi32>
        %parallel_loop3A_440 = tpu.vector_load_idx %arg6[%parallel_loop3A_439] : memref<25728xf32, #tpu.memory_space<vmem>>[vector<16xi32>], vector<16xf32>,
        %parallel_loop3A_441 = arith.index_cast %parallel_loop3A_411 : i32 to index
        %parallel_loop3A_442 = arith.constant 32 : index
        %parallel_loop3A_443 = tpu.vector_load %arg8[%parallel_loop3A_441, %parallel_loop3A_442] {strides = array<i32>} : memref<80x128xf32, #tpu.memory_space<vmem>>, vector<16xf32>,
        %parallel_loop3A_444 = arith.mulf %parallel_loop3A_443, %parallel_loop3A_440 : vector<16xf32>
        %parallel_loop3A_445 = arith.mulf %parallel_loop3A_444, %parallel_loop3A_415 : vector<16xf32>
        %parallel_loop3A_446 = arith.index_cast %parallel_loop3A_411 : i32 to index
        %parallel_loop3A_447 = arith.constant 32 : index
        %parallel_loop3A_448 = tpu.vector_load %arg8[%parallel_loop3A_446, %parallel_loop3A_447] {strides = array<i32>} : memref<80x128xf32, #tpu.memory_space<vmem>>, vector<16xf32>,
        tpu.vector_store %arg8[%parallel_loop3A_446, %parallel_loop3A_447], %parallel_loop3A_445 {strides = array<i32>} : memref<80x128xf32, #tpu.memory_space<vmem>>, vector<16xf32>,
        %parallel_loop3A_449 = arith.addi %parallel_loop3A_418, %add3A_55 : vector<16xi32>
        %parallel_loop3A_450 = tpu.vector_load_idx %arg6[%parallel_loop3A_449] : memref<25728xf32, #tpu.memory_space<vmem>>[vector<16xi32>], vector<16xf32>,
        %parallel_loop3A_451 = arith.index_cast %parallel_loop3A_411 : i32 to index
        %parallel_loop3A_452 = arith.constant 48 : index
        %parallel_loop3A_453 = tpu.vector_load %arg8[%parallel_loop3A_451, %parallel_loop3A_452] {strides = array<i32>} : memref<80x128xf32, #tpu.memory_space<vmem>>, vector<16xf32>,
        %parallel_loop3A_454 = arith.mulf %parallel_loop3A_453, %parallel_loop3A_450 : vector<16xf32>
        %parallel_loop3A_455 = arith.mulf %parallel_loop3A_454, %parallel_loop3A_415 : vector<16xf32>
        %parallel_loop3A_456 = arith.index_cast %parallel_loop3A_411 : i32 to index
        %parallel_loop3A_457 = arith.constant 48 : index
        %parallel_loop3A_458 = tpu.vector_load %arg8[%parallel_loop3A_456, %parallel_loop3A_457] {strides = array<i32>} : memref<80x128xf32, #tpu.memory_space<vmem>>, vector<16xf32>,
        tpu.vector_store %arg8[%parallel_loop3A_456, %parallel_loop3A_457], %parallel_loop3A_455 {strides = array<i32>} : memref<80x128xf32, #tpu.memory_space<vmem>>, vector<16xf32>,
        %parallel_loop3A_459 = arith.addi %parallel_loop3A_418, %add3A_58 : vector<16xi32>
        %parallel_loop3A_460 = tpu.vector_load_idx %arg6[%parallel_loop3A_459] : memref<25728xf32, #tpu.memory_space<vmem>>[vector<16xi32>], vector<16xf32>,
        %parallel_loop3A_461 = arith.index_cast %parallel_loop3A_411 : i32 to index
        %parallel_loop3A_462 = arith.constant 64 : index
        %parallel_loop3A_463 = tpu.vector_load %arg8[%parallel_loop3A_461, %parallel_loop3A_462] {strides = array<i32>} : memref<80x128xf32, #tpu.memory_space<vmem>>, vector<16xf32>,
        %parallel_loop3A_464 = arith.mulf %parallel_loop3A_463, %parallel_loop3A_460 : vector<16xf32>
        %parallel_loop3A_465 = arith.mulf %parallel_loop3A_464, %parallel_loop3A_415 : vector<16xf32>
        %parallel_loop3A_466 = arith.index_cast %parallel_loop3A_411 : i32 to index
        %parallel_loop3A_467 = arith.constant 64 : index
        %parallel_loop3A_468 = tpu.vector_load %arg8[%parallel_loop3A_466, %parallel_loop3A_467] {strides = array<i32>} : memref<80x128xf32, #tpu.memory_space<vmem>>, vector<16xf32>,
        tpu.vector_store %arg8[%parallel_loop3A_466, %parallel_loop3A_467], %parallel_loop3A_465 {strides = array<i32>} : memref<80x128xf32, #tpu.memory_space<vmem>>, vector<16xf32>,
        %parallel_loop3A_469 = arith.addi %parallel_loop3A_418, %add3A_61 : vector<16xi32>
        %parallel_loop3A_470 = tpu.vector_load_idx %arg6[%parallel_loop3A_469] : memref<25728xf32, #tpu.memory_space<vmem>>[vector<16xi32>], vector<16xf32>,
        %parallel_loop3A_471 = arith.index_cast %parallel_loop3A_411 : i32 to index
        %parallel_loop3A_472 = arith.constant 80 : index
        %parallel_loop3A_473 = tpu.vector_load %arg8[%parallel_loop3A_471, %parallel_loop3A_472] {strides = array<i32>} : memref<80x128xf32, #tpu.memory_space<vmem>>, vector<16xf32>,
        %parallel_loop3A_474 = arith.mulf %parallel_loop3A_473, %parallel_loop3A_470 : vector<16xf32>
        %parallel_loop3A_475 = arith.mulf %parallel_loop3A_474, %parallel_loop3A_415 : vector<16xf32>
        %parallel_loop3A_476 = arith.index_cast %parallel_loop3A_411 : i32 to index
        %parallel_loop3A_477 = arith.constant 80 : index
        %parallel_loop3A_478 = tpu.vector_load %arg8[%parallel_loop3A_476, %parallel_loop3A_477] {strides = array<i32>} : memref<80x128xf32, #tpu.memory_space<vmem>>, vector<16xf32>,
        tpu.vector_store %arg8[%parallel_loop3A_476, %parallel_loop3A_477], %parallel_loop3A_475 {strides = array<i32>} : memref<80x128xf32, #tpu.memory_space<vmem>>, vector<16xf32>,
        %parallel_loop3A_479 = arith.addi %parallel_loop3A_418, %add3A_64 : vector<16xi32>
        %parallel_loop3A_480 = tpu.vector_load_idx %arg6[%parallel_loop3A_479] : memref<25728xf32, #tpu.memory_space<vmem>>[vector<16xi32>], vector<16xf32>,
        %parallel_loop3A_481 = arith.index_cast %parallel_loop3A_411 : i32 to index
        %parallel_loop3A_482 = arith.constant 96 : index
        %parallel_loop3A_483 = tpu.vector_load %arg8[%parallel_loop3A_481, %parallel_loop3A_482] {strides = array<i32>} : memref<80x128xf32, #tpu.memory_space<vmem>>, vector<16xf32>,
        %parallel_loop3A_484 = arith.mulf %parallel_loop3A_483, %parallel_loop3A_480 : vector<16xf32>
        %parallel_loop3A_485 = arith.mulf %parallel_loop3A_484, %parallel_loop3A_415 : vector<16xf32>
        %parallel_loop3A_486 = arith.index_cast %parallel_loop3A_411 : i32 to index
        %parallel_loop3A_487 = arith.constant 96 : index
        %parallel_loop3A_488 = tpu.vector_load %arg8[%parallel_loop3A_486, %parallel_loop3A_487] {strides = array<i32>} : memref<80x128xf32, #tpu.memory_space<vmem>>, vector<16xf32>,
        tpu.vector_store %arg8[%parallel_loop3A_486, %parallel_loop3A_487], %parallel_loop3A_485 {strides = array<i32>} : memref<80x128xf32, #tpu.memory_space<vmem>>, vector<16xf32>,
        %parallel_loop3A_489 = arith.addi %parallel_loop3A_418, %add3A_67 : vector<16xi32>
        %parallel_loop3A_490 = tpu.vector_load_idx %arg6[%parallel_loop3A_489] : memref<25728xf32, #tpu.memory_space<vmem>>[vector<16xi32>], vector<16xf32>,
        %parallel_loop3A_491 = arith.index_cast %parallel_loop3A_411 : i32 to index
        %parallel_loop3A_492 = arith.constant 112 : index
        %parallel_loop3A_493 = tpu.vector_load %arg8[%parallel_loop3A_491, %parallel_loop3A_492] {strides = array<i32>} : memref<80x128xf32, #tpu.memory_space<vmem>>, vector<16xf32>,
        %parallel_loop3A_494 = arith.mulf %parallel_loop3A_493, %parallel_loop3A_490 : vector<16xf32>
        %parallel_loop3A_495 = arith.mulf %parallel_loop3A_494, %parallel_loop3A_415 : vector<16xf32>
        %parallel_loop3A_496 = arith.index_cast %parallel_loop3A_411 : i32 to index
        %parallel_loop3A_497 = arith.constant 112 : index
        %parallel_loop3A_498 = tpu.vector_load %arg8[%parallel_loop3A_496, %parallel_loop3A_497] {strides = array<i32>} : memref<80x128xf32, #tpu.memory_space<vmem>>, vector<16xf32>,
        tpu.vector_store %arg8[%parallel_loop3A_496, %parallel_loop3A_497], %parallel_loop3A_495 {strides = array<i32>} : memref<80x128xf32, #tpu.memory_space<vmem>>, vector<16xf32>,
      } {sc.loop_unroll_factor = 4 : i64, sc.parallel_access}
      %dma_start3A_397 = arith.constant 0 : i32
      %dma_start3A_398 = arith.constant 0 : i32
      %dma_start3A_399 = tpu.memref_slice %arg12[%dma_start3A_397, %dma_start3A_398] : memref<4x80xi32, #tpu.memory_space<vmem>> -> memref<1x80xi32, #tpu.memory_space<vmem>>
      %dma_start3A_400 = tpu.memref_squeeze %dma_start3A_399 : memref<1x80xi32, #tpu.memory_space<vmem>> -> memref<80xi32, #tpu.memory_space<vmem>>
      %dma_start3A_401 = arith.constant 0 : i32
      %dma_start3A_402 = arith.constant 0 : i32
      %dma_start3A_403 = tpu.memref_slice %arg13[%dma_start3A_401, %dma_start3A_402] : memref<10240x128xf32, #tpu.memory_space<vmem_shared>> -> memref<10240x128xf32, #tpu.memory_space<vmem_shared>>
      tpu.enqueue_indirect_dma source(%arg8 : memref<80x128xf32, #tpu.memory_space<vmem>>) target(%dma_start3A_403 : memref<10240x128xf32, #tpu.memory_space<vmem_shared>>) offsets(%dma_start3A_400 : memref<80xi32, #tpu.memory_space<vmem>>) semaphore(%arg21 : memref<!tpu.dma_semaphore, #tpu.memory_space<semaphore_mem>>) {add = true}
      %sub3A_404 = arith.constant 1 : i32
      %sub3A_405 = arith.subi %select_n3A, %sub3A_404 : i32
      %lt3A_406 = arith.cmpi slt, %while3A_135, %sub3A_405 : i32
      %convert_element_type3A_407 = arith.extui %lt3A_406 : i1 to i32
      %cond3A_408 = arith.constant 0 : i32
      %cond3A_409 = arith.cmpi ne, %convert_element_type3A_407, %cond3A_408 : i32
      scf.if %cond3A_409 {
        %add3A_411 = arith.constant 2 : i32
        %add3A_412 = arith.addi %add3A_373, %add3A_411 : i32
        %mul3A_413 = arith.constant 128 : i32
        %mul3A_414 = arith.muli %add3A, %mul3A_413 : i32
        %add3A_415 = arith.addi %mul3A_414, %add3A_412 : i32
        %add3A_416 = arith.constant 1 : i32
        %add3A_417 = arith.addi %add3A, %add3A_416 : i32
        %mul3A_418 = arith.constant 128 : i32
        %mul3A_419 = arith.muli %add3A_417, %mul3A_418 : i32
        %sub3A_420 = arith.constant 112 : i32
        %sub3A_421 = arith.subi %add3A_412, %sub3A_420 : i32
        %add3A_422 = arith.addi %mul3A_419, %sub3A_421 : i32
        %eq3A_423 = arith.constant 0 : i32
        %eq3A_424 = arith.cmpi eq, %arg0, %eq3A_423 : i32
        %ge3A_425 = arith.constant 128 : i32
        %ge3A_426 = arith.cmpi sge, %add3A_412, %ge3A_425 : i32
        %and3A_427 = arith.andi %eq3A_424, %ge3A_426 : i1
        %select_n3A_428 = arith.select %and3A_427, %add3A_422, %add3A_415 : i32
        %dma_start3A_429 = arith.constant 0 : i32
        %dma_start3A_430 = arith.constant 0 : i32
        %dma_start3A_431 = tpu.memref_slice %arg2[%select_n3A_428, %dma_start3A_429, %dma_start3A_430] : memref<4096x4x80xi32, #tpu.memory_space<hbm>> -> memref<1x4x80xi32, #tpu.memory_space<hbm>>
        %dma_start3A_432 = tpu.memref_squeeze %dma_start3A_431 : memref<1x4x80xi32, #tpu.memory_space<hbm>> -> memref<4x80xi32, #tpu.memory_space<hbm>>
        %dma_start3A_433 = arith.constant 0 : i32
        %dma_start3A_434 = arith.constant 0 : i32
        %dma_start3A_435 = tpu.memref_slice %arg2[%select_n3A_428, %dma_start3A_433, %dma_start3A_434] : memref<4096x4x80xi32, #tpu.memory_space<hbm>> -> memref<1x4x80xi32, #tpu.memory_space<hbm>>
        %dma_start3A_436 = tpu.memref_squeeze %dma_start3A_435 : memref<1x4x80xi32, #tpu.memory_space<hbm>> -> memref<4x80xi32, #tpu.memory_space<hbm>>
        tpu.enqueue_dma source(%dma_start3A_436 : memref<4x80xi32, #tpu.memory_space<hbm>>) target(%arg10 : memref<4x80xi32, #tpu.memory_space<vmem>>) target_semaphore(%arg17 : memref<!tpu.dma_semaphore, #tpu.memory_space<semaphore_mem>>)
      } else {
      }
      %while3A_410 = arith.constant 0 : i32
      scf.yield %while3A_410 : i32
    }
    %while3A_122 = arith.constant 1 : i32
    %while3A_123 = scf.for %while3A_135 = %while3A_119 to %while3A_115 step %while3A_122 iter_args(%while3A_136 = %while3A_121) -> (i32)  : i32 {
      %mul3A_137 = arith.constant 4 : i32
      %mul3A_138 = arith.muli %while3A_135, %mul3A_137 : i32
      %add3A_139 = arith.constant 0 : i32
      %add3A_140 = arith.addi %mul3A_138, %add3A_139 : i32
      %ge3A = arith.constant 1 : i32
      %ge3A_141 = arith.cmpi sge, %while3A_135, %ge3A : i32
      %convert_element_type3A = arith.extui %ge3A_141 : i1 to i32
      %cond3A = arith.constant 0 : i32
      %cond3A_142 = arith.cmpi ne, %convert_element_type3A, %cond3A : i32
      scf.if %cond3A_142 {
        %dma_wait3A_411 = arith.constant 0 : i32
        %dma_wait3A_412 = arith.constant 0 : i32
        %dma_wait3A_413 = tpu.memref_slice %arg12[%dma_wait3A_411, %dma_wait3A_412] : memref<4x80xi32, #tpu.memory_space<vmem>> -> memref<1x80xi32, #tpu.memory_space<vmem>>
        %dma_wait3A_414 = tpu.memref_squeeze %dma_wait3A_413 : memref<1x80xi32, #tpu.memory_space<vmem>> -> memref<80xi32, #tpu.memory_space<vmem>>
        %dma_wait3A_415 = arith.constant 0 : i32
        %dma_wait3A_416 = arith.constant 0 : i32
        %dma_wait3A_417 = tpu.memref_slice %arg13[%dma_wait3A_415, %dma_wait3A_416] : memref<10240x128xf32, #tpu.memory_space<vmem_shared>> -> memref<10240x128xf32, #tpu.memory_space<vmem_shared>>
        tpu.wait_indirect_dma semaphore(%arg21 : memref<!tpu.dma_semaphore, #tpu.memory_space<semaphore_mem>>) src(%arg8 : memref<80x128xf32, #tpu.memory_space<vmem>>) dst(%dma_wait3A_417 : memref<10240x128xf32, #tpu.memory_space<vmem_shared>>)
      } else {
      }
      %add3A_143 = arith.constant 1 : i32
      %add3A_144 = arith.addi %add3A_140, %add3A_143 : i32
      %mul3A_145 = arith.constant 128 : i32
      %mul3A_146 = arith.muli %add3A, %mul3A_145 : i32
      %add3A_147 = arith.addi %mul3A_146, %add3A_144 : i32
      %add3A_148 = arith.constant 1 : i32
      %add3A_149 = arith.addi %add3A, %add3A_148 : i32
      %mul3A_150 = arith.constant 128 : i32
      %mul3A_151 = arith.muli %add3A_149, %mul3A_150 : i32
      %sub3A = arith.constant 112 : i32
      %sub3A_152 = arith.subi %add3A_144, %sub3A : i32
      %add3A_153 = arith.addi %mul3A_151, %sub3A_152 : i32
      %eq3A_154 = arith.constant 0 : i32
      %eq3A_155 = arith.cmpi eq, %arg0, %eq3A_154 : i32
      %ge3A_156 = arith.constant 128 : i32
      %ge3A_157 = arith.cmpi sge, %add3A_144, %ge3A_156 : i32
      %and3A_158 = arith.andi %eq3A_155, %ge3A_157 : i1
      %select_n3A_159 = arith.select %and3A_158, %add3A_153, %add3A_147 : i32
      %dma_wait3A_160 = arith.constant 0 : i32
      %dma_wait3A_161 = arith.constant 0 : i32
      %dma_wait3A_162 = tpu.memref_slice %arg2[%select_n3A_159, %dma_wait3A_160, %dma_wait3A_161] : memref<4096x4x80xi32, #tpu.memory_space<hbm>> -> memref<1x4x80xi32, #tpu.memory_space<hbm>>
      %dma_wait3A_163 = tpu.memref_squeeze %dma_wait3A_162 : memref<1x4x80xi32, #tpu.memory_space<hbm>> -> memref<4x80xi32, #tpu.memory_space<hbm>>
      %dma_wait3A_164 = arith.constant 0 : i32
      %dma_wait3A_165 = arith.constant 0 : i32
      %dma_wait3A_166 = tpu.memref_slice %arg2[%select_n3A_159, %dma_wait3A_164, %dma_wait3A_165] : memref<4096x4x80xi32, #tpu.memory_space<hbm>> -> memref<1x4x80xi32, #tpu.memory_space<hbm>>
      %dma_wait3A_167 = tpu.memref_squeeze %dma_wait3A_166 : memref<1x4x80xi32, #tpu.memory_space<hbm>> -> memref<4x80xi32, #tpu.memory_space<hbm>>
      tpu.wait_dma2 semaphore(%arg17 : memref<!tpu.dma_semaphore, #tpu.memory_space<semaphore_mem>>) src(%dma_wait3A_167 : memref<4x80xi32, #tpu.memory_space<hbm>>) dst(%arg10 : memref<4x80xi32, #tpu.memory_space<vmem>>)
      %dma_start3A_168 = arith.constant 1 : i32
      %dma_start3A_169 = arith.constant 0 : i32
      %dma_start3A_170 = tpu.memref_slice %arg10[%dma_start3A_168, %dma_start3A_169] : memref<4x80xi32, #tpu.memory_space<vmem>> -> memref<1x80xi32, #tpu.memory_space<vmem>>
      %dma_start3A_171 = tpu.memref_squeeze %dma_start3A_170 : memref<1x80xi32, #tpu.memory_space<vmem>> -> memref<80xi32, #tpu.memory_space<vmem>>
      %dma_start3A_172 = arith.constant 0 : i32
      %dma_start3A_173 = arith.constant 0 : i32
      %dma_start3A_174 = tpu.memref_slice %arg4[%dma_start3A_172, %dma_start3A_173] : memref<10240x128xf32, #tpu.memory_space<hbm>> -> memref<10240x128xf32, #tpu.memory_space<hbm>>
      tpu.enqueue_indirect_dma source(%dma_start3A_174 : memref<10240x128xf32, #tpu.memory_space<hbm>>) target(%arg8 : memref<80x128xf32, #tpu.memory_space<vmem>>) offsets(%dma_start3A_171 : memref<80xi32, #tpu.memory_space<vmem>>) semaphore(%arg15 : memref<!tpu.dma_semaphore, #tpu.memory_space<semaphore_mem>>)
      %dma_wait3A_175 = arith.constant 1 : i32
      %dma_wait3A_176 = arith.constant 0 : i32
      %dma_wait3A_177 = tpu.memref_slice %arg9[%dma_wait3A_175, %dma_wait3A_176] : memref<4x80xi32, #tpu.memory_space<vmem>> -> memref<1x80xi32, #tpu.memory_space<vmem>>
      %dma_wait3A_178 = tpu.memref_squeeze %dma_wait3A_177 : memref<1x80xi32, #tpu.memory_space<vmem>> -> memref<80xi32, #tpu.memory_space<vmem>>
      %dma_wait3A_179 = arith.constant 0 : i32
      %dma_wait3A_180 = arith.constant 0 : i32
      %dma_wait3A_181 = tpu.memref_slice %arg4[%dma_wait3A_179, %dma_wait3A_180] : memref<10240x128xf32, #tpu.memory_space<hbm>> -> memref<10240x128xf32, #tpu.memory_space<hbm>>
      tpu.wait_indirect_dma semaphore(%arg14 : memref<!tpu.dma_semaphore, #tpu.memory_space<semaphore_mem>>) src(%dma_wait3A_181 : memref<10240x128xf32, #tpu.memory_space<hbm>>) dst(%arg7 : memref<80x128xf32, #tpu.memory_space<vmem>>)
      %parallel_loop3A = arith.constant 0 : i32
      %parallel_loop3A_182 = arith.constant 80 : i32
      %parallel_loop3A_183 = arith.constant 1 : i32
      scf.for %parallel_loop3A_411 = %parallel_loop3A to %parallel_loop3A_182 step %parallel_loop3A_183  : i32 {
        %parallel_loop3A_412 = vector.broadcast %parallel_loop3A_411 : i32 to vector<16xi32>
        %parallel_loop3A_413 = tpu.vector_load_idx %arg9[%broadcast_in_dim3A_41, %parallel_loop3A_412] : memref<4x80xi32, #tpu.memory_space<vmem>>[vector<16xi32>, vector<16xi32>], vector<16xi32>,
        %parallel_loop3A_414 = tpu.vector_load_idx %arg9[%broadcast_in_dim3A_43, %parallel_loop3A_412] : memref<4x80xi32, #tpu.memory_space<vmem>>[vector<16xi32>, vector<16xi32>], vector<16xi32>,
        %parallel_loop3A_415 = vector.bitcast %parallel_loop3A_414 : vector<16xi32> to vector<16xf32>
        %parallel_loop3A_416 = arith.constant 128 : i32
        %parallel_loop3A_417 = vector.broadcast %parallel_loop3A_416 : i32 to vector<16xi32>
        %parallel_loop3A_418 = arith.muli %parallel_loop3A_413, %parallel_loop3A_417 : vector<16xi32>
        %parallel_loop3A_419 = arith.addi %parallel_loop3A_418, %add3A_46 : vector<16xi32>
        %parallel_loop3A_420 = tpu.vector_load_idx %arg6[%parallel_loop3A_419] : memref<25728xf32, #tpu.memory_space<vmem>>[vector<16xi32>], vector<16xf32>,
        %parallel_loop3A_421 = arith.index_cast %parallel_loop3A_411 : i32 to index
        %parallel_loop3A_422 = arith.constant 0 : index
        %parallel_loop3A_423 = tpu.vector_load %arg7[%parallel_loop3A_421, %parallel_loop3A_422] {strides = array<i32>} : memref<80x128xf32, #tpu.memory_space<vmem>>, vector<16xf32>,
        %parallel_loop3A_424 = arith.mulf %parallel_loop3A_423, %parallel_loop3A_420 : vector<16xf32>
        %parallel_loop3A_425 = arith.mulf %parallel_loop3A_424, %parallel_loop3A_415 : vector<16xf32>
        %parallel_loop3A_426 = arith.index_cast %parallel_loop3A_411 : i32 to index
        %parallel_loop3A_427 = arith.constant 0 : index
        %parallel_loop3A_428 = tpu.vector_load %arg7[%parallel_loop3A_426, %parallel_loop3A_427] {strides = array<i32>} : memref<80x128xf32, #tpu.memory_space<vmem>>, vector<16xf32>,
        tpu.vector_store %arg7[%parallel_loop3A_426, %parallel_loop3A_427], %parallel_loop3A_425 {strides = array<i32>} : memref<80x128xf32, #tpu.memory_space<vmem>>, vector<16xf32>,
        %parallel_loop3A_429 = arith.addi %parallel_loop3A_418, %add3A_49 : vector<16xi32>
        %parallel_loop3A_430 = tpu.vector_load_idx %arg6[%parallel_loop3A_429] : memref<25728xf32, #tpu.memory_space<vmem>>[vector<16xi32>], vector<16xf32>,
        %parallel_loop3A_431 = arith.index_cast %parallel_loop3A_411 : i32 to index
        %parallel_loop3A_432 = arith.constant 16 : index
        %parallel_loop3A_433 = tpu.vector_load %arg7[%parallel_loop3A_431, %parallel_loop3A_432] {strides = array<i32>} : memref<80x128xf32, #tpu.memory_space<vmem>>, vector<16xf32>,
        %parallel_loop3A_434 = arith.mulf %parallel_loop3A_433, %parallel_loop3A_430 : vector<16xf32>
        %parallel_loop3A_435 = arith.mulf %parallel_loop3A_434, %parallel_loop3A_415 : vector<16xf32>
        %parallel_loop3A_436 = arith.index_cast %parallel_loop3A_411 : i32 to index
        %parallel_loop3A_437 = arith.constant 16 : index
        %parallel_loop3A_438 = tpu.vector_load %arg7[%parallel_loop3A_436, %parallel_loop3A_437] {strides = array<i32>} : memref<80x128xf32, #tpu.memory_space<vmem>>, vector<16xf32>,
        tpu.vector_store %arg7[%parallel_loop3A_436, %parallel_loop3A_437], %parallel_loop3A_435 {strides = array<i32>} : memref<80x128xf32, #tpu.memory_space<vmem>>, vector<16xf32>,
        %parallel_loop3A_439 = arith.addi %parallel_loop3A_418, %add3A_52 : vector<16xi32>
        %parallel_loop3A_440 = tpu.vector_load_idx %arg6[%parallel_loop3A_439] : memref<25728xf32, #tpu.memory_space<vmem>>[vector<16xi32>], vector<16xf32>,
        %parallel_loop3A_441 = arith.index_cast %parallel_loop3A_411 : i32 to index
        %parallel_loop3A_442 = arith.constant 32 : index
        %parallel_loop3A_443 = tpu.vector_load %arg7[%parallel_loop3A_441, %parallel_loop3A_442] {strides = array<i32>} : memref<80x128xf32, #tpu.memory_space<vmem>>, vector<16xf32>,
        %parallel_loop3A_444 = arith.mulf %parallel_loop3A_443, %parallel_loop3A_440 : vector<16xf32>
        %parallel_loop3A_445 = arith.mulf %parallel_loop3A_444, %parallel_loop3A_415 : vector<16xf32>
        %parallel_loop3A_446 = arith.index_cast %parallel_loop3A_411 : i32 to index
        %parallel_loop3A_447 = arith.constant 32 : index
        %parallel_loop3A_448 = tpu.vector_load %arg7[%parallel_loop3A_446, %parallel_loop3A_447] {strides = array<i32>} : memref<80x128xf32, #tpu.memory_space<vmem>>, vector<16xf32>,
        tpu.vector_store %arg7[%parallel_loop3A_446, %parallel_loop3A_447], %parallel_loop3A_445 {strides = array<i32>} : memref<80x128xf32, #tpu.memory_space<vmem>>, vector<16xf32>,
        %parallel_loop3A_449 = arith.addi %parallel_loop3A_418, %add3A_55 : vector<16xi32>
        %parallel_loop3A_450 = tpu.vector_load_idx %arg6[%parallel_loop3A_449] : memref<25728xf32, #tpu.memory_space<vmem>>[vector<16xi32>], vector<16xf32>,
        %parallel_loop3A_451 = arith.index_cast %parallel_loop3A_411 : i32 to index
        %parallel_loop3A_452 = arith.constant 48 : index
        %parallel_loop3A_453 = tpu.vector_load %arg7[%parallel_loop3A_451, %parallel_loop3A_452] {strides = array<i32>} : memref<80x128xf32, #tpu.memory_space<vmem>>, vector<16xf32>,
        %parallel_loop3A_454 = arith.mulf %parallel_loop3A_453, %parallel_loop3A_450 : vector<16xf32>
        %parallel_loop3A_455 = arith.mulf %parallel_loop3A_454, %parallel_loop3A_415 : vector<16xf32>
        %parallel_loop3A_456 = arith.index_cast %parallel_loop3A_411 : i32 to index
        %parallel_loop3A_457 = arith.constant 48 : index
        %parallel_loop3A_458 = tpu.vector_load %arg7[%parallel_loop3A_456, %parallel_loop3A_457] {strides = array<i32>} : memref<80x128xf32, #tpu.memory_space<vmem>>, vector<16xf32>,
        tpu.vector_store %arg7[%parallel_loop3A_456, %parallel_loop3A_457], %parallel_loop3A_455 {strides = array<i32>} : memref<80x128xf32, #tpu.memory_space<vmem>>, vector<16xf32>,
        %parallel_loop3A_459 = arith.addi %parallel_loop3A_418, %add3A_58 : vector<16xi32>
        %parallel_loop3A_460 = tpu.vector_load_idx %arg6[%parallel_loop3A_459] : memref<25728xf32, #tpu.memory_space<vmem>>[vector<16xi32>], vector<16xf32>,
        %parallel_loop3A_461 = arith.index_cast %parallel_loop3A_411 : i32 to index
        %parallel_loop3A_462 = arith.constant 64 : index
        %parallel_loop3A_463 = tpu.vector_load %arg7[%parallel_loop3A_461, %parallel_loop3A_462] {strides = array<i32>} : memref<80x128xf32, #tpu.memory_space<vmem>>, vector<16xf32>,
        %parallel_loop3A_464 = arith.mulf %parallel_loop3A_463, %parallel_loop3A_460 : vector<16xf32>
        %parallel_loop3A_465 = arith.mulf %parallel_loop3A_464, %parallel_loop3A_415 : vector<16xf32>
        %parallel_loop3A_466 = arith.index_cast %parallel_loop3A_411 : i32 to index
        %parallel_loop3A_467 = arith.constant 64 : index
        %parallel_loop3A_468 = tpu.vector_load %arg7[%parallel_loop3A_466, %parallel_loop3A_467] {strides = array<i32>} : memref<80x128xf32, #tpu.memory_space<vmem>>, vector<16xf32>,
        tpu.vector_store %arg7[%parallel_loop3A_466, %parallel_loop3A_467], %parallel_loop3A_465 {strides = array<i32>} : memref<80x128xf32, #tpu.memory_space<vmem>>, vector<16xf32>,
        %parallel_loop3A_469 = arith.addi %parallel_loop3A_418, %add3A_61 : vector<16xi32>
        %parallel_loop3A_470 = tpu.vector_load_idx %arg6[%parallel_loop3A_469] : memref<25728xf32, #tpu.memory_space<vmem>>[vector<16xi32>], vector<16xf32>,
        %parallel_loop3A_471 = arith.index_cast %parallel_loop3A_411 : i32 to index
        %parallel_loop3A_472 = arith.constant 80 : index
        %parallel_loop3A_473 = tpu.vector_load %arg7[%parallel_loop3A_471, %parallel_loop3A_472] {strides = array<i32>} : memref<80x128xf32, #tpu.memory_space<vmem>>, vector<16xf32>,
        %parallel_loop3A_474 = arith.mulf %parallel_loop3A_473, %parallel_loop3A_470 : vector<16xf32>
        %parallel_loop3A_475 = arith.mulf %parallel_loop3A_474, %parallel_loop3A_415 : vector<16xf32>
        %parallel_loop3A_476 = arith.index_cast %parallel_loop3A_411 : i32 to index
        %parallel_loop3A_477 = arith.constant 80 : index
        %parallel_loop3A_478 = tpu.vector_load %arg7[%parallel_loop3A_476, %parallel_loop3A_477] {strides = array<i32>} : memref<80x128xf32, #tpu.memory_space<vmem>>, vector<16xf32>,
        tpu.vector_store %arg7[%parallel_loop3A_476, %parallel_loop3A_477], %parallel_loop3A_475 {strides = array<i32>} : memref<80x128xf32, #tpu.memory_space<vmem>>, vector<16xf32>,
        %parallel_loop3A_479 = arith.addi %parallel_loop3A_418, %add3A_64 : vector<16xi32>
        %parallel_loop3A_480 = tpu.vector_load_idx %arg6[%parallel_loop3A_479] : memref<25728xf32, #tpu.memory_space<vmem>>[vector<16xi32>], vector<16xf32>,
        %parallel_loop3A_481 = arith.index_cast %parallel_loop3A_411 : i32 to index
        %parallel_loop3A_482 = arith.constant 96 : index
        %parallel_loop3A_483 = tpu.vector_load %arg7[%parallel_loop3A_481, %parallel_loop3A_482] {strides = array<i32>} : memref<80x128xf32, #tpu.memory_space<vmem>>, vector<16xf32>,
        %parallel_loop3A_484 = arith.mulf %parallel_loop3A_483, %parallel_loop3A_480 : vector<16xf32>
        %parallel_loop3A_485 = arith.mulf %parallel_loop3A_484, %parallel_loop3A_415 : vector<16xf32>
        %parallel_loop3A_486 = arith.index_cast %parallel_loop3A_411 : i32 to index
        %parallel_loop3A_487 = arith.constant 96 : index
        %parallel_loop3A_488 = tpu.vector_load %arg7[%parallel_loop3A_486, %parallel_loop3A_487] {strides = array<i32>} : memref<80x128xf32, #tpu.memory_space<vmem>>, vector<16xf32>,
        tpu.vector_store %arg7[%parallel_loop3A_486, %parallel_loop3A_487], %parallel_loop3A_485 {strides = array<i32>} : memref<80x128xf32, #tpu.memory_space<vmem>>, vector<16xf32>,
        %parallel_loop3A_489 = arith.addi %parallel_loop3A_418, %add3A_67 : vector<16xi32>
        %parallel_loop3A_490 = tpu.vector_load_idx %arg6[%parallel_loop3A_489] : memref<25728xf32, #tpu.memory_space<vmem>>[vector<16xi32>], vector<16xf32>,
        %parallel_loop3A_491 = arith.index_cast %parallel_loop3A_411 : i32 to index
        %parallel_loop3A_492 = arith.constant 112 : index
        %parallel_loop3A_493 = tpu.vector_load %arg7[%parallel_loop3A_491, %parallel_loop3A_492] {strides = array<i32>} : memref<80x128xf32, #tpu.memory_space<vmem>>, vector<16xf32>,
        %parallel_loop3A_494 = arith.mulf %parallel_loop3A_493, %parallel_loop3A_490 : vector<16xf32>
        %parallel_loop3A_495 = arith.mulf %parallel_loop3A_494, %parallel_loop3A_415 : vector<16xf32>
        %parallel_loop3A_496 = arith.index_cast %parallel_loop3A_411 : i32 to index
        %parallel_loop3A_497 = arith.constant 112 : index
        %parallel_loop3A_498 = tpu.vector_load %arg7[%parallel_loop3A_496, %parallel_loop3A_497] {strides = array<i32>} : memref<80x128xf32, #tpu.memory_space<vmem>>, vector<16xf32>,
        tpu.vector_store %arg7[%parallel_loop3A_496, %parallel_loop3A_497], %parallel_loop3A_495 {strides = array<i32>} : memref<80x128xf32, #tpu.memory_space<vmem>>, vector<16xf32>,
      } {sc.loop_unroll_factor = 4 : i64, sc.parallel_access}
      %dma_start3A_184 = arith.constant 0 : i32
      %dma_start3A_185 = arith.constant 0 : i32
      %dma_start3A_186 = tpu.memref_slice %arg9[%dma_start3A_184, %dma_start3A_185] : memref<4x80xi32, #tpu.memory_space<vmem>> -> memref<1x80xi32, #tpu.memory_space<vmem>>
      %dma_start3A_187 = tpu.memref_squeeze %dma_start3A_186 : memref<1x80xi32, #tpu.memory_space<vmem>> -> memref<80xi32, #tpu.memory_space<vmem>>
      %dma_start3A_188 = arith.constant 0 : i32
      %dma_start3A_189 = arith.constant 0 : i32
      %dma_start3A_190 = tpu.memref_slice %arg13[%dma_start3A_188, %dma_start3A_189] : memref<10240x128xf32, #tpu.memory_space<vmem_shared>> -> memref<10240x128xf32, #tpu.memory_space<vmem_shared>>
      tpu.enqueue_indirect_dma source(%arg7 : memref<80x128xf32, #tpu.memory_space<vmem>>) target(%dma_start3A_190 : memref<10240x128xf32, #tpu.memory_space<vmem_shared>>) offsets(%dma_start3A_187 : memref<80xi32, #tpu.memory_space<vmem>>) semaphore(%arg20 : memref<!tpu.dma_semaphore, #tpu.memory_space<semaphore_mem>>) {add = true}
      %add3A_191 = arith.constant 2 : i32
      %add3A_192 = arith.addi %add3A_140, %add3A_191 : i32
      %mul3A_193 = arith.constant 128 : i32
      %mul3A_194 = arith.muli %add3A, %mul3A_193 : i32
      %add3A_195 = arith.addi %mul3A_194, %add3A_192 : i32
      %add3A_196 = arith.constant 1 : i32
      %add3A_197 = arith.addi %add3A, %add3A_196 : i32
      %mul3A_198 = arith.constant 128 : i32
      %mul3A_199 = arith.muli %add3A_197, %mul3A_198 : i32
      %sub3A_200 = arith.constant 112 : i32
      %sub3A_201 = arith.subi %add3A_192, %sub3A_200 : i32
      %add3A_202 = arith.addi %mul3A_199, %sub3A_201 : i32
      %eq3A_203 = arith.constant 0 : i32
      %eq3A_204 = arith.cmpi eq, %arg0, %eq3A_203 : i32
      %ge3A_205 = arith.constant 128 : i32
      %ge3A_206 = arith.cmpi sge, %add3A_192, %ge3A_205 : i32
      %and3A_207 = arith.andi %eq3A_204, %ge3A_206 : i1
      %select_n3A_208 = arith.select %and3A_207, %add3A_202, %add3A_195 : i32
      %dma_start3A_209 = arith.constant 0 : i32
      %dma_start3A_210 = arith.constant 0 : i32
      %dma_start3A_211 = tpu.memref_slice %arg2[%select_n3A_208, %dma_start3A_209, %dma_start3A_210] : memref<4096x4x80xi32, #tpu.memory_space<hbm>> -> memref<1x4x80xi32, #tpu.memory_space<hbm>>
      %dma_start3A_212 = tpu.memref_squeeze %dma_start3A_211 : memref<1x4x80xi32, #tpu.memory_space<hbm>> -> memref<4x80xi32, #tpu.memory_space<hbm>>
      %dma_start3A_213 = arith.constant 0 : i32
      %dma_start3A_214 = arith.constant 0 : i32
      %dma_start3A_215 = tpu.memref_slice %arg2[%select_n3A_208, %dma_start3A_213, %dma_start3A_214] : memref<4096x4x80xi32, #tpu.memory_space<hbm>> -> memref<1x4x80xi32, #tpu.memory_space<hbm>>
      %dma_start3A_216 = tpu.memref_squeeze %dma_start3A_215 : memref<1x4x80xi32, #tpu.memory_space<hbm>> -> memref<4x80xi32, #tpu.memory_space<hbm>>
      tpu.enqueue_dma source(%dma_start3A_216 : memref<4x80xi32, #tpu.memory_space<hbm>>) target(%arg11 : memref<4x80xi32, #tpu.memory_space<vmem>>) target_semaphore(%arg18 : memref<!tpu.dma_semaphore, #tpu.memory_space<semaphore_mem>>)
      %mul3A_217 = arith.constant 4 : i32
      %mul3A_218 = arith.muli %while3A_135, %mul3A_217 : i32
      %add3A_219 = arith.constant 1 : i32
      %add3A_220 = arith.addi %mul3A_218, %add3A_219 : i32
      %dma_wait3A_221 = arith.constant 0 : i32
      %dma_wait3A_222 = arith.constant 0 : i32
      %dma_wait3A_223 = tpu.memref_slice %arg9[%dma_wait3A_221, %dma_wait3A_222] : memref<4x80xi32, #tpu.memory_space<vmem>> -> memref<1x80xi32, #tpu.memory_space<vmem>>
      %dma_wait3A_224 = tpu.memref_squeeze %dma_wait3A_223 : memref<1x80xi32, #tpu.memory_space<vmem>> -> memref<80xi32, #tpu.memory_space<vmem>>
      %dma_wait3A_225 = arith.constant 0 : i32
      %dma_wait3A_226 = arith.constant 0 : i32
      %dma_wait3A_227 = tpu.memref_slice %arg13[%dma_wait3A_225, %dma_wait3A_226] : memref<10240x128xf32, #tpu.memory_space<vmem_shared>> -> memref<10240x128xf32, #tpu.memory_space<vmem_shared>>
      tpu.wait_indirect_dma semaphore(%arg20 : memref<!tpu.dma_semaphore, #tpu.memory_space<semaphore_mem>>) src(%arg7 : memref<80x128xf32, #tpu.memory_space<vmem>>) dst(%dma_wait3A_227 : memref<10240x128xf32, #tpu.memory_space<vmem_shared>>)
      %add3A_228 = arith.constant 1 : i32
      %add3A_229 = arith.addi %add3A_220, %add3A_228 : i32
      %mul3A_230 = arith.constant 128 : i32
      %mul3A_231 = arith.muli %add3A, %mul3A_230 : i32
      %add3A_232 = arith.addi %mul3A_231, %add3A_229 : i32
      %add3A_233 = arith.constant 1 : i32
      %add3A_234 = arith.addi %add3A, %add3A_233 : i32
      %mul3A_235 = arith.constant 128 : i32
      %mul3A_236 = arith.muli %add3A_234, %mul3A_235 : i32
      %sub3A_237 = arith.constant 112 : i32
      %sub3A_238 = arith.subi %add3A_229, %sub3A_237 : i32
      %add3A_239 = arith.addi %mul3A_236, %sub3A_238 : i32
      %eq3A_240 = arith.constant 0 : i32
      %eq3A_241 = arith.cmpi eq, %arg0, %eq3A_240 : i32
      %ge3A_242 = arith.constant 128 : i32
      %ge3A_243 = arith.cmpi sge, %add3A_229, %ge3A_242 : i32
      %and3A_244 = arith.andi %eq3A_241, %ge3A_243 : i1
      %select_n3A_245 = arith.select %and3A_244, %add3A_239, %add3A_232 : i32
      %dma_wait3A_246 = arith.constant 0 : i32
      %dma_wait3A_247 = arith.constant 0 : i32
      %dma_wait3A_248 = tpu.memref_slice %arg2[%select_n3A_245, %dma_wait3A_246, %dma_wait3A_247] : memref<4096x4x80xi32, #tpu.memory_space<hbm>> -> memref<1x4x80xi32, #tpu.memory_space<hbm>>
      %dma_wait3A_249 = tpu.memref_squeeze %dma_wait3A_248 : memref<1x4x80xi32, #tpu.memory_space<hbm>> -> memref<4x80xi32, #tpu.memory_space<hbm>>
      %dma_wait3A_250 = arith.constant 0 : i32
      %dma_wait3A_251 = arith.constant 0 : i32
      %dma_wait3A_252 = tpu.memref_slice %arg2[%select_n3A_245, %dma_wait3A_250, %dma_wait3A_251] : memref<4096x4x80xi32, #tpu.memory_space<hbm>> -> memref<1x4x80xi32, #tpu.memory_space<hbm>>
      %dma_wait3A_253 = tpu.memref_squeeze %dma_wait3A_252 : memref<1x4x80xi32, #tpu.memory_space<hbm>> -> memref<4x80xi32, #tpu.memory_space<hbm>>
      tpu.wait_dma2 semaphore(%arg18 : memref<!tpu.dma_semaphore, #tpu.memory_space<semaphore_mem>>) src(%dma_wait3A_253 : memref<4x80xi32, #tpu.memory_space<hbm>>) dst(%arg11 : memref<4x80xi32, #tpu.memory_space<vmem>>)
      %dma_start3A_254 = arith.constant 1 : i32
      %dma_start3A_255 = arith.constant 0 : i32
      %dma_start3A_256 = tpu.memref_slice %arg11[%dma_start3A_254, %dma_start3A_255] : memref<4x80xi32, #tpu.memory_space<vmem>> -> memref<1x80xi32, #tpu.memory_space<vmem>>
      %dma_start3A_257 = tpu.memref_squeeze %dma_start3A_256 : memref<1x80xi32, #tpu.memory_space<vmem>> -> memref<80xi32, #tpu.memory_space<vmem>>
      %dma_start3A_258 = arith.constant 0 : i32
      %dma_start3A_259 = arith.constant 0 : i32
      %dma_start3A_260 = tpu.memref_slice %arg4[%dma_start3A_258, %dma_start3A_259] : memref<10240x128xf32, #tpu.memory_space<hbm>> -> memref<10240x128xf32, #tpu.memory_space<hbm>>
      tpu.enqueue_indirect_dma source(%dma_start3A_260 : memref<10240x128xf32, #tpu.memory_space<hbm>>) target(%arg7 : memref<80x128xf32, #tpu.memory_space<vmem>>) offsets(%dma_start3A_257 : memref<80xi32, #tpu.memory_space<vmem>>) semaphore(%arg14 : memref<!tpu.dma_semaphore, #tpu.memory_space<semaphore_mem>>)
      %dma_wait3A_261 = arith.constant 1 : i32
      %dma_wait3A_262 = arith.constant 0 : i32
      %dma_wait3A_263 = tpu.memref_slice %arg10[%dma_wait3A_261, %dma_wait3A_262] : memref<4x80xi32, #tpu.memory_space<vmem>> -> memref<1x80xi32, #tpu.memory_space<vmem>>
      %dma_wait3A_264 = tpu.memref_squeeze %dma_wait3A_263 : memref<1x80xi32, #tpu.memory_space<vmem>> -> memref<80xi32, #tpu.memory_space<vmem>>
      %dma_wait3A_265 = arith.constant 0 : i32
      %dma_wait3A_266 = arith.constant 0 : i32
      %dma_wait3A_267 = tpu.memref_slice %arg4[%dma_wait3A_265, %dma_wait3A_266] : memref<10240x128xf32, #tpu.memory_space<hbm>> -> memref<10240x128xf32, #tpu.memory_space<hbm>>
      tpu.wait_indirect_dma semaphore(%arg15 : memref<!tpu.dma_semaphore, #tpu.memory_space<semaphore_mem>>) src(%dma_wait3A_267 : memref<10240x128xf32, #tpu.memory_space<hbm>>) dst(%arg8 : memref<80x128xf32, #tpu.memory_space<vmem>>)
      %parallel_loop3A_268 = arith.constant 0 : i32
      %parallel_loop3A_269 = arith.constant 80 : i32
      %parallel_loop3A_270 = arith.constant 1 : i32
      scf.for %parallel_loop3A_411 = %parallel_loop3A_268 to %parallel_loop3A_269 step %parallel_loop3A_270  : i32 {
        %parallel_loop3A_412 = vector.broadcast %parallel_loop3A_411 : i32 to vector<16xi32>
        %parallel_loop3A_413 = tpu.vector_load_idx %arg10[%broadcast_in_dim3A_41, %parallel_loop3A_412] : memref<4x80xi32, #tpu.memory_space<vmem>>[vector<16xi32>, vector<16xi32>], vector<16xi32>,
        %parallel_loop3A_414 = tpu.vector_load_idx %arg10[%broadcast_in_dim3A_43, %parallel_loop3A_412] : memref<4x80xi32, #tpu.memory_space<vmem>>[vector<16xi32>, vector<16xi32>], vector<16xi32>,
        %parallel_loop3A_415 = vector.bitcast %parallel_loop3A_414 : vector<16xi32> to vector<16xf32>
        %parallel_loop3A_416 = arith.constant 128 : i32
        %parallel_loop3A_417 = vector.broadcast %parallel_loop3A_416 : i32 to vector<16xi32>
        %parallel_loop3A_418 = arith.muli %parallel_loop3A_413, %parallel_loop3A_417 : vector<16xi32>
        %parallel_loop3A_419 = arith.addi %parallel_loop3A_418, %add3A_46 : vector<16xi32>
        %parallel_loop3A_420 = tpu.vector_load_idx %arg6[%parallel_loop3A_419] : memref<25728xf32, #tpu.memory_space<vmem>>[vector<16xi32>], vector<16xf32>,
        %parallel_loop3A_421 = arith.index_cast %parallel_loop3A_411 : i32 to index
        %parallel_loop3A_422 = arith.constant 0 : index
        %parallel_loop3A_423 = tpu.vector_load %arg8[%parallel_loop3A_421, %parallel_loop3A_422] {strides = array<i32>} : memref<80x128xf32, #tpu.memory_space<vmem>>, vector<16xf32>,
        %parallel_loop3A_424 = arith.mulf %parallel_loop3A_423, %parallel_loop3A_420 : vector<16xf32>
        %parallel_loop3A_425 = arith.mulf %parallel_loop3A_424, %parallel_loop3A_415 : vector<16xf32>
        %parallel_loop3A_426 = arith.index_cast %parallel_loop3A_411 : i32 to index
        %parallel_loop3A_427 = arith.constant 0 : index
        %parallel_loop3A_428 = tpu.vector_load %arg8[%parallel_loop3A_426, %parallel_loop3A_427] {strides = array<i32>} : memref<80x128xf32, #tpu.memory_space<vmem>>, vector<16xf32>,
        tpu.vector_store %arg8[%parallel_loop3A_426, %parallel_loop3A_427], %parallel_loop3A_425 {strides = array<i32>} : memref<80x128xf32, #tpu.memory_space<vmem>>, vector<16xf32>,
        %parallel_loop3A_429 = arith.addi %parallel_loop3A_418, %add3A_49 : vector<16xi32>
        %parallel_loop3A_430 = tpu.vector_load_idx %arg6[%parallel_loop3A_429] : memref<25728xf32, #tpu.memory_space<vmem>>[vector<16xi32>], vector<16xf32>,
        %parallel_loop3A_431 = arith.index_cast %parallel_loop3A_411 : i32 to index
        %parallel_loop3A_432 = arith.constant 16 : index
        %parallel_loop3A_433 = tpu.vector_load %arg8[%parallel_loop3A_431, %parallel_loop3A_432] {strides = array<i32>} : memref<80x128xf32, #tpu.memory_space<vmem>>, vector<16xf32>,
        %parallel_loop3A_434 = arith.mulf %parallel_loop3A_433, %parallel_loop3A_430 : vector<16xf32>
        %parallel_loop3A_435 = arith.mulf %parallel_loop3A_434, %parallel_loop3A_415 : vector<16xf32>
        %parallel_loop3A_436 = arith.index_cast %parallel_loop3A_411 : i32 to index
        %parallel_loop3A_437 = arith.constant 16 : index
        %parallel_loop3A_438 = tpu.vector_load %arg8[%parallel_loop3A_436, %parallel_loop3A_437] {strides = array<i32>} : memref<80x128xf32, #tpu.memory_space<vmem>>, vector<16xf32>,
        tpu.vector_store %arg8[%parallel_loop3A_436, %parallel_loop3A_437], %parallel_loop3A_435 {strides = array<i32>} : memref<80x128xf32, #tpu.memory_space<vmem>>, vector<16xf32>,
        %parallel_loop3A_439 = arith.addi %parallel_loop3A_418, %add3A_52 : vector<16xi32>
        %parallel_loop3A_440 = tpu.vector_load_idx %arg6[%parallel_loop3A_439] : memref<25728xf32, #tpu.memory_space<vmem>>[vector<16xi32>], vector<16xf32>,
        %parallel_loop3A_441 = arith.index_cast %parallel_loop3A_411 : i32 to index
        %parallel_loop3A_442 = arith.constant 32 : index
        %parallel_loop3A_443 = tpu.vector_load %arg8[%parallel_loop3A_441, %parallel_loop3A_442] {strides = array<i32>} : memref<80x128xf32, #tpu.memory_space<vmem>>, vector<16xf32>,
        %parallel_loop3A_444 = arith.mulf %parallel_loop3A_443, %parallel_loop3A_440 : vector<16xf32>
        %parallel_loop3A_445 = arith.mulf %parallel_loop3A_444, %parallel_loop3A_415 : vector<16xf32>
        %parallel_loop3A_446 = arith.index_cast %parallel_loop3A_411 : i32 to index
        %parallel_loop3A_447 = arith.constant 32 : index
        %parallel_loop3A_448 = tpu.vector_load %arg8[%parallel_loop3A_446, %parallel_loop3A_447] {strides = array<i32>} : memref<80x128xf32, #tpu.memory_space<vmem>>, vector<16xf32>,
        tpu.vector_store %arg8[%parallel_loop3A_446, %parallel_loop3A_447], %parallel_loop3A_445 {strides = array<i32>} : memref<80x128xf32, #tpu.memory_space<vmem>>, vector<16xf32>,
        %parallel_loop3A_449 = arith.addi %parallel_loop3A_418, %add3A_55 : vector<16xi32>
        %parallel_loop3A_450 = tpu.vector_load_idx %arg6[%parallel_loop3A_449] : memref<25728xf32, #tpu.memory_space<vmem>>[vector<16xi32>], vector<16xf32>,
        %parallel_loop3A_451 = arith.index_cast %parallel_loop3A_411 : i32 to index
        %parallel_loop3A_452 = arith.constant 48 : index
        %parallel_loop3A_453 = tpu.vector_load %arg8[%parallel_loop3A_451, %parallel_loop3A_452] {strides = array<i32>} : memref<80x128xf32, #tpu.memory_space<vmem>>, vector<16xf32>,
        %parallel_loop3A_454 = arith.mulf %parallel_loop3A_453, %parallel_loop3A_450 : vector<16xf32>
        %parallel_loop3A_455 = arith.mulf %parallel_loop3A_454, %parallel_loop3A_415 : vector<16xf32>
        %parallel_loop3A_456 = arith.index_cast %parallel_loop3A_411 : i32 to index
        %parallel_loop3A_457 = arith.constant 48 : index
        %parallel_loop3A_458 = tpu.vector_load %arg8[%parallel_loop3A_456, %parallel_loop3A_457] {strides = array<i32>} : memref<80x128xf32, #tpu.memory_space<vmem>>, vector<16xf32>,
        tpu.vector_store %arg8[%parallel_loop3A_456, %parallel_loop3A_457], %parallel_loop3A_455 {strides = array<i32>} : memref<80x128xf32, #tpu.memory_space<vmem>>, vector<16xf32>,
        %parallel_loop3A_459 = arith.addi %parallel_loop3A_418, %add3A_58 : vector<16xi32>
        %parallel_loop3A_460 = tpu.vector_load_idx %arg6[%parallel_loop3A_459] : memref<25728xf32, #tpu.memory_space<vmem>>[vector<16xi32>], vector<16xf32>,
        %parallel_loop3A_461 = arith.index_cast %parallel_loop3A_411 : i32 to index
        %parallel_loop3A_462 = arith.constant 64 : index
        %parallel_loop3A_463 = tpu.vector_load %arg8[%parallel_loop3A_461, %parallel_loop3A_462] {strides = array<i32>} : memref<80x128xf32, #tpu.memory_space<vmem>>, vector<16xf32>,
        %parallel_loop3A_464 = arith.mulf %parallel_loop3A_463, %parallel_loop3A_460 : vector<16xf32>
        %parallel_loop3A_465 = arith.mulf %parallel_loop3A_464, %parallel_loop3A_415 : vector<16xf32>
        %parallel_loop3A_466 = arith.index_cast %parallel_loop3A_411 : i32 to index
        %parallel_loop3A_467 = arith.constant 64 : index
        %parallel_loop3A_468 = tpu.vector_load %arg8[%parallel_loop3A_466, %parallel_loop3A_467] {strides = array<i32>} : memref<80x128xf32, #tpu.memory_space<vmem>>, vector<16xf32>,
        tpu.vector_store %arg8[%parallel_loop3A_466, %parallel_loop3A_467], %parallel_loop3A_465 {strides = array<i32>} : memref<80x128xf32, #tpu.memory_space<vmem>>, vector<16xf32>,
        %parallel_loop3A_469 = arith.addi %parallel_loop3A_418, %add3A_61 : vector<16xi32>
        %parallel_loop3A_470 = tpu.vector_load_idx %arg6[%parallel_loop3A_469] : memref<25728xf32, #tpu.memory_space<vmem>>[vector<16xi32>], vector<16xf32>,
        %parallel_loop3A_471 = arith.index_cast %parallel_loop3A_411 : i32 to index
        %parallel_loop3A_472 = arith.constant 80 : index
        %parallel_loop3A_473 = tpu.vector_load %arg8[%parallel_loop3A_471, %parallel_loop3A_472] {strides = array<i32>} : memref<80x128xf32, #tpu.memory_space<vmem>>, vector<16xf32>,
        %parallel_loop3A_474 = arith.mulf %parallel_loop3A_473, %parallel_loop3A_470 : vector<16xf32>
        %parallel_loop3A_475 = arith.mulf %parallel_loop3A_474, %parallel_loop3A_415 : vector<16xf32>
        %parallel_loop3A_476 = arith.index_cast %parallel_loop3A_411 : i32 to index
        %parallel_loop3A_477 = arith.constant 80 : index
        %parallel_loop3A_478 = tpu.vector_load %arg8[%parallel_loop3A_476, %parallel_loop3A_477] {strides = array<i32>} : memref<80x128xf32, #tpu.memory_space<vmem>>, vector<16xf32>,
        tpu.vector_store %arg8[%parallel_loop3A_476, %parallel_loop3A_477], %parallel_loop3A_475 {strides = array<i32>} : memref<80x128xf32, #tpu.memory_space<vmem>>, vector<16xf32>,
        %parallel_loop3A_479 = arith.addi %parallel_loop3A_418, %add3A_64 : vector<16xi32>
        %parallel_loop3A_480 = tpu.vector_load_idx %arg6[%parallel_loop3A_479] : memref<25728xf32, #tpu.memory_space<vmem>>[vector<16xi32>], vector<16xf32>,
        %parallel_loop3A_481 = arith.index_cast %parallel_loop3A_411 : i32 to index
        %parallel_loop3A_482 = arith.constant 96 : index
        %parallel_loop3A_483 = tpu.vector_load %arg8[%parallel_loop3A_481, %parallel_loop3A_482] {strides = array<i32>} : memref<80x128xf32, #tpu.memory_space<vmem>>, vector<16xf32>,
        %parallel_loop3A_484 = arith.mulf %parallel_loop3A_483, %parallel_loop3A_480 : vector<16xf32>
        %parallel_loop3A_485 = arith.mulf %parallel_loop3A_484, %parallel_loop3A_415 : vector<16xf32>
        %parallel_loop3A_486 = arith.index_cast %parallel_loop3A_411 : i32 to index
        %parallel_loop3A_487 = arith.constant 96 : index
        %parallel_loop3A_488 = tpu.vector_load %arg8[%parallel_loop3A_486, %parallel_loop3A_487] {strides = array<i32>} : memref<80x128xf32, #tpu.memory_space<vmem>>, vector<16xf32>,
        tpu.vector_store %arg8[%parallel_loop3A_486, %parallel_loop3A_487], %parallel_loop3A_485 {strides = array<i32>} : memref<80x128xf32, #tpu.memory_space<vmem>>, vector<16xf32>,
        %parallel_loop3A_489 = arith.addi %parallel_loop3A_418, %add3A_67 : vector<16xi32>
        %parallel_loop3A_490 = tpu.vector_load_idx %arg6[%parallel_loop3A_489] : memref<25728xf32, #tpu.memory_space<vmem>>[vector<16xi32>], vector<16xf32>,
        %parallel_loop3A_491 = arith.index_cast %parallel_loop3A_411 : i32 to index
        %parallel_loop3A_492 = arith.constant 112 : index
        %parallel_loop3A_493 = tpu.vector_load %arg8[%parallel_loop3A_491, %parallel_loop3A_492] {strides = array<i32>} : memref<80x128xf32, #tpu.memory_space<vmem>>, vector<16xf32>,
        %parallel_loop3A_494 = arith.mulf %parallel_loop3A_493, %parallel_loop3A_490 : vector<16xf32>
        %parallel_loop3A_495 = arith.mulf %parallel_loop3A_494, %parallel_loop3A_415 : vector<16xf32>
        %parallel_loop3A_496 = arith.index_cast %parallel_loop3A_411 : i32 to index
        %parallel_loop3A_497 = arith.constant 112 : index
        %parallel_loop3A_498 = tpu.vector_load %arg8[%parallel_loop3A_496, %parallel_loop3A_497] {strides = array<i32>} : memref<80x128xf32, #tpu.memory_space<vmem>>, vector<16xf32>,
        tpu.vector_store %arg8[%parallel_loop3A_496, %parallel_loop3A_497], %parallel_loop3A_495 {strides = array<i32>} : memref<80x128xf32, #tpu.memory_space<vmem>>, vector<16xf32>,
      } {sc.loop_unroll_factor = 4 : i64, sc.parallel_access}
      %dma_start3A_271 = arith.constant 0 : i32
      %dma_start3A_272 = arith.constant 0 : i32
      %dma_start3A_273 = tpu.memref_slice %arg10[%dma_start3A_271, %dma_start3A_272] : memref<4x80xi32, #tpu.memory_space<vmem>> -> memref<1x80xi32, #tpu.memory_space<vmem>>
      %dma_start3A_274 = tpu.memref_squeeze %dma_start3A_273 : memref<1x80xi32, #tpu.memory_space<vmem>> -> memref<80xi32, #tpu.memory_space<vmem>>
      %dma_start3A_275 = arith.constant 0 : i32
      %dma_start3A_276 = arith.constant 0 : i32
      %dma_start3A_277 = tpu.memref_slice %arg13[%dma_start3A_275, %dma_start3A_276] : memref<10240x128xf32, #tpu.memory_space<vmem_shared>> -> memref<10240x128xf32, #tpu.memory_space<vmem_shared>>
      tpu.enqueue_indirect_dma source(%arg8 : memref<80x128xf32, #tpu.memory_space<vmem>>) target(%dma_start3A_277 : memref<10240x128xf32, #tpu.memory_space<vmem_shared>>) offsets(%dma_start3A_274 : memref<80xi32, #tpu.memory_space<vmem>>) semaphore(%arg21 : memref<!tpu.dma_semaphore, #tpu.memory_space<semaphore_mem>>) {add = true}
      %add3A_278 = arith.constant 2 : i32
      %add3A_279 = arith.addi %add3A_220, %add3A_278 : i32
      %mul3A_280 = arith.constant 128 : i32
      %mul3A_281 = arith.muli %add3A, %mul3A_280 : i32
      %add3A_282 = arith.addi %mul3A_281, %add3A_279 : i32
      %add3A_283 = arith.constant 1 : i32
      %add3A_284 = arith.addi %add3A, %add3A_283 : i32
      %mul3A_285 = arith.constant 128 : i32
      %mul3A_286 = arith.muli %add3A_284, %mul3A_285 : i32
      %sub3A_287 = arith.constant 112 : i32
      %sub3A_288 = arith.subi %add3A_279, %sub3A_287 : i32
      %add3A_289 = arith.addi %mul3A_286, %sub3A_288 : i32
      %eq3A_290 = arith.constant 0 : i32
      %eq3A_291 = arith.cmpi eq, %arg0, %eq3A_290 : i32
      %ge3A_292 = arith.constant 128 : i32
      %ge3A_293 = arith.cmpi sge, %add3A_279, %ge3A_292 : i32
      %and3A_294 = arith.andi %eq3A_291, %ge3A_293 : i1
      %select_n3A_295 = arith.select %and3A_294, %add3A_289, %add3A_282 : i32
      %dma_start3A_296 = arith.constant 0 : i32
      %dma_start3A_297 = arith.constant 0 : i32
      %dma_start3A_298 = tpu.memref_slice %arg2[%select_n3A_295, %dma_start3A_296, %dma_start3A_297] : memref<4096x4x80xi32, #tpu.memory_space<hbm>> -> memref<1x4x80xi32, #tpu.memory_space<hbm>>
      %dma_start3A_299 = tpu.memref_squeeze %dma_start3A_298 : memref<1x4x80xi32, #tpu.memory_space<hbm>> -> memref<4x80xi32, #tpu.memory_space<hbm>>
      %dma_start3A_300 = arith.constant 0 : i32
      %dma_start3A_301 = arith.constant 0 : i32
      %dma_start3A_302 = tpu.memref_slice %arg2[%select_n3A_295, %dma_start3A_300, %dma_start3A_301] : memref<4096x4x80xi32, #tpu.memory_space<hbm>> -> memref<1x4x80xi32, #tpu.memory_space<hbm>>
      %dma_start3A_303 = tpu.memref_squeeze %dma_start3A_302 : memref<1x4x80xi32, #tpu.memory_space<hbm>> -> memref<4x80xi32, #tpu.memory_space<hbm>>
      tpu.enqueue_dma source(%dma_start3A_303 : memref<4x80xi32, #tpu.memory_space<hbm>>) target(%arg12 : memref<4x80xi32, #tpu.memory_space<vmem>>) target_semaphore(%arg19 : memref<!tpu.dma_semaphore, #tpu.memory_space<semaphore_mem>>)
      %mul3A_304 = arith.constant 4 : i32
      %mul3A_305 = arith.muli %while3A_135, %mul3A_304 : i32
      %add3A_306 = arith.constant 2 : i32
      %add3A_307 = arith.addi %mul3A_305, %add3A_306 : i32
      %dma_wait3A_308 = arith.constant 0 : i32
      %dma_wait3A_309 = arith.constant 0 : i32
      %dma_wait3A_310 = tpu.memref_slice %arg10[%dma_wait3A_308, %dma_wait3A_309] : memref<4x80xi32, #tpu.memory_space<vmem>> -> memref<1x80xi32, #tpu.memory_space<vmem>>
      %dma_wait3A_311 = tpu.memref_squeeze %dma_wait3A_310 : memref<1x80xi32, #tpu.memory_space<vmem>> -> memref<80xi32, #tpu.memory_space<vmem>>
      %dma_wait3A_312 = arith.constant 0 : i32
      %dma_wait3A_313 = arith.constant 0 : i32
      %dma_wait3A_314 = tpu.memref_slice %arg13[%dma_wait3A_312, %dma_wait3A_313] : memref<10240x128xf32, #tpu.memory_space<vmem_shared>> -> memref<10240x128xf32, #tpu.memory_space<vmem_shared>>
      tpu.wait_indirect_dma semaphore(%arg21 : memref<!tpu.dma_semaphore, #tpu.memory_space<semaphore_mem>>) src(%arg8 : memref<80x128xf32, #tpu.memory_space<vmem>>) dst(%dma_wait3A_314 : memref<10240x128xf32, #tpu.memory_space<vmem_shared>>)
      %add3A_315 = arith.constant 1 : i32
      %add3A_316 = arith.addi %add3A_307, %add3A_315 : i32
      %mul3A_317 = arith.constant 128 : i32
      %mul3A_318 = arith.muli %add3A, %mul3A_317 : i32
      %add3A_319 = arith.addi %mul3A_318, %add3A_316 : i32
      %add3A_320 = arith.constant 1 : i32
      %add3A_321 = arith.addi %add3A, %add3A_320 : i32
      %mul3A_322 = arith.constant 128 : i32
      %mul3A_323 = arith.muli %add3A_321, %mul3A_322 : i32
      %sub3A_324 = arith.constant 112 : i32
      %sub3A_325 = arith.subi %add3A_316, %sub3A_324 : i32
      %add3A_326 = arith.addi %mul3A_323, %sub3A_325 : i32
      %eq3A_327 = arith.constant 0 : i32
      %eq3A_328 = arith.cmpi eq, %arg0, %eq3A_327 : i32
      %ge3A_329 = arith.constant 128 : i32
      %ge3A_330 = arith.cmpi sge, %add3A_316, %ge3A_329 : i32
      %and3A_331 = arith.andi %eq3A_328, %ge3A_330 : i1
      %select_n3A_332 = arith.select %and3A_331, %add3A_326, %add3A_319 : i32
      %dma_wait3A_333 = arith.constant 0 : i32
      %dma_wait3A_334 = arith.constant 0 : i32
      %dma_wait3A_335 = tpu.memref_slice %arg2[%select_n3A_332, %dma_wait3A_333, %dma_wait3A_334] : memref<4096x4x80xi32, #tpu.memory_space<hbm>> -> memref<1x4x80xi32, #tpu.memory_space<hbm>>
      %dma_wait3A_336 = tpu.memref_squeeze %dma_wait3A_335 : memref<1x4x80xi32, #tpu.memory_space<hbm>> -> memref<4x80xi32, #tpu.memory_space<hbm>>
      %dma_wait3A_337 = arith.constant 0 : i32
      %dma_wait3A_338 = arith.constant 0 : i32
      %dma_wait3A_339 = tpu.memref_slice %arg2[%select_n3A_332, %dma_wait3A_337, %dma_wait3A_338] : memref<4096x4x80xi32, #tpu.memory_space<hbm>> -> memref<1x4x80xi32, #tpu.memory_space<hbm>>
      %dma_wait3A_340 = tpu.memref_squeeze %dma_wait3A_339 : memref<1x4x80xi32, #tpu.memory_space<hbm>> -> memref<4x80xi32, #tpu.memory_space<hbm>>
      tpu.wait_dma2 semaphore(%arg19 : memref<!tpu.dma_semaphore, #tpu.memory_space<semaphore_mem>>) src(%dma_wait3A_340 : memref<4x80xi32, #tpu.memory_space<hbm>>) dst(%arg12 : memref<4x80xi32, #tpu.memory_space<vmem>>)
      %dma_start3A_341 = arith.constant 1 : i32
      %dma_start3A_342 = arith.constant 0 : i32
      %dma_start3A_343 = tpu.memref_slice %arg12[%dma_start3A_341, %dma_start3A_342] : memref<4x80xi32, #tpu.memory_space<vmem>> -> memref<1x80xi32, #tpu.memory_space<vmem>>
      %dma_start3A_344 = tpu.memref_squeeze %dma_start3A_343 : memref<1x80xi32, #tpu.memory_space<vmem>> -> memref<80xi32, #tpu.memory_space<vmem>>
      %dma_start3A_345 = arith.constant 0 : i32
      %dma_start3A_346 = arith.constant 0 : i32
      %dma_start3A_347 = tpu.memref_slice %arg4[%dma_start3A_345, %dma_start3A_346] : memref<10240x128xf32, #tpu.memory_space<hbm>> -> memref<10240x128xf32, #tpu.memory_space<hbm>>
      tpu.enqueue_indirect_dma source(%dma_start3A_347 : memref<10240x128xf32, #tpu.memory_space<hbm>>) target(%arg8 : memref<80x128xf32, #tpu.memory_space<vmem>>) offsets(%dma_start3A_344 : memref<80xi32, #tpu.memory_space<vmem>>) semaphore(%arg15 : memref<!tpu.dma_semaphore, #tpu.memory_space<semaphore_mem>>)
      %dma_wait3A_348 = arith.constant 1 : i32
      %dma_wait3A_349 = arith.constant 0 : i32
      %dma_wait3A_350 = tpu.memref_slice %arg11[%dma_wait3A_348, %dma_wait3A_349] : memref<4x80xi32, #tpu.memory_space<vmem>> -> memref<1x80xi32, #tpu.memory_space<vmem>>
      %dma_wait3A_351 = tpu.memref_squeeze %dma_wait3A_350 : memref<1x80xi32, #tpu.memory_space<vmem>> -> memref<80xi32, #tpu.memory_space<vmem>>
      %dma_wait3A_352 = arith.constant 0 : i32
      %dma_wait3A_353 = arith.constant 0 : i32
      %dma_wait3A_354 = tpu.memref_slice %arg4[%dma_wait3A_352, %dma_wait3A_353] : memref<10240x128xf32, #tpu.memory_space<hbm>> -> memref<10240x128xf32, #tpu.memory_space<hbm>>
      tpu.wait_indirect_dma semaphore(%arg14 : memref<!tpu.dma_semaphore, #tpu.memory_space<semaphore_mem>>) src(%dma_wait3A_354 : memref<10240x128xf32, #tpu.memory_space<hbm>>) dst(%arg7 : memref<80x128xf32, #tpu.memory_space<vmem>>)
      %parallel_loop3A_355 = arith.constant 0 : i32
      %parallel_loop3A_356 = arith.constant 80 : i32
      %parallel_loop3A_357 = arith.constant 1 : i32
      scf.for %parallel_loop3A_411 = %parallel_loop3A_355 to %parallel_loop3A_356 step %parallel_loop3A_357  : i32 {
        %parallel_loop3A_412 = vector.broadcast %parallel_loop3A_411 : i32 to vector<16xi32>
        %parallel_loop3A_413 = tpu.vector_load_idx %arg11[%broadcast_in_dim3A_41, %parallel_loop3A_412] : memref<4x80xi32, #tpu.memory_space<vmem>>[vector<16xi32>, vector<16xi32>], vector<16xi32>,
        %parallel_loop3A_414 = tpu.vector_load_idx %arg11[%broadcast_in_dim3A_43, %parallel_loop3A_412] : memref<4x80xi32, #tpu.memory_space<vmem>>[vector<16xi32>, vector<16xi32>], vector<16xi32>,
        %parallel_loop3A_415 = vector.bitcast %parallel_loop3A_414 : vector<16xi32> to vector<16xf32>
        %parallel_loop3A_416 = arith.constant 128 : i32
        %parallel_loop3A_417 = vector.broadcast %parallel_loop3A_416 : i32 to vector<16xi32>
        %parallel_loop3A_418 = arith.muli %parallel_loop3A_413, %parallel_loop3A_417 : vector<16xi32>
        %parallel_loop3A_419 = arith.addi %parallel_loop3A_418, %add3A_46 : vector<16xi32>
        %parallel_loop3A_420 = tpu.vector_load_idx %arg6[%parallel_loop3A_419] : memref<25728xf32, #tpu.memory_space<vmem>>[vector<16xi32>], vector<16xf32>,
        %parallel_loop3A_421 = arith.index_cast %parallel_loop3A_411 : i32 to index
        %parallel_loop3A_422 = arith.constant 0 : index
        %parallel_loop3A_423 = tpu.vector_load %arg7[%parallel_loop3A_421, %parallel_loop3A_422] {strides = array<i32>} : memref<80x128xf32, #tpu.memory_space<vmem>>, vector<16xf32>,
        %parallel_loop3A_424 = arith.mulf %parallel_loop3A_423, %parallel_loop3A_420 : vector<16xf32>
        %parallel_loop3A_425 = arith.mulf %parallel_loop3A_424, %parallel_loop3A_415 : vector<16xf32>
        %parallel_loop3A_426 = arith.index_cast %parallel_loop3A_411 : i32 to index
        %parallel_loop3A_427 = arith.constant 0 : index
        %parallel_loop3A_428 = tpu.vector_load %arg7[%parallel_loop3A_426, %parallel_loop3A_427] {strides = array<i32>} : memref<80x128xf32, #tpu.memory_space<vmem>>, vector<16xf32>,
        tpu.vector_store %arg7[%parallel_loop3A_426, %parallel_loop3A_427], %parallel_loop3A_425 {strides = array<i32>} : memref<80x128xf32, #tpu.memory_space<vmem>>, vector<16xf32>,
        %parallel_loop3A_429 = arith.addi %parallel_loop3A_418, %add3A_49 : vector<16xi32>
        %parallel_loop3A_430 = tpu.vector_load_idx %arg6[%parallel_loop3A_429] : memref<25728xf32, #tpu.memory_space<vmem>>[vector<16xi32>], vector<16xf32>,
        %parallel_loop3A_431 = arith.index_cast %parallel_loop3A_411 : i32 to index
        %parallel_loop3A_432 = arith.constant 16 : index
        %parallel_loop3A_433 = tpu.vector_load %arg7[%parallel_loop3A_431, %parallel_loop3A_432] {strides = array<i32>} : memref<80x128xf32, #tpu.memory_space<vmem>>, vector<16xf32>,
        %parallel_loop3A_434 = arith.mulf %parallel_loop3A_433, %parallel_loop3A_430 : vector<16xf32>
        %parallel_loop3A_435 = arith.mulf %parallel_loop3A_434, %parallel_loop3A_415 : vector<16xf32>
        %parallel_loop3A_436 = arith.index_cast %parallel_loop3A_411 : i32 to index
        %parallel_loop3A_437 = arith.constant 16 : index
        %parallel_loop3A_438 = tpu.vector_load %arg7[%parallel_loop3A_436, %parallel_loop3A_437] {strides = array<i32>} : memref<80x128xf32, #tpu.memory_space<vmem>>, vector<16xf32>,
        tpu.vector_store %arg7[%parallel_loop3A_436, %parallel_loop3A_437], %parallel_loop3A_435 {strides = array<i32>} : memref<80x128xf32, #tpu.memory_space<vmem>>, vector<16xf32>,
        %parallel_loop3A_439 = arith.addi %parallel_loop3A_418, %add3A_52 : vector<16xi32>
        %parallel_loop3A_440 = tpu.vector_load_idx %arg6[%parallel_loop3A_439] : memref<25728xf32, #tpu.memory_space<vmem>>[vector<16xi32>], vector<16xf32>,
        %parallel_loop3A_441 = arith.index_cast %parallel_loop3A_411 : i32 to index
        %parallel_loop3A_442 = arith.constant 32 : index
        %parallel_loop3A_443 = tpu.vector_load %arg7[%parallel_loop3A_441, %parallel_loop3A_442] {strides = array<i32>} : memref<80x128xf32, #tpu.memory_space<vmem>>, vector<16xf32>,
        %parallel_loop3A_444 = arith.mulf %parallel_loop3A_443, %parallel_loop3A_440 : vector<16xf32>
        %parallel_loop3A_445 = arith.mulf %parallel_loop3A_444, %parallel_loop3A_415 : vector<16xf32>
        %parallel_loop3A_446 = arith.index_cast %parallel_loop3A_411 : i32 to index
        %parallel_loop3A_447 = arith.constant 32 : index
        %parallel_loop3A_448 = tpu.vector_load %arg7[%parallel_loop3A_446, %parallel_loop3A_447] {strides = array<i32>} : memref<80x128xf32, #tpu.memory_space<vmem>>, vector<16xf32>,
        tpu.vector_store %arg7[%parallel_loop3A_446, %parallel_loop3A_447], %parallel_loop3A_445 {strides = array<i32>} : memref<80x128xf32, #tpu.memory_space<vmem>>, vector<16xf32>,
        %parallel_loop3A_449 = arith.addi %parallel_loop3A_418, %add3A_55 : vector<16xi32>
        %parallel_loop3A_450 = tpu.vector_load_idx %arg6[%parallel_loop3A_449] : memref<25728xf32, #tpu.memory_space<vmem>>[vector<16xi32>], vector<16xf32>,
        %parallel_loop3A_451 = arith.index_cast %parallel_loop3A_411 : i32 to index
        %parallel_loop3A_452 = arith.constant 48 : index
        %parallel_loop3A_453 = tpu.vector_load %arg7[%parallel_loop3A_451, %parallel_loop3A_452] {strides = array<i32>} : memref<80x128xf32, #tpu.memory_space<vmem>>, vector<16xf32>,
        %parallel_loop3A_454 = arith.mulf %parallel_loop3A_453, %parallel_loop3A_450 : vector<16xf32>
        %parallel_loop3A_455 = arith.mulf %parallel_loop3A_454, %parallel_loop3A_415 : vector<16xf32>
        %parallel_loop3A_456 = arith.index_cast %parallel_loop3A_411 : i32 to index
        %parallel_loop3A_457 = arith.constant 48 : index
        %parallel_loop3A_458 = tpu.vector_load %arg7[%parallel_loop3A_456, %parallel_loop3A_457] {strides = array<i32>} : memref<80x128xf32, #tpu.memory_space<vmem>>, vector<16xf32>,
        tpu.vector_store %arg7[%parallel_loop3A_456, %parallel_loop3A_457], %parallel_loop3A_455 {strides = array<i32>} : memref<80x128xf32, #tpu.memory_space<vmem>>, vector<16xf32>,
        %parallel_loop3A_459 = arith.addi %parallel_loop3A_418, %add3A_58 : vector<16xi32>
        %parallel_loop3A_460 = tpu.vector_load_idx %arg6[%parallel_loop3A_459] : memref<25728xf32, #tpu.memory_space<vmem>>[vector<16xi32>], vector<16xf32>,
        %parallel_loop3A_461 = arith.index_cast %parallel_loop3A_411 : i32 to index
        %parallel_loop3A_462 = arith.constant 64 : index
        %parallel_loop3A_463 = tpu.vector_load %arg7[%parallel_loop3A_461, %parallel_loop3A_462] {strides = array<i32>} : memref<80x128xf32, #tpu.memory_space<vmem>>, vector<16xf32>,
        %parallel_loop3A_464 = arith.mulf %parallel_loop3A_463, %parallel_loop3A_460 : vector<16xf32>
        %parallel_loop3A_465 = arith.mulf %parallel_loop3A_464, %parallel_loop3A_415 : vector<16xf32>
        %parallel_loop3A_466 = arith.index_cast %parallel_loop3A_411 : i32 to index
        %parallel_loop3A_467 = arith.constant 64 : index
        %parallel_loop3A_468 = tpu.vector_load %arg7[%parallel_loop3A_466, %parallel_loop3A_467] {strides = array<i32>} : memref<80x128xf32, #tpu.memory_space<vmem>>, vector<16xf32>,
        tpu.vector_store %arg7[%parallel_loop3A_466, %parallel_loop3A_467], %parallel_loop3A_465 {strides = array<i32>} : memref<80x128xf32, #tpu.memory_space<vmem>>, vector<16xf32>,
        %parallel_loop3A_469 = arith.addi %parallel_loop3A_418, %add3A_61 : vector<16xi32>
        %parallel_loop3A_470 = tpu.vector_load_idx %arg6[%parallel_loop3A_469] : memref<25728xf32, #tpu.memory_space<vmem>>[vector<16xi32>], vector<16xf32>,
        %parallel_loop3A_471 = arith.index_cast %parallel_loop3A_411 : i32 to index
        %parallel_loop3A_472 = arith.constant 80 : index
        %parallel_loop3A_473 = tpu.vector_load %arg7[%parallel_loop3A_471, %parallel_loop3A_472] {strides = array<i32>} : memref<80x128xf32, #tpu.memory_space<vmem>>, vector<16xf32>,
        %parallel_loop3A_474 = arith.mulf %parallel_loop3A_473, %parallel_loop3A_470 : vector<16xf32>
        %parallel_loop3A_475 = arith.mulf %parallel_loop3A_474, %parallel_loop3A_415 : vector<16xf32>
        %parallel_loop3A_476 = arith.index_cast %parallel_loop3A_411 : i32 to index
        %parallel_loop3A_477 = arith.constant 80 : index
        %parallel_loop3A_478 = tpu.vector_load %arg7[%parallel_loop3A_476, %parallel_loop3A_477] {strides = array<i32>} : memref<80x128xf32, #tpu.memory_space<vmem>>, vector<16xf32>,
        tpu.vector_store %arg7[%parallel_loop3A_476, %parallel_loop3A_477], %parallel_loop3A_475 {strides = array<i32>} : memref<80x128xf32, #tpu.memory_space<vmem>>, vector<16xf32>,
        %parallel_loop3A_479 = arith.addi %parallel_loop3A_418, %add3A_64 : vector<16xi32>
        %parallel_loop3A_480 = tpu.vector_load_idx %arg6[%parallel_loop3A_479] : memref<25728xf32, #tpu.memory_space<vmem>>[vector<16xi32>], vector<16xf32>,
        %parallel_loop3A_481 = arith.index_cast %parallel_loop3A_411 : i32 to index
        %parallel_loop3A_482 = arith.constant 96 : index
        %parallel_loop3A_483 = tpu.vector_load %arg7[%parallel_loop3A_481, %parallel_loop3A_482] {strides = array<i32>} : memref<80x128xf32, #tpu.memory_space<vmem>>, vector<16xf32>,
        %parallel_loop3A_484 = arith.mulf %parallel_loop3A_483, %parallel_loop3A_480 : vector<16xf32>
        %parallel_loop3A_485 = arith.mulf %parallel_loop3A_484, %parallel_loop3A_415 : vector<16xf32>
        %parallel_loop3A_486 = arith.index_cast %parallel_loop3A_411 : i32 to index
        %parallel_loop3A_487 = arith.constant 96 : index
        %parallel_loop3A_488 = tpu.vector_load %arg7[%parallel_loop3A_486, %parallel_loop3A_487] {strides = array<i32>} : memref<80x128xf32, #tpu.memory_space<vmem>>, vector<16xf32>,
        tpu.vector_store %arg7[%parallel_loop3A_486, %parallel_loop3A_487], %parallel_loop3A_485 {strides = array<i32>} : memref<80x128xf32, #tpu.memory_space<vmem>>, vector<16xf32>,
        %parallel_loop3A_489 = arith.addi %parallel_loop3A_418, %add3A_67 : vector<16xi32>
        %parallel_loop3A_490 = tpu.vector_load_idx %arg6[%parallel_loop3A_489] : memref<25728xf32, #tpu.memory_space<vmem>>[vector<16xi32>], vector<16xf32>,
        %parallel_loop3A_491 = arith.index_cast %parallel_loop3A_411 : i32 to index
        %parallel_loop3A_492 = arith.constant 112 : index
        %parallel_loop3A_493 = tpu.vector_load %arg7[%parallel_loop3A_491, %parallel_loop3A_492] {strides = array<i32>} : memref<80x128xf32, #tpu.memory_space<vmem>>, vector<16xf32>,
        %parallel_loop3A_494 = arith.mulf %parallel_loop3A_493, %parallel_loop3A_490 : vector<16xf32>
        %parallel_loop3A_495 = arith.mulf %parallel_loop3A_494, %parallel_loop3A_415 : vector<16xf32>
        %parallel_loop3A_496 = arith.index_cast %parallel_loop3A_411 : i32 to index
        %parallel_loop3A_497 = arith.constant 112 : index
        %parallel_loop3A_498 = tpu.vector_load %arg7[%parallel_loop3A_496, %parallel_loop3A_497] {strides = array<i32>} : memref<80x128xf32, #tpu.memory_space<vmem>>, vector<16xf32>,
        tpu.vector_store %arg7[%parallel_loop3A_496, %parallel_loop3A_497], %parallel_loop3A_495 {strides = array<i32>} : memref<80x128xf32, #tpu.memory_space<vmem>>, vector<16xf32>,
      } {sc.loop_unroll_factor = 4 : i64, sc.parallel_access}
      %dma_start3A_358 = arith.constant 0 : i32
      %dma_start3A_359 = arith.constant 0 : i32
      %dma_start3A_360 = tpu.memref_slice %arg11[%dma_start3A_358, %dma_start3A_359] : memref<4x80xi32, #tpu.memory_space<vmem>> -> memref<1x80xi32, #tpu.memory_space<vmem>>
      %dma_start3A_361 = tpu.memref_squeeze %dma_start3A_360 : memref<1x80xi32, #tpu.memory_space<vmem>> -> memref<80xi32, #tpu.memory_space<vmem>>
      %dma_start3A_362 = arith.constant 0 : i32
      %dma_start3A_363 = arith.constant 0 : i32
      %dma_start3A_364 = tpu.memref_slice %arg13[%dma_start3A_362, %dma_start3A_363] : memref<10240x128xf32, #tpu.memory_space<vmem_shared>> -> memref<10240x128xf32, #tpu.memory_space<vmem_shared>>
      tpu.enqueue_indirect_dma source(%arg7 : memref<80x128xf32, #tpu.memory_space<vmem>>) target(%dma_start3A_364 : memref<10240x128xf32, #tpu.memory_space<vmem_shared>>) offsets(%dma_start3A_361 : memref<80xi32, #tpu.memory_space<vmem>>) semaphore(%arg20 : memref<!tpu.dma_semaphore, #tpu.memory_space<semaphore_mem>>) {add = true}
      %sub3A_365 = arith.constant 1 : i32
      %sub3A_366 = arith.subi %select_n3A, %sub3A_365 : i32
      %lt3A = arith.cmpi slt, %while3A_135, %sub3A_366 : i32
      %convert_element_type3A_367 = arith.extui %lt3A : i1 to i32
      %cond3A_368 = arith.constant 0 : i32
      %cond3A_369 = arith.cmpi ne, %convert_element_type3A_367, %cond3A_368 : i32
      scf.if %cond3A_369 {
        %add3A_411 = arith.constant 2 : i32
        %add3A_412 = arith.addi %add3A_307, %add3A_411 : i32
        %mul3A_413 = arith.constant 128 : i32
        %mul3A_414 = arith.muli %add3A, %mul3A_413 : i32
        %add3A_415 = arith.addi %mul3A_414, %add3A_412 : i32
        %add3A_416 = arith.constant 1 : i32
        %add3A_417 = arith.addi %add3A, %add3A_416 : i32
        %mul3A_418 = arith.constant 128 : i32
        %mul3A_419 = arith.muli %add3A_417, %mul3A_418 : i32
        %sub3A_420 = arith.constant 112 : i32
        %sub3A_421 = arith.subi %add3A_412, %sub3A_420 : i32
        %add3A_422 = arith.addi %mul3A_419, %sub3A_421 : i32
        %eq3A_423 = arith.constant 0 : i32
        %eq3A_424 = arith.cmpi eq, %arg0, %eq3A_423 : i32
        %ge3A_425 = arith.constant 128 : i32
        %ge3A_426 = arith.cmpi sge, %add3A_412, %ge3A_425 : i32
        %and3A_427 = arith.andi %eq3A_424, %ge3A_426 : i1
        %select_n3A_428 = arith.select %and3A_427, %add3A_422, %add3A_415 : i32
        %dma_start3A_429 = arith.constant 0 : i32
        %dma_start3A_430 = arith.constant 0 : i32
        %dma_start3A_431 = tpu.memref_slice %arg2[%select_n3A_428, %dma_start3A_429, %dma_start3A_430] : memref<4096x4x80xi32, #tpu.memory_space<hbm>> -> memref<1x4x80xi32, #tpu.memory_space<hbm>>
        %dma_start3A_432 = tpu.memref_squeeze %dma_start3A_431 : memref<1x4x80xi32, #tpu.memory_space<hbm>> -> memref<4x80xi32, #tpu.memory_space<hbm>>
        %dma_start3A_433 = arith.constant 0 : i32
        %dma_start3A_434 = arith.constant 0 : i32
        %dma_start3A_435 = tpu.memref_slice %arg2[%select_n3A_428, %dma_start3A_433, %dma_start3A_434] : memref<4096x4x80xi32, #tpu.memory_space<hbm>> -> memref<1x4x80xi32, #tpu.memory_space<hbm>>
        %dma_start3A_436 = tpu.memref_squeeze %dma_start3A_435 : memref<1x4x80xi32, #tpu.memory_space<hbm>> -> memref<4x80xi32, #tpu.memory_space<hbm>>
        tpu.enqueue_dma source(%dma_start3A_436 : memref<4x80xi32, #tpu.memory_space<hbm>>) target(%arg9 : memref<4x80xi32, #tpu.memory_space<vmem>>) target_semaphore(%arg16 : memref<!tpu.dma_semaphore, #tpu.memory_space<semaphore_mem>>)
      } else {
      }
      %mul3A_370 = arith.constant 4 : i32
      %mul3A_371 = arith.muli %while3A_135, %mul3A_370 : i32
      %add3A_372 = arith.constant 3 : i32
      %add3A_373 = arith.addi %mul3A_371, %add3A_372 : i32
      %dma_wait3A_374 = arith.constant 0 : i32
      %dma_wait3A_375 = arith.constant 0 : i32
      %dma_wait3A_376 = tpu.memref_slice %arg11[%dma_wait3A_374, %dma_wait3A_375] : memref<4x80xi32, #tpu.memory_space<vmem>> -> memref<1x80xi32, #tpu.memory_space<vmem>>
      %dma_wait3A_377 = tpu.memref_squeeze %dma_wait3A_376 : memref<1x80xi32, #tpu.memory_space<vmem>> -> memref<80xi32, #tpu.memory_space<vmem>>
      %dma_wait3A_378 = arith.constant 0 : i32
      %dma_wait3A_379 = arith.constant 0 : i32
      %dma_wait3A_380 = tpu.memref_slice %arg13[%dma_wait3A_378, %dma_wait3A_379] : memref<10240x128xf32, #tpu.memory_space<vmem_shared>> -> memref<10240x128xf32, #tpu.memory_space<vmem_shared>>
      tpu.wait_indirect_dma semaphore(%arg20 : memref<!tpu.dma_semaphore, #tpu.memory_space<semaphore_mem>>) src(%arg7 : memref<80x128xf32, #tpu.memory_space<vmem>>) dst(%dma_wait3A_380 : memref<10240x128xf32, #tpu.memory_space<vmem_shared>>)
      %sub3A_381 = arith.constant 1 : i32
      %sub3A_382 = arith.subi %select_n3A, %sub3A_381 : i32
      %lt3A_383 = arith.cmpi slt, %while3A_135, %sub3A_382 : i32
      %convert_element_type3A_384 = arith.extui %lt3A_383 : i1 to i32
      %cond3A_385 = arith.constant 0 : i32
      %cond3A_386 = arith.cmpi ne, %convert_element_type3A_384, %cond3A_385 : i32
      scf.if %cond3A_386 {
        %add3A_411 = arith.constant 1 : i32
        %add3A_412 = arith.addi %add3A_373, %add3A_411 : i32
        %mul3A_413 = arith.constant 128 : i32
        %mul3A_414 = arith.muli %add3A, %mul3A_413 : i32
        %add3A_415 = arith.addi %mul3A_414, %add3A_412 : i32
        %add3A_416 = arith.constant 1 : i32
        %add3A_417 = arith.addi %add3A, %add3A_416 : i32
        %mul3A_418 = arith.constant 128 : i32
        %mul3A_419 = arith.muli %add3A_417, %mul3A_418 : i32
        %sub3A_420 = arith.constant 112 : i32
        %sub3A_421 = arith.subi %add3A_412, %sub3A_420 : i32
        %add3A_422 = arith.addi %mul3A_419, %sub3A_421 : i32
        %eq3A_423 = arith.constant 0 : i32
        %eq3A_424 = arith.cmpi eq, %arg0, %eq3A_423 : i32
        %ge3A_425 = arith.constant 128 : i32
        %ge3A_426 = arith.cmpi sge, %add3A_412, %ge3A_425 : i32
        %and3A_427 = arith.andi %eq3A_424, %ge3A_426 : i1
        %select_n3A_428 = arith.select %and3A_427, %add3A_422, %add3A_415 : i32
        %dma_wait3A_429 = arith.constant 0 : i32
        %dma_wait3A_430 = arith.constant 0 : i32
        %dma_wait3A_431 = tpu.memref_slice %arg2[%select_n3A_428, %dma_wait3A_429, %dma_wait3A_430] : memref<4096x4x80xi32, #tpu.memory_space<hbm>> -> memref<1x4x80xi32, #tpu.memory_space<hbm>>
        %dma_wait3A_432 = tpu.memref_squeeze %dma_wait3A_431 : memref<1x4x80xi32, #tpu.memory_space<hbm>> -> memref<4x80xi32, #tpu.memory_space<hbm>>
        %dma_wait3A_433 = arith.constant 0 : i32
        %dma_wait3A_434 = arith.constant 0 : i32
        %dma_wait3A_435 = tpu.memref_slice %arg2[%select_n3A_428, %dma_wait3A_433, %dma_wait3A_434] : memref<4096x4x80xi32, #tpu.memory_space<hbm>> -> memref<1x4x80xi32, #tpu.memory_space<hbm>>
        %dma_wait3A_436 = tpu.memref_squeeze %dma_wait3A_435 : memref<1x4x80xi32, #tpu.memory_space<hbm>> -> memref<4x80xi32, #tpu.memory_space<hbm>>
        tpu.wait_dma2 semaphore(%arg16 : memref<!tpu.dma_semaphore, #tpu.memory_space<semaphore_mem>>) src(%dma_wait3A_436 : memref<4x80xi32, #tpu.memory_space<hbm>>) dst(%arg9 : memref<4x80xi32, #tpu.memory_space<vmem>>)
        %dma_start3A_437 = arith.constant 1 : i32
        %dma_start3A_438 = arith.constant 0 : i32
        %dma_start3A_439 = tpu.memref_slice %arg9[%dma_start3A_437, %dma_start3A_438] : memref<4x80xi32, #tpu.memory_space<vmem>> -> memref<1x80xi32, #tpu.memory_space<vmem>>
        %dma_start3A_440 = tpu.memref_squeeze %dma_start3A_439 : memref<1x80xi32, #tpu.memory_space<vmem>> -> memref<80xi32, #tpu.memory_space<vmem>>
        %dma_start3A_441 = arith.constant 0 : i32
        %dma_start3A_442 = arith.constant 0 : i32
        %dma_start3A_443 = tpu.memref_slice %arg4[%dma_start3A_441, %dma_start3A_442] : memref<10240x128xf32, #tpu.memory_space<hbm>> -> memref<10240x128xf32, #tpu.memory_space<hbm>>
        tpu.enqueue_indirect_dma source(%dma_start3A_443 : memref<10240x128xf32, #tpu.memory_space<hbm>>) target(%arg7 : memref<80x128xf32, #tpu.memory_space<vmem>>) offsets(%dma_start3A_440 : memref<80xi32, #tpu.memory_space<vmem>>) semaphore(%arg14 : memref<!tpu.dma_semaphore, #tpu.memory_space<semaphore_mem>>)
      } else {
      }
      %dma_wait3A_387 = arith.constant 1 : i32
      %dma_wait3A_388 = arith.constant 0 : i32
      %dma_wait3A_389 = tpu.memref_slice %arg12[%dma_wait3A_387, %dma_wait3A_388] : memref<4x80xi32, #tpu.memory_space<vmem>> -> memref<1x80xi32, #tpu.memory_space<vmem>>
      %dma_wait3A_390 = tpu.memref_squeeze %dma_wait3A_389 : memref<1x80xi32, #tpu.memory_space<vmem>> -> memref<80xi32, #tpu.memory_space<vmem>>
      %dma_wait3A_391 = arith.constant 0 : i32
      %dma_wait3A_392 = arith.constant 0 : i32
      %dma_wait3A_393 = tpu.memref_slice %arg4[%dma_wait3A_391, %dma_wait3A_392] : memref<10240x128xf32, #tpu.memory_space<hbm>> -> memref<10240x128xf32, #tpu.memory_space<hbm>>
      tpu.wait_indirect_dma semaphore(%arg15 : memref<!tpu.dma_semaphore, #tpu.memory_space<semaphore_mem>>) src(%dma_wait3A_393 : memref<10240x128xf32, #tpu.memory_space<hbm>>) dst(%arg8 : memref<80x128xf32, #tpu.memory_space<vmem>>)
      %parallel_loop3A_394 = arith.constant 0 : i32
      %parallel_loop3A_395 = arith.constant 80 : i32
      %parallel_loop3A_396 = arith.constant 1 : i32
      scf.for %parallel_loop3A_411 = %parallel_loop3A_394 to %parallel_loop3A_395 step %parallel_loop3A_396  : i32 {
        %parallel_loop3A_412 = vector.broadcast %parallel_loop3A_411 : i32 to vector<16xi32>
        %parallel_loop3A_413 = tpu.vector_load_idx %arg12[%broadcast_in_dim3A_41, %parallel_loop3A_412] : memref<4x80xi32, #tpu.memory_space<vmem>>[vector<16xi32>, vector<16xi32>], vector<16xi32>,
        %parallel_loop3A_414 = tpu.vector_load_idx %arg12[%broadcast_in_dim3A_43, %parallel_loop3A_412] : memref<4x80xi32, #tpu.memory_space<vmem>>[vector<16xi32>, vector<16xi32>], vector<16xi32>,
        %parallel_loop3A_415 = vector.bitcast %parallel_loop3A_414 : vector<16xi32> to vector<16xf32>
        %parallel_loop3A_416 = arith.constant 128 : i32
        %parallel_loop3A_417 = vector.broadcast %parallel_loop3A_416 : i32 to vector<16xi32>
        %parallel_loop3A_418 = arith.muli %parallel_loop3A_413, %parallel_loop3A_417 : vector<16xi32>
        %parallel_loop3A_419 = arith.addi %parallel_loop3A_418, %add3A_46 : vector<16xi32>
        %parallel_loop3A_420 = tpu.vector_load_idx %arg6[%parallel_loop3A_419] : memref<25728xf32, #tpu.memory_space<vmem>>[vector<16xi32>], vector<16xf32>,
        %parallel_loop3A_421 = arith.index_cast %parallel_loop3A_411 : i32 to index
        %parallel_loop3A_422 = arith.constant 0 : index
        %parallel_loop3A_423 = tpu.vector_load %arg8[%parallel_loop3A_421, %parallel_loop3A_422] {strides = array<i32>} : memref<80x128xf32, #tpu.memory_space<vmem>>, vector<16xf32>,
        %parallel_loop3A_424 = arith.mulf %parallel_loop3A_423, %parallel_loop3A_420 : vector<16xf32>
        %parallel_loop3A_425 = arith.mulf %parallel_loop3A_424, %parallel_loop3A_415 : vector<16xf32>
        %parallel_loop3A_426 = arith.index_cast %parallel_loop3A_411 : i32 to index
        %parallel_loop3A_427 = arith.constant 0 : index
        %parallel_loop3A_428 = tpu.vector_load %arg8[%parallel_loop3A_426, %parallel_loop3A_427] {strides = array<i32>} : memref<80x128xf32, #tpu.memory_space<vmem>>, vector<16xf32>,
        tpu.vector_store %arg8[%parallel_loop3A_426, %parallel_loop3A_427], %parallel_loop3A_425 {strides = array<i32>} : memref<80x128xf32, #tpu.memory_space<vmem>>, vector<16xf32>,
        %parallel_loop3A_429 = arith.addi %parallel_loop3A_418, %add3A_49 : vector<16xi32>
        %parallel_loop3A_430 = tpu.vector_load_idx %arg6[%parallel_loop3A_429] : memref<25728xf32, #tpu.memory_space<vmem>>[vector<16xi32>], vector<16xf32>,
        %parallel_loop3A_431 = arith.index_cast %parallel_loop3A_411 : i32 to index
        %parallel_loop3A_432 = arith.constant 16 : index
        %parallel_loop3A_433 = tpu.vector_load %arg8[%parallel_loop3A_431, %parallel_loop3A_432] {strides = array<i32>} : memref<80x128xf32, #tpu.memory_space<vmem>>, vector<16xf32>,
        %parallel_loop3A_434 = arith.mulf %parallel_loop3A_433, %parallel_loop3A_430 : vector<16xf32>
        %parallel_loop3A_435 = arith.mulf %parallel_loop3A_434, %parallel_loop3A_415 : vector<16xf32>
        %parallel_loop3A_436 = arith.index_cast %parallel_loop3A_411 : i32 to index
        %parallel_loop3A_437 = arith.constant 16 : index
        %parallel_loop3A_438 = tpu.vector_load %arg8[%parallel_loop3A_436, %parallel_loop3A_437] {strides = array<i32>} : memref<80x128xf32, #tpu.memory_space<vmem>>, vector<16xf32>,
        tpu.vector_store %arg8[%parallel_loop3A_436, %parallel_loop3A_437], %parallel_loop3A_435 {strides = array<i32>} : memref<80x128xf32, #tpu.memory_space<vmem>>, vector<16xf32>,
        %parallel_loop3A_439 = arith.addi %parallel_loop3A_418, %add3A_52 : vector<16xi32>
        %parallel_loop3A_440 = tpu.vector_load_idx %arg6[%parallel_loop3A_439] : memref<25728xf32, #tpu.memory_space<vmem>>[vector<16xi32>], vector<16xf32>,
        %parallel_loop3A_441 = arith.index_cast %parallel_loop3A_411 : i32 to index
        %parallel_loop3A_442 = arith.constant 32 : index
        %parallel_loop3A_443 = tpu.vector_load %arg8[%parallel_loop3A_441, %parallel_loop3A_442] {strides = array<i32>} : memref<80x128xf32, #tpu.memory_space<vmem>>, vector<16xf32>,
        %parallel_loop3A_444 = arith.mulf %parallel_loop3A_443, %parallel_loop3A_440 : vector<16xf32>
        %parallel_loop3A_445 = arith.mulf %parallel_loop3A_444, %parallel_loop3A_415 : vector<16xf32>
        %parallel_loop3A_446 = arith.index_cast %parallel_loop3A_411 : i32 to index
        %parallel_loop3A_447 = arith.constant 32 : index
        %parallel_loop3A_448 = tpu.vector_load %arg8[%parallel_loop3A_446, %parallel_loop3A_447] {strides = array<i32>} : memref<80x128xf32, #tpu.memory_space<vmem>>, vector<16xf32>,
        tpu.vector_store %arg8[%parallel_loop3A_446, %parallel_loop3A_447], %parallel_loop3A_445 {strides = array<i32>} : memref<80x128xf32, #tpu.memory_space<vmem>>, vector<16xf32>,
        %parallel_loop3A_449 = arith.addi %parallel_loop3A_418, %add3A_55 : vector<16xi32>
        %parallel_loop3A_450 = tpu.vector_load_idx %arg6[%parallel_loop3A_449] : memref<25728xf32, #tpu.memory_space<vmem>>[vector<16xi32>], vector<16xf32>,
        %parallel_loop3A_451 = arith.index_cast %parallel_loop3A_411 : i32 to index
        %parallel_loop3A_452 = arith.constant 48 : index
        %parallel_loop3A_453 = tpu.vector_load %arg8[%parallel_loop3A_451, %parallel_loop3A_452] {strides = array<i32>} : memref<80x128xf32, #tpu.memory_space<vmem>>, vector<16xf32>,
        %parallel_loop3A_454 = arith.mulf %parallel_loop3A_453, %parallel_loop3A_450 : vector<16xf32>
        %parallel_loop3A_455 = arith.mulf %parallel_loop3A_454, %parallel_loop3A_415 : vector<16xf32>
        %parallel_loop3A_456 = arith.index_cast %parallel_loop3A_411 : i32 to index
        %parallel_loop3A_457 = arith.constant 48 : index
        %parallel_loop3A_458 = tpu.vector_load %arg8[%parallel_loop3A_456, %parallel_loop3A_457] {strides = array<i32>} : memref<80x128xf32, #tpu.memory_space<vmem>>, vector<16xf32>,
        tpu.vector_store %arg8[%parallel_loop3A_456, %parallel_loop3A_457], %parallel_loop3A_455 {strides = array<i32>} : memref<80x128xf32, #tpu.memory_space<vmem>>, vector<16xf32>,
        %parallel_loop3A_459 = arith.addi %parallel_loop3A_418, %add3A_58 : vector<16xi32>
        %parallel_loop3A_460 = tpu.vector_load_idx %arg6[%parallel_loop3A_459] : memref<25728xf32, #tpu.memory_space<vmem>>[vector<16xi32>], vector<16xf32>,
        %parallel_loop3A_461 = arith.index_cast %parallel_loop3A_411 : i32 to index
        %parallel_loop3A_462 = arith.constant 64 : index
        %parallel_loop3A_463 = tpu.vector_load %arg8[%parallel_loop3A_461, %parallel_loop3A_462] {strides = array<i32>} : memref<80x128xf32, #tpu.memory_space<vmem>>, vector<16xf32>,
        %parallel_loop3A_464 = arith.mulf %parallel_loop3A_463, %parallel_loop3A_460 : vector<16xf32>
        %parallel_loop3A_465 = arith.mulf %parallel_loop3A_464, %parallel_loop3A_415 : vector<16xf32>
        %parallel_loop3A_466 = arith.index_cast %parallel_loop3A_411 : i32 to index
        %parallel_loop3A_467 = arith.constant 64 : index
        %parallel_loop3A_468 = tpu.vector_load %arg8[%parallel_loop3A_466, %parallel_loop3A_467] {strides = array<i32>} : memref<80x128xf32, #tpu.memory_space<vmem>>, vector<16xf32>,
        tpu.vector_store %arg8[%parallel_loop3A_466, %parallel_loop3A_467], %parallel_loop3A_465 {strides = array<i32>} : memref<80x128xf32, #tpu.memory_space<vmem>>, vector<16xf32>,
        %parallel_loop3A_469 = arith.addi %parallel_loop3A_418, %add3A_61 : vector<16xi32>
        %parallel_loop3A_470 = tpu.vector_load_idx %arg6[%parallel_loop3A_469] : memref<25728xf32, #tpu.memory_space<vmem>>[vector<16xi32>], vector<16xf32>,
        %parallel_loop3A_471 = arith.index_cast %parallel_loop3A_411 : i32 to index
        %parallel_loop3A_472 = arith.constant 80 : index
        %parallel_loop3A_473 = tpu.vector_load %arg8[%parallel_loop3A_471, %parallel_loop3A_472] {strides = array<i32>} : memref<80x128xf32, #tpu.memory_space<vmem>>, vector<16xf32>,
        %parallel_loop3A_474 = arith.mulf %parallel_loop3A_473, %parallel_loop3A_470 : vector<16xf32>
        %parallel_loop3A_475 = arith.mulf %parallel_loop3A_474, %parallel_loop3A_415 : vector<16xf32>
        %parallel_loop3A_476 = arith.index_cast %parallel_loop3A_411 : i32 to index
        %parallel_loop3A_477 = arith.constant 80 : index
        %parallel_loop3A_478 = tpu.vector_load %arg8[%parallel_loop3A_476, %parallel_loop3A_477] {strides = array<i32>} : memref<80x128xf32, #tpu.memory_space<vmem>>, vector<16xf32>,
        tpu.vector_store %arg8[%parallel_loop3A_476, %parallel_loop3A_477], %parallel_loop3A_475 {strides = array<i32>} : memref<80x128xf32, #tpu.memory_space<vmem>>, vector<16xf32>,
        %parallel_loop3A_479 = arith.addi %parallel_loop3A_418, %add3A_64 : vector<16xi32>
        %parallel_loop3A_480 = tpu.vector_load_idx %arg6[%parallel_loop3A_479] : memref<25728xf32, #tpu.memory_space<vmem>>[vector<16xi32>], vector<16xf32>,
        %parallel_loop3A_481 = arith.index_cast %parallel_loop3A_411 : i32 to index
        %parallel_loop3A_482 = arith.constant 96 : index
        %parallel_loop3A_483 = tpu.vector_load %arg8[%parallel_loop3A_481, %parallel_loop3A_482] {strides = array<i32>} : memref<80x128xf32, #tpu.memory_space<vmem>>, vector<16xf32>,
        %parallel_loop3A_484 = arith.mulf %parallel_loop3A_483, %parallel_loop3A_480 : vector<16xf32>
        %parallel_loop3A_485 = arith.mulf %parallel_loop3A_484, %parallel_loop3A_415 : vector<16xf32>
        %parallel_loop3A_486 = arith.index_cast %parallel_loop3A_411 : i32 to index
        %parallel_loop3A_487 = arith.constant 96 : index
        %parallel_loop3A_488 = tpu.vector_load %arg8[%parallel_loop3A_486, %parallel_loop3A_487] {strides = array<i32>} : memref<80x128xf32, #tpu.memory_space<vmem>>, vector<16xf32>,
        tpu.vector_store %arg8[%parallel_loop3A_486, %parallel_loop3A_487], %parallel_loop3A_485 {strides = array<i32>} : memref<80x128xf32, #tpu.memory_space<vmem>>, vector<16xf32>,
        %parallel_loop3A_489 = arith.addi %parallel_loop3A_418, %add3A_67 : vector<16xi32>
        %parallel_loop3A_490 = tpu.vector_load_idx %arg6[%parallel_loop3A_489] : memref<25728xf32, #tpu.memory_space<vmem>>[vector<16xi32>], vector<16xf32>,
        %parallel_loop3A_491 = arith.index_cast %parallel_loop3A_411 : i32 to index
        %parallel_loop3A_492 = arith.constant 112 : index
        %parallel_loop3A_493 = tpu.vector_load %arg8[%parallel_loop3A_491, %parallel_loop3A_492] {strides = array<i32>} : memref<80x128xf32, #tpu.memory_space<vmem>>, vector<16xf32>,
        %parallel_loop3A_494 = arith.mulf %parallel_loop3A_493, %parallel_loop3A_490 : vector<16xf32>
        %parallel_loop3A_495 = arith.mulf %parallel_loop3A_494, %parallel_loop3A_415 : vector<16xf32>
        %parallel_loop3A_496 = arith.index_cast %parallel_loop3A_411 : i32 to index
        %parallel_loop3A_497 = arith.constant 112 : index
        %parallel_loop3A_498 = tpu.vector_load %arg8[%parallel_loop3A_496, %parallel_loop3A_497] {strides = array<i32>} : memref<80x128xf32, #tpu.memory_space<vmem>>, vector<16xf32>,
        tpu.vector_store %arg8[%parallel_loop3A_496, %parallel_loop3A_497], %parallel_loop3A_495 {strides = array<i32>} : memref<80x128xf32, #tpu.memory_space<vmem>>, vector<16xf32>,
      } {sc.loop_unroll_factor = 4 : i64, sc.parallel_access}
      %dma_start3A_397 = arith.constant 0 : i32
      %dma_start3A_398 = arith.constant 0 : i32
      %dma_start3A_399 = tpu.memref_slice %arg12[%dma_start3A_397, %dma_start3A_398] : memref<4x80xi32, #tpu.memory_space<vmem>> -> memref<1x80xi32, #tpu.memory_space<vmem>>
      %dma_start3A_400 = tpu.memref_squeeze %dma_start3A_399 : memref<1x80xi32, #tpu.memory_space<vmem>> -> memref<80xi32, #tpu.memory_space<vmem>>
      %dma_start3A_401 = arith.constant 0 : i32
      %dma_start3A_402 = arith.constant 0 : i32
      %dma_start3A_403 = tpu.memref_slice %arg13[%dma_start3A_401, %dma_start3A_402] : memref<10240x128xf32, #tpu.memory_space<vmem_shared>> -> memref<10240x128xf32, #tpu.memory_space<vmem_shared>>
      tpu.enqueue_indirect_dma source(%arg8 : memref<80x128xf32, #tpu.memory_space<vmem>>) target(%dma_start3A_403 : memref<10240x128xf32, #tpu.memory_space<vmem_shared>>) offsets(%dma_start3A_400 : memref<80xi32, #tpu.memory_space<vmem>>) semaphore(%arg21 : memref<!tpu.dma_semaphore, #tpu.memory_space<semaphore_mem>>) {add = true}
      %sub3A_404 = arith.constant 1 : i32
      %sub3A_405 = arith.subi %select_n3A, %sub3A_404 : i32
      %lt3A_406 = arith.cmpi slt, %while3A_135, %sub3A_405 : i32
      %convert_element_type3A_407 = arith.extui %lt3A_406 : i1 to i32
      %cond3A_408 = arith.constant 0 : i32
      %cond3A_409 = arith.cmpi ne, %convert_element_type3A_407, %cond3A_408 : i32
      scf.if %cond3A_409 {
        %add3A_411 = arith.constant 2 : i32
        %add3A_412 = arith.addi %add3A_373, %add3A_411 : i32
        %mul3A_413 = arith.constant 128 : i32
        %mul3A_414 = arith.muli %add3A, %mul3A_413 : i32
        %add3A_415 = arith.addi %mul3A_414, %add3A_412 : i32
        %add3A_416 = arith.constant 1 : i32
        %add3A_417 = arith.addi %add3A, %add3A_416 : i32
        %mul3A_418 = arith.constant 128 : i32
        %mul3A_419 = arith.muli %add3A_417, %mul3A_418 : i32
        %sub3A_420 = arith.constant 112 : i32
        %sub3A_421 = arith.subi %add3A_412, %sub3A_420 : i32
        %add3A_422 = arith.addi %mul3A_419, %sub3A_421 : i32
        %eq3A_423 = arith.constant 0 : i32
        %eq3A_424 = arith.cmpi eq, %arg0, %eq3A_423 : i32
        %ge3A_425 = arith.constant 128 : i32
        %ge3A_426 = arith.cmpi sge, %add3A_412, %ge3A_425 : i32
        %and3A_427 = arith.andi %eq3A_424, %ge3A_426 : i1
        %select_n3A_428 = arith.select %and3A_427, %add3A_422, %add3A_415 : i32
        %dma_start3A_429 = arith.constant 0 : i32
        %dma_start3A_430 = arith.constant 0 : i32
        %dma_start3A_431 = tpu.memref_slice %arg2[%select_n3A_428, %dma_start3A_429, %dma_start3A_430] : memref<4096x4x80xi32, #tpu.memory_space<hbm>> -> memref<1x4x80xi32, #tpu.memory_space<hbm>>
        %dma_start3A_432 = tpu.memref_squeeze %dma_start3A_431 : memref<1x4x80xi32, #tpu.memory_space<hbm>> -> memref<4x80xi32, #tpu.memory_space<hbm>>
        %dma_start3A_433 = arith.constant 0 : i32
        %dma_start3A_434 = arith.constant 0 : i32
        %dma_start3A_435 = tpu.memref_slice %arg2[%select_n3A_428, %dma_start3A_433, %dma_start3A_434] : memref<4096x4x80xi32, #tpu.memory_space<hbm>> -> memref<1x4x80xi32, #tpu.memory_space<hbm>>
        %dma_start3A_436 = tpu.memref_squeeze %dma_start3A_435 : memref<1x4x80xi32, #tpu.memory_space<hbm>> -> memref<4x80xi32, #tpu.memory_space<hbm>>
        tpu.enqueue_dma source(%dma_start3A_436 : memref<4x80xi32, #tpu.memory_space<hbm>>) target(%arg10 : memref<4x80xi32, #tpu.memory_space<vmem>>) target_semaphore(%arg17 : memref<!tpu.dma_semaphore, #tpu.memory_space<semaphore_mem>>)
      } else {
      }
      %while3A_410 = arith.constant 0 : i32
      scf.yield %while3A_410 : i32
    }
    %dma_wait3A = arith.constant 0 : i32
    %dma_wait3A_124 = arith.constant 0 : i32
    %dma_wait3A_125 = tpu.memref_slice %arg12[%dma_wait3A, %dma_wait3A_124] : memref<4x80xi32, #tpu.memory_space<vmem>> -> memref<1x80xi32, #tpu.memory_space<vmem>>
    %dma_wait3A_126 = tpu.memref_squeeze %dma_wait3A_125 : memref<1x80xi32, #tpu.memory_space<vmem>> -> memref<80xi32, #tpu.memory_space<vmem>>
    %dma_wait3A_127 = arith.constant 0 : i32
    %dma_wait3A_128 = arith.constant 0 : i32
    %dma_wait3A_129 = tpu.memref_slice %arg13[%dma_wait3A_127, %dma_wait3A_128] : memref<10240x128xf32, #tpu.memory_space<vmem_shared>> -> memref<10240x128xf32, #tpu.memory_space<vmem_shared>>
    tpu.wait_indirect_dma semaphore(%arg21 : memref<!tpu.dma_semaphore, #tpu.memory_space<semaphore_mem>>) src(%arg8 : memref<80x128xf32, #tpu.memory_space<vmem>>) dst(%dma_wait3A_129 : memref<10240x128xf32, #tpu.memory_space<vmem_shared>>)
    %barrier3A_130 = arith.constant 0 : index
    tpu.barrier barrier_id(%barrier3A_130)
    %mul3A_131 = arith.constant 640 : i32
    %mul3A_132 = arith.muli %arg1, %mul3A_131 : i32
    %mul3A_133 = arith.constant 640 : i32
    %mul3A_134 = arith.muli %arg1, %mul3A_133 : i32
    "tpu.region"() ({
      %run_scoped3A = tpu.sem_alloc : memref<!tpu.dma_semaphore, #tpu.memory_space<semaphore_mem>>
      %dma_start3A_135 = arith.constant 0 : i32
      %dma_start3A_136 = tpu.memref_slice %arg5[%arg0, %mul3A_134, %dma_start3A_135] : memref<2x10240x128xf32, #tpu.memory_space<hbm>> -> memref<1x640x128xf32, #tpu.memory_space<hbm>>
      %dma_start3A_137 = tpu.memref_squeeze %dma_start3A_136 : memref<1x640x128xf32, #tpu.memory_space<hbm>> -> memref<640x128xf32, #tpu.memory_space<hbm>>
      %dma_start3A_138 = arith.constant 0 : i32
      %dma_start3A_139 = tpu.memref_slice %arg13[%mul3A_132, %dma_start3A_138] : memref<10240x128xf32, #tpu.memory_space<vmem_shared>> -> memref<640x128xf32, #tpu.memory_space<vmem_shared>>
      tpu.enqueue_dma source(%dma_start3A_139 : memref<640x128xf32, #tpu.memory_space<vmem_shared>>) target(%dma_start3A_137 : memref<640x128xf32, #tpu.memory_space<hbm>>) target_semaphore(%run_scoped3A : memref<!tpu.dma_semaphore, #tpu.memory_space<semaphore_mem>>)
      %dma_wait3A_140 = arith.constant 0 : i32
      %dma_wait3A_141 = tpu.memref_slice %arg5[%arg0, %mul3A_134, %dma_wait3A_140] : memref<2x10240x128xf32, #tpu.memory_space<hbm>> -> memref<1x640x128xf32, #tpu.memory_space<hbm>>
      %dma_wait3A_142 = tpu.memref_squeeze %dma_wait3A_141 : memref<1x640x128xf32, #tpu.memory_space<hbm>> -> memref<640x128xf32, #tpu.memory_space<hbm>>
      %dma_wait3A_143 = arith.constant 0 : i32
      %dma_wait3A_144 = tpu.memref_slice %arg13[%mul3A_132, %dma_wait3A_143] : memref<10240x128xf32, #tpu.memory_space<vmem_shared>> -> memref<640x128xf32, #tpu.memory_space<vmem_shared>>
      tpu.wait_dma2 semaphore(%run_scoped3A : memref<!tpu.dma_semaphore, #tpu.memory_space<semaphore_mem>>) src(%dma_wait3A_144 : memref<640x128xf32, #tpu.memory_space<vmem_shared>>) dst(%dma_wait3A_142 : memref<640x128xf32, #tpu.memory_space<hbm>>)
      tpu.yield
    }) : () -> ()
    return
  }
}

#map = affine_map<(d0, d1) -> (0, 0)>
#map1 = affine_map<(d0, d1) -> (0)>
#map2 = affine_map<(d0, d1) -> (0, 0, 0, 0)>
module attributes {stable_mosaic.version = 14 : i64} {
  func.func @_pass_c_body(%arg0: i32, %arg1: i32, %arg2: memref<32x10240xi32, #tpu.memory_space<hbm>>, %arg3: memref<32x10240xi32, #tpu.memory_space<hbm>>, %arg4: memref<32x10240xi32, #tpu.memory_space<hbm>>, %arg5: memref<32x10240xf32, #tpu.memory_space<hbm>>, %arg6: memref<10240xf32, #tpu.memory_space<hbm>>, %arg7: memref<10240xf32, #tpu.memory_space<hbm>>, %arg8: memref<32x128x4x80xi32, #tpu.memory_space<hbm>>, %arg9: memref<10240xi32, #tpu.memory_space<vmem>>, %arg10: memref<10240xi32, #tpu.memory_space<vmem>>, %arg11: memref<10240xi32, #tpu.memory_space<vmem>>, %arg12: memref<10240xf32, #tpu.memory_space<vmem>>, %arg13: memref<10240xf32, #tpu.memory_space<vmem>>, %arg14: memref<10240xf32, #tpu.memory_space<vmem>>, %arg15: memref<128x4x80xi32, #tpu.memory_space<vmem>>) attributes {dimension_semantics = [#tpu.dimension_semantics<core_parallel>, #tpu.dimension_semantics<subcore_parallel>], iteration_bounds = array<i64: 2, 16>, scalar_prefetch = 0 : i64, scratch_operands = 7 : i64, tpu.core_type = #tpu.core_type<sc_vector_subcore>, window_params = [{transform_indices = #map}, {transform_indices = #map}, {transform_indices = #map}, {transform_indices = #map}, {transform_indices = #map1}, {transform_indices = #map1}, {transform_indices = #map2}]} {
    %mul3A = arith.constant 2 : i32
    %mul3A_0 = arith.muli %arg1, %mul3A : i32
    %add3A = arith.addi %mul3A_0, %arg0 : i32
    "tpu.region"() ({
      %run_scoped3A = tpu.sem_alloc : memref<!tpu.dma_semaphore, #tpu.memory_space<semaphore_mem>>
      %dma_start3A = arith.constant 0 : i32
      %dma_start3A_7 = tpu.memref_slice %arg2[%add3A, %dma_start3A] : memref<32x10240xi32, #tpu.memory_space<hbm>> -> memref<1x10240xi32, #tpu.memory_space<hbm>>
      %dma_start3A_8 = tpu.memref_squeeze %dma_start3A_7 : memref<1x10240xi32, #tpu.memory_space<hbm>> -> memref<10240xi32, #tpu.memory_space<hbm>>
      %dma_start3A_9 = arith.constant 0 : i32
      %dma_start3A_10 = tpu.memref_slice %arg2[%add3A, %dma_start3A_9] : memref<32x10240xi32, #tpu.memory_space<hbm>> -> memref<1x10240xi32, #tpu.memory_space<hbm>>
      %dma_start3A_11 = tpu.memref_squeeze %dma_start3A_10 : memref<1x10240xi32, #tpu.memory_space<hbm>> -> memref<10240xi32, #tpu.memory_space<hbm>>
      tpu.enqueue_dma source(%dma_start3A_11 : memref<10240xi32, #tpu.memory_space<hbm>>) target(%arg9 : memref<10240xi32, #tpu.memory_space<vmem>>) target_semaphore(%run_scoped3A : memref<!tpu.dma_semaphore, #tpu.memory_space<semaphore_mem>>)
      %dma_wait3A = arith.constant 0 : i32
      %dma_wait3A_12 = tpu.memref_slice %arg2[%add3A, %dma_wait3A] : memref<32x10240xi32, #tpu.memory_space<hbm>> -> memref<1x10240xi32, #tpu.memory_space<hbm>>
      %dma_wait3A_13 = tpu.memref_squeeze %dma_wait3A_12 : memref<1x10240xi32, #tpu.memory_space<hbm>> -> memref<10240xi32, #tpu.memory_space<hbm>>
      %dma_wait3A_14 = arith.constant 0 : i32
      %dma_wait3A_15 = tpu.memref_slice %arg2[%add3A, %dma_wait3A_14] : memref<32x10240xi32, #tpu.memory_space<hbm>> -> memref<1x10240xi32, #tpu.memory_space<hbm>>
      %dma_wait3A_16 = tpu.memref_squeeze %dma_wait3A_15 : memref<1x10240xi32, #tpu.memory_space<hbm>> -> memref<10240xi32, #tpu.memory_space<hbm>>
      tpu.wait_dma2 semaphore(%run_scoped3A : memref<!tpu.dma_semaphore, #tpu.memory_space<semaphore_mem>>) src(%dma_wait3A_16 : memref<10240xi32, #tpu.memory_space<hbm>>) dst(%arg9 : memref<10240xi32, #tpu.memory_space<vmem>>)
      tpu.yield
    }) : () -> ()
    "tpu.region"() ({
      %run_scoped3A = tpu.sem_alloc : memref<!tpu.dma_semaphore, #tpu.memory_space<semaphore_mem>>
      %dma_start3A = arith.constant 0 : i32
      %dma_start3A_7 = tpu.memref_slice %arg3[%add3A, %dma_start3A] : memref<32x10240xi32, #tpu.memory_space<hbm>> -> memref<1x10240xi32, #tpu.memory_space<hbm>>
      %dma_start3A_8 = tpu.memref_squeeze %dma_start3A_7 : memref<1x10240xi32, #tpu.memory_space<hbm>> -> memref<10240xi32, #tpu.memory_space<hbm>>
      %dma_start3A_9 = arith.constant 0 : i32
      %dma_start3A_10 = tpu.memref_slice %arg3[%add3A, %dma_start3A_9] : memref<32x10240xi32, #tpu.memory_space<hbm>> -> memref<1x10240xi32, #tpu.memory_space<hbm>>
      %dma_start3A_11 = tpu.memref_squeeze %dma_start3A_10 : memref<1x10240xi32, #tpu.memory_space<hbm>> -> memref<10240xi32, #tpu.memory_space<hbm>>
      tpu.enqueue_dma source(%dma_start3A_11 : memref<10240xi32, #tpu.memory_space<hbm>>) target(%arg10 : memref<10240xi32, #tpu.memory_space<vmem>>) target_semaphore(%run_scoped3A : memref<!tpu.dma_semaphore, #tpu.memory_space<semaphore_mem>>)
      %dma_wait3A = arith.constant 0 : i32
      %dma_wait3A_12 = tpu.memref_slice %arg3[%add3A, %dma_wait3A] : memref<32x10240xi32, #tpu.memory_space<hbm>> -> memref<1x10240xi32, #tpu.memory_space<hbm>>
      %dma_wait3A_13 = tpu.memref_squeeze %dma_wait3A_12 : memref<1x10240xi32, #tpu.memory_space<hbm>> -> memref<10240xi32, #tpu.memory_space<hbm>>
      %dma_wait3A_14 = arith.constant 0 : i32
      %dma_wait3A_15 = tpu.memref_slice %arg3[%add3A, %dma_wait3A_14] : memref<32x10240xi32, #tpu.memory_space<hbm>> -> memref<1x10240xi32, #tpu.memory_space<hbm>>
      %dma_wait3A_16 = tpu.memref_squeeze %dma_wait3A_15 : memref<1x10240xi32, #tpu.memory_space<hbm>> -> memref<10240xi32, #tpu.memory_space<hbm>>
      tpu.wait_dma2 semaphore(%run_scoped3A : memref<!tpu.dma_semaphore, #tpu.memory_space<semaphore_mem>>) src(%dma_wait3A_16 : memref<10240xi32, #tpu.memory_space<hbm>>) dst(%arg10 : memref<10240xi32, #tpu.memory_space<vmem>>)
      tpu.yield
    }) : () -> ()
    "tpu.region"() ({
      %run_scoped3A = tpu.sem_alloc : memref<!tpu.dma_semaphore, #tpu.memory_space<semaphore_mem>>
      %dma_start3A = arith.constant 0 : i32
      %dma_start3A_7 = tpu.memref_slice %arg4[%add3A, %dma_start3A] : memref<32x10240xi32, #tpu.memory_space<hbm>> -> memref<1x10240xi32, #tpu.memory_space<hbm>>
      %dma_start3A_8 = tpu.memref_squeeze %dma_start3A_7 : memref<1x10240xi32, #tpu.memory_space<hbm>> -> memref<10240xi32, #tpu.memory_space<hbm>>
      %dma_start3A_9 = arith.constant 0 : i32
      %dma_start3A_10 = tpu.memref_slice %arg4[%add3A, %dma_start3A_9] : memref<32x10240xi32, #tpu.memory_space<hbm>> -> memref<1x10240xi32, #tpu.memory_space<hbm>>
      %dma_start3A_11 = tpu.memref_squeeze %dma_start3A_10 : memref<1x10240xi32, #tpu.memory_space<hbm>> -> memref<10240xi32, #tpu.memory_space<hbm>>
      tpu.enqueue_dma source(%dma_start3A_11 : memref<10240xi32, #tpu.memory_space<hbm>>) target(%arg11 : memref<10240xi32, #tpu.memory_space<vmem>>) target_semaphore(%run_scoped3A : memref<!tpu.dma_semaphore, #tpu.memory_space<semaphore_mem>>)
      %dma_wait3A = arith.constant 0 : i32
      %dma_wait3A_12 = tpu.memref_slice %arg4[%add3A, %dma_wait3A] : memref<32x10240xi32, #tpu.memory_space<hbm>> -> memref<1x10240xi32, #tpu.memory_space<hbm>>
      %dma_wait3A_13 = tpu.memref_squeeze %dma_wait3A_12 : memref<1x10240xi32, #tpu.memory_space<hbm>> -> memref<10240xi32, #tpu.memory_space<hbm>>
      %dma_wait3A_14 = arith.constant 0 : i32
      %dma_wait3A_15 = tpu.memref_slice %arg4[%add3A, %dma_wait3A_14] : memref<32x10240xi32, #tpu.memory_space<hbm>> -> memref<1x10240xi32, #tpu.memory_space<hbm>>
      %dma_wait3A_16 = tpu.memref_squeeze %dma_wait3A_15 : memref<1x10240xi32, #tpu.memory_space<hbm>> -> memref<10240xi32, #tpu.memory_space<hbm>>
      tpu.wait_dma2 semaphore(%run_scoped3A : memref<!tpu.dma_semaphore, #tpu.memory_space<semaphore_mem>>) src(%dma_wait3A_16 : memref<10240xi32, #tpu.memory_space<hbm>>) dst(%arg11 : memref<10240xi32, #tpu.memory_space<vmem>>)
      tpu.yield
    }) : () -> ()
    "tpu.region"() ({
      %run_scoped3A = tpu.sem_alloc : memref<!tpu.dma_semaphore, #tpu.memory_space<semaphore_mem>>
      %dma_start3A = arith.constant 0 : i32
      %dma_start3A_7 = tpu.memref_slice %arg5[%add3A, %dma_start3A] : memref<32x10240xf32, #tpu.memory_space<hbm>> -> memref<1x10240xf32, #tpu.memory_space<hbm>>
      %dma_start3A_8 = tpu.memref_squeeze %dma_start3A_7 : memref<1x10240xf32, #tpu.memory_space<hbm>> -> memref<10240xf32, #tpu.memory_space<hbm>>
      %dma_start3A_9 = arith.constant 0 : i32
      %dma_start3A_10 = tpu.memref_slice %arg5[%add3A, %dma_start3A_9] : memref<32x10240xf32, #tpu.memory_space<hbm>> -> memref<1x10240xf32, #tpu.memory_space<hbm>>
      %dma_start3A_11 = tpu.memref_squeeze %dma_start3A_10 : memref<1x10240xf32, #tpu.memory_space<hbm>> -> memref<10240xf32, #tpu.memory_space<hbm>>
      tpu.enqueue_dma source(%dma_start3A_11 : memref<10240xf32, #tpu.memory_space<hbm>>) target(%arg12 : memref<10240xf32, #tpu.memory_space<vmem>>) target_semaphore(%run_scoped3A : memref<!tpu.dma_semaphore, #tpu.memory_space<semaphore_mem>>)
      %dma_wait3A = arith.constant 0 : i32
      %dma_wait3A_12 = tpu.memref_slice %arg5[%add3A, %dma_wait3A] : memref<32x10240xf32, #tpu.memory_space<hbm>> -> memref<1x10240xf32, #tpu.memory_space<hbm>>
      %dma_wait3A_13 = tpu.memref_squeeze %dma_wait3A_12 : memref<1x10240xf32, #tpu.memory_space<hbm>> -> memref<10240xf32, #tpu.memory_space<hbm>>
      %dma_wait3A_14 = arith.constant 0 : i32
      %dma_wait3A_15 = tpu.memref_slice %arg5[%add3A, %dma_wait3A_14] : memref<32x10240xf32, #tpu.memory_space<hbm>> -> memref<1x10240xf32, #tpu.memory_space<hbm>>
      %dma_wait3A_16 = tpu.memref_squeeze %dma_wait3A_15 : memref<1x10240xf32, #tpu.memory_space<hbm>> -> memref<10240xf32, #tpu.memory_space<hbm>>
      tpu.wait_dma2 semaphore(%run_scoped3A : memref<!tpu.dma_semaphore, #tpu.memory_space<semaphore_mem>>) src(%dma_wait3A_16 : memref<10240xf32, #tpu.memory_space<hbm>>) dst(%arg12 : memref<10240xf32, #tpu.memory_space<vmem>>)
      tpu.yield
    }) : () -> ()
    "tpu.region"() ({
      %run_scoped3A = tpu.sem_alloc : memref<!tpu.dma_semaphore, #tpu.memory_space<semaphore_mem>>
      tpu.enqueue_dma source(%arg6 : memref<10240xf32, #tpu.memory_space<hbm>>) target(%arg13 : memref<10240xf32, #tpu.memory_space<vmem>>) target_semaphore(%run_scoped3A : memref<!tpu.dma_semaphore, #tpu.memory_space<semaphore_mem>>)
      tpu.wait_dma2 semaphore(%run_scoped3A : memref<!tpu.dma_semaphore, #tpu.memory_space<semaphore_mem>>) src(%arg6 : memref<10240xf32, #tpu.memory_space<hbm>>) dst(%arg13 : memref<10240xf32, #tpu.memory_space<vmem>>)
      tpu.yield
    }) : () -> ()
    "tpu.region"() ({
      %run_scoped3A = tpu.sem_alloc : memref<!tpu.dma_semaphore, #tpu.memory_space<semaphore_mem>>
      tpu.enqueue_dma source(%arg7 : memref<10240xf32, #tpu.memory_space<hbm>>) target(%arg14 : memref<10240xf32, #tpu.memory_space<vmem>>) target_semaphore(%run_scoped3A : memref<!tpu.dma_semaphore, #tpu.memory_space<semaphore_mem>>)
      tpu.wait_dma2 semaphore(%run_scoped3A : memref<!tpu.dma_semaphore, #tpu.memory_space<semaphore_mem>>) src(%arg7 : memref<10240xf32, #tpu.memory_space<hbm>>) dst(%arg14 : memref<10240xf32, #tpu.memory_space<vmem>>)
      tpu.yield
    }) : () -> ()
    %scan3A = arith.constant 0 : i32
    %scan3A_1 = arith.constant 0 : i32
    %scan3A_2 = arith.constant 128 : i32
    %scan3A_3 = arith.addi %scan3A_1, %scan3A_2 : i32
    %scan3A_4 = arith.constant 1 : i32
    %scan3A_5 = scf.for %scan3A_7 = %scan3A_1 to %scan3A_3 step %scan3A_4 iter_args(%scan3A_8 = %scan3A) -> (i32)  : i32 {
      %mul3A_9 = arith.constant 80 : i32
      %mul3A_10 = arith.muli %scan3A_7, %mul3A_9 : i32
      %add3A_11 = arith.constant 0 : i32
      %add3A_12 = arith.addi %mul3A_10, %add3A_11 : i32
      %get3A = arith.index_cast %add3A_12 : i32 to index
      %get3A_13 = tpu.vector_load %arg9[%get3A] {strides = array<i32>} : memref<10240xi32, #tpu.memory_space<vmem>>, vector<16xi32>,
      %get3A_14 = arith.index_cast %add3A_12 : i32 to index
      %get3A_15 = tpu.vector_load %arg10[%get3A_14] {strides = array<i32>} : memref<10240xi32, #tpu.memory_space<vmem>>, vector<16xi32>,
      %get3A_16 = arith.index_cast %add3A_12 : i32 to index
      %get3A_17 = tpu.vector_load %arg12[%get3A_16] {strides = array<i32>} : memref<10240xf32, #tpu.memory_space<vmem>>, vector<16xf32>,
      %gather3A = tpu.vector_load_idx %arg14[%get3A_13] : memref<10240xf32, #tpu.memory_space<vmem>>[vector<16xi32>], vector<16xf32>,
      %mul3A_18 = arith.mulf %get3A_17, %gather3A : vector<16xf32>
      %gather3A_19 = tpu.vector_load_idx %arg13[%get3A_15] : memref<10240xf32, #tpu.memory_space<vmem>>[vector<16xi32>], vector<16xf32>,
      %mul3A_20 = arith.mulf %mul3A_18, %gather3A_19 : vector<16xf32>
      %swap3A = arith.constant 0 : i32
      %swap3A_21 = arith.index_cast %scan3A_7 : i32 to index
      %swap3A_22 = arith.index_cast %swap3A : i32 to index
      %swap3A_23 = arith.constant 0 : index
      %swap3A_24 = tpu.vector_load %arg15[%swap3A_21, %swap3A_22, %swap3A_23] {strides = array<i32>} : memref<128x4x80xi32, #tpu.memory_space<vmem>>, vector<16xi32>,
      tpu.vector_store %arg15[%swap3A_21, %swap3A_22, %swap3A_23], %get3A_13 {strides = array<i32>} : memref<128x4x80xi32, #tpu.memory_space<vmem>>, vector<16xi32>,
      %swap3A_25 = arith.constant 1 : i32
      %swap3A_26 = arith.index_cast %scan3A_7 : i32 to index
      %swap3A_27 = arith.index_cast %swap3A_25 : i32 to index
      %swap3A_28 = arith.constant 0 : index
      %swap3A_29 = tpu.vector_load %arg15[%swap3A_26, %swap3A_27, %swap3A_28] {strides = array<i32>} : memref<128x4x80xi32, #tpu.memory_space<vmem>>, vector<16xi32>,
      tpu.vector_store %arg15[%swap3A_26, %swap3A_27, %swap3A_28], %get3A_15 {strides = array<i32>} : memref<128x4x80xi32, #tpu.memory_space<vmem>>, vector<16xi32>,
      %get3A_30 = arith.index_cast %add3A_12 : i32 to index
      %get3A_31 = tpu.vector_load %arg11[%get3A_30] {strides = array<i32>} : memref<10240xi32, #tpu.memory_space<vmem>>, vector<16xi32>,
      %swap3A_32 = arith.constant 2 : i32
      %swap3A_33 = arith.index_cast %scan3A_7 : i32 to index
      %swap3A_34 = arith.index_cast %swap3A_32 : i32 to index
      %swap3A_35 = arith.constant 0 : index
      %swap3A_36 = tpu.vector_load %arg15[%swap3A_33, %swap3A_34, %swap3A_35] {strides = array<i32>} : memref<128x4x80xi32, #tpu.memory_space<vmem>>, vector<16xi32>,
      tpu.vector_store %arg15[%swap3A_33, %swap3A_34, %swap3A_35], %get3A_31 {strides = array<i32>} : memref<128x4x80xi32, #tpu.memory_space<vmem>>, vector<16xi32>,
      %bitcast3A = vector.bitcast %mul3A_20 : vector<16xf32> to vector<16xi32>
      %swap3A_37 = arith.constant 3 : i32
      %swap3A_38 = arith.index_cast %scan3A_7 : i32 to index
      %swap3A_39 = arith.index_cast %swap3A_37 : i32 to index
      %swap3A_40 = arith.constant 0 : index
      %swap3A_41 = tpu.vector_load %arg15[%swap3A_38, %swap3A_39, %swap3A_40] {strides = array<i32>} : memref<128x4x80xi32, #tpu.memory_space<vmem>>, vector<16xi32>,
      tpu.vector_store %arg15[%swap3A_38, %swap3A_39, %swap3A_40], %bitcast3A {strides = array<i32>} : memref<128x4x80xi32, #tpu.memory_space<vmem>>, vector<16xi32>,
      %mul3A_42 = arith.constant 80 : i32
      %mul3A_43 = arith.muli %scan3A_7, %mul3A_42 : i32
      %add3A_44 = arith.constant 16 : i32
      %add3A_45 = arith.addi %mul3A_43, %add3A_44 : i32
      %get3A_46 = arith.index_cast %add3A_45 : i32 to index
      %get3A_47 = tpu.vector_load %arg9[%get3A_46] {strides = array<i32>} : memref<10240xi32, #tpu.memory_space<vmem>>, vector<16xi32>,
      %get3A_48 = arith.index_cast %add3A_45 : i32 to index
      %get3A_49 = tpu.vector_load %arg10[%get3A_48] {strides = array<i32>} : memref<10240xi32, #tpu.memory_space<vmem>>, vector<16xi32>,
      %get3A_50 = arith.index_cast %add3A_45 : i32 to index
      %get3A_51 = tpu.vector_load %arg12[%get3A_50] {strides = array<i32>} : memref<10240xf32, #tpu.memory_space<vmem>>, vector<16xf32>,
      %gather3A_52 = tpu.vector_load_idx %arg14[%get3A_47] : memref<10240xf32, #tpu.memory_space<vmem>>[vector<16xi32>], vector<16xf32>,
      %mul3A_53 = arith.mulf %get3A_51, %gather3A_52 : vector<16xf32>
      %gather3A_54 = tpu.vector_load_idx %arg13[%get3A_49] : memref<10240xf32, #tpu.memory_space<vmem>>[vector<16xi32>], vector<16xf32>,
      %mul3A_55 = arith.mulf %mul3A_53, %gather3A_54 : vector<16xf32>
      %swap3A_56 = arith.constant 0 : i32
      %swap3A_57 = arith.index_cast %scan3A_7 : i32 to index
      %swap3A_58 = arith.index_cast %swap3A_56 : i32 to index
      %swap3A_59 = arith.constant 16 : index
      %swap3A_60 = tpu.vector_load %arg15[%swap3A_57, %swap3A_58, %swap3A_59] {strides = array<i32>} : memref<128x4x80xi32, #tpu.memory_space<vmem>>, vector<16xi32>,
      tpu.vector_store %arg15[%swap3A_57, %swap3A_58, %swap3A_59], %get3A_47 {strides = array<i32>} : memref<128x4x80xi32, #tpu.memory_space<vmem>>, vector<16xi32>,
      %swap3A_61 = arith.constant 1 : i32
      %swap3A_62 = arith.index_cast %scan3A_7 : i32 to index
      %swap3A_63 = arith.index_cast %swap3A_61 : i32 to index
      %swap3A_64 = arith.constant 16 : index
      %swap3A_65 = tpu.vector_load %arg15[%swap3A_62, %swap3A_63, %swap3A_64] {strides = array<i32>} : memref<128x4x80xi32, #tpu.memory_space<vmem>>, vector<16xi32>,
      tpu.vector_store %arg15[%swap3A_62, %swap3A_63, %swap3A_64], %get3A_49 {strides = array<i32>} : memref<128x4x80xi32, #tpu.memory_space<vmem>>, vector<16xi32>,
      %get3A_66 = arith.index_cast %add3A_45 : i32 to index
      %get3A_67 = tpu.vector_load %arg11[%get3A_66] {strides = array<i32>} : memref<10240xi32, #tpu.memory_space<vmem>>, vector<16xi32>,
      %swap3A_68 = arith.constant 2 : i32
      %swap3A_69 = arith.index_cast %scan3A_7 : i32 to index
      %swap3A_70 = arith.index_cast %swap3A_68 : i32 to index
      %swap3A_71 = arith.constant 16 : index
      %swap3A_72 = tpu.vector_load %arg15[%swap3A_69, %swap3A_70, %swap3A_71] {strides = array<i32>} : memref<128x4x80xi32, #tpu.memory_space<vmem>>, vector<16xi32>,
      tpu.vector_store %arg15[%swap3A_69, %swap3A_70, %swap3A_71], %get3A_67 {strides = array<i32>} : memref<128x4x80xi32, #tpu.memory_space<vmem>>, vector<16xi32>,
      %bitcast3A_73 = vector.bitcast %mul3A_55 : vector<16xf32> to vector<16xi32>
      %swap3A_74 = arith.constant 3 : i32
      %swap3A_75 = arith.index_cast %scan3A_7 : i32 to index
      %swap3A_76 = arith.index_cast %swap3A_74 : i32 to index
      %swap3A_77 = arith.constant 16 : index
      %swap3A_78 = tpu.vector_load %arg15[%swap3A_75, %swap3A_76, %swap3A_77] {strides = array<i32>} : memref<128x4x80xi32, #tpu.memory_space<vmem>>, vector<16xi32>,
      tpu.vector_store %arg15[%swap3A_75, %swap3A_76, %swap3A_77], %bitcast3A_73 {strides = array<i32>} : memref<128x4x80xi32, #tpu.memory_space<vmem>>, vector<16xi32>,
      %mul3A_79 = arith.constant 80 : i32
      %mul3A_80 = arith.muli %scan3A_7, %mul3A_79 : i32
      %add3A_81 = arith.constant 32 : i32
      %add3A_82 = arith.addi %mul3A_80, %add3A_81 : i32
      %get3A_83 = arith.index_cast %add3A_82 : i32 to index
      %get3A_84 = tpu.vector_load %arg9[%get3A_83] {strides = array<i32>} : memref<10240xi32, #tpu.memory_space<vmem>>, vector<16xi32>,
      %get3A_85 = arith.index_cast %add3A_82 : i32 to index
      %get3A_86 = tpu.vector_load %arg10[%get3A_85] {strides = array<i32>} : memref<10240xi32, #tpu.memory_space<vmem>>, vector<16xi32>,
      %get3A_87 = arith.index_cast %add3A_82 : i32 to index
      %get3A_88 = tpu.vector_load %arg12[%get3A_87] {strides = array<i32>} : memref<10240xf32, #tpu.memory_space<vmem>>, vector<16xf32>,
      %gather3A_89 = tpu.vector_load_idx %arg14[%get3A_84] : memref<10240xf32, #tpu.memory_space<vmem>>[vector<16xi32>], vector<16xf32>,
      %mul3A_90 = arith.mulf %get3A_88, %gather3A_89 : vector<16xf32>
      %gather3A_91 = tpu.vector_load_idx %arg13[%get3A_86] : memref<10240xf32, #tpu.memory_space<vmem>>[vector<16xi32>], vector<16xf32>,
      %mul3A_92 = arith.mulf %mul3A_90, %gather3A_91 : vector<16xf32>
      %swap3A_93 = arith.constant 0 : i32
      %swap3A_94 = arith.index_cast %scan3A_7 : i32 to index
      %swap3A_95 = arith.index_cast %swap3A_93 : i32 to index
      %swap3A_96 = arith.constant 32 : index
      %swap3A_97 = tpu.vector_load %arg15[%swap3A_94, %swap3A_95, %swap3A_96] {strides = array<i32>} : memref<128x4x80xi32, #tpu.memory_space<vmem>>, vector<16xi32>,
      tpu.vector_store %arg15[%swap3A_94, %swap3A_95, %swap3A_96], %get3A_84 {strides = array<i32>} : memref<128x4x80xi32, #tpu.memory_space<vmem>>, vector<16xi32>,
      %swap3A_98 = arith.constant 1 : i32
      %swap3A_99 = arith.index_cast %scan3A_7 : i32 to index
      %swap3A_100 = arith.index_cast %swap3A_98 : i32 to index
      %swap3A_101 = arith.constant 32 : index
      %swap3A_102 = tpu.vector_load %arg15[%swap3A_99, %swap3A_100, %swap3A_101] {strides = array<i32>} : memref<128x4x80xi32, #tpu.memory_space<vmem>>, vector<16xi32>,
      tpu.vector_store %arg15[%swap3A_99, %swap3A_100, %swap3A_101], %get3A_86 {strides = array<i32>} : memref<128x4x80xi32, #tpu.memory_space<vmem>>, vector<16xi32>,
      %get3A_103 = arith.index_cast %add3A_82 : i32 to index
      %get3A_104 = tpu.vector_load %arg11[%get3A_103] {strides = array<i32>} : memref<10240xi32, #tpu.memory_space<vmem>>, vector<16xi32>,
      %swap3A_105 = arith.constant 2 : i32
      %swap3A_106 = arith.index_cast %scan3A_7 : i32 to index
      %swap3A_107 = arith.index_cast %swap3A_105 : i32 to index
      %swap3A_108 = arith.constant 32 : index
      %swap3A_109 = tpu.vector_load %arg15[%swap3A_106, %swap3A_107, %swap3A_108] {strides = array<i32>} : memref<128x4x80xi32, #tpu.memory_space<vmem>>, vector<16xi32>,
      tpu.vector_store %arg15[%swap3A_106, %swap3A_107, %swap3A_108], %get3A_104 {strides = array<i32>} : memref<128x4x80xi32, #tpu.memory_space<vmem>>, vector<16xi32>,
      %bitcast3A_110 = vector.bitcast %mul3A_92 : vector<16xf32> to vector<16xi32>
      %swap3A_111 = arith.constant 3 : i32
      %swap3A_112 = arith.index_cast %scan3A_7 : i32 to index
      %swap3A_113 = arith.index_cast %swap3A_111 : i32 to index
      %swap3A_114 = arith.constant 32 : index
      %swap3A_115 = tpu.vector_load %arg15[%swap3A_112, %swap3A_113, %swap3A_114] {strides = array<i32>} : memref<128x4x80xi32, #tpu.memory_space<vmem>>, vector<16xi32>,
      tpu.vector_store %arg15[%swap3A_112, %swap3A_113, %swap3A_114], %bitcast3A_110 {strides = array<i32>} : memref<128x4x80xi32, #tpu.memory_space<vmem>>, vector<16xi32>,
      %mul3A_116 = arith.constant 80 : i32
      %mul3A_117 = arith.muli %scan3A_7, %mul3A_116 : i32
      %add3A_118 = arith.constant 48 : i32
      %add3A_119 = arith.addi %mul3A_117, %add3A_118 : i32
      %get3A_120 = arith.index_cast %add3A_119 : i32 to index
      %get3A_121 = tpu.vector_load %arg9[%get3A_120] {strides = array<i32>} : memref<10240xi32, #tpu.memory_space<vmem>>, vector<16xi32>,
      %get3A_122 = arith.index_cast %add3A_119 : i32 to index
      %get3A_123 = tpu.vector_load %arg10[%get3A_122] {strides = array<i32>} : memref<10240xi32, #tpu.memory_space<vmem>>, vector<16xi32>,
      %get3A_124 = arith.index_cast %add3A_119 : i32 to index
      %get3A_125 = tpu.vector_load %arg12[%get3A_124] {strides = array<i32>} : memref<10240xf32, #tpu.memory_space<vmem>>, vector<16xf32>,
      %gather3A_126 = tpu.vector_load_idx %arg14[%get3A_121] : memref<10240xf32, #tpu.memory_space<vmem>>[vector<16xi32>], vector<16xf32>,
      %mul3A_127 = arith.mulf %get3A_125, %gather3A_126 : vector<16xf32>
      %gather3A_128 = tpu.vector_load_idx %arg13[%get3A_123] : memref<10240xf32, #tpu.memory_space<vmem>>[vector<16xi32>], vector<16xf32>,
      %mul3A_129 = arith.mulf %mul3A_127, %gather3A_128 : vector<16xf32>
      %swap3A_130 = arith.constant 0 : i32
      %swap3A_131 = arith.index_cast %scan3A_7 : i32 to index
      %swap3A_132 = arith.index_cast %swap3A_130 : i32 to index
      %swap3A_133 = arith.constant 48 : index
      %swap3A_134 = tpu.vector_load %arg15[%swap3A_131, %swap3A_132, %swap3A_133] {strides = array<i32>} : memref<128x4x80xi32, #tpu.memory_space<vmem>>, vector<16xi32>,
      tpu.vector_store %arg15[%swap3A_131, %swap3A_132, %swap3A_133], %get3A_121 {strides = array<i32>} : memref<128x4x80xi32, #tpu.memory_space<vmem>>, vector<16xi32>,
      %swap3A_135 = arith.constant 1 : i32
      %swap3A_136 = arith.index_cast %scan3A_7 : i32 to index
      %swap3A_137 = arith.index_cast %swap3A_135 : i32 to index
      %swap3A_138 = arith.constant 48 : index
      %swap3A_139 = tpu.vector_load %arg15[%swap3A_136, %swap3A_137, %swap3A_138] {strides = array<i32>} : memref<128x4x80xi32, #tpu.memory_space<vmem>>, vector<16xi32>,
      tpu.vector_store %arg15[%swap3A_136, %swap3A_137, %swap3A_138], %get3A_123 {strides = array<i32>} : memref<128x4x80xi32, #tpu.memory_space<vmem>>, vector<16xi32>,
      %get3A_140 = arith.index_cast %add3A_119 : i32 to index
      %get3A_141 = tpu.vector_load %arg11[%get3A_140] {strides = array<i32>} : memref<10240xi32, #tpu.memory_space<vmem>>, vector<16xi32>,
      %swap3A_142 = arith.constant 2 : i32
      %swap3A_143 = arith.index_cast %scan3A_7 : i32 to index
      %swap3A_144 = arith.index_cast %swap3A_142 : i32 to index
      %swap3A_145 = arith.constant 48 : index
      %swap3A_146 = tpu.vector_load %arg15[%swap3A_143, %swap3A_144, %swap3A_145] {strides = array<i32>} : memref<128x4x80xi32, #tpu.memory_space<vmem>>, vector<16xi32>,
      tpu.vector_store %arg15[%swap3A_143, %swap3A_144, %swap3A_145], %get3A_141 {strides = array<i32>} : memref<128x4x80xi32, #tpu.memory_space<vmem>>, vector<16xi32>,
      %bitcast3A_147 = vector.bitcast %mul3A_129 : vector<16xf32> to vector<16xi32>
      %swap3A_148 = arith.constant 3 : i32
      %swap3A_149 = arith.index_cast %scan3A_7 : i32 to index
      %swap3A_150 = arith.index_cast %swap3A_148 : i32 to index
      %swap3A_151 = arith.constant 48 : index
      %swap3A_152 = tpu.vector_load %arg15[%swap3A_149, %swap3A_150, %swap3A_151] {strides = array<i32>} : memref<128x4x80xi32, #tpu.memory_space<vmem>>, vector<16xi32>,
      tpu.vector_store %arg15[%swap3A_149, %swap3A_150, %swap3A_151], %bitcast3A_147 {strides = array<i32>} : memref<128x4x80xi32, #tpu.memory_space<vmem>>, vector<16xi32>,
      %mul3A_153 = arith.constant 80 : i32
      %mul3A_154 = arith.muli %scan3A_7, %mul3A_153 : i32
      %add3A_155 = arith.constant 64 : i32
      %add3A_156 = arith.addi %mul3A_154, %add3A_155 : i32
      %get3A_157 = arith.index_cast %add3A_156 : i32 to index
      %get3A_158 = tpu.vector_load %arg9[%get3A_157] {strides = array<i32>} : memref<10240xi32, #tpu.memory_space<vmem>>, vector<16xi32>,
      %get3A_159 = arith.index_cast %add3A_156 : i32 to index
      %get3A_160 = tpu.vector_load %arg10[%get3A_159] {strides = array<i32>} : memref<10240xi32, #tpu.memory_space<vmem>>, vector<16xi32>,
      %get3A_161 = arith.index_cast %add3A_156 : i32 to index
      %get3A_162 = tpu.vector_load %arg12[%get3A_161] {strides = array<i32>} : memref<10240xf32, #tpu.memory_space<vmem>>, vector<16xf32>,
      %gather3A_163 = tpu.vector_load_idx %arg14[%get3A_158] : memref<10240xf32, #tpu.memory_space<vmem>>[vector<16xi32>], vector<16xf32>,
      %mul3A_164 = arith.mulf %get3A_162, %gather3A_163 : vector<16xf32>
      %gather3A_165 = tpu.vector_load_idx %arg13[%get3A_160] : memref<10240xf32, #tpu.memory_space<vmem>>[vector<16xi32>], vector<16xf32>,
      %mul3A_166 = arith.mulf %mul3A_164, %gather3A_165 : vector<16xf32>
      %swap3A_167 = arith.constant 0 : i32
      %swap3A_168 = arith.index_cast %scan3A_7 : i32 to index
      %swap3A_169 = arith.index_cast %swap3A_167 : i32 to index
      %swap3A_170 = arith.constant 64 : index
      %swap3A_171 = tpu.vector_load %arg15[%swap3A_168, %swap3A_169, %swap3A_170] {strides = array<i32>} : memref<128x4x80xi32, #tpu.memory_space<vmem>>, vector<16xi32>,
      tpu.vector_store %arg15[%swap3A_168, %swap3A_169, %swap3A_170], %get3A_158 {strides = array<i32>} : memref<128x4x80xi32, #tpu.memory_space<vmem>>, vector<16xi32>,
      %swap3A_172 = arith.constant 1 : i32
      %swap3A_173 = arith.index_cast %scan3A_7 : i32 to index
      %swap3A_174 = arith.index_cast %swap3A_172 : i32 to index
      %swap3A_175 = arith.constant 64 : index
      %swap3A_176 = tpu.vector_load %arg15[%swap3A_173, %swap3A_174, %swap3A_175] {strides = array<i32>} : memref<128x4x80xi32, #tpu.memory_space<vmem>>, vector<16xi32>,
      tpu.vector_store %arg15[%swap3A_173, %swap3A_174, %swap3A_175], %get3A_160 {strides = array<i32>} : memref<128x4x80xi32, #tpu.memory_space<vmem>>, vector<16xi32>,
      %get3A_177 = arith.index_cast %add3A_156 : i32 to index
      %get3A_178 = tpu.vector_load %arg11[%get3A_177] {strides = array<i32>} : memref<10240xi32, #tpu.memory_space<vmem>>, vector<16xi32>,
      %swap3A_179 = arith.constant 2 : i32
      %swap3A_180 = arith.index_cast %scan3A_7 : i32 to index
      %swap3A_181 = arith.index_cast %swap3A_179 : i32 to index
      %swap3A_182 = arith.constant 64 : index
      %swap3A_183 = tpu.vector_load %arg15[%swap3A_180, %swap3A_181, %swap3A_182] {strides = array<i32>} : memref<128x4x80xi32, #tpu.memory_space<vmem>>, vector<16xi32>,
      tpu.vector_store %arg15[%swap3A_180, %swap3A_181, %swap3A_182], %get3A_178 {strides = array<i32>} : memref<128x4x80xi32, #tpu.memory_space<vmem>>, vector<16xi32>,
      %bitcast3A_184 = vector.bitcast %mul3A_166 : vector<16xf32> to vector<16xi32>
      %swap3A_185 = arith.constant 3 : i32
      %swap3A_186 = arith.index_cast %scan3A_7 : i32 to index
      %swap3A_187 = arith.index_cast %swap3A_185 : i32 to index
      %swap3A_188 = arith.constant 64 : index
      %swap3A_189 = tpu.vector_load %arg15[%swap3A_186, %swap3A_187, %swap3A_188] {strides = array<i32>} : memref<128x4x80xi32, #tpu.memory_space<vmem>>, vector<16xi32>,
      tpu.vector_store %arg15[%swap3A_186, %swap3A_187, %swap3A_188], %bitcast3A_184 {strides = array<i32>} : memref<128x4x80xi32, #tpu.memory_space<vmem>>, vector<16xi32>,
      %scan3A_190 = arith.constant 0 : i32
      scf.yield %scan3A_190 : i32
    }
    %scan3A_6 = arith.constant 128 : i32
    "tpu.region"() ({
      %run_scoped3A = tpu.sem_alloc : memref<!tpu.dma_semaphore, #tpu.memory_space<semaphore_mem>>
      %dma_start3A = arith.constant 0 : i32
      %dma_start3A_7 = arith.constant 0 : i32
      %dma_start3A_8 = arith.constant 0 : i32
      %dma_start3A_9 = tpu.memref_slice %arg8[%add3A, %dma_start3A, %dma_start3A_7, %dma_start3A_8] : memref<32x128x4x80xi32, #tpu.memory_space<hbm>> -> memref<1x128x4x80xi32, #tpu.memory_space<hbm>>
      %dma_start3A_10 = tpu.memref_squeeze %dma_start3A_9 : memref<1x128x4x80xi32, #tpu.memory_space<hbm>> -> memref<128x4x80xi32, #tpu.memory_space<hbm>>
      %dma_start3A_11 = arith.constant 0 : i32
      %dma_start3A_12 = arith.constant 0 : i32
      %dma_start3A_13 = arith.constant 0 : i32
      %dma_start3A_14 = tpu.memref_slice %arg8[%add3A, %dma_start3A_11, %dma_start3A_12, %dma_start3A_13] : memref<32x128x4x80xi32, #tpu.memory_space<hbm>> -> memref<1x128x4x80xi32, #tpu.memory_space<hbm>>
      %dma_start3A_15 = tpu.memref_squeeze %dma_start3A_14 : memref<1x128x4x80xi32, #tpu.memory_space<hbm>> -> memref<128x4x80xi32, #tpu.memory_space<hbm>>
      tpu.enqueue_dma source(%arg15 : memref<128x4x80xi32, #tpu.memory_space<vmem>>) target(%dma_start3A_15 : memref<128x4x80xi32, #tpu.memory_space<hbm>>) target_semaphore(%run_scoped3A : memref<!tpu.dma_semaphore, #tpu.memory_space<semaphore_mem>>)
      %dma_wait3A = arith.constant 0 : i32
      %dma_wait3A_16 = arith.constant 0 : i32
      %dma_wait3A_17 = arith.constant 0 : i32
      %dma_wait3A_18 = tpu.memref_slice %arg8[%add3A, %dma_wait3A, %dma_wait3A_16, %dma_wait3A_17] : memref<32x128x4x80xi32, #tpu.memory_space<hbm>> -> memref<1x128x4x80xi32, #tpu.memory_space<hbm>>
      %dma_wait3A_19 = tpu.memref_squeeze %dma_wait3A_18 : memref<1x128x4x80xi32, #tpu.memory_space<hbm>> -> memref<128x4x80xi32, #tpu.memory_space<hbm>>
      %dma_wait3A_20 = arith.constant 0 : i32
      %dma_wait3A_21 = arith.constant 0 : i32
      %dma_wait3A_22 = arith.constant 0 : i32
      %dma_wait3A_23 = tpu.memref_slice %arg8[%add3A, %dma_wait3A_20, %dma_wait3A_21, %dma_wait3A_22] : memref<32x128x4x80xi32, #tpu.memory_space<hbm>> -> memref<1x128x4x80xi32, #tpu.memory_space<hbm>>
      %dma_wait3A_24 = tpu.memref_squeeze %dma_wait3A_23 : memref<1x128x4x80xi32, #tpu.memory_space<hbm>> -> memref<128x4x80xi32, #tpu.memory_space<hbm>>
      tpu.wait_dma2 semaphore(%run_scoped3A : memref<!tpu.dma_semaphore, #tpu.memory_space<semaphore_mem>>) src(%arg15 : memref<128x4x80xi32, #tpu.memory_space<vmem>>) dst(%dma_wait3A_24 : memref<128x4x80xi32, #tpu.memory_space<hbm>>)
      tpu.yield
    }) : () -> ()
    return
  }
}

module attributes {stable_mosaic.version = 14 : i64} {
  func.func @_k1_body(%arg0: memref<256x128xf32, #tpu.memory_space<vmem>>, %arg1: memref<128x128xf32, #tpu.memory_space<vmem>>, %arg2: memref<1x128xf32, #tpu.memory_space<vmem>>, %arg3: memref<1x256xf32, #tpu.memory_space<vmem>>, %arg4: memref<1xf32, #tpu.memory_space<vmem>>, %arg5: memref<128x128xf32, #tpu.memory_space<vmem>>, %arg6: memref<2x256xf32, #tpu.memory_space<vmem>>, %arg7: memref<256x128xf32, #tpu.memory_space<vmem>>) attributes {dimension_semantics = [], scalar_prefetch = 0 : i64, scratch_operands = 0 : i64, tpu.core_type = #tpu.core_type<tc>} {
    %get3A = arith.constant 0 : index
    %get3A_0 = arith.constant 0 : index
    %get3A_1 = vector.load %arg0[%get3A, %get3A_0] : memref<256x128xf32, #tpu.memory_space<vmem>>, vector<256x128xf32>
    %get3A_2 = arith.constant 0 : index
    %get3A_3 = arith.constant 0 : index
    %get3A_4 = vector.load %arg3[%get3A_2, %get3A_3] : memref<1x256xf32, #tpu.memory_space<vmem>>, vector<1x256xf32>
    %slice3A = vector.extract_strided_slice %get3A_4 {offsets = [0, 0], sizes = [1, 128], strides = [1, 1]} : vector<1x256xf32> to vector<1x128xf32>
    %slice3A_5 = vector.extract_strided_slice %get3A_4 {offsets = [0, 128], sizes = [1, 128], strides = [1, 1]} : vector<1x256xf32> to vector<1x128xf32>
    %get3A_6 = arith.constant 0 : index
    %get3A_7 = arith.constant 0 : index
    %get3A_8 = vector.load %arg1[%get3A_6, %get3A_7] : memref<128x128xf32, #tpu.memory_space<vmem>>, vector<128x128xf32>
    %get3A_9 = arith.constant 0 : index
    %get3A_10 = arith.constant 0 : index
    %get3A_11 = vector.load %arg2[%get3A_9, %get3A_10] : memref<1x128xf32, #tpu.memory_space<vmem>>, vector<1x128xf32>
    %dot_general3A = arith.constant dense<0.000000e+00> : vector<1x128xf32>
    %dot_general3A_12 = tpu.matmul %slice3A, %get3A_8, %dot_general3A {dimension_numbers = #tpu.dot_dimension_numbers<[1], [0], [0], [1], [0, 0, 1, 1], [], []>, transpose_lhs_hint = false} : vector<1x128xf32>, vector<128x128xf32>, vector<1x128xf32> -> vector<1x128xf32>
    %dot_general3A_13 = arith.constant dense<0.000000e+00> : vector<1x128xf32>
    %dot_general3A_14 = tpu.matmul %slice3A_5, %get3A_8, %dot_general3A_13 {dimension_numbers = #tpu.dot_dimension_numbers<[1], [0], [0], [1], [0, 0, 1, 1], [], []>, transpose_lhs_hint = false} : vector<1x128xf32>, vector<128x128xf32>, vector<1x128xf32> -> vector<1x128xf32>
    %mul3A = arith.mulf %slice3A, %get3A_11 : vector<1x128xf32>
    %reduce_sum3A = vector.shape_cast %mul3A : vector<1x128xf32> to vector<1x1x128xf32>
    %reduce_sum3A_15 = arith.constant dense<0.000000e+00> : vector<1xf32>
    %reduce_sum3A_16 = vector.multi_reduction <add>, %reduce_sum3A, %reduce_sum3A_15 [1, 2] : vector<1x1x128xf32> to vector<1xf32>
    %reduce_sum3A_17 = vector.shape_cast %reduce_sum3A_16 : vector<1xf32> to vector<1x1x1xf32>
    %reduce_sum3A_18 = vector.extract %reduce_sum3A_17[0, 0, 0] : f32 from vector<1x1x1xf32>
    %mul3A_19 = arith.mulf %slice3A_5, %get3A_11 : vector<1x128xf32>
    %reduce_sum3A_20 = vector.shape_cast %mul3A_19 : vector<1x128xf32> to vector<1x1x128xf32>
    %reduce_sum3A_21 = arith.constant dense<0.000000e+00> : vector<1xf32>
    %reduce_sum3A_22 = vector.multi_reduction <add>, %reduce_sum3A_20, %reduce_sum3A_21 [1, 2] : vector<1x1x128xf32> to vector<1xf32>
    %reduce_sum3A_23 = vector.shape_cast %reduce_sum3A_22 : vector<1xf32> to vector<1x1x1xf32>
    %reduce_sum3A_24 = vector.extract %reduce_sum3A_23[0, 0, 0] : f32 from vector<1x1x1xf32>
    %get3A_25 = arith.constant 0 : index
    %get3A_26 = vector.load %arg4[%get3A_25] : memref<1xf32, #tpu.memory_space<vmem>>, vector<1xf32>
    %get3A_27 = vector.extract %get3A_26[0] : f32 from vector<1xf32>
    %add3A = arith.addf %reduce_sum3A_24, %get3A_27 : f32
    %concatenate3A = tpu.concatenate %dot_general3A_12, %dot_general3A_14 in 0 : vector<1x128xf32>, vector<1x128xf32> -> vector<2x128xf32>
    %dot_general3A_28 = arith.constant dense<0.000000e+00> : vector<2x256xf32>
    %dot_general3A_29 = tpu.matmul %concatenate3A, %get3A_1, %dot_general3A_28 {dimension_numbers = #tpu.dot_dimension_numbers<[1], [1], [0], [0], [0, 0, 1, 0], [], []>, transpose_lhs_hint = false} : vector<2x128xf32>, vector<256x128xf32>, vector<2x256xf32> -> vector<2x256xf32>
    %reshape3A = vector.broadcast %reduce_sum3A_18 : f32 to vector<1x1xf32>
    %reshape3A_30 = vector.broadcast %add3A : f32 to vector<1x1xf32>
    %concatenate3A_31 = tpu.concatenate %reshape3A, %reshape3A_30 in 0 : vector<1x1xf32>, vector<1x1xf32> -> vector<2x1xf32>
    %add3A_32 = vector.broadcast %concatenate3A_31 : vector<2x1xf32> to vector<2x256xf32>
    %add3A_33 = arith.addf %dot_general3A_29, %add3A_32 : vector<2x256xf32>
    %swap3A = arith.constant 0 : index
    %swap3A_34 = arith.constant 0 : index
    %swap3A_35 = vector.load %arg6[%swap3A, %swap3A_34] : memref<2x256xf32, #tpu.memory_space<vmem>>, vector<2x256xf32>
    tpu.vector_store %arg6[%swap3A, %swap3A_34], %add3A_33 {strides = array<i32>} : memref<2x256xf32, #tpu.memory_space<vmem>>, vector<2x256xf32>,
    %get3A_36 = arith.constant 0 : index
    %get3A_37 = arith.constant 0 : index
    %get3A_38 = vector.load %arg5[%get3A_36, %get3A_37] : memref<128x128xf32, #tpu.memory_space<vmem>>, vector<128x128xf32>
    %dot_general3A_39 = arith.constant dense<0.000000e+00> : vector<256x128xf32>
    %dot_general3A_40 = tpu.matmul %get3A_1, %get3A_38, %dot_general3A_39 {dimension_numbers = #tpu.dot_dimension_numbers<[1], [0], [0], [1], [0, 0, 1, 1], [], []>, transpose_lhs_hint = false} : vector<256x128xf32>, vector<128x128xf32>, vector<256x128xf32> -> vector<256x128xf32>
    %swap3A_41 = arith.constant 0 : index
    %swap3A_42 = arith.constant 0 : index
    %swap3A_43 = vector.load %arg7[%swap3A_41, %swap3A_42] : memref<256x128xf32, #tpu.memory_space<vmem>>, vector<256x128xf32>
    tpu.vector_store %arg7[%swap3A_41, %swap3A_42], %dot_general3A_40 {strides = array<i32>} : memref<256x128xf32, #tpu.memory_space<vmem>>, vector<256x128xf32>,
    return
  }
}

module attributes {stable_mosaic.version = 14 : i64} {
  func.func @_k3_body(%arg0: memref<32x80x128xf32, #tpu.memory_space<vmem>>, %arg1: memref<32x80x128xf32, #tpu.memory_space<vmem>>, %arg2: memref<80x128xf32, #tpu.memory_space<vmem>>, %arg3: memref<80x128xf32, #tpu.memory_space<vmem>>) attributes {dimension_semantics = [], scalar_prefetch = 0 : i64, scratch_operands = 0 : i64, tpu.core_type = #tpu.core_type<tc>} {
    %get3A = arith.constant 0 : index
    %get3A_0 = arith.constant 0 : index
    %get3A_1 = arith.constant 0 : index
    %get3A_2 = vector.load %arg0[%get3A, %get3A_0, %get3A_1] : memref<32x80x128xf32, #tpu.memory_space<vmem>>, vector<32x80x128xf32>
    %reduce_sum3A = arith.constant dense<0.000000e+00> : vector<80x128xf32>
    %reduce_sum3A_3 = vector.multi_reduction <add>, %get3A_2, %reduce_sum3A [0] : vector<32x80x128xf32> to vector<80x128xf32>
    %get3A_4 = arith.constant 0 : index
    %get3A_5 = arith.constant 0 : index
    %get3A_6 = arith.constant 0 : index
    %get3A_7 = vector.load %arg1[%get3A_4, %get3A_5, %get3A_6] : memref<32x80x128xf32, #tpu.memory_space<vmem>>, vector<32x80x128xf32>
    %reduce_sum3A_8 = arith.constant dense<0.000000e+00> : vector<80x128xf32>
    %reduce_sum3A_9 = vector.multi_reduction <add>, %get3A_7, %reduce_sum3A_8 [0] : vector<32x80x128xf32> to vector<80x128xf32>
    %gt3A = arith.constant 0.000000e+00 : f32
    %gt3A_10 = vector.broadcast %gt3A : f32 to vector<80x128xf32>
    %gt3A_11 = arith.cmpf ogt, %reduce_sum3A_3, %gt3A_10 : vector<80x128xf32>
    %rsqrt3A = math.rsqrt %reduce_sum3A_3 : vector<80x128xf32>
    %jit3A = arith.constant 0.000000e+00 : f32
    %broadcast_in_dim3A = vector.broadcast %jit3A : f32 to vector<80x128xf32>
    %select_n3A = arith.select %gt3A_11, %rsqrt3A, %broadcast_in_dim3A : vector<80x128xi1>, vector<80x128xf32>
    %swap3A = arith.constant 0 : index
    %swap3A_12 = arith.constant 0 : index
    %swap3A_13 = vector.load %arg2[%swap3A, %swap3A_12] : memref<80x128xf32, #tpu.memory_space<vmem>>, vector<80x128xf32>
    tpu.vector_store %arg2[%swap3A, %swap3A_12], %select_n3A {strides = array<i32>} : memref<80x128xf32, #tpu.memory_space<vmem>>, vector<80x128xf32>,
    %gt3A_14 = arith.constant 0.000000e+00 : f32
    %gt3A_15 = vector.broadcast %gt3A_14 : f32 to vector<80x128xf32>
    %gt3A_16 = arith.cmpf ogt, %reduce_sum3A_9, %gt3A_15 : vector<80x128xf32>
    %div3A = arith.divf %select_n3A, %reduce_sum3A_9 : vector<80x128xf32>
    %jit3A_17 = arith.constant 0.000000e+00 : f32
    %broadcast_in_dim3A_18 = vector.broadcast %jit3A_17 : f32 to vector<80x128xf32>
    %select_n3A_19 = arith.select %gt3A_16, %div3A, %broadcast_in_dim3A_18 : vector<80x128xi1>, vector<80x128xf32>
    %swap3A_20 = arith.constant 0 : index
    %swap3A_21 = arith.constant 0 : index
    %swap3A_22 = vector.load %arg3[%swap3A_20, %swap3A_21] : memref<80x128xf32, #tpu.memory_space<vmem>>, vector<80x128xf32>
    tpu.vector_store %arg3[%swap3A_20, %swap3A_21], %select_n3A_19 {strides = array<i32>} : memref<80x128xf32, #tpu.memory_space<vmem>>, vector<80x128xf32>,
    return
  }
}

module attributes {stable_mosaic.version = 14 : i64} {
  func.func @_k5_body(%arg0: memref<2x10240x128xf32, #tpu.memory_space<vmem>>, %arg1: memref<10240x128xf32, #tpu.memory_space<vmem>>, %arg2: memref<1x128xf32, #tpu.memory_space<vmem>>, %arg3: memref<128x128xf32, #tpu.memory_space<vmem>>, %arg4: memref<128x128xf32, #tpu.memory_space<vmem>>, %arg5: memref<1x128xf32, #tpu.memory_space<vmem>>, %arg6: memref<1x128xf32, #tpu.memory_space<vmem>>, %arg7: memref<1x128xf32, #tpu.memory_space<vmem>>, %arg8: memref<10240x128xf32, #tpu.memory_space<vmem>>) attributes {dimension_semantics = [], scalar_prefetch = 0 : i64, scratch_operands = 0 : i64, tpu.core_type = #tpu.core_type<tc>} {
    %get3A = arith.constant 0 : index
    %get3A_0 = arith.constant 0 : index
    %get3A_1 = arith.constant 0 : index
    %get3A_2 = vector.load %arg0[%get3A, %get3A_0, %get3A_1] : memref<2x10240x128xf32, #tpu.memory_space<vmem>>, vector<1x10240x128xf32>
    %get3A_3 = vector.shape_cast %get3A_2 : vector<1x10240x128xf32> to vector<10240x128xf32>
    %get3A_4 = arith.constant 1 : index
    %get3A_5 = arith.constant 0 : index
    %get3A_6 = arith.constant 0 : index
    %get3A_7 = vector.load %arg0[%get3A_4, %get3A_5, %get3A_6] : memref<2x10240x128xf32, #tpu.memory_space<vmem>>, vector<1x10240x128xf32>
    %get3A_8 = vector.shape_cast %get3A_7 : vector<1x10240x128xf32> to vector<10240x128xf32>
    %add3A = arith.addf %get3A_3, %get3A_8 : vector<10240x128xf32>
    %get3A_9 = arith.constant 0 : index
    %get3A_10 = arith.constant 0 : index
    %get3A_11 = vector.load %arg3[%get3A_9, %get3A_10] : memref<128x128xf32, #tpu.memory_space<vmem>>, vector<128x128xf32>
    %dot_general3A = arith.constant dense<0.000000e+00> : vector<10240x128xf32>
    %dot_general3A_12 = tpu.matmul %add3A, %get3A_11, %dot_general3A {dimension_numbers = #tpu.dot_dimension_numbers<[1], [0], [0], [1], [0, 0, 1, 1], [], []>, transpose_lhs_hint = false} : vector<10240x128xf32>, vector<128x128xf32>, vector<10240x128xf32> -> vector<10240x128xf32>
    %get3A_13 = arith.constant 0 : index
    %get3A_14 = arith.constant 0 : index
    %get3A_15 = vector.load %arg1[%get3A_13, %get3A_14] : memref<10240x128xf32, #tpu.memory_space<vmem>>, vector<10240x128xf32>
    %get3A_16 = arith.constant 0 : index
    %get3A_17 = arith.constant 0 : index
    %get3A_18 = vector.load %arg2[%get3A_16, %get3A_17] : memref<1x128xf32, #tpu.memory_space<vmem>>, vector<1x128xf32>
    %mul3A = vector.broadcast %get3A_18 : vector<1x128xf32> to vector<10240x128xf32>
    %mul3A_19 = arith.mulf %get3A_15, %mul3A : vector<10240x128xf32>
    %get3A_20 = arith.constant 0 : index
    %get3A_21 = arith.constant 0 : index
    %get3A_22 = vector.load %arg4[%get3A_20, %get3A_21] : memref<128x128xf32, #tpu.memory_space<vmem>>, vector<128x128xf32>
    %dot_general3A_23 = arith.constant dense<0.000000e+00> : vector<10240x128xf32>
    %dot_general3A_24 = tpu.matmul %mul3A_19, %get3A_22, %dot_general3A_23 {dimension_numbers = #tpu.dot_dimension_numbers<[1], [0], [0], [1], [0, 0, 1, 1], [], []>, transpose_lhs_hint = false} : vector<10240x128xf32>, vector<128x128xf32>, vector<10240x128xf32> -> vector<10240x128xf32>
    %mul3A_25 = arith.constant 5.000000e-01 : f32
    %mul3A_26 = vector.broadcast %mul3A_25 : f32 to vector<10240x128xf32>
    %mul3A_27 = arith.mulf %dot_general3A_12, %mul3A_26 : vector<10240x128xf32>
    %mul3A_28 = arith.constant 5.000000e-01 : f32
    %mul3A_29 = vector.broadcast %mul3A_28 : f32 to vector<10240x128xf32>
    %mul3A_30 = arith.mulf %dot_general3A_24, %mul3A_29 : vector<10240x128xf32>
    %add3A_31 = arith.addf %mul3A_27, %mul3A_30 : vector<10240x128xf32>
    %get3A_32 = arith.constant 0 : index
    %get3A_33 = arith.constant 0 : index
    %get3A_34 = vector.load %arg5[%get3A_32, %get3A_33] : memref<1x128xf32, #tpu.memory_space<vmem>>, vector<1x128xf32>
    %add3A_35 = vector.broadcast %get3A_34 : vector<1x128xf32> to vector<10240x128xf32>
    %add3A_36 = arith.addf %add3A_31, %add3A_35 : vector<10240x128xf32>
    %iota3A = tpu.iota {dimensions = array<i32: 0>} : vector<10240x1xi32>
    %lt3A = arith.constant 10000 : i32
    %lt3A_37 = vector.broadcast %lt3A : i32 to vector<10240x1xi32>
    %lt3A_38 = arith.cmpi slt, %iota3A, %lt3A_37 : vector<10240x1xi32>
    %convert_element_type3A = arith.extui %lt3A_38 : vector<10240x1xi1> to vector<10240x1xi32>
    %convert_element_type3A_39 = arith.sitofp %convert_element_type3A : vector<10240x1xi32> to vector<10240x1xf32>
    %mul3A_40 = vector.broadcast %convert_element_type3A_39 : vector<10240x1xf32> to vector<10240x128xf32>
    %mul3A_41 = arith.mulf %add3A_36, %mul3A_40 : vector<10240x128xf32>
    %reduce_sum3A = arith.constant dense<0.000000e+00> : vector<128xf32>
    %reduce_sum3A_42 = vector.multi_reduction <add>, %mul3A_41, %reduce_sum3A [0] : vector<10240x128xf32> to vector<128xf32>
    %broadcast_in_dim3A = vector.shape_cast %reduce_sum3A_42 : vector<128xf32> to vector<1x128xf32>
    %div3A = arith.constant 1.000000e+04 : f32
    %div3A_43 = vector.broadcast %div3A : f32 to vector<1x128xf32>
    %div3A_44 = arith.divf %broadcast_in_dim3A, %div3A_43 : vector<1x128xf32>
    %mul3A_45 = arith.mulf %mul3A_41, %mul3A_41 : vector<10240x128xf32>
    %reduce_sum3A_46 = arith.constant dense<0.000000e+00> : vector<128xf32>
    %reduce_sum3A_47 = vector.multi_reduction <add>, %mul3A_45, %reduce_sum3A_46 [0] : vector<10240x128xf32> to vector<128xf32>
    %broadcast_in_dim3A_48 = vector.shape_cast %reduce_sum3A_47 : vector<128xf32> to vector<1x128xf32>
    %div3A_49 = arith.constant 1.000000e+04 : f32
    %div3A_50 = vector.broadcast %div3A_49 : f32 to vector<1x128xf32>
    %div3A_51 = arith.divf %broadcast_in_dim3A_48, %div3A_50 : vector<1x128xf32>
    %mul3A_52 = arith.mulf %div3A_44, %div3A_44 : vector<1x128xf32>
    %sub3A = arith.subf %div3A_51, %mul3A_52 : vector<1x128xf32>
    %sub3A_53 = vector.broadcast %div3A_44 : vector<1x128xf32> to vector<10240x128xf32>
    %sub3A_54 = arith.subf %add3A_36, %sub3A_53 : vector<10240x128xf32>
    %add3A_55 = arith.constant 9.99999974E-6 : f32
    %add3A_56 = vector.broadcast %add3A_55 : f32 to vector<1x128xf32>
    %add3A_57 = arith.addf %sub3A, %add3A_56 : vector<1x128xf32>
    %rsqrt3A = math.rsqrt %add3A_57 : vector<1x128xf32>
    %mul3A_58 = vector.broadcast %rsqrt3A : vector<1x128xf32> to vector<10240x128xf32>
    %mul3A_59 = arith.mulf %sub3A_54, %mul3A_58 : vector<10240x128xf32>
    %get3A_60 = arith.constant 0 : index
    %get3A_61 = arith.constant 0 : index
    %get3A_62 = vector.load %arg6[%get3A_60, %get3A_61] : memref<1x128xf32, #tpu.memory_space<vmem>>, vector<1x128xf32>
    %mul3A_63 = vector.broadcast %get3A_62 : vector<1x128xf32> to vector<10240x128xf32>
    %mul3A_64 = arith.mulf %mul3A_59, %mul3A_63 : vector<10240x128xf32>
    %get3A_65 = arith.constant 0 : index
    %get3A_66 = arith.constant 0 : index
    %get3A_67 = vector.load %arg7[%get3A_65, %get3A_66] : memref<1x128xf32, #tpu.memory_space<vmem>>, vector<1x128xf32>
    %add3A_68 = vector.broadcast %get3A_67 : vector<1x128xf32> to vector<10240x128xf32>
    %add3A_69 = arith.addf %mul3A_64, %add3A_68 : vector<10240x128xf32>
    %ge3A = arith.constant 0.000000e+00 : f32
    %ge3A_70 = vector.broadcast %ge3A : f32 to vector<10240x128xf32>
    %ge3A_71 = arith.cmpf oge, %add3A_69, %ge3A_70 : vector<10240x128xf32>
    %mul3A_72 = arith.constant 0.00999999977 : f32
    %mul3A_73 = vector.broadcast %mul3A_72 : f32 to vector<10240x128xf32>
    %mul3A_74 = arith.mulf %mul3A_73, %add3A_69 : vector<10240x128xf32>
    %select_n3A = arith.select %ge3A_71, %add3A_69, %mul3A_74 : vector<10240x128xi1>, vector<10240x128xf32>
    %swap3A = arith.constant 0 : index
    %swap3A_75 = arith.constant 0 : index
    %swap3A_76 = vector.load %arg8[%swap3A, %swap3A_75] : memref<10240x128xf32, #tpu.memory_space<vmem>>, vector<10240x128xf32>
    tpu.vector_store %arg8[%swap3A, %swap3A_75], %select_n3A {strides = array<i32>} : memref<10240x128xf32, #tpu.memory_space<vmem>>, vector<10240x128xf32>,
    return
  }
}

</mosaic_0001>

<sc_bundles>
// kernel: kernel.11.cloned.1.call-start
scs
__scs_entry_jumppad:
0x0: {  	(pc) =	sbr.rel $0x88, $3  }
0x1: {  	(tag) =	ssettag $0x0;
	lr =	simm.s32 $0x1  }
0x2: {  	[smem:$0x3F91] =	sst lr;
	_ =	strace $0xD0000000  }
0x3: {  	_ = 	snop  }
0x4: {  	_ = 	snop  }
0x5: {  	_ = 	snop  }
0x6: {  	_ = 	snop  }
0x7: {  	_ = 	snop  }
__scs_overlays_trampoline_lowered:
0x8: {  	[smem:$0x3FA0] =	sst s0  }
0x9: {  	[smem:$0x3FA1] =	sst s1  }
0xa: {  	[smem:$0x3FA2] =	sst s2  }
0xb: {  	[smem:$0x3FA3] =	sst s3  }
0xc: {  	[smem:$0x3FA4] =	sst s4  }
0xd: {  	[smem:$0x3FA5] =	sst s5  }
0xe: {  	[smem:$0x3FA6] =	sst s6  }
0xf: {  	[smem:$0x3FA7] =	sst s7  }
0x10: {  	[smem:$0x3FA8] =	sst s8  }
0x11: {  	[smem:$0x3FA9] =	sst s9;
	s0 =	simm.s32 @!p0 $0x0  }
0x12: {  	s1 =	sld [smem:$0x3F8F];
	s0 =	simm.s32 @p0 $0x1  }
0x13: {  	[smem:$0x3FAA] =	sst s0;
	s0 =	simm.s32 @!p1 $0x0  }
0x14: {  	s2 =	sld [smem:$0x3F8E];
	s0 =	simm.s32 @p1 $0x1  }
0x15: {  	[smem:$0x3FAB] =	sst s0;
	s0 =	simm.s32 @!p2 $0x0  }
0x16: {  	s3 =	sld [smem:$0x3FDB];
	s0 =	simm.s32 @p2 $0x1  }
0x17: {  	s4 =	simm.s32 $0x1BF5;
	[smem:$0x3FAD] =	sst s0  }
0x18: {  	s0 =	sld [smem:$0x3F90];
	_ =	swait.ge [sflag:s4], $0x0  }
0x19: {  	s7 =	sld [smem:$0x3F91]  }
0x1a: {  	s8 =	sadd.s32 $0xFFFFE003, lr  }
0x1b: {  	s9 =	sadd.s32 $0xFFFFFEF7, lr;
	s5 =	simm.s32 $0xFFFFFFFF;
	p2 =	slt.u32 s8, $0xFFFFF086  }
0x1c: {  	p1 =	slt.u32 s9, $0xF7A;
	s5 =	simm.s32 @!p2 $0x0  }
0x1d: {  	s5 =	simm.s32 @p1 $0x1;
	p0 =	seq.s32 s7, s2  }
0x1e: {  	s7 =	smul.u32 @!p0 $0xF7A, s2;
	p2 =	seq.s32 @!p0 s5, $0x0  }
0x1f: {  	s9 =	smul.u32 $0xF7A, s1;
	s8 =	simm.s32 @!p0 $0x1BF5;
	p2 =	por !p2, p0  }
0x20: {  	[sflag:s8] =	ssyncset.s32 @!p0 $0xFFFFF086;
	s6 =	sadd.s32 @!p0 s3, s7;
	s7 =	simm.s32 @!p0 $0x108  }
0x21: {  	s3 =	sadd.s32 s3, s9;
	s6 =	sadd.s32 @!p0 $0x88, s6;
	s7 =	simm.s32 @p2 $0x1082  }
0x22: {  	[simem:s7], [sflag:s8] =	dma.local @!p0 [hbm:s6], $0xF7A  }
0x23: {  	s9 =	sor.u32 $0xD0000000, s2;
	s6 =	simm.s32 $0x108;
	_ =	swait.ge @!p0 [sflag:s8], $0x0  }
0x24: {  	s3 =	sadd.s32 $0x88, s3;
	s6 =	simm.s32 @!p1 $0x1082;
	[sflag:s4] =	ssyncset.s32 $0xFFFFF086  }
0x25: {  	[simem:s6], [sflag:s4] =	dma.local [hbm:s3], $0xF7A  }
0x26: {  	[smem:$0x3F91] =	sst s1;
	(tag) =	ssettag s2;
	_ =	strace s9  }
0x27: {  	s1 =	sld [smem:$0x3FA1]  }
0x28: {  	s2 =	sld [smem:$0x3FA2]  }
0x29: {  	s4 =	sld [smem:$0x3FA4]  }
0x2a: {  	p0 =	seq.s32 s5, $0x0;
	s5 =	sld [smem:$0x3FA5]  }
0x2b: {  	s6 =	sld [smem:$0x3FA6]  }
0x2c: {  	s7 =	sld [smem:$0x3FA7]  }
0x2d: {  	s3 =	simm.s32 $0x108;
	s8 =	sld [smem:$0x3FA8]  }
0x2e: {  	s3 =	simm.s32 @!p0 $0x1082;
	s9 =	sld [smem:$0x3FA9]  }
0x2f: {  	lr =	sadd.s32 s0, s3;
	s0 =	sld [smem:$0x3FA0]  }
0x30: {  	s3 =	sld [smem:$0x3FA3]  }
0x31: {  	[smem:$0x3FAC] =	sst s10  }
0x32: {  	s10 =	sld [smem:$0x3FAA];
	_ =	sdelay $0x3  }
0x33: {  	p0 =	seq.s32 s10, $0x1;
	s10 =	sld [smem:$0x3FAC];
	_ =	sdelay $0x3  }
0x34: {  	[smem:$0x3FAC] =	sst s10  }
0x35: {  	s10 =	sld [smem:$0x3FAB];
	_ =	sdelay $0x3  }
0x36: {  	p1 =	seq.s32 s10, $0x1;
	s10 =	sld [smem:$0x3FAC];
	_ =	sdelay $0x3  }
0x37: {  	[smem:$0x3FAC] =	sst s10  }
0x38: {  	s10 =	sld [smem:$0x3FAD]  }
0x39: {  	_ = 	snop;
	(pc) =	sbr.ind lr, $3  }
0x3a: {  	_ = 	snop  }
0x3b: {  	_ = 	snop  }
0x3c: {  	p2 =	seq.s32 s10, $0x1;
	s10 =	sld [smem:$0x3FAC]  }
0x3d: {  	_ =	shalt  }
0x3e: {  	_ =	shalt  }
0x3f: {  	_ =	shalt  }
0x40: {  	_ =	shalt  }
0x41: {  	_ =	shalt  }
0x42: {  	_ =	shalt  }
0x43: {  	_ =	shalt  }
0x44: {  	_ =	shalt  }
0x45: {  	_ =	shalt  }
0x46: {  	_ =	shalt  }
0x47: {  	_ =	shalt  }
0x48: {  	_ =	shalt  }
0x49: {  	_ =	shalt  }
0x4a: {  	_ =	shalt  }
0x4b: {  	_ =	shalt  }
0x4c: {  	_ =	shalt  }
0x4d: {  	_ =	shalt  }
0x4e: {  	_ =	shalt  }
0x4f: {  	_ =	shalt  }
0x50: {  	_ =	shalt  }
0x51: {  	_ =	shalt  }
0x52: {  	_ =	shalt  }
0x53: {  	_ =	shalt  }
0x54: {  	_ =	shalt  }
0x55: {  	_ =	shalt  }
0x56: {  	_ =	shalt  }
0x57: {  	_ =	shalt  }
0x58: {  	_ =	shalt  }
0x59: {  	_ =	shalt  }
0x5a: {  	_ =	shalt  }
0x5b: {  	_ =	shalt  }
0x5c: {  	_ =	shalt  }
0x5d: {  	_ =	shalt  }
0x5e: {  	_ =	shalt  }
0x5f: {  	_ =	shalt  }
0x60: {  	_ =	shalt  }
0x61: {  	_ =	shalt  }
0x62: {  	_ =	shalt  }
0x63: {  	_ =	shalt  }
0x64: {  	_ =	shalt  }
0x65: {  	_ =	shalt  }
0x66: {  	_ =	shalt  }
0x67: {  	_ =	shalt  }
0x68: {  	_ =	shalt  }
0x69: {  	_ =	shalt  }
0x6a: {  	_ =	shalt  }
0x6b: {  	_ =	shalt  }
0x6c: {  	_ =	shalt  }
0x6d: {  	_ =	shalt  }
0x6e: {  	_ =	shalt  }
0x6f: {  	_ =	shalt  }
0x70: {  	_ =	shalt  }
0x71: {  	_ =	shalt  }
0x72: {  	_ =	shalt  }
0x73: {  	_ =	shalt  }
0x74: {  	_ =	shalt  }
0x75: {  	_ =	shalt  }
0x76: {  	_ =	shalt  }
0x77: {  	_ =	shalt  }
0x78: {  	_ =	shalt  }
0x79: {  	_ =	shalt  }
0x7a: {  	_ =	shalt  }
0x7b: {  	_ =	shalt  }
0x7c: {  	_ =	shalt  }
0x7d: {  	_ =	shalt  }
0x7e: {  	_ =	shalt  }
0x7f: {  	_ =	shalt  }
0x80: {  	_ =	shalt  }
0x81: {  	_ =	shalt  }
0x82: {  	_ =	shalt  }
0x83: {  	_ =	shalt  }
0x84: {  	_ =	shalt  }
0x85: {  	_ =	shalt  }
0x86: {  	_ =	shalt  }
0x87: {  	_ =	shalt  }
.Lfunc_end0:
.L_simem_size_0:
called_computation.1_lowered:
.L_overlay_start_0:
0x88: {  	s2 =	sld [smem:$0x3FD9]  }
0x89: {  	s3 =	sld [smem:$0x3FFE];
	_ =	sdelay $0x1  }
0x8a: {  	s1 =	srdreg.scid  }
0x8b: {  	s0 =	sand.u32 $0x1, s1  }
0x8c: {  	s14 =	sshll.u32 s0, $0xA;
	s2 =	sadd.s32 s3, s2  }
0x8d: {  	s2 =	sadd.s32 s2, s14  }
0x8e: {  	[smem:$0x3FB8] =	sst s2  }
0x8f: {  	_ = 	snop  }
0x90: {  	s2 =	sld [smem:$0x3FD0];
	_ =	sdelay $0x2  }
0x91: {  	s15 =	simm.s32 $0xA;
	s4 =	simm.s32 $0x10  }
0x92: {  	[smem:s4], [sflag:s15] =	dma.local [hbm:s2], $0x1  }
0x93: {  	_ =	swait.eq [sflag:s15], $0x1  }
0x94: {  	[sflag:s15] =	ssyncset.done $0x0  }
0x95: {  	s16 =	sld [smem:$0x10];
	[sflag:s15] =	ssyncadd.s32 $0xFFFFFFFF  }
0x96: {  	s17 =	sld [smem:$0x11];
	(tm) =	ssettm $0x1  }
0x97: {  	s18 =	sld [smem:$0x3FFB];
	_ =	sdelay $0x3  }
0x98: {  	_ =	strace s18  }
0x99: {  	s4 =	sld [smem:$0x3FFC];
	_ =	sdelay $0x3  }
0x9a: {  	_ =	strace s4  }
0x9b: {  	s4 =	sld [smem:$0x3FFD];
	_ =	sdelay $0x3  }
0x9c: {  	_ =	strace s4  }
0x9d: {  	_ =	strace $0x8FFFFFFF  }
0x9e: {  	s19 =	sld [smem:$0x3FDB];
	_ =	sdelay $0x1  }
0x9f: {  	s5 =	simm.s32 $_scs_section_size  }
0xa0: {  	s6 =	simm.s32 $_size__tile_overlayer_lowered;
	s7 =	simm.s32 $_tile_overlayer_lowered  }
0xa1: {  	s22 =	simm.s32 $0x1BFF;
	s21 =	sshll.u32 s7, $0x1;
	s4 =	sadd.s32 s5, s19  }
0xa2: {  	s8 =	simm.s32 $0x0;
	s20 =	sshll.u32 s6, $0x1;
	s6 =	sadd.s32 s21, s4  }
0xa3: {  	[timem:s8], [sflag:s22] =	dma.local [hbm:s6], s20  }
0xa4: {  	_ =	swait.ge [sflag:s22], s20  }
0xa5: {  	s5 =	ssub.s32 $0x0, s20;
	[sflag:s22] =	ssyncset.done $0x0  }
0xa6: {  	[sflag:s22] =	ssyncadd.s32 s5;
	_ =	sdelay $0x1  }
0xa7: {  	s23 =	simm.s32 $0x1B8B  }
0xa8: {  	_ =	swait.ge [sflag:s23], $0x1  }
0xa9: {  	[sflag:s23] =	ssyncset.done $0x0  }
0xaa: {  	s25 =	simm.s32 $0x1B8E;
	s24 =	sld [smem:$0x3FFE];
	[sflag:s23] =	ssyncadd.s32 $0xFFFFFFFF  }
0xab: {  	s26 =	simm.s32 $execute0_lowered;
	[smem:$0x3FD2] =	sst s25  }
0xac: {  	s6 =	sshll.u32 s26, $0x1;
	_ =	strace $0x80000049;
	[dreg:$0x1] =	wrdreg $0xFFFFFFFF  }
0xad: {  	s28 =	simm.s32 $_size_execute0_lowered;
	s4 =	sadd.s32 s4, s6;
	[dreg:$0x0] =	wrdreg $0x0  }
0xae: {  	s6 =	sshll.u32 s28, $0x1;
	[dreg:$0x2] =	wrdreg s4  }
0xaf: {  	[dreg:$0x3] =	wrdreg s6  }
0xb0: {  	[dreg:$0x4] =	wrdreg $0xC0  }
0xb1: {  	_ =	task [dreg:s8], $0x5FFFF  }
0xb2: {  	[dreg:$0x1] =	wrdreg $0xFFFFFFFF  }
0xb3: {  	[dreg:$0x0] =	wrdreg $0x60  }
0xb4: {  	[dreg:$0x2] =	wrdreg s16  }
0xb5: {  	[dreg:$0x3] =	wrdreg s24  }
0xb6: {  	[dreg:$0x4] =	wrdreg s17  }
0xb7: {  	[dreg:$0x5] =	wrdreg $0x9  }
0xb8: {  	_ =	task.clear_ibuf [dreg:s8], $0x6FFFF;
	_ =	strace $0x90000049  }
0xb9: {  	s29 =	simm.s32 $0x9;
	_ =	strace $0x8000004B  }
0xba: {  	_ =	swait.ge [sflag:s29], $0x1  }
0xbb: {  	[sflag:s29] =	ssyncadd.s32 $0xFFFFFFFF  }
0xbc: {  	_ =	strace $0x9000004B  }
0xbd: {  	_ =	sfence  }
0xbe: {  	s30 =	sld [smem:$0x0];
	_ =	sdelay $0x2  }
0xbf: {  	s31 =	sshll.u32 s1, $0xD;
	s1 =	sshrl.u32 s1, $0x2  }
0xc0: {  	s3 =	sand.u32 $0x4000, s31;
	s1 =	sadd.s32 s1, s30  }
0xc1: {  	s0 =	sor.u32 s3, s0;
	s1 =	sshll.u32 s1, $0x11  }
0xc2: {  	s0 =	sor.u32 s1, s0  }
0xc3: {  	s0 =	sadd.s32 $0x8F2B, s0  }
0xc4: {  	[sflag:s0] =	ssyncadd.remote.s32 $0x1  }
0xc5: {  	_ =	sfence.sel $0xFFFF  }
0xc6: {  	[dreg:$0x0] =	wrdreg $0xFFFFFFFF;
	(pc) =	sbr.abs _section_cstart, $3  }
0xc7: {  	[dreg:$0x1] =	wrdreg $0xFFFFFFFF  }
0xc8: {  	_ =	task.clear_ibuf [dreg:s8], $0x2FFFF;
	_ =	strace $0x9FFFFFFF  }
0xc9: {  	(tm) =	ssettm $0x7FFFFFFF  }
tec
execute0_lowered:
.L_overlay_start_1:
0x0: {  	(tag) =	ssettag $0x1  }
0x1: {  	s5 =	rddreg [dreg:$0x0]  }
0x2: {  	s1 =	srdreg.scid;
	s7 =	rddreg [dreg:$0x1]  }
0x3: {  	s0 =	stileid.u32;
	s2 =	rddreg [dreg:$0x2]  }
0x4: {  	s3 =	simm.s32 $0x0;
	s13 =	simm.s32 $0x1;
	s14 =	simm.s32 $0x2800  }
0x5: {  	s15 =	simm.s32 $0x5000;
	s16 =	simm.s32 $0x7800;
	s17 =	simm.s32 $0xA000  }
0x6: {  	s18 =	simm.s32 $0xC800;
	s19 =	simm.s32 $0xF000;
	s20 =	simm.s32 $0x0  }
0x7: {  	s4 =	sand.u32 $0x1, s1;
	s28 =	sshll.u32 s0, $0x1;
	s1 =	rddreg [dreg:$0x3]  }
0x8: {  	s29 =	sshrl.u32 s0, $0x2;
	[smem:$0x7FF] =	sst s3;
	s6 =	sor.u32 s4, s28  }
0x9: {  	s8 =	smul.u32 $0x14000, s29;
	_ =	strace $0x8000004A;
	s10 =	ssub.s32 $0x2, s4  }
0xa: {  	s4 =	sadd.s32 $0xEC00, s7;
	s30 =	sshll.u32 s6, $0x7;
	s6 =	sshll.u32 s6, $0xD  }
0xb: {  	s11 =	sshrl.u32 s10, $0x1;
	s9 =	sand.u32 $0x380, s30;
	s12 =	sadd.s32 s6, s7  }
0xc: {  	s10 =	ssub.s32 s10, s11;
	s11 =	simm.s32 $0x80;
	s8 =	sor.u32 s8, s9  }
0xd: {  	s9 =	sadd.s32 $0x40C00, s12;
	s10 =	smax.u32 s10, $0x1;
	s8 =	sshrl.u32 s8, $0x3  }
0xe: {  	s12 =	simm.s32 $0x400;
	s31 =	sadd.s32 s8, s7;
	s5 =	sadd.s32 s5, s8  }
0xf: {  	s6 =	sadd.s32 $0x36C00, s31;
	s7 =	sadd.s32 $0x4C00, s31;
	s8 =	sadd.s32 $0x2CC00, s31  }
.LBB2_1:
0x10: {  	[tilespmem:s3], [sflag:$0x1] =	stream.strided.gather [hbm4b:s5+s11], $0x2800, s12, s11, $0x38;
	[tilespmem:$0x1F000] =	vst v63  }
0x11: {  	_ =	swait.ge [sflag:s13], $0x2800  }
0x12: {  	[sflag:s13] =	ssyncset.done $0x0  }
0x13: {  	[sflag:s13] =	ssyncadd.s32 $0xFFFFD800  }
0x14: {  	[tilespmem:s14], [sflag:$0x1] =	stream.strided.gather [hbm4b:s6+s11], $0x2800, s12, s11, $0x38;
	[tilespmem:$0x1F000] =	vst v63  }
0x15: {  	_ =	swait.ge [sflag:s13], $0x2800  }
0x16: {  	[sflag:s13] =	ssyncset.done $0x0  }
0x17: {  	[sflag:s13] =	ssyncadd.s32 $0xFFFFD800  }
0x18: {  	[tilespmem:s15], [sflag:$0x1] =	stream.strided.gather [hbm4b:s7+s11], $0x2800, s12, s11, $0x38;
	[tilespmem:$0x1F000] =	vst v63  }
0x19: {  	_ =	swait.ge [sflag:s13], $0x2800  }
0x1a: {  	[sflag:s13] =	ssyncset.done $0x0  }
0x1b: {  	[sflag:s13] =	ssyncadd.s32 $0xFFFFD800  }
0x1c: {  	[tilespmem:s16], [sflag:$0x1] =	stream.strided.gather [hbm4b:s8+s11], $0x2800, s12, s11, $0x38;
	[tilespmem:$0x1F000] =	vst v63  }
0x1d: {  	_ =	swait.ge [sflag:s13], $0x2800  }
0x1e: {  	[sflag:s13] =	ssyncset.done $0x0  }
0x1f: {  	[sflag:s13] =	ssyncadd.s32 $0xFFFFD800  }
0x20: {  	[tilespmem:s17], [sflag:$0x1] =	stream.linear.gather [hbm4b:s2+s3], $0x2800, $0x38;
	[tilespmem:$0x1F000] =	vst v63  }
0x21: {  	_ =	swait.ge [sflag:s13], $0x2800  }
0x22: {  	[sflag:s13] =	ssyncset.done $0x0  }
0x23: {  	[sflag:s13] =	ssyncadd.s32 $0xFFFFD800  }
0x24: {  	[tilespmem:s18], [sflag:$0x1] =	stream.linear.gather [hbm4b:s4+s3], $0x2800, $0x38;
	[tilespmem:$0x1F000] =	vst v63  }
0x25: {  	_ =	swait.ge [sflag:s13], $0x2800  }
0x26: {  	[sflag:s13] =	ssyncset.done $0x0  }
0x27: {  	s21 =	simm.s32 $0xF100;
	s22 =	simm.s32 $0x0;
	[sflag:s13] =	ssyncadd.s32 $0xFFFFD800  }
.LBB2_2:
0x28: {  	s23 =	sshra.s32 s22, $0x2  }
0x29: {  	v0 =	vld [tilespmem:s23+$0x0]  }
0x2a: {  	v1 =	vld [tilespmem:s23+$0x2800];
	_ =	sdelay $0x5  }
0x2b: {  	v2 =	vld [tilespmem:s23+$0x7800]  }
0x2c: {  	v3 =	vld.idx.msk [tilespmem:v0+s18+$0x0], $0xffff  }
0x2d: {  	v4 =	vld.idx.msk [tilespmem:v1+s17+$0x0], $0xffff;
	[tilespmem:s21+$0xFFFFFF00] =	vst v0  }
0x2e: {  	[tilespmem:s21+$0xFFFFFF80] =	vst v1  }
0x2f: {  	v0 =	vld [tilespmem:s23+$0x5000];
	_ =	sdelay $0x1  }
0x30: {  	v47 =	vmul.f32 v3, v2;
	_ =	sdelay $0x1  }
0x31: {  	v1 =	vmul.f32 v4, v47  }
0x32: {  	[tilespmem:s21+$0x0] =	vst v0  }
0x33: {  	[tilespmem:s21+$0x80] =	vst v1  }
0x34: {  	v0 =	vld [tilespmem:s23+$0x10]  }
0x35: {  	v1 =	vld [tilespmem:s23+$0x2810];
	_ =	sdelay $0x5  }
0x36: {  	v48 =	vld [tilespmem:s23+$0x7810]  }
0x37: {  	v49 =	vld.idx.msk [tilespmem:v0+s18+$0x0], $0xffff  }
0x38: {  	v50 =	vld.idx.msk [tilespmem:v1+s17+$0x0], $0xffff;
	[tilespmem:s21+$0xFFFFFF10] =	vst v0  }
0x39: {  	[tilespmem:s21+$0xFFFFFF90] =	vst v1  }
0x3a: {  	v0 =	vld [tilespmem:s23+$0x5010];
	_ =	sdelay $0x1  }
0x3b: {  	v51 =	vmul.f32 v49, v48;
	_ =	sdelay $0x1  }
0x3c: {  	v1 =	vmul.f32 v50, v51  }
0x3d: {  	[tilespmem:s21+$0x10] =	vst v0  }
0x3e: {  	[tilespmem:s21+$0x90] =	vst v1  }
0x3f: {  	v0 =	vld [tilespmem:s23+$0x20]  }
0x40: {  	v1 =	vld [tilespmem:s23+$0x2820];
	_ =	sdelay $0x5  }
0x41: {  	v52 =	vld [tilespmem:s23+$0x7820]  }
0x42: {  	v53 =	vld.idx.msk [tilespmem:v0+s18+$0x0], $0xffff  }
0x43: {  	v54 =	vld.idx.msk [tilespmem:v1+s17+$0x0], $0xffff;
	[tilespmem:s21+$0xFFFFFF20] =	vst v0  }
0x44: {  	[tilespmem:s21+$0xFFFFFFA0] =	vst v1  }
0x45: {  	v0 =	vld [tilespmem:s23+$0x5020];
	_ =	sdelay $0x1  }
0x46: {  	v55 =	vmul.f32 v53, v52;
	_ =	sdelay $0x1  }
0x47: {  	v1 =	vmul.f32 v54, v55  }
0x48: {  	[tilespmem:s21+$0x20] =	vst v0  }
0x49: {  	[tilespmem:s21+$0xA0] =	vst v1  }
0x4a: {  	v0 =	vld [tilespmem:s23+$0x30]  }
0x4b: {  	v1 =	vld [tilespmem:s23+$0x2830];
	_ =	sdelay $0x5  }
0x4c: {  	v56 =	vld [tilespmem:s23+$0x7830]  }
0x4d: {  	v57 =	vld.idx.msk [tilespmem:v0+s18+$0x0], $0xffff  }
0x4e: {  	v58 =	vld.idx.msk [tilespmem:v1+s17+$0x0], $0xffff;
	[tilespmem:s21+$0xFFFFFF30] =	vst v0  }
0x4f: {  	[tilespmem:s21+$0xFFFFFFB0] =	vst v1  }
0x50: {  	v0 =	vld [tilespmem:s23+$0x5030];
	_ =	sdelay $0x1  }
0x51: {  	v59 =	vmul.f32 v57, v56;
	_ =	sdelay $0x1  }
0x52: {  	v1 =	vmul.f32 v58, v59  }
0x53: {  	[tilespmem:s21+$0x30] =	vst v0  }
0x54: {  	[tilespmem:s21+$0xB0] =	vst v1  }
0x55: {  	v0 =	vld [tilespmem:s23+$0x40]  }
0x56: {  	v1 =	vld [tilespmem:s23+$0x2840];
	_ =	sdelay $0x5  }
0x57: {  	v60 =	vld [tilespmem:s23+$0x7840]  }
0x58: {  	v61 =	vld.idx.msk [tilespmem:v0+s18+$0x0], $0xffff  }
0x59: {  	v62 =	vld.idx.msk [tilespmem:v1+s17+$0x0], $0xffff;
	[tilespmem:s21+$0xFFFFFF40] =	vst v0  }
0x5a: {  	[tilespmem:s21+$0xFFFFFFC0] =	vst v1  }
0x5b: {  	v0 =	vld [tilespmem:s23+$0x5040]  }
0x5c: {  	p0 =	sne.s32 s22, $0x9EC0  }
.Ltmp0:
0x5d: {  	v63 =	vmul.f32 v61, v60;
	(pc) =	sbr.rel @p0 .LBB2_2-.Ltmp0, $4  }
0x5e: {  	_ = 	snop  }
0x5f: {  	v1 =	vmul.f32 v62, v63  }
0x60: {  	[tilespmem:s21+$0x40] =	vst v0  }
0x61: {  	s22 =	sadd.s32 $0x140, s22;
	[tilespmem:s21+$0xC0] =	vst v1;
	s21 =	sadd.s32 $0x200, s21  }
0x62: {  	s20 =	sadd.s32 $0x1, s20  }
0x63: {  	p0 =	sne.s32 s20, s10  }
.Ltmp1:
0x64: {  	_ = 	snop;
	(pc) =	sbr.rel @p0 .LBB2_1-.Ltmp1, $4  }
0x65: {  	[hbm4b:s9+s3] =	stream.linear.scatter [tilespmem:s19], [sflag:$0x1], $0x10000, $0x38;
	[tilespmem:$0x1F000] =	vst v63  }
0x66: {  	_ =	swait.ge [sflag:s13], $0x10000  }
0x67: {  	[sflag:s13] =	ssyncset.done $0x0  }
0x68: {  	[sflag:s13] =	ssyncadd.s32 $0xFFFF0000  }
0x69: {  	_ =	sfence.sel $0x180000  }
0x6a: {  	[bflag:$0x0] =	sbarrier.arrive $0xFFFF  }
0x6b: {  	p0 =	sne.s32 s0, $0x0;
	_ =	strace $0x9000004A  }
0x6c: {  	s0 =	sadd.s32 @!p0 $0x100000, s1;
	[bflag:$0x2] =	sbarrier.arrive $0xFFFF  }
0x6d: {  	[sflag:s0] =	ssyncadd.tile.s32 @!p0 $0x1;
	_ =	shalt  }
.Lfunc_end2:
_tile_overlayer_lowered:
.L_overlay_start_2:
0x6e: {  	(tag) =	ssettag $0x2  }
0x6f: {  	s0 =	rddreg [dreg:$0x0];
	s2 =	stileid.u32  }
0x70: {  	s1 =	rddreg [dreg:$0x1];
	p0 =	sne.s32 s2, $0x0  }
0x71: {  	s3 =	rddreg [dreg:$0x2];
	[bflag:$0x3] =	sbarrier.arrive $0xFFFF;
	s2 =	simm.s32 @!p0 $0x1C01  }
0x72: {  	[timem:s3], [sflag:s2] =	dma.local @!p0 [hbm:s0], s1  }
0x73: {  	s0 =	simm.s32 @!p0 $0x1  }
0x74: {  	_ =	swait.ge @!p0 [sflag:s0], s1  }
0x75: {  	s1 =	ssub.s32 @!p0 $0x0, s1;
	[sflag:s0] =	ssyncset.done @!p0 $0x0  }
0x76: {  	[sflag:s0] =	ssyncadd.s32 @!p0 s1  }
0x77: {  	[bflag:$0x3] =	sbarrier.arrive $0xFFFF  }
0x78: {  	_ =	shalt  }

// kernel: kernel.14.cloned.1.call-start
scs
__scs_entry_jumppad:
0x0: {  	(pc) =	sbr.rel $0x88, $3  }
0x1: {  	(tag) =	ssettag $0x0;
	lr =	simm.s32 $0x1  }
0x2: {  	[smem:$0x3F91] =	sst lr;
	_ =	strace $0xD0000000  }
0x3: {  	_ = 	snop  }
0x4: {  	_ = 	snop  }
0x5: {  	_ = 	snop  }
0x6: {  	_ = 	snop  }
0x7: {  	_ = 	snop  }
__scs_overlays_trampoline_lowered:
0x8: {  	[smem:$0x3FA0] =	sst s0  }
0x9: {  	[smem:$0x3FA1] =	sst s1  }
0xa: {  	[smem:$0x3FA2] =	sst s2  }
0xb: {  	[smem:$0x3FA3] =	sst s3  }
0xc: {  	[smem:$0x3FA4] =	sst s4  }
0xd: {  	[smem:$0x3FA5] =	sst s5  }
0xe: {  	[smem:$0x3FA6] =	sst s6  }
0xf: {  	[smem:$0x3FA7] =	sst s7  }
0x10: {  	[smem:$0x3FA8] =	sst s8  }
0x11: {  	[smem:$0x3FA9] =	sst s9;
	s0 =	simm.s32 @!p0 $0x0  }
0x12: {  	s1 =	sld [smem:$0x3F8F];
	s0 =	simm.s32 @p0 $0x1  }
0x13: {  	[smem:$0x3FAA] =	sst s0;
	s0 =	simm.s32 @!p1 $0x0  }
0x14: {  	s2 =	sld [smem:$0x3F8E];
	s0 =	simm.s32 @p1 $0x1  }
0x15: {  	[smem:$0x3FAB] =	sst s0;
	s0 =	simm.s32 @!p2 $0x0  }
0x16: {  	s3 =	sld [smem:$0x3FDB];
	s0 =	simm.s32 @p2 $0x1  }
0x17: {  	s4 =	simm.s32 $0x1BF5;
	[smem:$0x3FAD] =	sst s0  }
0x18: {  	s0 =	sld [smem:$0x3F90];
	_ =	swait.ge [sflag:s4], $0x0  }
0x19: {  	s7 =	sld [smem:$0x3F91]  }
0x1a: {  	s8 =	sadd.s32 $0xFFFFE003, lr  }
0x1b: {  	s9 =	sadd.s32 $0xFFFFFEF7, lr;
	s5 =	simm.s32 $0xFFFFFFFF;
	p2 =	slt.u32 s8, $0xFFFFF086  }
0x1c: {  	p1 =	slt.u32 s9, $0xF7A;
	s5 =	simm.s32 @!p2 $0x0  }
0x1d: {  	s5 =	simm.s32 @p1 $0x1;
	p0 =	seq.s32 s7, s2  }
0x1e: {  	s7 =	smul.u32 @!p0 $0xF7A, s2;
	p2 =	seq.s32 @!p0 s5, $0x0  }
0x1f: {  	s9 =	smul.u32 $0xF7A, s1;
	s8 =	simm.s32 @!p0 $0x1BF5;
	p2 =	por !p2, p0  }
0x20: {  	[sflag:s8] =	ssyncset.s32 @!p0 $0xFFFFF086;
	s6 =	sadd.s32 @!p0 s3, s7;
	s7 =	simm.s32 @!p0 $0x108  }
0x21: {  	s3 =	sadd.s32 s3, s9;
	s6 =	sadd.s32 @!p0 $0x88, s6;
	s7 =	simm.s32 @p2 $0x1082  }
0x22: {  	[simem:s7], [sflag:s8] =	dma.local @!p0 [hbm:s6], $0xF7A  }
0x23: {  	s9 =	sor.u32 $0xD0000000, s2;
	s6 =	simm.s32 $0x108;
	_ =	swait.ge @!p0 [sflag:s8], $0x0  }
0x24: {  	s3 =	sadd.s32 $0x88, s3;
	s6 =	simm.s32 @!p1 $0x1082;
	[sflag:s4] =	ssyncset.s32 $0xFFFFF086  }
0x25: {  	[simem:s6], [sflag:s4] =	dma.local [hbm:s3], $0xF7A  }
0x26: {  	[smem:$0x3F91] =	sst s1;
	(tag) =	ssettag s2;
	_ =	strace s9  }
0x27: {  	s1 =	sld [smem:$0x3FA1]  }
0x28: {  	s2 =	sld [smem:$0x3FA2]  }
0x29: {  	s4 =	sld [smem:$0x3FA4]  }
0x2a: {  	p0 =	seq.s32 s5, $0x0;
	s5 =	sld [smem:$0x3FA5]  }
0x2b: {  	s6 =	sld [smem:$0x3FA6]  }
0x2c: {  	s7 =	sld [smem:$0x3FA7]  }
0x2d: {  	s3 =	simm.s32 $0x108;
	s8 =	sld [smem:$0x3FA8]  }
0x2e: {  	s3 =	simm.s32 @!p0 $0x1082;
	s9 =	sld [smem:$0x3FA9]  }
0x2f: {  	lr =	sadd.s32 s0, s3;
	s0 =	sld [smem:$0x3FA0]  }
0x30: {  	s3 =	sld [smem:$0x3FA3]  }
0x31: {  	[smem:$0x3FAC] =	sst s10  }
0x32: {  	s10 =	sld [smem:$0x3FAA];
	_ =	sdelay $0x3  }
0x33: {  	p0 =	seq.s32 s10, $0x1;
	s10 =	sld [smem:$0x3FAC];
	_ =	sdelay $0x3  }
0x34: {  	[smem:$0x3FAC] =	sst s10  }
0x35: {  	s10 =	sld [smem:$0x3FAB];
	_ =	sdelay $0x3  }
0x36: {  	p1 =	seq.s32 s10, $0x1;
	s10 =	sld [smem:$0x3FAC];
	_ =	sdelay $0x3  }
0x37: {  	[smem:$0x3FAC] =	sst s10  }
0x38: {  	s10 =	sld [smem:$0x3FAD]  }
0x39: {  	_ = 	snop;
	(pc) =	sbr.ind lr, $3  }
0x3a: {  	_ = 	snop  }
0x3b: {  	_ = 	snop  }
0x3c: {  	p2 =	seq.s32 s10, $0x1;
	s10 =	sld [smem:$0x3FAC]  }
0x3d: {  	_ =	shalt  }
0x3e: {  	_ =	shalt  }
0x3f: {  	_ =	shalt  }
0x40: {  	_ =	shalt  }
0x41: {  	_ =	shalt  }
0x42: {  	_ =	shalt  }
0x43: {  	_ =	shalt  }
0x44: {  	_ =	shalt  }
0x45: {  	_ =	shalt  }
0x46: {  	_ =	shalt  }
0x47: {  	_ =	shalt  }
0x48: {  	_ =	shalt  }
0x49: {  	_ =	shalt  }
0x4a: {  	_ =	shalt  }
0x4b: {  	_ =	shalt  }
0x4c: {  	_ =	shalt  }
0x4d: {  	_ =	shalt  }
0x4e: {  	_ =	shalt  }
0x4f: {  	_ =	shalt  }
0x50: {  	_ =	shalt  }
0x51: {  	_ =	shalt  }
0x52: {  	_ =	shalt  }
0x53: {  	_ =	shalt  }
0x54: {  	_ =	shalt  }
0x55: {  	_ =	shalt  }
0x56: {  	_ =	shalt  }
0x57: {  	_ =	shalt  }
0x58: {  	_ =	shalt  }
0x59: {  	_ =	shalt  }
0x5a: {  	_ =	shalt  }
0x5b: {  	_ =	shalt  }
0x5c: {  	_ =	shalt  }
0x5d: {  	_ =	shalt  }
0x5e: {  	_ =	shalt  }
0x5f: {  	_ =	shalt  }
0x60: {  	_ =	shalt  }
0x61: {  	_ =	shalt  }
0x62: {  	_ =	shalt  }
0x63: {  	_ =	shalt  }
0x64: {  	_ =	shalt  }
0x65: {  	_ =	shalt  }
0x66: {  	_ =	shalt  }
0x67: {  	_ =	shalt  }
0x68: {  	_ =	shalt  }
0x69: {  	_ =	shalt  }
0x6a: {  	_ =	shalt  }
0x6b: {  	_ =	shalt  }
0x6c: {  	_ =	shalt  }
0x6d: {  	_ =	shalt  }
0x6e: {  	_ =	shalt  }
0x6f: {  	_ =	shalt  }
0x70: {  	_ =	shalt  }
0x71: {  	_ =	shalt  }
0x72: {  	_ =	shalt  }
0x73: {  	_ =	shalt  }
0x74: {  	_ =	shalt  }
0x75: {  	_ =	shalt  }
0x76: {  	_ =	shalt  }
0x77: {  	_ =	shalt  }
0x78: {  	_ =	shalt  }
0x79: {  	_ =	shalt  }
0x7a: {  	_ =	shalt  }
0x7b: {  	_ =	shalt  }
0x7c: {  	_ =	shalt  }
0x7d: {  	_ =	shalt  }
0x7e: {  	_ =	shalt  }
0x7f: {  	_ =	shalt  }
0x80: {  	_ =	shalt  }
0x81: {  	_ =	shalt  }
0x82: {  	_ =	shalt  }
0x83: {  	_ =	shalt  }
0x84: {  	_ =	shalt  }
0x85: {  	_ =	shalt  }
0x86: {  	_ =	shalt  }
0x87: {  	_ =	shalt  }
.Lfunc_end0:
.L_simem_size_0:
called_computation.2_lowered:
.L_overlay_start_0:
0x88: {  	s2 =	sld [smem:$0x3FD9]  }
0x89: {  	s3 =	sld [smem:$0x3FFE];
	_ =	sdelay $0x1  }
0x8a: {  	s1 =	srdreg.scid  }
0x8b: {  	s0 =	sand.u32 $0x1, s1  }
0x8c: {  	s16 =	sshll.u32 s0, $0xA;
	s2 =	sadd.s32 s3, s2  }
0x8d: {  	s2 =	sadd.s32 s2, s16  }
0x8e: {  	[smem:$0x3FB8] =	sst s2  }
0x8f: {  	_ = 	snop  }
0x90: {  	(tm) =	ssettm $0x1  }
0x91: {  	s17 =	sld [smem:$0x3FFB];
	_ =	sdelay $0x3  }
0x92: {  	_ =	strace s17  }
0x93: {  	s2 =	sld [smem:$0x3FFC];
	_ =	sdelay $0x3  }
0x94: {  	_ =	strace s2  }
0x95: {  	s2 =	sld [smem:$0x3FFD];
	_ =	sdelay $0x3  }
0x96: {  	_ =	strace s2  }
0x97: {  	_ =	strace $0x8FFFFFFF  }
0x98: {  	s18 =	sld [smem:$0x3FDB];
	_ =	sdelay $0x1  }
0x99: {  	s19 =	simm.s32 $_scs_section_size  }
0x9a: {  	s4 =	simm.s32 $_size__tile_overlayer_lowered;
	s5 =	simm.s32 $_tile_overlayer_lowered  }
0x9b: {  	s22 =	simm.s32 $0x1BFF;
	s21 =	sshll.u32 s5, $0x1;
	s2 =	sadd.s32 s19, s18  }
0x9c: {  	s6 =	simm.s32 $0x0;
	s20 =	sshll.u32 s4, $0x1;
	s4 =	sadd.s32 s21, s2  }
0x9d: {  	[timem:s6], [sflag:s22] =	dma.local [hbm:s4], s20  }
0x9e: {  	_ =	swait.ge [sflag:s22], s20  }
0x9f: {  	s3 =	ssub.s32 $0x0, s20;
	[sflag:s22] =	ssyncset.done $0x0  }
0xa0: {  	[sflag:s22] =	ssyncadd.s32 s3;
	_ =	sdelay $0x1  }
0xa1: {  	s23 =	simm.s32 $0x1B8B  }
0xa2: {  	_ =	swait.ge [sflag:s23], $0x1  }
0xa3: {  	[sflag:s23] =	ssyncset.done $0x0  }
0xa4: {  	s25 =	simm.s32 $0x1B8E;
	s24 =	sld [smem:$0x3FFE];
	[sflag:s23] =	ssyncadd.s32 $0xFFFFFFFF  }
0xa5: {  	s26 =	simm.s32 $execute0_lowered;
	[smem:$0x3FD2] =	sst s25  }
0xa6: {  	s4 =	sshll.u32 s26, $0x1;
	_ =	strace $0x8000004C;
	[dreg:$0x1] =	wrdreg $0xFFFFFFFF  }
0xa7: {  	s28 =	simm.s32 $_size_execute0_lowered;
	s2 =	sadd.s32 s2, s4;
	[dreg:$0x0] =	wrdreg $0x0  }
0xa8: {  	s4 =	sshll.u32 s28, $0x1;
	[dreg:$0x2] =	wrdreg s2  }
0xa9: {  	[dreg:$0x3] =	wrdreg s4  }
0xaa: {  	[dreg:$0x4] =	wrdreg $0xC0  }
0xab: {  	_ =	task [dreg:s6], $0x5FFFF  }
0xac: {  	[dreg:$0x1] =	wrdreg $0xFFFFFFFF  }
0xad: {  	[dreg:$0x0] =	wrdreg $0x60  }
0xae: {  	[dreg:$0x2] =	wrdreg s24  }
0xaf: {  	[dreg:$0x3] =	wrdreg $0xBC800  }
0xb0: {  	[dreg:$0x4] =	wrdreg $0x9  }
0xb1: {  	_ =	task.clear_ibuf [dreg:s6], $0x5FFFF;
	_ =	strace $0x9000004C  }
0xb2: {  	s29 =	simm.s32 $0x9;
	_ =	strace $0x8000004E  }
0xb3: {  	_ =	swait.ge [sflag:s29], $0x1  }
0xb4: {  	[sflag:s29] =	ssyncadd.s32 $0xFFFFFFFF  }
0xb5: {  	_ =	strace $0x9000004E  }
0xb6: {  	_ =	sfence  }
0xb7: {  	s30 =	sld [smem:$0x0];
	_ =	sdelay $0x2  }
0xb8: {  	s31 =	sshll.u32 s1, $0xD;
	s1 =	sshrl.u32 s1, $0x2  }
0xb9: {  	s3 =	sand.u32 $0x4000, s31;
	s1 =	sadd.s32 s1, s30  }
0xba: {  	s0 =	sor.u32 s3, s0;
	s1 =	sshll.u32 s1, $0x11  }
0xbb: {  	s0 =	sor.u32 s1, s0  }
0xbc: {  	s0 =	sadd.s32 $0x8F2B, s0  }
0xbd: {  	[sflag:s0] =	ssyncadd.remote.s32 $0x1  }
0xbe: {  	_ =	sfence.sel $0xFFFF  }
0xbf: {  	[dreg:$0x0] =	wrdreg $0xFFFFFFFF;
	(pc) =	sbr.abs _section_cstart, $3  }
0xc0: {  	[dreg:$0x1] =	wrdreg $0xFFFFFFFF  }
0xc1: {  	_ =	task.clear_ibuf [dreg:s6], $0x2FFFF;
	_ =	strace $0x9FFFFFFF  }
0xc2: {  	(tm) =	ssettm $0x7FFFFFFF  }
0xc3: {  	_ =	shalt  }
tec
execute0_lowered:
.L_overlay_start_1:
0x0: {  	(tag) =	ssettag $0x1  }
0x1: {  	s0 =	rddreg [dreg:$0x0]  }
0x2: {  	s1 =	srdreg.scid;
	s2 =	rddreg [dreg:$0x1]  }
0x3: {  	s9 =	stileid.u32;
	s4 =	simm.s32 $0x0;
	s28 =	simm.s32 $0xB480  }
0x4: {  	s29 =	simm.s32 $0xB680;
	s30 =	simm.s32 $0x50;
	s10 =	simm.s32 $0x7  }
0x5: {  	s11 =	simm.s32 $0x5;
	s13 =	simm.s32 $0x2;
	s14 =	simm.s32 $0xBA80  }
0x6: {  	s15 =	simm.s32 $0x8;
	s12 =	simm.s32 $0x0;
	s3 =	sand.u32 $0x1, s1  }
0x7: {  	s6 =	smul.u32 $0x14000, s9;
	[smem:$0x7FF] =	sst s4;
	s5 =	sadd.s32 $0x40C00, s0  }
0x8: {  	s16 =	sadd.s32 $0x3E00, s0;
	s17 =	smul.u32 $0x50000, s9;
	s7 =	sadd.s32 $0x80C00, s0  }
0x9: {  	s9 =	sshll.u32 s9, $0x1;
	s1 =	smul.u32 $0x140000, s3;
	_ =	strace $0x8000004D  }
0xa: {  	[dreg:$0x3] =	wrdreg s16;
	s18 =	ssub.s32 $0x2, s3;
	s19 =	sor.u32 s3, s9  }
0xb: {  	p0 =	seq.s32 s3, $0x0;
	s16 =	simm.s32 $0x3C;
	s1 =	sadd.s32 s6, s1  }
0xc: {  	s8 =	sshrl.u32 s18, $0x1;
	s6 =	sshrl.u32 s17, $0x2;
	s1 =	sshrl.u32 s1, $0x3  }
0xd: {  	s0 =	sadd.s32 s1, s0;
	s1 =	ssub.s32 s18, s8;
	s18 =	sadd.s32 s6, s2  }
0xe: {  	s9 =	simm.s32 $0xB880;
	s6 =	sadd.s32 $0x2800, s18;
	[dreg:$0x4] =	wrdreg s18  }
0xf: {  	s26 =	sshll.u32 s19, $0xD;
	s20 =	sadd.s32 $0x5000, s18;
	[dreg:$0x5] =	wrdreg s6  }
0x10: {  	s16 =	simm.s32 @!p0 $0x4;
	s21 =	sadd.s32 $0x7800, s18;
	[dreg:$0x6] =	wrdreg s20  }
0x11: {  	s17 =	sshll.u32 s19, $0x7;
	s22 =	sadd.s32 $0xA000, s18;
	[dreg:$0x7] =	wrdreg s21  }
0x12: {  	s19 =	simm.s32 $0x6;
	s23 =	sadd.s32 $0xC800, s18;
	[dreg:$0x8] =	wrdreg s22  }
0x13: {  	s24 =	sadd.s32 $0xF000, s18;
	s25 =	sadd.s32 $0x11800, s18;
	[dreg:$0x9] =	wrdreg s23  }
0x14: {  	s0 =	sadd.s32 $0xA8C00, s0;
	s31 =	smax.u32 s1, $0x1;
	[dreg:$0xa] =	wrdreg s24  }
0x15: {  	s1 =	simm.s32 $0x8C80;
	[dreg:$0xb] =	wrdreg s25;
	s6 =	sadd.s32 s5, s26  }
0x16: {  	v0 =	vlaneseq.u32;
	s20 =	sor.u32 $0x12, s17;
	s21 =	sor.u32 $0x13, s17;
	[dreg:$0xe] =	wrdreg s0  }
0x17: {  	v1 =	vimm.f32 $0.0e+00;
	v2 =	vor.u32 $0x10, v0;
	s22 =	sadd.s32 $0xFFFFFFFF, s16;
	[dreg:$0xf] =	wrdreg s31;
	s23 =	simm.s32 $0x9  }
0x18: {  	v3 =	vor.u32 $0x20, v0;
	v4 =	vor.u32 $0x30, v0;
	v5 =	vor.u32 $0x40, v0;
	s26 =	simm.s32 $0x6480;
	[dreg:$0xc] =	wrdreg s6;
	s6 =	sadd.s32 $0x40, s6  }
0x19: {  	v6 =	vor.u32 $0x50, v0;
	v7 =	vor.u32 $0x60, v0;
	v8 =	vor.u32 $0x70, v0;
	s0 =	simm.s32 $0x4;
	[dreg:$0xd] =	wrdreg s6;
	s6 =	simm.s32 $0x1  }
.LBB2_1:
0x1a: {  	[dreg:$0x10] =	wrdreg s12  }
0x1b: {  	s8 =	rddreg [dreg:$0x3]  }
0x1c: {  	[tilespmem:s4], [sflag:$0x9] =	stream.linear.gather [hbm4b:s8+s4], $0x6480, $0x38;
	[tilespmem:$0x1FC80] =	vst v63  }
0x1d: {  	_ =	swait.ge [sflag:s23], $0x6480  }
0x1e: {  	[sflag:s23] =	ssyncset.done $0x0  }
0x1f: {  	s12 =	simm.s32 $0x200;
	s8 =	simm.s32 $0x0;
	[sflag:s23] =	ssyncadd.s32 $0xFFFF9B80  }
.LBB2_2:
0x20: {  	p1 =	sne.s32 s12, $0x9E00;
	[tilespmem:s8+$0x64F0] =	vst v1  }
0x21: {  	[tilespmem:s8+$0x6480] =	vst v1  }
0x22: {  	[tilespmem:s8+$0x6490] =	vst v1  }
.Ltmp0:
0x23: {  	[tilespmem:s8+$0x64A0] =	vst v1;
	(pc) =	sbr.rel @p1 .LBB2_2-.Ltmp0, $4  }
0x24: {  	[tilespmem:s8+$0x64B0] =	vst v1  }
0x25: {  	[tilespmem:s8+$0x64C0] =	vst v1  }
0x26: {  	[tilespmem:s8+$0x64D0] =	vst v1  }
0x27: {  	[tilespmem:s8+$0x64E0] =	vst v1;
	s8 =	sshra.s32 s12, $0x2;
	s12 =	sadd.s32 $0x200, s12  }
0x28: {  	[tilespmem:s8+$0x64F0] =	vst v1  }
0x29: {  	[tilespmem:s8+$0x6480] =	vst v1  }
0x2a: {  	[tilespmem:s8+$0x6490] =	vst v1  }
0x2b: {  	[tilespmem:s8+$0x64A0] =	vst v1  }
0x2c: {  	[tilespmem:s8+$0x64B0] =	vst v1  }
0x2d: {  	[tilespmem:s8+$0x64C0] =	vst v1  }
0x2e: {  	[tilespmem:s8+$0x64D0] =	vst v1  }
0x2f: {  	[tilespmem:s8+$0x64E0] =	vst v1  }
0x30: {  	[spmem:s18] =	stream.linear.scatter [tilespmem:s26], [sflag:$0x9], $0x2800, $0x38;
	[tilespmem:$0x1FC80] =	vst v63  }
0x31: {  	_ =	swait.ge [sflag:s23], $0x2800  }
0x32: {  	[sflag:s23] =	ssyncset.done $0x0  }
0x33: {  	s12 =	rddreg [dreg:$0x5];
	[sflag:s23] =	ssyncadd.s32 $0xFFFFD800  }
0x34: {  	[spmem:s12] =	stream.linear.scatter [tilespmem:s26], [sflag:$0x9], $0x2800, $0x38;
	[tilespmem:$0x1FC80] =	vst v63  }
0x35: {  	_ =	swait.ge [sflag:s23], $0x2800  }
0x36: {  	[sflag:s23] =	ssyncset.done $0x0  }
0x37: {  	s18 =	rddreg [dreg:$0x6];
	[sflag:s23] =	ssyncadd.s32 $0xFFFFD800  }
0x38: {  	[spmem:s18] =	stream.linear.scatter [tilespmem:s26], [sflag:$0x9], $0x2800, $0x38;
	[tilespmem:$0x1FC80] =	vst v63  }
0x39: {  	_ =	swait.ge [sflag:s23], $0x2800  }
0x3a: {  	[sflag:s23] =	ssyncset.done $0x0  }
0x3b: {  	s24 =	rddreg [dreg:$0x7];
	[sflag:s23] =	ssyncadd.s32 $0xFFFFD800  }
0x3c: {  	[spmem:s24] =	stream.linear.scatter [tilespmem:s26], [sflag:$0x9], $0x2800, $0x38;
	[tilespmem:$0x1FC80] =	vst v63  }
0x3d: {  	_ =	swait.ge [sflag:s23], $0x2800  }
0x3e: {  	[sflag:s23] =	ssyncset.done $0x0  }
0x3f: {  	s25 =	rddreg [dreg:$0x8];
	[sflag:s23] =	ssyncadd.s32 $0xFFFFD800  }
0x40: {  	[spmem:s25] =	stream.linear.scatter [tilespmem:s26], [sflag:$0x9], $0x2800, $0x38;
	[tilespmem:$0x1FC80] =	vst v63  }
0x41: {  	_ =	swait.ge [sflag:s23], $0x2800  }
0x42: {  	[sflag:s23] =	ssyncset.done $0x0  }
0x43: {  	s31 =	rddreg [dreg:$0x9];
	[sflag:s23] =	ssyncadd.s32 $0xFFFFD800  }
0x44: {  	[spmem:s31] =	stream.linear.scatter [tilespmem:s26], [sflag:$0x9], $0x2800, $0x38;
	[tilespmem:$0x1FC80] =	vst v63  }
0x45: {  	_ =	swait.ge [sflag:s23], $0x2800  }
0x46: {  	[sflag:s23] =	ssyncset.done $0x0  }
0x47: {  	s12 =	rddreg [dreg:$0xa];
	[sflag:s23] =	ssyncadd.s32 $0xFFFFD800  }
0x48: {  	[spmem:s12] =	stream.linear.scatter [tilespmem:s26], [sflag:$0x9], $0x2800, $0x38;
	[tilespmem:$0x1FC80] =	vst v63  }
0x49: {  	_ =	swait.ge [sflag:s23], $0x2800  }
0x4a: {  	[sflag:s23] =	ssyncset.done $0x0  }
0x4b: {  	s18 =	rddreg [dreg:$0xb];
	[sflag:s23] =	ssyncadd.s32 $0xFFFFD800  }
0x4c: {  	[spmem:s18] =	stream.linear.scatter [tilespmem:s26], [sflag:$0x9], $0x2800, $0x38;
	[tilespmem:$0x1FC80] =	vst v63  }
0x4d: {  	_ =	swait.ge [sflag:s23], $0x2800  }
0x4e: {  	[sflag:s23] =	ssyncset.done $0x0  }
0x4f: {  	[sflag:s23] =	ssyncadd.s32 $0xFFFFD800  }
0x50: {  	[bflag:$0x0] =	sbarrier.arrive $0xFFFF  }
0x51: {  	s12 =	simm.s32 $0x0;
	s24 =	rddreg [dreg:$0xc]  }
0x52: {  	[tilespmem:s28], [sflag:$0x9] =	stream.linear.gather [hbm4b:s24+s12], $0x200, $0x38;
	[tilespmem:$0x1FC80] =	vst v63  }
0x53: {  	_ =	swait.ge [sflag:s23], $0x200  }
0x54: {  	[sflag:s23] =	ssyncset.done $0x0  }
0x55: {  	s25 =	rddreg [dreg:$0xd];
	[sflag:s23] =	ssyncadd.s32 $0xFFFFFE00  }
0x56: {  	[tilespmem:s29], [sflag:$0x4] =	stream.linear.gather [hbm4b:s25+s12], $0x200, $0x38;
	[tilespmem:$0x1FC80] =	vst v63  }
0x57: {  	s8 =	simm.s32 $0x0;
	s31 =	simm.s32 $0xB500  }
0x58: {  	[tilespmem:s26], [sflag:$0x1] =	stream.indirect.gather [hbm4b:s7+s30], $0x80, s31, s30, $0xb8;
	[tilespmem:$0x1FC80] =	vst v63  }
.LBB2_4:
0x59: {  	p1 =	seq.s32 s8, $0x0  }
0x5a: {  	s12 =	simm.s32 @!p1 $0x8  }
0x5b: {  	s18 =	simm.s32 $0x3;
	_ =	swait.ge @!p1 [sflag:s12], $0x2800  }
0x5c: {  	s23 =	simm.s32 $0x0;
	v9 =	vmov s18;
	[sflag:s12] =	ssyncset.done @!p1 $0x0  }
0x5d: {  	s24 =	simm.s32 $0x1;
	v10 =	vmov s23;
	v9 =	vand.u32 $0x7F, v9;
	[sflag:s12] =	ssyncadd.s32 @!p1 $0xFFFFD800  }
0x5e: {  	v11 =	vbroadcast v9, $0x0;
	v9 =	vand.u32 $0x7C, v10;
	v10 =	vmov s24;
	_ =	swait.ge [sflag:s0], $0x200  }
0x5f: {  	v9 =	vbroadcast v9, $0x0;
	v10 =	vand.u32 $0x7D, v10;
	[sflag:s0] =	ssyncset.done $0x0  }
0x60: {  	s25 =	simm.s32 $0xB700;
	v12 =	vor.u32 $0x100, v11;
	v10 =	vbroadcast v10, $0x0;
	[sflag:s0] =	ssyncadd.s32 $0xFFFFFE00  }
0x61: {  	v13 =	vor.u32 $0x100, v9;
	[tilespmem:s1], [sflag:$0x2] =	stream.indirect.gather [hbm4b:s7+s30], $0x80, s25, s30, $0xb8;
	[tilespmem:$0x1FC80] =	vst v63  }
0x62: {  	v15 =	vor.u32 $0x100, v10;
	_ =	swait.ge [sflag:s6], $0x2800  }
0x63: {  	s18 =	simm.s32 $0x2;
	v9 =	vor.u32 $0x180, v9;
	[sflag:s6] =	ssyncset.done $0x0  }
0x64: {  	v14 =	vmov s18;
	v10 =	vor.u32 $0x180, v10;
	[sflag:s6] =	ssyncadd.s32 $0xFFFFD800  }
0x65: {  	v14 =	vand.u32 $0x7E, v14;
	v11 =	vor.u32 $0x180, v11;
	v12 =	vld.idx.msk [tilespmem:v12+s28+$0x0], $0xffff  }
0x66: {  	v14 =	vbroadcast v14, $0x0;
	v16 =	vld.idx.msk [tilespmem:v13+s28+$0x0], $0xffff  }
0x67: {  	v15 =	vld.idx.msk [tilespmem:v15+s28+$0x0], $0xffff  }
0x68: {  	v17 =	vor.u32 $0x100, v14;
	v9 =	vld.idx.msk [tilespmem:v9+s28+$0x0], $0xffff  }
0x69: {  	v27 =	vld.idx.msk [tilespmem:v10+s28+$0x0], $0xffff  }
0x6a: {  	s31 =	simm.s32 $0x6580;
	v20 =	vld.idx.msk [tilespmem:v11+s28+$0x0], $0xffff  }
0x6b: {  	v18 =	vld [tilespmem:s31+$0xFFFFFF00]  }
0x6c: {  	v19 =	vld [tilespmem:s31+$0xFFFFFF80];
	v13 =	vshll.u32 v12, $0x7  }
0x6d: {  	v21 =	vshll.u32 v16, $0x7;
	v16 =	vld.idx.msk [tilespmem:v17+s28+$0x0], $0xffff;
	v12 =	vor.u32 v0, v13  }
0x6e: {  	v23 =	vld [tilespmem:s31+$0xFFFFFF10]  }
0x6f: {  	v24 =	vld [tilespmem:s31+$0xFFFFFF90]  }
0x70: {  	v25 =	vld [tilespmem:s31+$0x10];
	v22 =	vshll.u32 v15, $0x7;
	v17 =	vor.u32 v0, v21  }
0x71: {  	v15 =	vld [tilespmem:s31+$0x80];
	v10 =	vor.u32 v0, v22  }
0x72: {  	v14 =	vor.u32 $0x180, v14;
	v28 =	vshll.u32 v16, $0x7;
	v12 =	vld.idx.msk [tilespmem:v12+s4+$0x0], $0xffff  }
0x73: {  	v26 =	vld [tilespmem:s31+$0xFFFFFF30];
	v16 =	vor.u32 v0, v28  }
0x74: {  	v29 =	vld [tilespmem:s31+$0xFFFFFFB0]  }
0x75: {  	v17 =	vld.idx.msk [tilespmem:v17+s4+$0x0], $0xffff  }
0x76: {  	v11 =	vld.idx.msk [tilespmem:v10+s4+$0x0], $0xffff  }
0x77: {  	v10 =	vld.idx.msk [tilespmem:v14+s28+$0x0], $0xffff;
	v12 =	vmul.f32 v15, v12;
	v15 =	vor.u32 v2, v13  }
0x78: {  	v14 =	vld.idx.msk [tilespmem:v16+s4+$0x0], $0xffff  }
0x79: {  	v16 =	vld [tilespmem:s31+$0x0];
	v12 =	vmul.f32 v20, v12  }
0x7a: {  	v30 =	vld [tilespmem:s31+$0x30];
	v17 =	vmul.f32 v18, v17;
	v18 =	vor.u32 v2, v21  }
0x7b: {  	v11 =	vmul.f32 v19, v11;
	v19 =	vld [tilespmem:s31+$0x90];
	[tilespmem:s31+$0x80] =	vst v12;
	v12 =	vor.u32 v2, v22  }
0x7c: {  	v17 =	vmul.f32 v9, v17;
	v15 =	vld.idx.msk [tilespmem:v15+s4+$0x0], $0xffff  }
0x7d: {  	v33 =	vld [tilespmem:s31+$0xFFFFFF50];
	v11 =	vmul.f32 v27, v11  }
0x7e: {  	v34 =	vld [tilespmem:s31+$0xFFFFFFD0];
	[tilespmem:s31+$0xFFFFFF00] =	vst v17;
	v14 =	vmul.f32 v16, v14;
	v16 =	vor.u32 v2, v28  }
0x7f: {  	[tilespmem:s31+$0xFFFFFF80] =	vst v11;
	v17 =	vld.idx.msk [tilespmem:v18+s4+$0x0], $0xffff  }
0x80: {  	v11 =	vld.idx.msk [tilespmem:v12+s4+$0x0], $0xffff;
	v12 =	vmul.f32 v10, v14  }
0x81: {  	v35 =	vld [tilespmem:s31+$0xFFFFFFE0];
	v18 =	vor.u32 v3, v13;
	v15 =	vmul.f32 v19, v15  }
0x82: {  	v36 =	vld [tilespmem:s31+$0xC0];
	[tilespmem:s31+$0x0] =	vst v12  }
0x83: {  	v12 =	vld.idx.msk [tilespmem:v16+s4+$0x0], $0xffff;
	v15 =	vmul.f32 v20, v15  }
0x84: {  	v32 =	vld [tilespmem:s31+$0x60];
	v17 =	vmul.f32 v23, v17;
	v23 =	vor.u32 v3, v21  }
0x85: {  	[tilespmem:s31+$0x90] =	vst v15;
	v11 =	vmul.f32 v24, v11;
	v15 =	vor.u32 v3, v22;
	v24 =	vld [tilespmem:s31+$0xA0]  }
0x86: {  	v17 =	vmul.f32 v9, v17;
	v18 =	vld.idx.msk [tilespmem:v18+s4+$0x0], $0xffff  }
0x87: {  	v14 =	vld [tilespmem:s31+$0xFFFFFF20];
	v11 =	vmul.f32 v27, v11  }
0x88: {  	v19 =	vld [tilespmem:s31+$0xFFFFFFA0];
	[tilespmem:s31+$0xFFFFFF10] =	vst v17;
	v17 =	vor.u32 v3, v28;
	v12 =	vmul.f32 v25, v12  }
0x89: {  	v23 =	vld.idx.msk [tilespmem:v23+s4+$0x0], $0xffff;
	[tilespmem:s31+$0xFFFFFF90] =	vst v11  }
0x8a: {  	v11 =	vld.idx.msk [tilespmem:v15+s4+$0x0], $0xffff;
	v12 =	vmul.f32 v10, v12  }
0x8b: {  	v57 =	vld [tilespmem:s31+$0xE0];
	v18 =	vmul.f32 v24, v18;
	v24 =	vor.u32 v4, v13  }
0x8c: {  	v16 =	vld [tilespmem:s31+$0x20];
	[tilespmem:s31+$0x10] =	vst v12  }
0x8d: {  	s12 =	simm.s32 $0x6780;
	v12 =	vld.idx.msk [tilespmem:v17+s4+$0x0], $0xffff;
	v17 =	vmul.f32 v20, v18  }
0x8e: {  	v61 =	vld [tilespmem:s12+$0x80];
	v31 =	vor.u32 v4, v21;
	v14 =	vmul.f32 v14, v23  }
0x8f: {  	v62 =	vld [tilespmem:s12+$0xFFFFFF80];
	[tilespmem:s31+$0xA0] =	vst v17;
	v11 =	vmul.f32 v19, v11;
	v17 =	vor.u32 v4, v22  }
0x90: {  	v14 =	vmul.f32 v9, v14;
	v19 =	vld.idx.msk [tilespmem:v24+s4+$0x0], $0xffff  }
0x91: {  	v24 =	vld [tilespmem:s31+$0xB0];
	v11 =	vmul.f32 v27, v11  }
0x92: {  	v44 =	vld [tilespmem:s12+$0xFFFFFF10];
	[tilespmem:s31+$0xFFFFFF20] =	vst v14;
	v12 =	vmul.f32 v16, v12;
	v16 =	vor.u32 v4, v28  }
0x93: {  	v14 =	vld.idx.msk [tilespmem:v31+s4+$0x0], $0xffff;
	[tilespmem:s31+$0xFFFFFFA0] =	vst v11  }
0x94: {  	v11 =	vmul.f32 v10, v12;
	v12 =	vld.idx.msk [tilespmem:v17+s4+$0x0], $0xffff  }
0x95: {  	v45 =	vld [tilespmem:s12+$0xFFFFFF90]  }
0x96: {  	v46 =	vld [tilespmem:s12+$0x10];
	v17 =	vor.u32 v5, v13;
	[tilespmem:s31+$0x20] =	vst v11;
	v11 =	vmul.f32 v24, v19  }
0x97: {  	v16 =	vld.idx.msk [tilespmem:v16+s4+$0x0], $0xffff  }
0x98: {  	v25 =	vld [tilespmem:s31+$0xFFFFFFC0];
	v14 =	vmul.f32 v26, v14;
	v19 =	vor.u32 v5, v21;
	v11 =	vmul.f32 v20, v11  }
0x99: {  	s23 =	simm.s32 $0x4;
	v15 =	vld [tilespmem:s31+$0xFFFFFF40];
	v26 =	vor.u32 v5, v22;
	v12 =	vmul.f32 v29, v12  }
0x9a: {  	v23 =	vld [tilespmem:s31+$0x50];
	v29 =	vmov s23;
	[tilespmem:s31+$0xB0] =	vst v11;
	v11 =	vmul.f32 v9, v14  }
0x9b: {  	s24 =	simm.s32 $0x5;
	v31 =	vor.u32 v5, v28;
	v14 =	vand.u32 $0x7C, v29;
	v17 =	vld.idx.msk [tilespmem:v17+s4+$0x0], $0xffff;
	v12 =	vmul.f32 v27, v12  }
0x9c: {  	v18 =	vld [tilespmem:s31+$0x40];
	v29 =	vmov s24;
	v14 =	vbroadcast v14, $0x0;
	v16 =	vmul.f32 v30, v16;
	[tilespmem:s31+$0xFFFFFF30] =	vst v11  }
0x9d: {  	v11 =	vand.u32 $0x7D, v29;
	v19 =	vld.idx.msk [tilespmem:v19+s4+$0x0], $0xffff;
	[tilespmem:s31+$0xFFFFFFB0] =	vst v12  }
0x9e: {  	s25 =	simm.s32 $0x6;
	v12 =	vbroadcast v11, $0x0;
	v11 =	vmul.f32 v10, v16;
	v16 =	vld.idx.msk [tilespmem:v26+s4+$0x0], $0xffff;
	v26 =	vor.u32 $0x100, v14  }
0x9f: {  	v24 =	vld [tilespmem:s31+$0xFFFFFF60];
	v29 =	vmov s25  }
0xa0: {  	s18 =	simm.s32 $0x7;
	v47 =	vor.u32 v6, v13;
	v30 =	vld [tilespmem:s31+$0xFFFFFF70];
	[tilespmem:s31+$0x30] =	vst v11;
	v11 =	vand.u32 $0x7E, v29;
	v17 =	vmul.f32 v36, v17  }
0xa1: {  	v37 =	vor.u32 $0x100, v12;
	v29 =	vld.idx.msk [tilespmem:v31+s4+$0x0], $0xffff;
	v38 =	vbroadcast v11, $0x0;
	v11 =	vmov s18  }
0xa2: {  	v31 =	vld [tilespmem:s31+$0xFFFFFFF0];
	v40 =	vand.u32 $0x7F, v11;
	v15 =	vmul.f32 v15, v19;
	v17 =	vmul.f32 v20, v17  }
0xa3: {  	v19 =	vld.idx.msk [tilespmem:v26+s28+$0x0], $0xffff;
	v26 =	vbroadcast v40, $0x0;
	v16 =	vmul.f32 v25, v16;
	v25 =	vor.u32 v6, v22  }
0xa4: {  	v11 =	vld [tilespmem:s31+$0x70];
	v48 =	vor.u32 $0x100, v38;
	v15 =	vmul.f32 v9, v15;
	[tilespmem:s31+$0xC0] =	vst v17  }
0xa5: {  	v17 =	vor.u32 $0x100, v26;
	v16 =	vmul.f32 v27, v16;
	v36 =	vld.idx.msk [tilespmem:v47+s4+$0x0], $0xffff  }
0xa6: {  	[tilespmem:s31+$0xFFFFFF40] =	vst v15;
	v15 =	vmul.f32 v18, v29;
	v29 =	vld [tilespmem:s31+$0xD0]  }
0xa7: {  	v39 =	vor.u32 v6, v21;
	v37 =	vld.idx.msk [tilespmem:v37+s28+$0x0], $0xffff;
	[tilespmem:s31+$0xFFFFFFC0] =	vst v16  }
0xa8: {  	v12 =	vor.u32 $0x180, v12;
	v25 =	vld.idx.msk [tilespmem:v25+s4+$0x0], $0xffff  }
0xa9: {  	v41 =	vor.u32 $0x180, v14;
	v38 =	vor.u32 $0x180, v38;
	v14 =	vshll.u32 v19, $0x7;
	v19 =	vld.idx.msk [tilespmem:v48+s28+$0x0], $0xffff  }
0xaa: {  	v42 =	vld.idx.msk [tilespmem:v17+s28+$0x0], $0xffff  }
0xab: {  	v47 =	vld [tilespmem:s12+$0x20];
	v17 =	vmul.f32 v29, v36;
	v29 =	vor.u32 v7, v13  }
0xac: {  	v39 =	vld.idx.msk [tilespmem:v39+s4+$0x0], $0xffff  }
0xad: {  	v18 =	vor.u32 v6, v28;
	v16 =	vld.idx.msk [tilespmem:v12+s28+$0x0], $0xffff;
	v51 =	vmul.f32 v20, v17;
	v25 =	vmul.f32 v34, v25  }
0xae: {  	v15 =	vmul.f32 v10, v15;
	v12 =	vld.idx.msk [tilespmem:v38+s28+$0x0], $0xffff;
	v49 =	vor.u32 v0, v14  }
0xaf: {  	v38 =	vld [tilespmem:s31+$0xF0];
	v17 =	vshll.u32 v19, $0x7;
	[tilespmem:s31+$0xD0] =	vst v51;
	v19 =	vshll.u32 v42, $0x7;
	v25 =	vmul.f32 v27, v25  }
0xb0: {  	[tilespmem:s31+$0x40] =	vst v15;
	v29 =	vld.idx.msk [tilespmem:v29+s4+$0x0], $0xffff;
	v56 =	vor.u32 v0, v19  }
0xb1: {  	v48 =	vld [tilespmem:s12+$0x0];
	[tilespmem:s31+$0xFFFFFFD0] =	vst v25;
	v25 =	vor.u32 $0x180, v26  }
0xb2: {  	v43 =	vld.idx.msk [tilespmem:v18+s4+$0x0], $0xffff;
	v18 =	vshll.u32 v37, $0x7  }
0xb3: {  	v15 =	vld.idx.msk [tilespmem:v41+s28+$0x0], $0xffff;
	v54 =	vor.u32 v0, v18  }
0xb4: {  	v53 =	vld.idx.msk [tilespmem:v49+s4+$0x0], $0xffff  }
0xb5: {  	v50 =	vor.u32 v7, v21;
	v33 =	vmul.f32 v33, v39;
	v59 =	vld.idx.msk [tilespmem:v56+s4+$0x0], $0xffff;
	v29 =	vmul.f32 v57, v29  }
0xb6: {  	v60 =	vor.u32 v8, v13;
	v55 =	vor.u32 v0, v17;
	v13 =	vld.idx.msk [tilespmem:v25+s28+$0x0], $0xffff  }
0xb7: {  	v33 =	vmul.f32 v9, v33;
	v25 =	vmul.f32 v20, v29;
	v29 =	vld [tilespmem:s12+$0xFFFFFF00]  }
0xb8: {  	v52 =	vor.u32 v7, v22;
	v26 =	vld.idx.msk [tilespmem:v54+s4+$0x0], $0xffff  }
0xb9: {  	[tilespmem:s31+$0xFFFFFF50] =	vst v33;
	v33 =	vld [tilespmem:s12+$0xFFFFFFC0]  }
0xba: {  	v63 =	vor.u32 v2, v19;
	v36 =	vld.idx.msk [tilespmem:v50+s4+$0x0], $0xffff;
	[tilespmem:s31+$0xE0] =	vst v25;
	v25 =	vmul.f32 v61, v59  }
0xbb: {  	v43 =	vmul.f32 v23, v43;
	v58 =	vld.idx.msk [tilespmem:v55+s4+$0x0], $0xffff  }
0xbc: {  	v23 =	vld [tilespmem:s12+$0x50];
	v29 =	vmul.f32 v29, v53;
	v25 =	vmul.f32 v13, v25  }
0xbd: {  	v49 =	vor.u32 v2, v14;
	v41 =	vld.idx.msk [tilespmem:v52+s4+$0x0], $0xffff;
	v26 =	vmul.f32 v62, v26  }
0xbe: {  	v50 =	vor.u32 v2, v18;
	v52 =	vld [tilespmem:s12+$0x90];
	v29 =	vmul.f32 v15, v29;
	[tilespmem:s12+$0x80] =	vst v25  }
0xbf: {  	v24 =	vmul.f32 v24, v36;
	v25 =	vmul.f32 v16, v26;
	v26 =	vld.idx.msk [tilespmem:v63+s4+$0x0], $0xffff  }
0xc0: {  	v51 =	vor.u32 v2, v17;
	v54 =	vld [tilespmem:s12+$0xFFFFFFA0];
	[tilespmem:s12+$0xFFFFFF00] =	vst v29;
	v29 =	vmul.f32 v48, v58  }
0xc1: {  	v24 =	vmul.f32 v9, v24;
	v42 =	vld.idx.msk [tilespmem:v60+s4+$0x0], $0xffff  }
0xc2: {  	[tilespmem:s12+$0xFFFFFF80] =	vst v25;
	v37 =	vld.idx.msk [tilespmem:v49+s4+$0x0], $0xffff;
	v29 =	vmul.f32 v12, v29  }
0xc3: {  	[tilespmem:s31+$0xFFFFFF60] =	vst v24;
	v25 =	vld.idx.msk [tilespmem:v50+s4+$0x0], $0xffff  }
0xc4: {  	v55 =	vor.u32 v3, v19;
	v24 =	vld [tilespmem:s12+$0xFFFFFFE0];
	[tilespmem:s12+$0x0] =	vst v29;
	v26 =	vmul.f32 v52, v26  }
0xc5: {  	v29 =	vld.idx.msk [tilespmem:v51+s4+$0x0], $0xffff  }
0xc6: {  	v53 =	vld [tilespmem:s12+$0xFFFFFF20];
	v26 =	vmul.f32 v13, v26  }
0xc7: {  	v57 =	vor.u32 v3, v14;
	v48 =	vld [tilespmem:s12+$0xFFFFFFB0];
	v56 =	vmul.f32 v44, v37  }
0xc8: {  	v58 =	vor.u32 v3, v18;
	v50 =	vld [tilespmem:s12+$0xA0];
	v25 =	vmul.f32 v45, v25;
	[tilespmem:s12+$0x90] =	vst v26  }
0xc9: {  	v34 =	vmul.f32 v15, v56;
	v26 =	vld.idx.msk [tilespmem:v55+s4+$0x0], $0xffff  }
0xca: {  	v59 =	vor.u32 v3, v17;
	v49 =	vld [tilespmem:s12+$0x30];
	v25 =	vmul.f32 v16, v25;
	v29 =	vmul.f32 v46, v29  }
0xcb: {  	v44 =	vld [tilespmem:s12+$0xFFFFFF30];
	[tilespmem:s12+$0xFFFFFF10] =	vst v34  }
0xcc: {  	v52 =	vor.u32 v7, v28;
	[tilespmem:s12+$0xFFFFFF90] =	vst v25;
	v37 =	vld.idx.msk [tilespmem:v57+s4+$0x0], $0xffff;
	v29 =	vmul.f32 v12, v29  }
0xcd: {  	v25 =	vld.idx.msk [tilespmem:v58+s4+$0x0], $0xffff  }
0xce: {  	v43 =	vmul.f32 v10, v43;
	v62 =	vor.u32 v4, v19;
	v55 =	vld [tilespmem:s12+$0xB0];
	[tilespmem:s12+$0x10] =	vst v29;
	v61 =	vmul.f32 v50, v26  }
0xcf: {  	v60 =	vld.idx.msk [tilespmem:v59+s4+$0x0], $0xffff  }
0xd0: {  	[tilespmem:s31+$0x50] =	vst v43;
	v34 =	vld [tilespmem:s12+$0xFFFFFF40];
	v46 =	vmul.f32 v13, v61  }
0xd1: {  	v63 =	vor.u32 v4, v14;
	v58 =	vld.idx.msk [tilespmem:v52+s4+$0x0], $0xffff;
	v37 =	vmul.f32 v53, v37  }
0xd2: {  	v51 =	vor.u32 v4, v18;
	v57 =	vor.u32 v8, v22;
	v22 =	vld [tilespmem:s12+$0xFFFFFF60];
	v40 =	vmul.f32 v54, v25;
	[tilespmem:s12+$0xA0] =	vst v46  }
0xd3: {  	v37 =	vmul.f32 v15, v37;
	v50 =	vld.idx.msk [tilespmem:v62+s4+$0x0], $0xffff  }
0xd4: {  	v29 =	vld [tilespmem:s12+$0x40];
	v54 =	vor.u32 v4, v17;
	v40 =	vmul.f32 v16, v40;
	v53 =	vmul.f32 v47, v60  }
0xd5: {  	v26 =	vld [tilespmem:s12+$0xFFFFFF50];
	[tilespmem:s12+$0xFFFFFF20] =	vst v37  }
0xd6: {  	v35 =	vmul.f32 v35, v41;
	[tilespmem:s12+$0xFFFFFFA0] =	vst v40;
	v39 =	vld.idx.msk [tilespmem:v63+s4+$0x0], $0xffff;
	v37 =	vmul.f32 v12, v53  }
0xd7: {  	v59 =	vor.u32 v8, v21;
	v56 =	vld.idx.msk [tilespmem:v51+s4+$0x0], $0xffff  }
0xd8: {  	v21 =	vmul.f32 v27, v35;
	v25 =	vld [tilespmem:s12+$0xFFFFFFD0];
	v62 =	vor.u32 v5, v19;
	[tilespmem:s12+$0x20] =	vst v37;
	v61 =	vmul.f32 v55, v50  }
0xd9: {  	v38 =	vmul.f32 v38, v42;
	v60 =	vld.idx.msk [tilespmem:v54+s4+$0x0], $0xffff  }
0xda: {  	v28 =	vor.u32 v8, v28;
	v32 =	vmul.f32 v32, v58;
	[tilespmem:s31+$0xFFFFFFE0] =	vst v21;
	v21 =	vld [tilespmem:s12+$0x60];
	v43 =	vmul.f32 v13, v61  }
0xdb: {  	s23 =	simm.s32 $0x8;
	v52 =	vor.u32 v5, v18;
	v40 =	vld.idx.msk [tilespmem:v57+s4+$0x0], $0xffff;
	v63 =	vor.u32 v5, v14;
	v39 =	vmul.f32 v44, v39  }
0xdc: {  	v32 =	vmul.f32 v10, v32;
	v53 =	vmov s23;
	v54 =	vld.idx.msk [tilespmem:v59+s4+$0x0], $0xffff;
	v36 =	vmul.f32 v48, v56;
	[tilespmem:s12+$0xB0] =	vst v43  }
0xdd: {  	s24 =	simm.s32 $0x9;
	v55 =	vand.u32 $0x7C, v53;
	v59 =	vor.u32 v5, v17;
	v39 =	vmul.f32 v15, v39;
	v58 =	vld.idx.msk [tilespmem:v62+s4+$0x0], $0xffff  }
0xde: {  	[tilespmem:s31+$0x60] =	vst v32;
	v56 =	vmov s24;
	v57 =	vmul.f32 v16, v36;
	v35 =	vmul.f32 v49, v60;
	v60 =	vld [tilespmem:s12+$0xC0]  }
0xdf: {  	s25 =	simm.s32 $0xA;
	v20 =	vmul.f32 v20, v38;
	v28 =	vld.idx.msk [tilespmem:v28+s4+$0x0], $0xffff;
	v61 =	vand.u32 $0x7D, v56;
	v36 =	vbroadcast v55, $0x0;
	[tilespmem:s12+$0xFFFFFF30] =	vst v39  }
0xe0: {  	v37 =	vbroadcast v61, $0x0;
	v62 =	vmov s25;
	[tilespmem:s12+$0xFFFFFFB0] =	vst v57;
	v45 =	vld.idx.msk [tilespmem:v63+s4+$0x0], $0xffff;
	v35 =	vmul.f32 v12, v35  }
0xe1: {  	[tilespmem:s31+$0xF0] =	vst v20;
	v38 =	vor.u32 $0x100, v36;
	v20 =	vand.u32 $0x7E, v62;
	v44 =	vld.idx.msk [tilespmem:v52+s4+$0x0], $0xffff;
	v63 =	vmul.f32 v31, v40  }
0xe2: {  	v39 =	vor.u32 $0x100, v37;
	v43 =	vbroadcast v20, $0x0;
	v20 =	vld [tilespmem:s12+$0xFFFFFF70];
	v31 =	vmul.f32 v30, v54;
	[tilespmem:s12+$0x30] =	vst v35  }
0xe3: {  	s23 =	simm.s32 $0xC;
	s24 =	sshll.u32 s8, $0x2;
	s25 =	simm.s32 $0xB;
	v40 =	vor.u32 v6, v19;
	v32 =	vmul.f32 v27, v63;
	v42 =	vld.idx.msk [tilespmem:v59+s4+$0x0], $0xffff;
	v41 =	vmul.f32 v60, v58  }
.LBB2_5:
0xe4: {  	p1 =	slt.u32 s23, $0x4C;
	v35 =	vmov s25;
	v46 =	vor.u32 v6, v14;
	v30 =	vld [tilespmem:s12+$0xFFFFFFF0];
	v31 =	vmul.f32 v9, v31;
	v9 =	vmovc v15;
	v27 =	vmovc v16  }
0xe5: {  	v16 =	vmul.f32 v34, v45;
	v15 =	vand.u32 $0x7F, v35;
	v34 =	vld [tilespmem:s12+$0x70];
	v35 =	vmul.f32 v13, v41;
	[tilespmem:s31+$0xFFFFFFF0] =	vst v32  }
0xe6: {  	v32 =	vld.idx.msk [tilespmem:v38+s28+$0x0], $0xffff;
	v38 =	vbroadcast v15, $0x0;
	v15 =	vmul.f32 v33, v44;
	v33 =	vor.u32 v6, v18;
	[tilespmem:s31+$0xFFFFFF70] =	vst v31  }
0xe7: {  	v16 =	vmul.f32 v9, v16;
	v44 =	vmul.f32 v11, v28;
	v31 =	vld.idx.msk [tilespmem:v39+s28+$0x0], $0xffff;
	v39 =	vor.u32 $0x100, v43;
	[tilespmem:s12+$0xC0] =	vst v35  }
0xe8: {  	v35 =	vor.u32 $0x100, v38;
	v15 =	vmul.f32 v27, v15;
	v40 =	vld.idx.msk [tilespmem:v40+s4+$0x0], $0xffff  }
0xe9: {  	v28 =	vmul.f32 v10, v44;
	[tilespmem:s12+$0xFFFFFF40] =	vst v16;
	v16 =	vmul.f32 v29, v42;
	v29 =	vor.u32 v6, v17;
	v41 =	vld [tilespmem:s12+$0xD0]  }
0xea: {  	v36 =	vor.u32 $0x180, v36;
	v10 =	vmov v12;
	v42 =	vld.idx.msk [tilespmem:v46+s4+$0x0], $0xffff;
	[tilespmem:s12+$0xFFFFFFC0] =	vst v15;
	v11 =	vmov v34  }
0xeb: {  	v12 =	vor.u32 $0x180, v37;
	v33 =	vld.idx.msk [tilespmem:v33+s4+$0x0], $0xffff;
	v15 =	vmul.f32 v10, v16;
	[tilespmem:s31+$0x70] =	vst v28;
	s31 =	smov.u32 s12  }
0xec: {  	v37 =	vor.u32 $0x180, v43;
	v28 =	vshll.u32 v32, $0x7;
	v34 =	vld.idx.msk [tilespmem:v39+s28+$0x0], $0xffff  }
0xed: {  	v39 =	vor.u32 v0, v28;
	v35 =	vld.idx.msk [tilespmem:v35+s28+$0x0], $0xffff;
	[tilespmem:s12+$0x40] =	vst v15  }
0xee: {  	v29 =	vld.idx.msk [tilespmem:v29+s4+$0x0], $0xffff;
	v32 =	vmul.f32 v41, v40;
	v40 =	vor.u32 v7, v19  }
0xef: {  	v15 =	vld.idx.msk [tilespmem:v36+s28+$0x0], $0xffff  }
0xf0: {  	v26 =	vmul.f32 v26, v42;
	v36 =	vor.u32 v7, v14;
	v16 =	vld.idx.msk [tilespmem:v12+s28+$0x0], $0xffff;
	v41 =	vmul.f32 v13, v32  }
0xf1: {  	v32 =	vshll.u32 v31, $0x7;
	v25 =	vmul.f32 v25, v33;
	v33 =	vor.u32 v7, v18;
	v12 =	vld.idx.msk [tilespmem:v37+s28+$0x0], $0xffff  }
0xf2: {  	v31 =	vshll.u32 v34, $0x7;
	v26 =	vmul.f32 v9, v26;
	v37 =	vld.idx.msk [tilespmem:v39+s4+$0x0], $0xffff;
	v39 =	vor.u32 v0, v32;
	[tilespmem:s12+$0xD0] =	vst v41  }
0xf3: {  	v34 =	vor.u32 v0, v31;
	v35 =	vshll.u32 v35, $0x7;
	v25 =	vmul.f32 v27, v25;
	v40 =	vld.idx.msk [tilespmem:v40+s4+$0x0], $0xffff  }
0xf4: {  	v41 =	vor.u32 v0, v35;
	v23 =	vmul.f32 v23, v29;
	[tilespmem:s12+$0xFFFFFF50] =	vst v26;
	v26 =	vld [tilespmem:s12+$0xE0]  }
0xf5: {  	v29 =	vld.idx.msk [tilespmem:v36+s4+$0x0], $0xffff;
	[tilespmem:s12+$0xFFFFFFD0] =	vst v25  }
0xf6: {  	v25 =	vor.u32 $0x180, v38;
	v23 =	vmul.f32 v10, v23;
	v33 =	vld.idx.msk [tilespmem:v33+s4+$0x0], $0xffff  }
0xf7: {  	v36 =	vld.idx.msk [tilespmem:v39+s4+$0x0], $0xffff  }
0xf8: {  	v34 =	vld.idx.msk [tilespmem:v34+s4+$0x0], $0xffff;
	[tilespmem:s12+$0x50] =	vst v23  }
0xf9: {  	v38 =	vor.u32 v8, v19;
	v19 =	vmov v35;
	s12 =	sadd.s32 $0x200, s12;
	v23 =	vld.idx.msk [tilespmem:v41+s4+$0x0], $0xffff;
	v26 =	vmul.f32 v26, v40  }
0xfa: {  	v35 =	vld [tilespmem:s12+$0x80]  }
0xfb: {  	v22 =	vmul.f32 v22, v29;
	v25 =	vld.idx.msk [tilespmem:v25+s28+$0x0], $0xffff;
	v26 =	vmul.f32 v13, v26  }
0xfc: {  	v24 =	vmul.f32 v24, v33;
	v29 =	vld [tilespmem:s12+$0xFFFFFF00]  }
0xfd: {  	v22 =	vmul.f32 v9, v22;
	v33 =	vld [tilespmem:s12+$0xFFFFFF80];
	[tilespmem:s31+$0xE0] =	vst v26  }
0xfe: {  	v24 =	vmul.f32 v27, v24;
	v26 =	vld.idx.msk [tilespmem:v38+s4+$0x0], $0xffff  }
0xff: {  	v23 =	vmul.f32 v35, v23;
	v35 =	vor.u32 v2, v19;
	[tilespmem:s31+$0xFFFFFF60] =	vst v22;
	v22 =	vld [tilespmem:s31+$0xF0]  }
0x100: {  	v38 =	vld [tilespmem:s12+$0x0];
	[tilespmem:s31+$0xFFFFFFE0] =	vst v24  }
0x101: {  	v24 =	vmul.f32 v29, v37;
	v29 =	vor.u32 v2, v28;
	v37 =	vld [tilespmem:s12+$0xFFFFFF10];
	v23 =	vmul.f32 v25, v23  }
0x102: {  	v33 =	vmul.f32 v33, v36;
	v36 =	vor.u32 v2, v32;
	v39 =	vld [tilespmem:s12+$0xFFFFFF90]  }
0x103: {  	v24 =	vmul.f32 v15, v24;
	v40 =	vld [tilespmem:s12+$0x10];
	[tilespmem:s12+$0x80] =	vst v23  }
0x104: {  	v23 =	vmul.f32 v16, v33;
	v33 =	vld.idx.msk [tilespmem:v35+s4+$0x0], $0xffff;
	v22 =	vmul.f32 v22, v26  }
0x105: {  	v26 =	vor.u32 v2, v31;
	[tilespmem:s12+$0xFFFFFF00] =	vst v24;
	v24 =	vmul.f32 v38, v34;
	v34 =	vld [tilespmem:s12+$0x90]  }
0x106: {  	v29 =	vld.idx.msk [tilespmem:v29+s4+$0x0], $0xffff;
	[tilespmem:s12+$0xFFFFFF80] =	vst v23;
	v22 =	vmul.f32 v13, v22;
	v13 =	vmov v25  }
0x107: {  	v23 =	vld.idx.msk [tilespmem:v36+s4+$0x0], $0xffff;
	v24 =	vmul.f32 v12, v24  }
0x108: {  	v25 =	vld [tilespmem:s12+$0xFFFFFF20];
	[tilespmem:s31+$0xF0] =	vst v22  }
0x109: {  	v22 =	vld [tilespmem:s12+$0xFFFFFFA0];
	[tilespmem:s12+$0x0] =	vst v24  }
0x10a: {  	v24 =	vld.idx.msk [tilespmem:v26+s4+$0x0], $0xffff;
	v26 =	vmul.f32 v34, v33;
	v33 =	vor.u32 v3, v19  }
0x10b: {  	v35 =	vld [tilespmem:s12+$0x20]  }
0x10c: {  	v34 =	vor.u32 v3, v28;
	v29 =	vmul.f32 v37, v29;
	v36 =	vld [tilespmem:s12+$0xFFFFFF30];
	v26 =	vmul.f32 v13, v26  }
0x10d: {  	v37 =	vor.u32 v3, v32;
	v23 =	vmul.f32 v39, v23;
	v38 =	vld [tilespmem:s12+$0xFFFFFFB0]  }
0x10e: {  	v29 =	vmul.f32 v15, v29;
	v39 =	vld [tilespmem:s12+$0x30];
	[tilespmem:s12+$0x90] =	vst v26  }
0x10f: {  	v23 =	vmul.f32 v16, v23;
	v26 =	vld.idx.msk [tilespmem:v33+s4+$0x0], $0xffff  }
0x110: {  	v24 =	vmul.f32 v40, v24;
	[tilespmem:s12+$0xFFFFFF10] =	vst v29;
	v29 =	vor.u32 v3, v31;
	v40 =	vld [tilespmem:s12+$0xA0]  }
0x111: {  	v41 =	vld.idx.msk [tilespmem:v34+s4+$0x0], $0xffff;
	[tilespmem:s12+$0xFFFFFF90] =	vst v23  }
0x112: {  	v24 =	vmul.f32 v12, v24;
	v23 =	vld.idx.msk [tilespmem:v37+s4+$0x0], $0xffff  }
0x113: {  	v34 =	vld [tilespmem:s12+$0xFFFFFF40]  }
0x114: {  	v33 =	vld [tilespmem:s12+$0xFFFFFFC0];
	[tilespmem:s12+$0x10] =	vst v24  }
0x115: {  	v24 =	vld.idx.msk [tilespmem:v29+s4+$0x0], $0xffff;
	v37 =	vmul.f32 v40, v26;
	v40 =	vor.u32 v4, v19  }
0x116: {  	v29 =	vld [tilespmem:s12+$0x40]  }
0x117: {  	v42 =	vor.u32 v4, v28;
	v41 =	vmul.f32 v25, v41;
	v26 =	vld [tilespmem:s12+$0xFFFFFF50];
	v37 =	vmul.f32 v13, v37  }
0x118: {  	v43 =	vor.u32 v4, v32;
	v22 =	vmul.f32 v22, v23;
	v25 =	vld [tilespmem:s12+$0xFFFFFFD0]  }
0x119: {  	v41 =	vmul.f32 v15, v41;
	v23 =	vld [tilespmem:s12+$0x50];
	[tilespmem:s12+$0xA0] =	vst v37;
	v37 =	vor.u32 v7, v17  }
0x11a: {  	v22 =	vmul.f32 v16, v22;
	v40 =	vld.idx.msk [tilespmem:v40+s4+$0x0], $0xffff  }
0x11b: {  	v24 =	vmul.f32 v35, v24;
	v35 =	vor.u32 v4, v31;
	[tilespmem:s12+$0xFFFFFF20] =	vst v41;
	v41 =	vld [tilespmem:s12+$0xB0]  }
0x11c: {  	v42 =	vld.idx.msk [tilespmem:v42+s4+$0x0], $0xffff;
	[tilespmem:s12+$0xFFFFFFA0] =	vst v22  }
0x11d: {  	v24 =	vmul.f32 v12, v24;
	v43 =	vld.idx.msk [tilespmem:v43+s4+$0x0], $0xffff  }
0x11e: {  	v44 =	vor.u32 v8, v18;
	v18 =	vmov v32;
	v37 =	vld.idx.msk [tilespmem:v37+s4+$0x0], $0xffff  }
0x11f: {  	v32 =	vor.u32 v8, v14;
	v14 =	vmov v28;
	v22 =	vld [tilespmem:s12+$0xFFFFFF60];
	[tilespmem:s12+$0x20] =	vst v24  }
0x120: {  	v28 =	vld.idx.msk [tilespmem:v35+s4+$0x0], $0xffff;
	v35 =	vmul.f32 v41, v40;
	v40 =	vor.u32 v5, v19  }
0x121: {  	v24 =	vld [tilespmem:s12+$0xFFFFFFE0]  }
0x122: {  	v41 =	vor.u32 v5, v14;
	v36 =	vmul.f32 v36, v42;
	v42 =	vld [tilespmem:s12+$0x60];
	v35 =	vmul.f32 v13, v35  }
0x123: {  	v47 =	vor.u32 v8, v17;
	v38 =	vmul.f32 v38, v43;
	v43 =	vor.u32 v5, v18;
	v46 =	vld.idx.msk [tilespmem:v44+s4+$0x0], $0xffff  }
0x124: {  	s18 =	sadd.s32 $0x1, s23;
	v17 =	vmovc v31;
	v44 =	vmov s23;
	v36 =	vmul.f32 v15, v36;
	v50 =	vmul.f32 v21, v37;
	[tilespmem:s12+$0xB0] =	vst v35;
	v32 =	vld.idx.msk [tilespmem:v32+s4+$0x0], $0xffff  }
0x125: {  	v31 =	vand.u32 $0x7C, v44;
	v35 =	vmov s18;
	v37 =	vmul.f32 v16, v38;
	v40 =	vld.idx.msk [tilespmem:v40+s4+$0x0], $0xffff  }
0x126: {  	v48 =	vor.u32 v5, v17;
	v28 =	vmul.f32 v39, v28;
	v38 =	vmul.f32 v10, v50;
	[tilespmem:s12+$0xFFFFFF30] =	vst v36;
	v49 =	vld [tilespmem:s12+$0xC0]  }
.Ltmp1:
0x127: {  	s18 =	sadd.s32 $0x2, s23;
	v36 =	vbroadcast v31, $0x0;
	v31 =	vand.u32 $0x7D, v35;
	v45 =	vld.idx.msk [tilespmem:v41+s4+$0x0], $0xffff;
	[tilespmem:s12+$0xFFFFFFB0] =	vst v37;
	v21 =	vmov v42;
	(pc) =	sbr.rel @p1 .LBB2_5-.Ltmp1, $4  }
0x128: {  	v37 =	vbroadcast v31, $0x0;
	v31 =	vmov s18;
	v35 =	vmul.f32 v12, v28;
	v44 =	vld.idx.msk [tilespmem:v43+s4+$0x0], $0xffff;
	[tilespmem:s31+$0x60] =	vst v38  }
0x129: {  	v38 =	vor.u32 $0x100, v36;
	v31 =	vand.u32 $0x7E, v31;
	v30 =	vmul.f32 v30, v46;
	v28 =	vld.idx.msk [tilespmem:v47+s4+$0x0], $0xffff  }
0x12a: {  	v39 =	vor.u32 $0x100, v37;
	v43 =	vbroadcast v31, $0x0;
	v31 =	vmul.f32 v20, v32;
	[tilespmem:s12+$0x30] =	vst v35;
	v20 =	vld [tilespmem:s12+$0xFFFFFF70]  }
0x12b: {  	s25 =	sadd.s32 $0x3, s23;
	s23 =	sadd.s32 $0x4, s23;
	v32 =	vmul.f32 v27, v30;
	v42 =	vld.idx.msk [tilespmem:v48+s4+$0x0], $0xffff;
	v41 =	vmul.f32 v49, v40;
	v40 =	vor.u32 v6, v19  }
0x12c: {  	v27 =	vmov s25  }
0x12d: {  	v27 =	vand.u32 $0x7F, v27  }
0x12e: {  	v30 =	vbroadcast v27, $0x0;
	_ =	sdelay $0x1  }
0x12f: {  	v27 =	vor.u32 $0x100, v30;
	_ =	sdelay $0x4  }
0x130: {  	v46 =	vor.u32 $0x100, v43;
	v27 =	vld.idx.msk [tilespmem:v27+s28+$0x0], $0xffff;
	_ =	sdelay $0x1  }
0x131: {  	v35 =	vld [tilespmem:s12+$0xFFFFFFF0]  }
0x132: {  	v47 =	vld.idx.msk [tilespmem:v38+s28+$0x0], $0xffff  }
0x133: {  	v48 =	vld.idx.msk [tilespmem:v39+s28+$0x0], $0xffff  }
0x134: {  	v46 =	vld.idx.msk [tilespmem:v46+s28+$0x0], $0xffff;
	v38 =	vshll.u32 v27, $0x7  }
0x135: {  	v52 =	vld [tilespmem:s12+$0xD0];
	s23 =	sadd.s32 $0x200, s12;
	v49 =	vor.u32 v0, v38  }
0x136: {  	v36 =	vor.u32 $0x180, v36;
	v41 =	vmul.f32 v13, v41;
	v54 =	vld [tilespmem:s23+$0x80]  }
0x137: {  	v61 =	vld [tilespmem:s23+$0xFFFFFF00];
	v51 =	vor.u32 $0x180, v30  }
0x138: {  	v53 =	vor.u32 $0x180, v37;
	v57 =	vld [tilespmem:s23+$0xFFFFFF80];
	[tilespmem:s12+$0xC0] =	vst v41;
	v39 =	vshll.u32 v47, $0x7  }
0x139: {  	v50 =	vld.idx.msk [tilespmem:v40+s4+$0x0], $0xffff;
	v47 =	vor.u32 v0, v39;
	v40 =	vshll.u32 v46, $0x7  }
0x13a: {  	v41 =	vshll.u32 v48, $0x7;
	v46 =	vor.u32 v0, v40;
	v58 =	vld.idx.msk [tilespmem:v49+s4+$0x0], $0xffff  }
0x13b: {  	v30 =	vld.idx.msk [tilespmem:v36+s28+$0x0], $0xffff;
	v59 =	vor.u32 v0, v41  }
0x13c: {  	v37 =	vld.idx.msk [tilespmem:v51+s28+$0x0], $0xffff  }
0x13d: {  	v34 =	vmul.f32 v34, v45;
	v43 =	vor.u32 $0x180, v43;
	v36 =	vld.idx.msk [tilespmem:v53+s28+$0x0], $0xffff  }
0x13e: {  	v63 =	vor.u32 v6, v14;
	v33 =	vmul.f32 v33, v44;
	v47 =	vld.idx.msk [tilespmem:v47+s4+$0x0], $0xffff  }
0x13f: {  	v34 =	vmul.f32 v15, v34;
	v60 =	vor.u32 v2, v38;
	v45 =	vld.idx.msk [tilespmem:v46+s4+$0x0], $0xffff;
	v48 =	vmul.f32 v54, v58  }
0x140: {  	v33 =	vmul.f32 v16, v33;
	v49 =	vld.idx.msk [tilespmem:v59+s4+$0x0], $0xffff  }
0x141: {  	[tilespmem:s12+$0xFFFFFF40] =	vst v34;
	v59 =	vld [tilespmem:s23+$0x0];
	v62 =	vmul.f32 v37, v48  }
0x142: {  	[tilespmem:s12+$0xFFFFFFC0] =	vst v33;
	v33 =	vld.idx.msk [tilespmem:v43+s28+$0x0], $0xffff  }
0x143: {  	v43 =	vld.idx.msk [tilespmem:v63+s4+$0x0], $0xffff;
	v58 =	vor.u32 v6, v18;
	[tilespmem:s23+$0x80] =	vst v62  }
0x144: {  	v51 =	vld.idx.msk [tilespmem:v60+s4+$0x0], $0xffff;
	v60 =	vmul.f32 v61, v47;
	v61 =	vor.u32 v2, v39  }
0x145: {  	v63 =	vor.u32 v2, v41;
	v44 =	vmul.f32 v57, v49;
	v62 =	vld [tilespmem:s23+$0x90]  }
0x146: {  	v56 =	vld [tilespmem:s23+$0xFFFFFF10];
	v45 =	vmul.f32 v59, v45;
	v57 =	vor.u32 v2, v40;
	v34 =	vmul.f32 v30, v60  }
0x147: {  	v59 =	vld [tilespmem:s23+$0xFFFFFF90];
	v44 =	vmul.f32 v36, v44  }
0x148: {  	v45 =	vmul.f32 v33, v45;
	v49 =	vld.idx.msk [tilespmem:v58+s4+$0x0], $0xffff;
	[tilespmem:s23+$0xFFFFFF00] =	vst v34  }
0x149: {  	[tilespmem:s23+$0xFFFFFF80] =	vst v44;
	v47 =	vld.idx.msk [tilespmem:v61+s4+$0x0], $0xffff  }
0x14a: {  	[tilespmem:s23+$0x0] =	vst v45;
	v58 =	vor.u32 v3, v38;
	v48 =	vld.idx.msk [tilespmem:v63+s4+$0x0], $0xffff;
	v51 =	vmul.f32 v62, v51  }
0x14b: {  	v29 =	vmul.f32 v29, v42;
	v46 =	vld.idx.msk [tilespmem:v57+s4+$0x0], $0xffff  }
0x14c: {  	v60 =	vor.u32 v6, v17;
	v61 =	vld [tilespmem:s23+$0x10];
	v51 =	vmul.f32 v37, v51  }
0x14d: {  	v11 =	vmul.f32 v11, v28;
	v28 =	vld [tilespmem:s23+$0xF0];
	v29 =	vmul.f32 v12, v29  }
0x14e: {  	v63 =	vld [tilespmem:s23+$0xA0];
	v62 =	vor.u32 v3, v39;
	[tilespmem:s23+$0x90] =	vst v51;
	v34 =	vmul.f32 v56, v47  }
0x14f: {  	[tilespmem:s12+$0x40] =	vst v29;
	v29 =	vmul.f32 v59, v48;
	v51 =	vld.idx.msk [tilespmem:v58+s4+$0x0], $0xffff;
	v56 =	vor.u32 v3, v41  }
0x150: {  	v48 =	vld [tilespmem:s23+$0xFFFFFF20];
	v34 =	vmul.f32 v30, v34  }
0x151: {  	v42 =	vld.idx.msk [tilespmem:v60+s4+$0x0], $0xffff;
	v29 =	vmul.f32 v36, v29;
	v57 =	vmul.f32 v61, v46;
	v58 =	vor.u32 v3, v40  }
0x152: {  	v59 =	vmul.f32 v52, v50;
	v61 =	vld [tilespmem:s23+$0xFFFFFFA0];
	[tilespmem:s23+$0xFFFFFF10] =	vst v34  }
0x153: {  	v60 =	vor.u32 v7, v19;
	[tilespmem:s23+$0xFFFFFF90] =	vst v29;
	v29 =	vmul.f32 v33, v57;
	v47 =	vld.idx.msk [tilespmem:v62+s4+$0x0], $0xffff  }
0x154: {  	v62 =	vmul.f32 v63, v51;
	v44 =	vld.idx.msk [tilespmem:v56+s4+$0x0], $0xffff  }
0x155: {  	v46 =	vmul.f32 v13, v59;
	[tilespmem:s23+$0x10] =	vst v29;
	v56 =	vld [tilespmem:s23+$0x20]  }
0x156: {  	v63 =	vor.u32 v4, v38;
	v57 =	vld.idx.msk [tilespmem:v58+s4+$0x0], $0xffff;
	v29 =	vmul.f32 v37, v62  }
0x157: {  	v27 =	vld [tilespmem:s12+$0x70];
	[tilespmem:s12+$0xD0] =	vst v46  }
0x158: {  	v45 =	vld.idx.msk [tilespmem:v60+s4+$0x0], $0xffff;
	[tilespmem:s23+$0xA0] =	vst v29;
	v29 =	vmul.f32 v48, v47  }
0x159: {  	v59 =	vor.u32 v4, v41;
	v60 =	vld [tilespmem:s23+$0xB0];
	v44 =	vmul.f32 v61, v44  }
0x15a: {  	v26 =	vmul.f32 v26, v43;
	v62 =	vld [tilespmem:s23+$0xFFFFFF30];
	v61 =	vor.u32 v4, v39;
	v29 =	vmul.f32 v30, v29  }
0x15b: {  	v58 =	vld.idx.msk [tilespmem:v63+s4+$0x0], $0xffff;
	v34 =	vmul.f32 v56, v57;
	v63 =	vor.u32 v4, v40;
	v44 =	vmul.f32 v36, v44  }
0x15c: {  	v55 =	vor.u32 v7, v14;
	v26 =	vmul.f32 v15, v26;
	v57 =	vld [tilespmem:s23+$0x30];
	[tilespmem:s23+$0xFFFFFF20] =	vst v29  }
0x15d: {  	v34 =	vmul.f32 v33, v34;
	v29 =	vld [tilespmem:s23+$0xFFFFFFB0];
	[tilespmem:s23+$0xFFFFFFA0] =	vst v44  }
0x15e: {  	[tilespmem:s12+$0xFFFFFF50] =	vst v26;
	v25 =	vmul.f32 v25, v49;
	v56 =	vor.u32 v7, v18;
	v47 =	vld.idx.msk [tilespmem:v59+s4+$0x0], $0xffff  }
0x15f: {  	[tilespmem:s23+$0x20] =	vst v34;
	v59 =	vld.idx.msk [tilespmem:v61+s4+$0x0], $0xffff  }
0x160: {  	v25 =	vmul.f32 v16, v25;
	v46 =	vmul.f32 v60, v58;
	v58 =	vor.u32 v5, v38;
	v26 =	vld.idx.msk [tilespmem:v63+s4+$0x0], $0xffff  }
0x161: {  	v43 =	vld.idx.msk [tilespmem:v55+s4+$0x0], $0xffff  }
0x162: {  	v54 =	vld [tilespmem:s23+$0xFFFFFF40];
	[tilespmem:s12+$0xFFFFFFD0] =	vst v25;
	v46 =	vmul.f32 v37, v46  }
0x163: {  	v25 =	vld.idx.msk [tilespmem:v56+s4+$0x0], $0xffff;
	v60 =	vor.u32 v5, v41;
	v29 =	vmul.f32 v29, v47  }
0x164: {  	v63 =	vld [tilespmem:s23+$0xC0];
	[tilespmem:s23+$0xB0] =	vst v46;
	v34 =	vmul.f32 v62, v59;
	v62 =	vor.u32 v5, v39  }
0x165: {  	v55 =	vor.u32 v5, v40;
	v61 =	vld.idx.msk [tilespmem:v58+s4+$0x0], $0xffff;
	v26 =	vmul.f32 v57, v26;
	v29 =	vmul.f32 v36, v29  }
0x166: {  	v14 =	vor.u32 v8, v14;
	v22 =	vmul.f32 v22, v43;
	v56 =	vld [tilespmem:s23+$0xFFFFFFC0];
	v34 =	vmul.f32 v30, v34  }
0x167: {  	v26 =	vmul.f32 v33, v26;
	[tilespmem:s23+$0xFFFFFFB0] =	vst v29;
	v29 =	vld [tilespmem:s23+$0x40]  }
0x168: {  	v22 =	vmul.f32 v15, v22;
	[tilespmem:s23+$0xFFFFFF30] =	vst v34;
	v57 =	vld.idx.msk [tilespmem:v60+s4+$0x0], $0xffff  }
0x169: {  	[tilespmem:s23+$0x30] =	vst v26;
	v58 =	vld.idx.msk [tilespmem:v62+s4+$0x0], $0xffff  }
0x16a: {  	[tilespmem:s12+$0xFFFFFF60] =	vst v22;
	v26 =	vmul.f32 v63, v61;
	v44 =	vld.idx.msk [tilespmem:v55+s4+$0x0], $0xffff  }
0x16b: {  	v14 =	vld.idx.msk [tilespmem:v14+s4+$0x0], $0xffff;
	v59 =	vor.u32 v6, v38  }
0x16c: {  	v50 =	vld [tilespmem:s12+$0xE0];
	v26 =	vmul.f32 v37, v26  }
0x16d: {  	v48 =	vld [tilespmem:s23+$0xFFFFFF50];
	v60 =	vor.u32 v6, v41;
	v34 =	vmul.f32 v56, v57  }
0x16e: {  	v62 =	vld [tilespmem:s23+$0xD0];
	[tilespmem:s23+$0xC0] =	vst v26;
	v26 =	vor.u32 v6, v39;
	v46 =	vmul.f32 v54, v58  }
0x16f: {  	v61 =	vor.u32 v6, v40;
	v63 =	vld [tilespmem:s23+$0xFFFFFFD0];
	v29 =	vmul.f32 v29, v44;
	v34 =	vmul.f32 v36, v34  }
0x170: {  	v23 =	vmul.f32 v23, v42;
	v47 =	vld.idx.msk [tilespmem:v59+s4+$0x0], $0xffff;
	v46 =	vmul.f32 v30, v46  }
0x171: {  	v45 =	vmul.f32 v50, v45;
	v55 =	vld [tilespmem:s23+$0x50];
	v54 =	vor.u32 v7, v17;
	v29 =	vmul.f32 v33, v29;
	[tilespmem:s23+$0xFFFFFFC0] =	vst v34  }
0x172: {  	v23 =	vmul.f32 v12, v23;
	[tilespmem:s23+$0xFFFFFF40] =	vst v46;
	v56 =	vld.idx.msk [tilespmem:v60+s4+$0x0], $0xffff  }
0x173: {  	v45 =	vmul.f32 v13, v45;
	v24 =	vmul.f32 v24, v25;
	[tilespmem:s23+$0x40] =	vst v29;
	v25 =	vld.idx.msk [tilespmem:v26+s4+$0x0], $0xffff  }
0x174: {  	[tilespmem:s12+$0x50] =	vst v23;
	v23 =	vld.idx.msk [tilespmem:v61+s4+$0x0], $0xffff  }
0x175: {  	[tilespmem:s12+$0xE0] =	vst v45;
	v45 =	vld [tilespmem:s12+$0xF0];
	v24 =	vmul.f32 v16, v24;
	v29 =	vor.u32 v7, v38;
	v26 =	vmul.f32 v62, v47  }
0x176: {  	v57 =	vld.idx.msk [tilespmem:v54+s4+$0x0], $0xffff  }
0x177: {  	[tilespmem:s12+$0xFFFFFFE0] =	vst v24;
	v24 =	vld [tilespmem:s23+$0xFFFFFFE0];
	v59 =	vor.u32 v7, v41;
	v26 =	vmul.f32 v37, v26;
	v42 =	vmul.f32 v63, v56  }
0x178: {  	v58 =	vld [tilespmem:s23+$0xFFFFFF60];
	v60 =	vor.u32 v7, v39;
	v25 =	vmul.f32 v48, v25  }
0x179: {  	v61 =	vor.u32 v7, v40;
	v62 =	vld [tilespmem:s23+$0xE0];
	[tilespmem:s23+$0xD0] =	vst v26;
	v23 =	vmul.f32 v55, v23;
	v26 =	vmul.f32 v36, v42  }
0x17a: {  	v19 =	vor.u32 v8, v19;
	v29 =	vld.idx.msk [tilespmem:v29+s4+$0x0], $0xffff;
	v25 =	vmul.f32 v30, v25  }
0x17b: {  	v18 =	vor.u32 v8, v18;
	v63 =	vld [tilespmem:s23+$0x60];
	v21 =	vmul.f32 v21, v57;
	v23 =	vmul.f32 v33, v23;
	[tilespmem:s23+$0xFFFFFFD0] =	vst v26  }
0x17c: {  	[tilespmem:s23+$0xFFFFFF50] =	vst v25;
	v25 =	vld.idx.msk [tilespmem:v59+s4+$0x0], $0xffff  }
0x17d: {  	v17 =	vor.u32 v8, v17;
	v21 =	vmul.f32 v12, v21;
	[tilespmem:s23+$0x50] =	vst v23;
	v26 =	vld.idx.msk [tilespmem:v60+s4+$0x0], $0xffff  }
0x17e: {  	v22 =	vld.idx.msk [tilespmem:v61+s4+$0x0], $0xffff  }
0x17f: {  	v19 =	vld.idx.msk [tilespmem:v19+s4+$0x0], $0xffff;
	[tilespmem:s12+$0x60] =	vst v21;
	v21 =	vmul.f32 v62, v29  }
0x180: {  	v18 =	vld.idx.msk [tilespmem:v18+s4+$0x0], $0xffff;
	v23 =	vor.u32 v8, v38  }
0x181: {  	v44 =	vld [tilespmem:s23+$0xFFFFFFF0];
	v21 =	vmul.f32 v37, v21;
	v24 =	vmul.f32 v24, v25;
	v25 =	vor.u32 v8, v41  }
0x182: {  	v46 =	vor.u32 v8, v39;
	v17 =	vld.idx.msk [tilespmem:v17+s4+$0x0], $0xffff;
	v26 =	vmul.f32 v58, v26  }
0x183: {  	v47 =	vld [tilespmem:s23+$0x70];
	[tilespmem:s23+$0xE0] =	vst v21;
	v22 =	vmul.f32 v63, v22;
	v21 =	vmul.f32 v36, v24;
	v24 =	vor.u32 v8, v40  }
0x184: {  	[tilespmem:s31+$0xFFFFFFF0] =	vst v32;
	v29 =	vld [tilespmem:s23+$0xFFFFFF70];
	v26 =	vmul.f32 v30, v26  }
0x185: {  	v23 =	vld.idx.msk [tilespmem:v23+s4+$0x0], $0xffff;
	[tilespmem:s23+$0xFFFFFFE0] =	vst v21;
	v21 =	vmul.f32 v33, v22  }
0x186: {  	v9 =	vmul.f32 v9, v31;
	v19 =	vmul.f32 v45, v19;
	[tilespmem:s23+$0xFFFFFF60] =	vst v26;
	v22 =	vld.idx.msk [tilespmem:v25+s4+$0x0], $0xffff  }
0x187: {  	v10 =	vmul.f32 v10, v11;
	v11 =	vmul.f32 v35, v18;
	v18 =	vld.idx.msk [tilespmem:v46+s4+$0x0], $0xffff;
	[tilespmem:s23+$0x60] =	vst v21  }
0x188: {  	[tilespmem:s31+$0xFFFFFF70] =	vst v9;
	v9 =	vmul.f32 v13, v19;
	v13 =	vmul.f32 v20, v14;
	v14 =	vld.idx.msk [tilespmem:v24+s4+$0x0], $0xffff  }
0x189: {  	[tilespmem:s31+$0x70] =	vst v10;
	v10 =	vmul.f32 v16, v11;
	v11 =	vmul.f32 v27, v17  }
0x18a: {  	[tilespmem:s12+$0xF0] =	vst v9;
	v9 =	vmul.f32 v15, v13;
	v13 =	vmul.f32 v28, v23  }
0x18b: {  	[tilespmem:s12+$0xFFFFFFF0] =	vst v10;
	v10 =	vmul.f32 v12, v11;
	v11 =	vmul.f32 v44, v22  }
0x18c: {  	p1 =	sgt.u32 s24, $0x7F;
	[tilespmem:s12+$0xFFFFFF70] =	vst v9;
	v9 =	vmul.f32 v37, v13;
	v12 =	vmul.f32 v29, v18  }
0x18d: {  	p1 =	por !p0, !p1;
	s31 =	sadd.s32 s24, s17;
	[tilespmem:s12+$0x70] =	vst v10;
	v10 =	vmul.f32 v36, v11;
	v11 =	vmul.f32 v47, v14  }
0x18e: {  	p1 =	por !p1, !p1;
	s18 =	sadd.s32 $0x2, s31;
	s12 =	sadd.s32 s24, s20;
	[tilespmem:s23+$0xF0] =	vst v9;
	v9 =	vmul.f32 v30, v12  }
0x18f: {  	s18 =	smov.u32 @p1 s12;
	[tilespmem:s23+$0xFFFFFFF0] =	vst v10;
	v10 =	vmul.f32 v33, v11  }
0x190: {  	s12 =	sshll.u32 s18, $0x6;
	[tilespmem:s23+$0xFFFFFF70] =	vst v9  }
0x191: {  	s12 =	sand.u32 $0x1FFFFF80, s12;
	[tilespmem:s23+$0x70] =	vst v10  }
0x192: {  	[spmem:s2] =	stream.indirect.scatter.add.f32 [tilespmem:s26], [sflag:$0x7], $0x80, s28, s30, $0xb8;
	[tilespmem:$0x1FC80] =	vst v63  }
0x193: {  	s25 =	simm.s32 $0x0;
	s12 =	sadd.s32 s5, s12  }
0x194: {  	[tilespmem:s9], [sflag:$0x5] =	stream.linear.gather [hbm4b:s12+s25], $0x200, $0x38;
	[tilespmem:$0x1FC80] =	vst v63  }
0x195: {  	s23 =	simm.s32 $0x3;
	_ =	swait.ge [sflag:s10], $0x2800  }
0x196: {  	v9 =	vmov s23;
	[sflag:s10] =	ssyncset.done $0x0  }
0x197: {  	v10 =	vmov s25;
	v9 =	vand.u32 $0x7F, v9;
	[sflag:s10] =	ssyncadd.s32 $0xFFFFD800  }
0x198: {  	v11 =	vbroadcast v9, $0x0;
	v9 =	vand.u32 $0x7C, v10;
	_ =	swait.ge [sflag:s11], $0x200  }
0x199: {  	s25 =	simm.s32 $0x1;
	v9 =	vbroadcast v9, $0x0;
	[sflag:s11] =	ssyncset.done $0x0  }
0x19a: {  	s18 =	simm.s32 $0xB900;
	s23 =	simm.s32 $0x2;
	v10 =	vmov s25;
	v12 =	vor.u32 $0x100, v11;
	[sflag:s11] =	ssyncadd.s32 $0xFFFFFE00  }
0x19b: {  	v10 =	vand.u32 $0x7D, v10;
	v13 =	vor.u32 $0x100, v9;
	[tilespmem:s26], [sflag:$0x1] =	stream.indirect.gather [hbm4b:s7+s30], $0x80, s18, s30, $0xb8;
	[tilespmem:$0x1FC80] =	vst v63  }
0x19c: {  	v14 =	vmov s23;
	v10 =	vbroadcast v10, $0x0;
	_ =	swait.ge [sflag:s13], $0x2800  }
0x19d: {  	v14 =	vand.u32 $0x7E, v14;
	[sflag:s13] =	ssyncset.done $0x0  }
0x19e: {  	v14 =	vbroadcast v14, $0x0;
	v15 =	vor.u32 $0x100, v10;
	[sflag:s13] =	ssyncadd.s32 $0xFFFFD800  }
0x19f: {  	v12 =	vld.idx.msk [tilespmem:v12+s29+$0x0], $0xffff  }
0x1a0: {  	v17 =	vor.u32 $0x100, v14;
	v16 =	vld.idx.msk [tilespmem:v13+s29+$0x0], $0xffff  }
0x1a1: {  	v9 =	vor.u32 $0x180, v9  }
0x1a2: {  	v10 =	vor.u32 $0x180, v10  }
0x1a3: {  	v11 =	vor.u32 $0x180, v11;
	v15 =	vld.idx.msk [tilespmem:v15+s29+$0x0], $0xffff  }
0x1a4: {  	v13 =	vshll.u32 v12, $0x7  }
0x1a5: {  	v21 =	vshll.u32 v16, $0x7;
	v16 =	vld.idx.msk [tilespmem:v17+s29+$0x0], $0xffff;
	v12 =	vor.u32 v0, v13  }
0x1a6: {  	v9 =	vld.idx.msk [tilespmem:v9+s29+$0x0], $0xffff  }
0x1a7: {  	v27 =	vld.idx.msk [tilespmem:v10+s29+$0x0], $0xffff  }
0x1a8: {  	s12 =	simm.s32 $0x8D80;
	v20 =	vld.idx.msk [tilespmem:v11+s29+$0x0], $0xffff;
	v22 =	vshll.u32 v15, $0x7;
	v17 =	vor.u32 v0, v21  }
0x1a9: {  	v15 =	vld [tilespmem:s12+$0x80];
	v10 =	vor.u32 v0, v22  }
0x1aa: {  	v14 =	vor.u32 $0x180, v14;
	v28 =	vshll.u32 v16, $0x7;
	v12 =	vld.idx.msk [tilespmem:v12+s4+$0x0], $0xffff  }
0x1ab: {  	v18 =	vld [tilespmem:s12+$0xFFFFFF00];
	v16 =	vor.u32 v0, v28  }
0x1ac: {  	v19 =	vld [tilespmem:s12+$0xFFFFFF80]  }
0x1ad: {  	v17 =	vld.idx.msk [tilespmem:v17+s4+$0x0], $0xffff  }
0x1ae: {  	v11 =	vld.idx.msk [tilespmem:v10+s4+$0x0], $0xffff  }
0x1af: {  	v10 =	vld.idx.msk [tilespmem:v14+s29+$0x0], $0xffff;
	v12 =	vmul.f32 v15, v12  }
0x1b0: {  	v15 =	vor.u32 v2, v13;
	v14 =	vld.idx.msk [tilespmem:v16+s4+$0x0], $0xffff  }
0x1b1: {  	v16 =	vld [tilespmem:s12+$0x0];
	v12 =	vmul.f32 v20, v12  }
0x1b2: {  	v17 =	vmul.f32 v18, v17;
	v18 =	vor.u32 v2, v21  }
0x1b3: {  	v23 =	vld [tilespmem:s12+$0xFFFFFF10];
	v11 =	vmul.f32 v19, v11;
	[tilespmem:s12+$0x80] =	vst v12;
	v12 =	vor.u32 v2, v22  }
0x1b4: {  	v19 =	vld [tilespmem:s12+$0x90];
	v17 =	vmul.f32 v9, v17  }
0x1b5: {  	v11 =	vmul.f32 v27, v11;
	v15 =	vld.idx.msk [tilespmem:v15+s4+$0x0], $0xffff  }
0x1b6: {  	v24 =	vld [tilespmem:s12+$0xFFFFFF90];
	[tilespmem:s12+$0xFFFFFF00] =	vst v17;
	v14 =	vmul.f32 v16, v14;
	v16 =	vor.u32 v2, v28  }
0x1b7: {  	[tilespmem:s12+$0xFFFFFF80] =	vst v11;
	v17 =	vld.idx.msk [tilespmem:v18+s4+$0x0], $0xffff  }
0x1b8: {  	v11 =	vld.idx.msk [tilespmem:v12+s4+$0x0], $0xffff;
	v12 =	vmul.f32 v10, v14  }
0x1b9: {  	v25 =	vld [tilespmem:s12+$0x10]  }
0x1ba: {  	v26 =	vld [tilespmem:s12+$0xFFFFFF30];
	v18 =	vor.u32 v3, v13;
	v15 =	vmul.f32 v19, v15;
	[tilespmem:s12+$0x0] =	vst v12  }
0x1bb: {  	v12 =	vld.idx.msk [tilespmem:v16+s4+$0x0], $0xffff  }
0x1bc: {  	v29 =	vld [tilespmem:s12+$0xFFFFFFB0];
	v17 =	vmul.f32 v23, v17;
	v15 =	vmul.f32 v20, v15  }
0x1bd: {  	v30 =	vld [tilespmem:s12+$0x30];
	v23 =	vor.u32 v3, v21  }
0x1be: {  	v17 =	vmul.f32 v9, v17;
	[tilespmem:s12+$0x90] =	vst v15;
	v11 =	vmul.f32 v24, v11;
	v15 =	vor.u32 v3, v22;
	v24 =	vld [tilespmem:s12+$0xA0]  }
0x1bf: {  	v18 =	vld.idx.msk [tilespmem:v18+s4+$0x0], $0xffff  }
0x1c0: {  	v14 =	vld [tilespmem:s12+$0xFFFFFF20];
	[tilespmem:s12+$0xFFFFFF10] =	vst v17;
	v17 =	vor.u32 v3, v28;
	v11 =	vmul.f32 v27, v11;
	v12 =	vmul.f32 v25, v12  }
0x1c1: {  	v19 =	vld [tilespmem:s12+$0xFFFFFFA0]  }
0x1c2: {  	v23 =	vld.idx.msk [tilespmem:v23+s4+$0x0], $0xffff;
	[tilespmem:s12+$0xFFFFFF90] =	vst v11;
	v12 =	vmul.f32 v10, v12  }
0x1c3: {  	v11 =	vld.idx.msk [tilespmem:v15+s4+$0x0], $0xffff  }
0x1c4: {  	v16 =	vld [tilespmem:s12+$0x20];
	v18 =	vmul.f32 v24, v18;
	v24 =	vor.u32 v4, v13;
	[tilespmem:s12+$0x10] =	vst v12  }
0x1c5: {  	v12 =	vld.idx.msk [tilespmem:v17+s4+$0x0], $0xffff  }
0x1c6: {  	v48 =	vld [tilespmem:s12+$0xFFFFFF50];
	v17 =	vmul.f32 v20, v18  }
0x1c7: {  	v49 =	vld [tilespmem:s12+$0xFFFFFFD0];
	v31 =	vor.u32 v4, v21;
	v14 =	vmul.f32 v14, v23  }
0x1c8: {  	v35 =	vld [tilespmem:s12+$0xFFFFFFE0];
	[tilespmem:s12+$0xA0] =	vst v17;
	v11 =	vmul.f32 v19, v11;
	v17 =	vor.u32 v4, v22  }
0x1c9: {  	v14 =	vmul.f32 v9, v14;
	v19 =	vld.idx.msk [tilespmem:v24+s4+$0x0], $0xffff  }
0x1ca: {  	v24 =	vld [tilespmem:s12+$0xB0];
	v11 =	vmul.f32 v27, v11;
	v12 =	vmul.f32 v16, v12;
	v16 =	vor.u32 v4, v28  }
0x1cb: {  	v50 =	vld [tilespmem:s12+$0xC0];
	[tilespmem:s12+$0xFFFFFF20] =	vst v14  }
0x1cc: {  	v14 =	vld.idx.msk [tilespmem:v31+s4+$0x0], $0xffff;
	[tilespmem:s12+$0xFFFFFFA0] =	vst v11;
	v11 =	vmul.f32 v10, v12  }
0x1cd: {  	v12 =	vld.idx.msk [tilespmem:v17+s4+$0x0], $0xffff  }
0x1ce: {  	v32 =	vld [tilespmem:s12+$0x60];
	[tilespmem:s12+$0x20] =	vst v11  }
0x1cf: {  	v11 =	vmul.f32 v24, v19;
	v16 =	vld.idx.msk [tilespmem:v16+s4+$0x0], $0xffff  }
0x1d0: {  	v25 =	vld [tilespmem:s12+$0xFFFFFFC0];
	v17 =	vor.u32 v5, v13  }
0x1d1: {  	s25 =	simm.s32 $0x4;
	v15 =	vld [tilespmem:s12+$0xFFFFFF40];
	v31 =	vor.u32 v5, v28;
	v14 =	vmul.f32 v26, v14;
	v11 =	vmul.f32 v20, v11  }
0x1d2: {  	v23 =	vld [tilespmem:s12+$0x50];
	v19 =	vor.u32 v5, v21;
	v12 =	vmul.f32 v29, v12;
	v29 =	vmov s25  }
0x1d3: {  	s23 =	simm.s32 $0x5;
	v18 =	vld [tilespmem:s12+$0x40];
	v26 =	vor.u32 v5, v22;
	[tilespmem:s12+$0xB0] =	vst v11;
	v11 =	vmul.f32 v9, v14;
	v14 =	vand.u32 $0x7C, v29  }
0x1d4: {  	v24 =	vld [tilespmem:s12+$0xFFFFFF60];
	v29 =	vmov s23;
	v12 =	vmul.f32 v27, v12;
	v16 =	vmul.f32 v30, v16  }
0x1d5: {  	v17 =	vld.idx.msk [tilespmem:v17+s4+$0x0], $0xffff;
	v14 =	vbroadcast v14, $0x0;
	[tilespmem:s12+$0xFFFFFF30] =	vst v11;
	v11 =	vand.u32 $0x7D, v29  }
0x1d6: {  	v30 =	vld [tilespmem:s12+$0xFFFFFF70];
	[tilespmem:s12+$0xFFFFFFB0] =	vst v12;
	v12 =	vbroadcast v11, $0x0;
	v11 =	vmul.f32 v10, v16  }
0x1d7: {  	s25 =	simm.s32 $0x6;
	v19 =	vld.idx.msk [tilespmem:v19+s4+$0x0], $0xffff  }
0x1d8: {  	v29 =	vmov s25;
	v16 =	vld.idx.msk [tilespmem:v26+s4+$0x0], $0xffff;
	v26 =	vor.u32 $0x100, v14;
	[tilespmem:s12+$0x30] =	vst v11  }
0x1d9: {  	s23 =	simm.s32 $0x7;
	v11 =	vand.u32 $0x7E, v29;
	v29 =	vld.idx.msk [tilespmem:v31+s4+$0x0], $0xffff  }
0x1da: {  	v53 =	vbroadcast v11, $0x0;
	v11 =	vmov s23;
	v31 =	vld [tilespmem:s12+$0xFFFFFFF0]  }
0x1db: {  	v51 =	vor.u32 $0x100, v12;
	s23 =	simm.s32 $0x8F80;
	v55 =	vand.u32 $0x7F, v11;
	v11 =	vld [tilespmem:s12+$0x70]  }
0x1dc: {  	v52 =	vor.u32 v6, v13;
	v17 =	vmul.f32 v50, v17;
	v44 =	vld [tilespmem:s23+$0xFFFFFF30]  }
0x1dd: {  	v15 =	vmul.f32 v15, v19;
	v19 =	vld.idx.msk [tilespmem:v26+s29+$0x0], $0xffff  }
0x1de: {  	v17 =	vmul.f32 v20, v17;
	v56 =	vor.u32 $0x100, v53;
	v38 =	vor.u32 $0x180, v53;
	v53 =	vld [tilespmem:s23+$0xFFFFFF80]  }
0x1df: {  	v54 =	vor.u32 v6, v21;
	v26 =	vbroadcast v55, $0x0;
	v55 =	vld [tilespmem:s23+$0x0]  }
0x1e0: {  	v12 =	vor.u32 $0x180, v12;
	v37 =	vld.idx.msk [tilespmem:v51+s29+$0x0], $0xffff;
	[tilespmem:s12+$0xC0] =	vst v17  }
0x1e1: {  	v16 =	vmul.f32 v25, v16;
	v25 =	vor.u32 v6, v22;
	v15 =	vmul.f32 v9, v15;
	v36 =	vld.idx.msk [tilespmem:v52+s4+$0x0], $0xffff  }
0x1e2: {  	v52 =	vld [tilespmem:s23+$0x80]  }
0x1e3: {  	v17 =	vor.u32 $0x100, v26;
	v16 =	vmul.f32 v27, v16;
	[tilespmem:s12+$0xFFFFFF40] =	vst v15;
	v15 =	vmul.f32 v18, v29;
	v29 =	vld [tilespmem:s12+$0xD0]  }
0x1e4: {  	v39 =	vld.idx.msk [tilespmem:v54+s4+$0x0], $0xffff  }
0x1e5: {  	[tilespmem:s12+$0xFFFFFFC0] =	vst v16;
	v16 =	vld.idx.msk [tilespmem:v12+s29+$0x0], $0xffff  }
0x1e6: {  	v57 =	vor.u32 $0x180, v14;
	v25 =	vld.idx.msk [tilespmem:v25+s4+$0x0], $0xffff  }
0x1e7: {  	v14 =	vshll.u32 v19, $0x7;
	v19 =	vld.idx.msk [tilespmem:v56+s29+$0x0], $0xffff  }
0x1e8: {  	v59 =	vld.idx.msk [tilespmem:v17+s29+$0x0], $0xffff  }
0x1e9: {  	v15 =	vmul.f32 v10, v15;
	v12 =	vld.idx.msk [tilespmem:v38+s29+$0x0], $0xffff;
	v17 =	vmul.f32 v29, v36;
	v29 =	vor.u32 v7, v13  }
0x1ea: {  	v18 =	vor.u32 v6, v28;
	v38 =	vld [tilespmem:s12+$0xF0];
	v58 =	vor.u32 v0, v14  }
0x1eb: {  	[tilespmem:s12+$0x40] =	vst v15;
	v15 =	vld.idx.msk [tilespmem:v57+s29+$0x0], $0xffff;
	v61 =	vmul.f32 v20, v17;
	v25 =	vmul.f32 v49, v25  }
0x1ec: {  	v57 =	vld [tilespmem:s23+$0xFFFFFF10];
	v33 =	vmul.f32 v48, v39  }
0x1ed: {  	v48 =	vld [tilespmem:s12+$0xE0];
	v17 =	vshll.u32 v19, $0x7;
	[tilespmem:s12+$0xD0] =	vst v61;
	v19 =	vshll.u32 v59, $0x7;
	v25 =	vmul.f32 v27, v25  }
0x1ee: {  	v29 =	vld.idx.msk [tilespmem:v29+s4+$0x0], $0xffff;
	v47 =	vor.u32 v0, v19  }
0x1ef: {  	v43 =	vld.idx.msk [tilespmem:v18+s4+$0x0], $0xffff;
	[tilespmem:s12+$0xFFFFFFD0] =	vst v25;
	v25 =	vor.u32 $0x180, v26  }
0x1f0: {  	v18 =	vshll.u32 v37, $0x7;
	v63 =	vld.idx.msk [tilespmem:v58+s4+$0x0], $0xffff;
	v33 =	vmul.f32 v9, v33  }
0x1f1: {  	v45 =	vor.u32 v0, v18;
	v59 =	vld [tilespmem:s23+$0xFFFFFF90]  }
0x1f2: {  	[tilespmem:s12+$0xFFFFFF50] =	vst v33;
	v33 =	vld [tilespmem:s23+$0xFFFFFFC0]  }
0x1f3: {  	v60 =	vor.u32 v7, v21;
	v50 =	vld.idx.msk [tilespmem:v47+s4+$0x0], $0xffff;
	v29 =	vmul.f32 v48, v29  }
0x1f4: {  	v51 =	vor.u32 v8, v13;
	v46 =	vor.u32 v0, v17;
	v13 =	vld.idx.msk [tilespmem:v25+s29+$0x0], $0xffff  }
0x1f5: {  	v25 =	vmul.f32 v20, v29;
	v29 =	vld [tilespmem:s23+$0xFFFFFF00]  }
0x1f6: {  	v62 =	vor.u32 v7, v22;
	v26 =	vld.idx.msk [tilespmem:v45+s4+$0x0], $0xffff  }
0x1f7: {  	v43 =	vmul.f32 v23, v43;
	v23 =	vld [tilespmem:s23+$0x50]  }
0x1f8: {  	v54 =	vor.u32 v2, v19;
	v36 =	vld.idx.msk [tilespmem:v60+s4+$0x0], $0xffff;
	[tilespmem:s12+$0xE0] =	vst v25;
	v25 =	vmul.f32 v52, v50  }
0x1f9: {  	v49 =	vld.idx.msk [tilespmem:v46+s4+$0x0], $0xffff  }
0x1fa: {  	v56 =	vor.u32 v2, v14;
	v60 =	vld [tilespmem:s23+$0x10];
	v29 =	vmul.f32 v29, v63;
	v25 =	vmul.f32 v13, v25  }
0x1fb: {  	v58 =	vor.u32 v2, v18;
	v41 =	vld.idx.msk [tilespmem:v62+s4+$0x0], $0xffff;
	v26 =	vmul.f32 v53, v26  }
0x1fc: {  	v62 =	vld [tilespmem:s23+$0x90];
	v29 =	vmul.f32 v15, v29;
	[tilespmem:s23+$0x80] =	vst v25  }
0x1fd: {  	v25 =	vmul.f32 v16, v26;
	v26 =	vld.idx.msk [tilespmem:v54+s4+$0x0], $0xffff  }
0x1fe: {  	v61 =	vor.u32 v2, v17;
	v47 =	vld [tilespmem:s23+$0x20];
	[tilespmem:s23+$0xFFFFFF00] =	vst v29;
	v29 =	vmul.f32 v55, v49  }
0x1ff: {  	[tilespmem:s23+$0xFFFFFF80] =	vst v25;
	v37 =	vld.idx.msk [tilespmem:v56+s4+$0x0], $0xffff  }
0x200: {  	v25 =	vld.idx.msk [tilespmem:v58+s4+$0x0], $0xffff;
	v29 =	vmul.f32 v12, v29  }
0x201: {  	v48 =	vld [tilespmem:s23+$0xFFFFFFB0];
	v24 =	vmul.f32 v24, v36  }
0x202: {  	v53 =	vor.u32 v3, v19;
	v42 =	vld.idx.msk [tilespmem:v51+s4+$0x0], $0xffff;
	[tilespmem:s23+$0x0] =	vst v29;
	v26 =	vmul.f32 v62, v26  }
0x203: {  	v24 =	vmul.f32 v9, v24;
	v29 =	vld.idx.msk [tilespmem:v61+s4+$0x0], $0xffff  }
0x204: {  	v52 =	vld [tilespmem:s23+$0xFFFFFFA0];
	v55 =	vor.u32 v3, v14;
	v54 =	vmul.f32 v57, v37;
	v26 =	vmul.f32 v13, v26  }
0x205: {  	[tilespmem:s12+$0xFFFFFF60] =	vst v24;
	v24 =	vld [tilespmem:s23+$0xFFFFFFE0];
	v56 =	vor.u32 v3, v18;
	v25 =	vmul.f32 v59, v25  }
0x206: {  	v58 =	vld [tilespmem:s23+$0xA0];
	v34 =	vmul.f32 v15, v54;
	[tilespmem:s23+$0x90] =	vst v26  }
0x207: {  	v25 =	vmul.f32 v16, v25;
	v26 =	vld.idx.msk [tilespmem:v53+s4+$0x0], $0xffff  }
0x208: {  	v63 =	vld [tilespmem:s23+$0xFFFFFF20];
	v57 =	vor.u32 v3, v17;
	[tilespmem:s23+$0xFFFFFF10] =	vst v34;
	v29 =	vmul.f32 v60, v29  }
0x209: {  	[tilespmem:s23+$0xFFFFFF90] =	vst v25;
	v37 =	vld.idx.msk [tilespmem:v55+s4+$0x0], $0xffff  }
0x20a: {  	v25 =	vld.idx.msk [tilespmem:v56+s4+$0x0], $0xffff;
	v29 =	vmul.f32 v12, v29  }
0x20b: {  	v49 =	vld [tilespmem:s23+$0x30]  }
0x20c: {  	v61 =	vor.u32 v4, v19;
	v34 =	vld [tilespmem:s23+$0xFFFFFF40];
	[tilespmem:s23+$0x10] =	vst v29;
	v60 =	vmul.f32 v58, v26  }
0x20d: {  	v59 =	vld.idx.msk [tilespmem:v57+s4+$0x0], $0xffff  }
0x20e: {  	v62 =	vor.u32 v4, v14;
	v55 =	vld [tilespmem:s23+$0xB0];
	v37 =	vmul.f32 v63, v37;
	v46 =	vmul.f32 v13, v60  }
0x20f: {  	v29 =	vld [tilespmem:s23+$0x40];
	v40 =	vmul.f32 v52, v25;
	v63 =	vor.u32 v4, v18  }
0x210: {  	v26 =	vld [tilespmem:s23+$0xFFFFFF50];
	v52 =	vor.u32 v7, v28;
	v37 =	vmul.f32 v15, v37;
	[tilespmem:s23+$0xA0] =	vst v46  }
0x211: {  	v43 =	vmul.f32 v10, v43;
	v40 =	vmul.f32 v16, v40;
	v50 =	vld.idx.msk [tilespmem:v61+s4+$0x0], $0xffff  }
0x212: {  	v54 =	vor.u32 v4, v17;
	v57 =	vor.u32 v8, v22;
	v22 =	vld [tilespmem:s23+$0xFFFFFF60];
	[tilespmem:s23+$0xFFFFFF20] =	vst v37;
	v53 =	vmul.f32 v47, v59  }
0x213: {  	[tilespmem:s23+$0xFFFFFFA0] =	vst v40;
	v39 =	vld.idx.msk [tilespmem:v62+s4+$0x0], $0xffff  }
0x214: {  	[tilespmem:s12+$0x50] =	vst v43;
	v35 =	vmul.f32 v35, v41;
	v56 =	vld.idx.msk [tilespmem:v63+s4+$0x0], $0xffff;
	v37 =	vmul.f32 v12, v53  }
0x215: {  	v59 =	vor.u32 v8, v21;
	v58 =	vld.idx.msk [tilespmem:v52+s4+$0x0], $0xffff  }
0x216: {  	v25 =	vld [tilespmem:s23+$0xFFFFFFD0];
	v21 =	vmul.f32 v27, v35;
	v62 =	vor.u32 v5, v19;
	[tilespmem:s23+$0x20] =	vst v37;
	v61 =	vmul.f32 v55, v50  }
0x217: {  	v38 =	vmul.f32 v38, v42;
	v60 =	vld.idx.msk [tilespmem:v54+s4+$0x0], $0xffff  }
0x218: {  	v63 =	vor.u32 v5, v14;
	[tilespmem:s12+$0xFFFFFFE0] =	vst v21;
	v21 =	vld [tilespmem:s23+$0x60];
	v39 =	vmul.f32 v44, v39;
	v43 =	vmul.f32 v13, v61  }
0x219: {  	s25 =	simm.s32 $0x8;
	v28 =	vor.u32 v8, v28;
	v52 =	vor.u32 v5, v18;
	v40 =	vld.idx.msk [tilespmem:v57+s4+$0x0], $0xffff;
	v36 =	vmul.f32 v48, v56  }
0x21a: {  	v53 =	vmov s25;
	v54 =	vld.idx.msk [tilespmem:v59+s4+$0x0], $0xffff;
	v32 =	vmul.f32 v32, v58;
	[tilespmem:s23+$0xB0] =	vst v43;
	v39 =	vmul.f32 v15, v39  }
0x21b: {  	s25 =	simm.s32 $0x9;
	v55 =	vand.u32 $0x7C, v53;
	v59 =	vor.u32 v5, v17;
	v57 =	vmul.f32 v16, v36;
	v58 =	vld.idx.msk [tilespmem:v62+s4+$0x0], $0xffff  }
0x21c: {  	v56 =	vmov s25;
	v32 =	vmul.f32 v10, v32;
	[tilespmem:s23+$0xFFFFFF30] =	vst v39;
	v35 =	vmul.f32 v49, v60;
	v60 =	vld [tilespmem:s23+$0xC0]  }
0x21d: {  	v20 =	vmul.f32 v20, v38;
	s25 =	simm.s32 $0xA;
	v61 =	vand.u32 $0x7D, v56;
	v36 =	vbroadcast v55, $0x0;
	[tilespmem:s23+$0xFFFFFFB0] =	vst v57;
	v45 =	vld.idx.msk [tilespmem:v63+s4+$0x0], $0xffff  }
0x21e: {  	v37 =	vbroadcast v61, $0x0;
	v62 =	vmov s25;
	[tilespmem:s12+$0x60] =	vst v32;
	v44 =	vld.idx.msk [tilespmem:v52+s4+$0x0], $0xffff;
	v35 =	vmul.f32 v12, v35  }
0x21f: {  	[tilespmem:s12+$0xF0] =	vst v20;
	v38 =	vor.u32 $0x100, v36;
	v20 =	vand.u32 $0x7E, v62;
	v63 =	vmul.f32 v31, v40;
	v28 =	vld.idx.msk [tilespmem:v28+s4+$0x0], $0xffff  }
0x220: {  	v39 =	vor.u32 $0x100, v37;
	v43 =	vbroadcast v20, $0x0;
	v20 =	vld [tilespmem:s23+$0xFFFFFF70];
	v31 =	vmul.f32 v30, v54;
	[tilespmem:s23+$0x30] =	vst v35  }
0x221: {  	s18 =	simm.s32 $0xB;
	s25 =	simm.s32 $0xC;
	v40 =	vor.u32 v6, v19;
	v32 =	vmul.f32 v27, v63;
	v42 =	vld.idx.msk [tilespmem:v59+s4+$0x0], $0xffff;
	v41 =	vmul.f32 v60, v58  }
.LBB2_7:
0x222: {  	p2 =	slt.u32 s25, $0x4C;
	v35 =	vmov s18;
	v46 =	vor.u32 v6, v14;
	v30 =	vld [tilespmem:s23+$0xFFFFFFF0];
	v31 =	vmul.f32 v9, v31;
	v9 =	vmovc v15;
	v27 =	vmovc v16  }
0x223: {  	v16 =	vmul.f32 v34, v45;
	v15 =	vand.u32 $0x7F, v35;
	v34 =	vld [tilespmem:s23+$0x70];
	v35 =	vmul.f32 v13, v41;
	[tilespmem:s12+$0xFFFFFFF0] =	vst v32  }
0x224: {  	v32 =	vld.idx.msk [tilespmem:v38+s29+$0x0], $0xffff;
	v38 =	vbroadcast v15, $0x0;
	v15 =	vmul.f32 v33, v44;
	v33 =	vor.u32 v6, v18;
	[tilespmem:s12+$0xFFFFFF70] =	vst v31  }
0x225: {  	v16 =	vmul.f32 v9, v16;
	v44 =	vmul.f32 v11, v28;
	v31 =	vld.idx.msk [tilespmem:v39+s29+$0x0], $0xffff;
	v39 =	vor.u32 $0x100, v43;
	[tilespmem:s23+$0xC0] =	vst v35  }
0x226: {  	v35 =	vor.u32 $0x100, v38;
	v15 =	vmul.f32 v27, v15;
	v40 =	vld.idx.msk [tilespmem:v40+s4+$0x0], $0xffff  }
0x227: {  	v28 =	vmul.f32 v10, v44;
	[tilespmem:s23+$0xFFFFFF40] =	vst v16;
	v16 =	vmul.f32 v29, v42;
	v29 =	vor.u32 v6, v17;
	v41 =	vld [tilespmem:s23+$0xD0]  }
0x228: {  	v36 =	vor.u32 $0x180, v36;
	v10 =	vmov v12;
	v42 =	vld.idx.msk [tilespmem:v46+s4+$0x0], $0xffff;
	[tilespmem:s23+$0xFFFFFFC0] =	vst v15;
	v11 =	vmov v34  }
0x229: {  	v12 =	vor.u32 $0x180, v37;
	v33 =	vld.idx.msk [tilespmem:v33+s4+$0x0], $0xffff;
	v15 =	vmul.f32 v10, v16;
	[tilespmem:s12+$0x70] =	vst v28;
	s12 =	smov.u32 s23  }
0x22a: {  	v37 =	vor.u32 $0x180, v43;
	v28 =	vshll.u32 v32, $0x7;
	v34 =	vld.idx.msk [tilespmem:v39+s29+$0x0], $0xffff  }
0x22b: {  	v39 =	vor.u32 v0, v28;
	v35 =	vld.idx.msk [tilespmem:v35+s29+$0x0], $0xffff;
	[tilespmem:s23+$0x40] =	vst v15  }
0x22c: {  	v29 =	vld.idx.msk [tilespmem:v29+s4+$0x0], $0xffff;
	v32 =	vmul.f32 v41, v40;
	v40 =	vor.u32 v7, v19  }
0x22d: {  	v15 =	vld.idx.msk [tilespmem:v36+s29+$0x0], $0xffff  }
0x22e: {  	v26 =	vmul.f32 v26, v42;
	v36 =	vor.u32 v7, v14;
	v16 =	vld.idx.msk [tilespmem:v12+s29+$0x0], $0xffff;
	v41 =	vmul.f32 v13, v32  }
0x22f: {  	v32 =	vshll.u32 v31, $0x7;
	v25 =	vmul.f32 v25, v33;
	v33 =	vor.u32 v7, v18;
	v12 =	vld.idx.msk [tilespmem:v37+s29+$0x0], $0xffff  }
0x230: {  	v31 =	vshll.u32 v34, $0x7;
	v26 =	vmul.f32 v9, v26;
	v37 =	vld.idx.msk [tilespmem:v39+s4+$0x0], $0xffff;
	v39 =	vor.u32 v0, v32;
	[tilespmem:s23+$0xD0] =	vst v41  }
0x231: {  	v34 =	vor.u32 v0, v31;
	v35 =	vshll.u32 v35, $0x7;
	v25 =	vmul.f32 v27, v25;
	v40 =	vld.idx.msk [tilespmem:v40+s4+$0x0], $0xffff  }
0x232: {  	v41 =	vor.u32 v0, v35;
	v23 =	vmul.f32 v23, v29;
	[tilespmem:s23+$0xFFFFFF50] =	vst v26;
	v26 =	vld [tilespmem:s23+$0xE0]  }
0x233: {  	v29 =	vld.idx.msk [tilespmem:v36+s4+$0x0], $0xffff;
	[tilespmem:s23+$0xFFFFFFD0] =	vst v25  }
0x234: {  	v25 =	vor.u32 $0x180, v38;
	v23 =	vmul.f32 v10, v23;
	v33 =	vld.idx.msk [tilespmem:v33+s4+$0x0], $0xffff  }
0x235: {  	v36 =	vld.idx.msk [tilespmem:v39+s4+$0x0], $0xffff  }
0x236: {  	v34 =	vld.idx.msk [tilespmem:v34+s4+$0x0], $0xffff;
	[tilespmem:s23+$0x50] =	vst v23  }
0x237: {  	v38 =	vor.u32 v8, v19;
	v19 =	vmov v35;
	s23 =	sadd.s32 $0x200, s23;
	v23 =	vld.idx.msk [tilespmem:v41+s4+$0x0], $0xffff;
	v26 =	vmul.f32 v26, v40  }
0x238: {  	v35 =	vld [tilespmem:s23+$0x80]  }
0x239: {  	v22 =	vmul.f32 v22, v29;
	v25 =	vld.idx.msk [tilespmem:v25+s29+$0x0], $0xffff;
	v26 =	vmul.f32 v13, v26  }
0x23a: {  	v24 =	vmul.f32 v24, v33;
	v29 =	vld [tilespmem:s23+$0xFFFFFF00]  }
0x23b: {  	v22 =	vmul.f32 v9, v22;
	v33 =	vld [tilespmem:s23+$0xFFFFFF80];
	[tilespmem:s12+$0xE0] =	vst v26  }
0x23c: {  	v24 =	vmul.f32 v27, v24;
	v26 =	vld.idx.msk [tilespmem:v38+s4+$0x0], $0xffff  }
0x23d: {  	v23 =	vmul.f32 v35, v23;
	v35 =	vor.u32 v2, v19;
	[tilespmem:s12+$0xFFFFFF60] =	vst v22;
	v22 =	vld [tilespmem:s12+$0xF0]  }
0x23e: {  	v38 =	vld [tilespmem:s23+$0x0];
	[tilespmem:s12+$0xFFFFFFE0] =	vst v24  }
0x23f: {  	v24 =	vmul.f32 v29, v37;
	v29 =	vor.u32 v2, v28;
	v37 =	vld [tilespmem:s23+$0xFFFFFF10];
	v23 =	vmul.f32 v25, v23  }
0x240: {  	v33 =	vmul.f32 v33, v36;
	v36 =	vor.u32 v2, v32;
	v39 =	vld [tilespmem:s23+$0xFFFFFF90]  }
0x241: {  	v24 =	vmul.f32 v15, v24;
	v40 =	vld [tilespmem:s23+$0x10];
	[tilespmem:s23+$0x80] =	vst v23  }
0x242: {  	v23 =	vmul.f32 v16, v33;
	v33 =	vld.idx.msk [tilespmem:v35+s4+$0x0], $0xffff;
	v22 =	vmul.f32 v22, v26  }
0x243: {  	v26 =	vor.u32 v2, v31;
	[tilespmem:s23+$0xFFFFFF00] =	vst v24;
	v24 =	vmul.f32 v38, v34;
	v34 =	vld [tilespmem:s23+$0x90]  }
0x244: {  	v29 =	vld.idx.msk [tilespmem:v29+s4+$0x0], $0xffff;
	[tilespmem:s23+$0xFFFFFF80] =	vst v23;
	v22 =	vmul.f32 v13, v22;
	v13 =	vmov v25  }
0x245: {  	v23 =	vld.idx.msk [tilespmem:v36+s4+$0x0], $0xffff;
	v24 =	vmul.f32 v12, v24  }
0x246: {  	v25 =	vld [tilespmem:s23+$0xFFFFFF20];
	[tilespmem:s12+$0xF0] =	vst v22  }
0x247: {  	v22 =	vld [tilespmem:s23+$0xFFFFFFA0];
	[tilespmem:s23+$0x0] =	vst v24  }
0x248: {  	v24 =	vld.idx.msk [tilespmem:v26+s4+$0x0], $0xffff;
	v26 =	vmul.f32 v34, v33;
	v33 =	vor.u32 v3, v19  }
0x249: {  	v35 =	vld [tilespmem:s23+$0x20]  }
0x24a: {  	v34 =	vor.u32 v3, v28;
	v29 =	vmul.f32 v37, v29;
	v36 =	vld [tilespmem:s23+$0xFFFFFF30];
	v26 =	vmul.f32 v13, v26  }
0x24b: {  	v37 =	vor.u32 v3, v32;
	v23 =	vmul.f32 v39, v23;
	v38 =	vld [tilespmem:s23+$0xFFFFFFB0]  }
0x24c: {  	v29 =	vmul.f32 v15, v29;
	v39 =	vld [tilespmem:s23+$0x30];
	[tilespmem:s23+$0x90] =	vst v26  }
0x24d: {  	v23 =	vmul.f32 v16, v23;
	v26 =	vld.idx.msk [tilespmem:v33+s4+$0x0], $0xffff  }
0x24e: {  	v24 =	vmul.f32 v40, v24;
	[tilespmem:s23+$0xFFFFFF10] =	vst v29;
	v29 =	vor.u32 v3, v31;
	v40 =	vld [tilespmem:s23+$0xA0]  }
0x24f: {  	v41 =	vld.idx.msk [tilespmem:v34+s4+$0x0], $0xffff;
	[tilespmem:s23+$0xFFFFFF90] =	vst v23  }
0x250: {  	v24 =	vmul.f32 v12, v24;
	v23 =	vld.idx.msk [tilespmem:v37+s4+$0x0], $0xffff  }
0x251: {  	v34 =	vld [tilespmem:s23+$0xFFFFFF40]  }
0x252: {  	v33 =	vld [tilespmem:s23+$0xFFFFFFC0];
	[tilespmem:s23+$0x10] =	vst v24  }
0x253: {  	v24 =	vld.idx.msk [tilespmem:v29+s4+$0x0], $0xffff;
	v37 =	vmul.f32 v40, v26;
	v40 =	vor.u32 v4, v19  }
0x254: {  	v29 =	vld [tilespmem:s23+$0x40]  }
0x255: {  	v42 =	vor.u32 v4, v28;
	v41 =	vmul.f32 v25, v41;
	v26 =	vld [tilespmem:s23+$0xFFFFFF50];
	v37 =	vmul.f32 v13, v37  }
0x256: {  	v43 =	vor.u32 v4, v32;
	v22 =	vmul.f32 v22, v23;
	v25 =	vld [tilespmem:s23+$0xFFFFFFD0]  }
0x257: {  	v41 =	vmul.f32 v15, v41;
	v23 =	vld [tilespmem:s23+$0x50];
	[tilespmem:s23+$0xA0] =	vst v37;
	v37 =	vor.u32 v7, v17  }
0x258: {  	v22 =	vmul.f32 v16, v22;
	v40 =	vld.idx.msk [tilespmem:v40+s4+$0x0], $0xffff  }
0x259: {  	v24 =	vmul.f32 v35, v24;
	v35 =	vor.u32 v4, v31;
	[tilespmem:s23+$0xFFFFFF20] =	vst v41;
	v41 =	vld [tilespmem:s23+$0xB0]  }
0x25a: {  	v42 =	vld.idx.msk [tilespmem:v42+s4+$0x0], $0xffff;
	[tilespmem:s23+$0xFFFFFFA0] =	vst v22  }
0x25b: {  	v24 =	vmul.f32 v12, v24;
	v43 =	vld.idx.msk [tilespmem:v43+s4+$0x0], $0xffff  }
0x25c: {  	v44 =	vor.u32 v8, v18;
	v18 =	vmov v32;
	v37 =	vld.idx.msk [tilespmem:v37+s4+$0x0], $0xffff  }
0x25d: {  	v32 =	vor.u32 v8, v14;
	v14 =	vmov v28;
	v22 =	vld [tilespmem:s23+$0xFFFFFF60];
	[tilespmem:s23+$0x20] =	vst v24  }
0x25e: {  	v28 =	vld.idx.msk [tilespmem:v35+s4+$0x0], $0xffff;
	v35 =	vmul.f32 v41, v40;
	v40 =	vor.u32 v5, v19  }
0x25f: {  	v24 =	vld [tilespmem:s23+$0xFFFFFFE0]  }
0x260: {  	v41 =	vor.u32 v5, v14;
	v36 =	vmul.f32 v36, v42;
	v42 =	vld [tilespmem:s23+$0x60];
	v35 =	vmul.f32 v13, v35  }
0x261: {  	v47 =	vor.u32 v8, v17;
	v38 =	vmul.f32 v38, v43;
	v43 =	vor.u32 v5, v18;
	v46 =	vld.idx.msk [tilespmem:v44+s4+$0x0], $0xffff  }
0x262: {  	s18 =	sadd.s32 $0x1, s25;
	v17 =	vmovc v31;
	v44 =	vmov s25;
	v36 =	vmul.f32 v15, v36;
	v50 =	vmul.f32 v21, v37;
	[tilespmem:s23+$0xB0] =	vst v35;
	v32 =	vld.idx.msk [tilespmem:v32+s4+$0x0], $0xffff  }
0x263: {  	v31 =	vand.u32 $0x7C, v44;
	v35 =	vmov s18;
	v37 =	vmul.f32 v16, v38;
	v40 =	vld.idx.msk [tilespmem:v40+s4+$0x0], $0xffff  }
0x264: {  	v48 =	vor.u32 v5, v17;
	v28 =	vmul.f32 v39, v28;
	v38 =	vmul.f32 v10, v50;
	[tilespmem:s23+$0xFFFFFF30] =	vst v36;
	v49 =	vld [tilespmem:s23+$0xC0]  }
.Ltmp2:
0x265: {  	s18 =	sadd.s32 $0x2, s25;
	v36 =	vbroadcast v31, $0x0;
	v31 =	vand.u32 $0x7D, v35;
	v45 =	vld.idx.msk [tilespmem:v41+s4+$0x0], $0xffff;
	[tilespmem:s23+$0xFFFFFFB0] =	vst v37;
	v21 =	vmov v42;
	(pc) =	sbr.rel @p2 .LBB2_7-.Ltmp2, $4  }
0x266: {  	v37 =	vbroadcast v31, $0x0;
	v31 =	vmov s18;
	v35 =	vmul.f32 v12, v28;
	v44 =	vld.idx.msk [tilespmem:v43+s4+$0x0], $0xffff;
	[tilespmem:s12+$0x60] =	vst v38  }
0x267: {  	v38 =	vor.u32 $0x100, v36;
	v31 =	vand.u32 $0x7E, v31;
	v30 =	vmul.f32 v30, v46;
	v28 =	vld.idx.msk [tilespmem:v47+s4+$0x0], $0xffff  }
0x268: {  	v39 =	vor.u32 $0x100, v37;
	v43 =	vbroadcast v31, $0x0;
	v31 =	vmul.f32 v20, v32;
	[tilespmem:s23+$0x30] =	vst v35;
	v20 =	vld [tilespmem:s23+$0xFFFFFF70]  }
0x269: {  	s18 =	sadd.s32 $0x3, s25;
	s25 =	sadd.s32 $0x4, s25;
	v32 =	vmul.f32 v27, v30;
	v42 =	vld.idx.msk [tilespmem:v48+s4+$0x0], $0xffff;
	v41 =	vmul.f32 v49, v40;
	v40 =	vor.u32 v6, v19  }
0x26a: {  	v27 =	vmov s18  }
0x26b: {  	v27 =	vand.u32 $0x7F, v27  }
0x26c: {  	v30 =	vbroadcast v27, $0x0;
	_ =	sdelay $0x1  }
0x26d: {  	v27 =	vor.u32 $0x100, v30;
	_ =	sdelay $0x4  }
0x26e: {  	v46 =	vor.u32 $0x100, v43;
	v27 =	vld.idx.msk [tilespmem:v27+s29+$0x0], $0xffff;
	_ =	sdelay $0x1  }
0x26f: {  	v35 =	vld [tilespmem:s23+$0xFFFFFFF0]  }
0x270: {  	v47 =	vld.idx.msk [tilespmem:v38+s29+$0x0], $0xffff  }
0x271: {  	v48 =	vld.idx.msk [tilespmem:v39+s29+$0x0], $0xffff  }
0x272: {  	v46 =	vld.idx.msk [tilespmem:v46+s29+$0x0], $0xffff;
	v38 =	vshll.u32 v27, $0x7  }
0x273: {  	v52 =	vld [tilespmem:s23+$0xD0];
	s25 =	sadd.s32 $0x200, s23;
	v49 =	vor.u32 v0, v38  }
0x274: {  	v36 =	vor.u32 $0x180, v36;
	v41 =	vmul.f32 v13, v41;
	v54 =	vld [tilespmem:s25+$0x80]  }
0x275: {  	v61 =	vld [tilespmem:s25+$0xFFFFFF00];
	v51 =	vor.u32 $0x180, v30  }
0x276: {  	v53 =	vor.u32 $0x180, v37;
	v57 =	vld [tilespmem:s25+$0xFFFFFF80];
	[tilespmem:s23+$0xC0] =	vst v41;
	v39 =	vshll.u32 v47, $0x7  }
0x277: {  	v50 =	vld.idx.msk [tilespmem:v40+s4+$0x0], $0xffff;
	v47 =	vor.u32 v0, v39;
	v40 =	vshll.u32 v46, $0x7  }
0x278: {  	v41 =	vshll.u32 v48, $0x7;
	v46 =	vor.u32 v0, v40;
	v58 =	vld.idx.msk [tilespmem:v49+s4+$0x0], $0xffff  }
0x279: {  	v30 =	vld.idx.msk [tilespmem:v36+s29+$0x0], $0xffff;
	v59 =	vor.u32 v0, v41  }
0x27a: {  	v37 =	vld.idx.msk [tilespmem:v51+s29+$0x0], $0xffff  }
0x27b: {  	v34 =	vmul.f32 v34, v45;
	v43 =	vor.u32 $0x180, v43;
	v36 =	vld.idx.msk [tilespmem:v53+s29+$0x0], $0xffff  }
0x27c: {  	v63 =	vor.u32 v6, v14;
	v33 =	vmul.f32 v33, v44;
	v47 =	vld.idx.msk [tilespmem:v47+s4+$0x0], $0xffff  }
0x27d: {  	v34 =	vmul.f32 v15, v34;
	v60 =	vor.u32 v2, v38;
	v45 =	vld.idx.msk [tilespmem:v46+s4+$0x0], $0xffff;
	v48 =	vmul.f32 v54, v58  }
0x27e: {  	v33 =	vmul.f32 v16, v33;
	v49 =	vld.idx.msk [tilespmem:v59+s4+$0x0], $0xffff  }
0x27f: {  	[tilespmem:s23+$0xFFFFFF40] =	vst v34;
	v59 =	vld [tilespmem:s25+$0x0];
	v62 =	vmul.f32 v37, v48  }
0x280: {  	[tilespmem:s23+$0xFFFFFFC0] =	vst v33;
	v33 =	vld.idx.msk [tilespmem:v43+s29+$0x0], $0xffff  }
0x281: {  	v43 =	vld.idx.msk [tilespmem:v63+s4+$0x0], $0xffff;
	v58 =	vor.u32 v6, v18;
	[tilespmem:s25+$0x80] =	vst v62  }
0x282: {  	v51 =	vld.idx.msk [tilespmem:v60+s4+$0x0], $0xffff;
	v60 =	vmul.f32 v61, v47;
	v61 =	vor.u32 v2, v39  }
0x283: {  	v63 =	vor.u32 v2, v41;
	v44 =	vmul.f32 v57, v49;
	v62 =	vld [tilespmem:s25+$0x90]  }
0x284: {  	v56 =	vld [tilespmem:s25+$0xFFFFFF10];
	v45 =	vmul.f32 v59, v45;
	v57 =	vor.u32 v2, v40;
	v34 =	vmul.f32 v30, v60  }
0x285: {  	v59 =	vld [tilespmem:s25+$0xFFFFFF90];
	v44 =	vmul.f32 v36, v44  }
0x286: {  	v45 =	vmul.f32 v33, v45;
	v49 =	vld.idx.msk [tilespmem:v58+s4+$0x0], $0xffff;
	[tilespmem:s25+$0xFFFFFF00] =	vst v34  }
0x287: {  	[tilespmem:s25+$0xFFFFFF80] =	vst v44;
	v47 =	vld.idx.msk [tilespmem:v61+s4+$0x0], $0xffff  }
0x288: {  	[tilespmem:s25+$0x0] =	vst v45;
	v58 =	vor.u32 v3, v38;
	v48 =	vld.idx.msk [tilespmem:v63+s4+$0x0], $0xffff;
	v51 =	vmul.f32 v62, v51  }
0x289: {  	v29 =	vmul.f32 v29, v42;
	v46 =	vld.idx.msk [tilespmem:v57+s4+$0x0], $0xffff  }
0x28a: {  	v60 =	vor.u32 v6, v17;
	v61 =	vld [tilespmem:s25+$0x10];
	v51 =	vmul.f32 v37, v51  }
0x28b: {  	v11 =	vmul.f32 v11, v28;
	v28 =	vld [tilespmem:s25+$0xF0];
	v29 =	vmul.f32 v12, v29  }
0x28c: {  	v63 =	vld [tilespmem:s25+$0xA0];
	v62 =	vor.u32 v3, v39;
	[tilespmem:s25+$0x90] =	vst v51;
	v34 =	vmul.f32 v56, v47  }
0x28d: {  	[tilespmem:s23+$0x40] =	vst v29;
	v29 =	vmul.f32 v59, v48;
	v51 =	vld.idx.msk [tilespmem:v58+s4+$0x0], $0xffff;
	v56 =	vor.u32 v3, v41  }
0x28e: {  	v48 =	vld [tilespmem:s25+$0xFFFFFF20];
	v34 =	vmul.f32 v30, v34  }
0x28f: {  	v42 =	vld.idx.msk [tilespmem:v60+s4+$0x0], $0xffff;
	v29 =	vmul.f32 v36, v29;
	v57 =	vmul.f32 v61, v46;
	v58 =	vor.u32 v3, v40  }
0x290: {  	v59 =	vmul.f32 v52, v50;
	v61 =	vld [tilespmem:s25+$0xFFFFFFA0];
	[tilespmem:s25+$0xFFFFFF10] =	vst v34  }
0x291: {  	v60 =	vor.u32 v7, v19;
	[tilespmem:s25+$0xFFFFFF90] =	vst v29;
	v29 =	vmul.f32 v33, v57;
	v47 =	vld.idx.msk [tilespmem:v62+s4+$0x0], $0xffff  }
0x292: {  	v62 =	vmul.f32 v63, v51;
	v44 =	vld.idx.msk [tilespmem:v56+s4+$0x0], $0xffff  }
0x293: {  	v46 =	vmul.f32 v13, v59;
	[tilespmem:s25+$0x10] =	vst v29;
	v56 =	vld [tilespmem:s25+$0x20]  }
0x294: {  	v63 =	vor.u32 v4, v38;
	v57 =	vld.idx.msk [tilespmem:v58+s4+$0x0], $0xffff;
	v29 =	vmul.f32 v37, v62  }
0x295: {  	v27 =	vld [tilespmem:s23+$0x70];
	[tilespmem:s23+$0xD0] =	vst v46  }
0x296: {  	v45 =	vld.idx.msk [tilespmem:v60+s4+$0x0], $0xffff;
	[tilespmem:s25+$0xA0] =	vst v29;
	v29 =	vmul.f32 v48, v47  }
0x297: {  	v59 =	vor.u32 v4, v41;
	v60 =	vld [tilespmem:s25+$0xB0];
	v44 =	vmul.f32 v61, v44  }
0x298: {  	v26 =	vmul.f32 v26, v43;
	v62 =	vld [tilespmem:s25+$0xFFFFFF30];
	v61 =	vor.u32 v4, v39;
	v29 =	vmul.f32 v30, v29  }
0x299: {  	v58 =	vld.idx.msk [tilespmem:v63+s4+$0x0], $0xffff;
	v34 =	vmul.f32 v56, v57;
	v63 =	vor.u32 v4, v40;
	v44 =	vmul.f32 v36, v44  }
0x29a: {  	v55 =	vor.u32 v7, v14;
	v26 =	vmul.f32 v15, v26;
	v57 =	vld [tilespmem:s25+$0x30];
	[tilespmem:s25+$0xFFFFFF20] =	vst v29  }
0x29b: {  	v34 =	vmul.f32 v33, v34;
	v29 =	vld [tilespmem:s25+$0xFFFFFFB0];
	[tilespmem:s25+$0xFFFFFFA0] =	vst v44  }
0x29c: {  	[tilespmem:s23+$0xFFFFFF50] =	vst v26;
	v25 =	vmul.f32 v25, v49;
	v56 =	vor.u32 v7, v18;
	v47 =	vld.idx.msk [tilespmem:v59+s4+$0x0], $0xffff  }
0x29d: {  	[tilespmem:s25+$0x20] =	vst v34;
	v59 =	vld.idx.msk [tilespmem:v61+s4+$0x0], $0xffff  }
0x29e: {  	v25 =	vmul.f32 v16, v25;
	v46 =	vmul.f32 v60, v58;
	v58 =	vor.u32 v5, v38;
	v26 =	vld.idx.msk [tilespmem:v63+s4+$0x0], $0xffff  }
0x29f: {  	v43 =	vld.idx.msk [tilespmem:v55+s4+$0x0], $0xffff  }
0x2a0: {  	v54 =	vld [tilespmem:s25+$0xFFFFFF40];
	[tilespmem:s23+$0xFFFFFFD0] =	vst v25;
	v46 =	vmul.f32 v37, v46  }
0x2a1: {  	v25 =	vld.idx.msk [tilespmem:v56+s4+$0x0], $0xffff;
	v60 =	vor.u32 v5, v41;
	v29 =	vmul.f32 v29, v47  }
0x2a2: {  	v63 =	vld [tilespmem:s25+$0xC0];
	[tilespmem:s25+$0xB0] =	vst v46;
	v34 =	vmul.f32 v62, v59;
	v62 =	vor.u32 v5, v39  }
0x2a3: {  	v55 =	vor.u32 v5, v40;
	v61 =	vld.idx.msk [tilespmem:v58+s4+$0x0], $0xffff;
	v26 =	vmul.f32 v57, v26;
	v29 =	vmul.f32 v36, v29  }
0x2a4: {  	v14 =	vor.u32 v8, v14;
	v22 =	vmul.f32 v22, v43;
	v56 =	vld [tilespmem:s25+$0xFFFFFFC0];
	v34 =	vmul.f32 v30, v34  }
0x2a5: {  	v26 =	vmul.f32 v33, v26;
	[tilespmem:s25+$0xFFFFFFB0] =	vst v29;
	v29 =	vld [tilespmem:s25+$0x40]  }
0x2a6: {  	v22 =	vmul.f32 v15, v22;
	[tilespmem:s25+$0xFFFFFF30] =	vst v34;
	v57 =	vld.idx.msk [tilespmem:v60+s4+$0x0], $0xffff  }
0x2a7: {  	[tilespmem:s25+$0x30] =	vst v26;
	v58 =	vld.idx.msk [tilespmem:v62+s4+$0x0], $0xffff  }
0x2a8: {  	[tilespmem:s23+$0xFFFFFF60] =	vst v22;
	v26 =	vmul.f32 v63, v61;
	v44 =	vld.idx.msk [tilespmem:v55+s4+$0x0], $0xffff  }
0x2a9: {  	v14 =	vld.idx.msk [tilespmem:v14+s4+$0x0], $0xffff;
	v59 =	vor.u32 v6, v38  }
0x2aa: {  	v50 =	vld [tilespmem:s23+$0xE0];
	v26 =	vmul.f32 v37, v26  }
0x2ab: {  	v48 =	vld [tilespmem:s25+$0xFFFFFF50];
	v60 =	vor.u32 v6, v41;
	v34 =	vmul.f32 v56, v57  }
0x2ac: {  	v62 =	vld [tilespmem:s25+$0xD0];
	[tilespmem:s25+$0xC0] =	vst v26;
	v26 =	vor.u32 v6, v39;
	v46 =	vmul.f32 v54, v58  }
0x2ad: {  	v61 =	vor.u32 v6, v40;
	v63 =	vld [tilespmem:s25+$0xFFFFFFD0];
	v29 =	vmul.f32 v29, v44;
	v34 =	vmul.f32 v36, v34  }
0x2ae: {  	v23 =	vmul.f32 v23, v42;
	v47 =	vld.idx.msk [tilespmem:v59+s4+$0x0], $0xffff;
	v46 =	vmul.f32 v30, v46  }
0x2af: {  	v45 =	vmul.f32 v50, v45;
	v55 =	vld [tilespmem:s25+$0x50];
	v54 =	vor.u32 v7, v17;
	v29 =	vmul.f32 v33, v29;
	[tilespmem:s25+$0xFFFFFFC0] =	vst v34  }
0x2b0: {  	v23 =	vmul.f32 v12, v23;
	[tilespmem:s25+$0xFFFFFF40] =	vst v46;
	v56 =	vld.idx.msk [tilespmem:v60+s4+$0x0], $0xffff  }
0x2b1: {  	v45 =	vmul.f32 v13, v45;
	v24 =	vmul.f32 v24, v25;
	[tilespmem:s25+$0x40] =	vst v29;
	v25 =	vld.idx.msk [tilespmem:v26+s4+$0x0], $0xffff  }
0x2b2: {  	[tilespmem:s23+$0x50] =	vst v23;
	v23 =	vld.idx.msk [tilespmem:v61+s4+$0x0], $0xffff  }
0x2b3: {  	[tilespmem:s23+$0xE0] =	vst v45;
	v45 =	vld [tilespmem:s23+$0xF0];
	v24 =	vmul.f32 v16, v24;
	v29 =	vor.u32 v7, v38;
	v26 =	vmul.f32 v62, v47  }
0x2b4: {  	v57 =	vld.idx.msk [tilespmem:v54+s4+$0x0], $0xffff  }
0x2b5: {  	[tilespmem:s23+$0xFFFFFFE0] =	vst v24;
	v24 =	vld [tilespmem:s25+$0xFFFFFFE0];
	v59 =	vor.u32 v7, v41;
	v26 =	vmul.f32 v37, v26;
	v42 =	vmul.f32 v63, v56  }
0x2b6: {  	v58 =	vld [tilespmem:s25+$0xFFFFFF60];
	v60 =	vor.u32 v7, v39;
	v25 =	vmul.f32 v48, v25  }
0x2b7: {  	v61 =	vor.u32 v7, v40;
	v62 =	vld [tilespmem:s25+$0xE0];
	[tilespmem:s25+$0xD0] =	vst v26;
	v23 =	vmul.f32 v55, v23;
	v26 =	vmul.f32 v36, v42  }
0x2b8: {  	v19 =	vor.u32 v8, v19;
	v29 =	vld.idx.msk [tilespmem:v29+s4+$0x0], $0xffff;
	v25 =	vmul.f32 v30, v25  }
0x2b9: {  	v18 =	vor.u32 v8, v18;
	v63 =	vld [tilespmem:s25+$0x60];
	v21 =	vmul.f32 v21, v57;
	v23 =	vmul.f32 v33, v23;
	[tilespmem:s25+$0xFFFFFFD0] =	vst v26  }
0x2ba: {  	[tilespmem:s25+$0xFFFFFF50] =	vst v25;
	v25 =	vld.idx.msk [tilespmem:v59+s4+$0x0], $0xffff  }
0x2bb: {  	v17 =	vor.u32 v8, v17;
	v21 =	vmul.f32 v12, v21;
	[tilespmem:s25+$0x50] =	vst v23;
	v26 =	vld.idx.msk [tilespmem:v60+s4+$0x0], $0xffff  }
0x2bc: {  	v22 =	vld.idx.msk [tilespmem:v61+s4+$0x0], $0xffff  }
0x2bd: {  	v19 =	vld.idx.msk [tilespmem:v19+s4+$0x0], $0xffff;
	[tilespmem:s23+$0x60] =	vst v21;
	v21 =	vmul.f32 v62, v29  }
0x2be: {  	v18 =	vld.idx.msk [tilespmem:v18+s4+$0x0], $0xffff;
	v23 =	vor.u32 v8, v38  }
0x2bf: {  	v44 =	vld [tilespmem:s25+$0xFFFFFFF0];
	v21 =	vmul.f32 v37, v21;
	v24 =	vmul.f32 v24, v25;
	v25 =	vor.u32 v8, v41  }
0x2c0: {  	v46 =	vor.u32 v8, v39;
	v17 =	vld.idx.msk [tilespmem:v17+s4+$0x0], $0xffff;
	v26 =	vmul.f32 v58, v26  }
0x2c1: {  	v47 =	vld [tilespmem:s25+$0x70];
	[tilespmem:s25+$0xE0] =	vst v21;
	v22 =	vmul.f32 v63, v22;
	v21 =	vmul.f32 v36, v24;
	v24 =	vor.u32 v8, v40  }
0x2c2: {  	[tilespmem:s12+$0xFFFFFFF0] =	vst v32;
	v29 =	vld [tilespmem:s25+$0xFFFFFF70];
	v26 =	vmul.f32 v30, v26  }
0x2c3: {  	v23 =	vld.idx.msk [tilespmem:v23+s4+$0x0], $0xffff;
	[tilespmem:s25+$0xFFFFFFE0] =	vst v21;
	v21 =	vmul.f32 v33, v22  }
0x2c4: {  	v9 =	vmul.f32 v9, v31;
	v19 =	vmul.f32 v45, v19;
	[tilespmem:s25+$0xFFFFFF60] =	vst v26;
	v22 =	vld.idx.msk [tilespmem:v25+s4+$0x0], $0xffff  }
0x2c5: {  	v10 =	vmul.f32 v10, v11;
	v11 =	vmul.f32 v35, v18;
	v18 =	vld.idx.msk [tilespmem:v46+s4+$0x0], $0xffff;
	[tilespmem:s25+$0x60] =	vst v21  }
0x2c6: {  	[tilespmem:s12+$0xFFFFFF70] =	vst v9;
	v9 =	vmul.f32 v13, v19;
	v13 =	vmul.f32 v20, v14;
	v14 =	vld.idx.msk [tilespmem:v24+s4+$0x0], $0xffff  }
0x2c7: {  	[tilespmem:s12+$0x70] =	vst v10;
	v10 =	vmul.f32 v16, v11;
	v11 =	vmul.f32 v27, v17  }
0x2c8: {  	[tilespmem:s23+$0xF0] =	vst v9;
	v9 =	vmul.f32 v15, v13;
	v13 =	vmul.f32 v28, v23  }
0x2c9: {  	[tilespmem:s23+$0xFFFFFFF0] =	vst v10;
	v10 =	vmul.f32 v12, v11;
	v11 =	vmul.f32 v44, v22  }
0x2ca: {  	[tilespmem:s23+$0xFFFFFF70] =	vst v9;
	v9 =	vmul.f32 v37, v13;
	v12 =	vmul.f32 v29, v18  }
0x2cb: {  	[tilespmem:s23+$0x70] =	vst v10;
	v10 =	vmul.f32 v36, v11;
	v11 =	vmul.f32 v47, v14  }
0x2cc: {  	s18 =	sadd.s32 $0x3, s31;
	s12 =	sadd.s32 s24, s21;
	[tilespmem:s25+$0xF0] =	vst v9;
	v9 =	vmul.f32 v30, v12  }
0x2cd: {  	s18 =	smov.u32 @p1 s12;
	[tilespmem:s25+$0xFFFFFFF0] =	vst v10;
	v10 =	vmul.f32 v33, v11  }
0x2ce: {  	s12 =	sshll.u32 s18, $0x6;
	[tilespmem:s25+$0xFFFFFF70] =	vst v9  }
0x2cf: {  	s12 =	sand.u32 $0x1FFFFFC0, s12;
	[tilespmem:s25+$0x70] =	vst v10  }
0x2d0: {  	[spmem:s2] =	stream.indirect.scatter.add.f32 [tilespmem:s1], [sflag:$0x8], $0x80, s29, s30, $0xb8;
	[tilespmem:$0x1FC80] =	vst v63  }
0x2d1: {  	s12 =	sadd.s32 s5, s12;
	s23 =	simm.s32 $0x0  }
0x2d2: {  	[tilespmem:s14], [sflag:$0x6] =	stream.linear.gather [hbm4b:s12+s23], $0x200, $0x38;
	[tilespmem:$0x1FC80] =	vst v63  }
0x2d3: {  	s25 =	simm.s32 $0x3;
	_ =	swait.ge [sflag:s15], $0x2800  }
0x2d4: {  	v9 =	vmov s25;
	[sflag:s15] =	ssyncset.done $0x0  }
0x2d5: {  	v10 =	vmov s23;
	v9 =	vand.u32 $0x7F, v9;
	[sflag:s15] =	ssyncadd.s32 $0xFFFFD800  }
0x2d6: {  	v11 =	vbroadcast v9, $0x0;
	v9 =	vand.u32 $0x7C, v10;
	_ =	swait.ge [sflag:s19], $0x200  }
0x2d7: {  	s31 =	simm.s32 $0x1;
	v9 =	vbroadcast v9, $0x0;
	[sflag:s19] =	ssyncset.done $0x0  }
0x2d8: {  	s18 =	simm.s32 $0xBB00;
	v10 =	vmov s31;
	s23 =	simm.s32 $0x2;
	v12 =	vor.u32 $0x100, v11;
	[sflag:s19] =	ssyncadd.s32 $0xFFFFFE00  }
0x2d9: {  	v10 =	vand.u32 $0x7D, v10;
	v13 =	vor.u32 $0x100, v9;
	[tilespmem:s1], [sflag:$0x2] =	stream.indirect.gather [hbm4b:s7+s30], $0x80, s18, s30, $0xb8;
	[tilespmem:$0x1FC80] =	vst v63  }
0x2da: {  	v14 =	vmov s23;
	v10 =	vbroadcast v10, $0x0;
	_ =	swait.ge [sflag:s6], $0x2800  }
0x2db: {  	v14 =	vand.u32 $0x7E, v14;
	[sflag:s6] =	ssyncset.done $0x0  }
0x2dc: {  	v14 =	vbroadcast v14, $0x0;
	v15 =	vor.u32 $0x100, v10;
	[sflag:s6] =	ssyncadd.s32 $0xFFFFD800  }
0x2dd: {  	v12 =	vld.idx.msk [tilespmem:v12+s9+$0x0], $0xffff  }
0x2de: {  	v17 =	vor.u32 $0x100, v14;
	v16 =	vld.idx.msk [tilespmem:v13+s9+$0x0], $0xffff  }
0x2df: {  	v9 =	vor.u32 $0x180, v9  }
0x2e0: {  	v10 =	vor.u32 $0x180, v10  }
0x2e1: {  	v11 =	vor.u32 $0x180, v11;
	v15 =	vld.idx.msk [tilespmem:v15+s9+$0x0], $0xffff  }
0x2e2: {  	v13 =	vshll.u32 v12, $0x7  }
0x2e3: {  	v21 =	vshll.u32 v16, $0x7;
	v16 =	vld.idx.msk [tilespmem:v17+s9+$0x0], $0xffff;
	v12 =	vor.u32 v0, v13  }
0x2e4: {  	v9 =	vld.idx.msk [tilespmem:v9+s9+$0x0], $0xffff  }
0x2e5: {  	v27 =	vld.idx.msk [tilespmem:v10+s9+$0x0], $0xffff  }
0x2e6: {  	s12 =	simm.s32 $0x6580;
	v20 =	vld.idx.msk [tilespmem:v11+s9+$0x0], $0xffff;
	v22 =	vshll.u32 v15, $0x7;
	v17 =	vor.u32 v0, v21  }
0x2e7: {  	v15 =	vld [tilespmem:s12+$0x80];
	v10 =	vor.u32 v0, v22  }
0x2e8: {  	v14 =	vor.u32 $0x180, v14;
	v28 =	vshll.u32 v16, $0x7;
	v12 =	vld.idx.msk [tilespmem:v12+s4+$0x0], $0xffff  }
0x2e9: {  	v18 =	vld [tilespmem:s12+$0xFFFFFF00];
	v16 =	vor.u32 v0, v28  }
0x2ea: {  	v19 =	vld [tilespmem:s12+$0xFFFFFF80]  }
0x2eb: {  	v17 =	vld.idx.msk [tilespmem:v17+s4+$0x0], $0xffff  }
0x2ec: {  	v11 =	vld.idx.msk [tilespmem:v10+s4+$0x0], $0xffff  }
0x2ed: {  	v10 =	vld.idx.msk [tilespmem:v14+s9+$0x0], $0xffff;
	v12 =	vmul.f32 v15, v12  }
0x2ee: {  	v15 =	vor.u32 v2, v13;
	v14 =	vld.idx.msk [tilespmem:v16+s4+$0x0], $0xffff  }
0x2ef: {  	v16 =	vld [tilespmem:s12+$0x0];
	v12 =	vmul.f32 v20, v12  }
0x2f0: {  	v23 =	vld [tilespmem:s12+$0xFFFFFF10];
	v17 =	vmul.f32 v18, v17;
	v18 =	vor.u32 v2, v21  }
0x2f1: {  	v24 =	vld [tilespmem:s12+$0xFFFFFF90];
	v11 =	vmul.f32 v19, v11;
	[tilespmem:s12+$0x80] =	vst v12;
	v12 =	vor.u32 v2, v22  }
0x2f2: {  	v19 =	vld [tilespmem:s12+$0x90];
	v17 =	vmul.f32 v9, v17  }
0x2f3: {  	v11 =	vmul.f32 v27, v11;
	v15 =	vld.idx.msk [tilespmem:v15+s4+$0x0], $0xffff  }
0x2f4: {  	v25 =	vld [tilespmem:s12+$0x10];
	[tilespmem:s12+$0xFFFFFF00] =	vst v17;
	v14 =	vmul.f32 v16, v14;
	v16 =	vor.u32 v2, v28  }
0x2f5: {  	[tilespmem:s12+$0xFFFFFF80] =	vst v11;
	v17 =	vld.idx.msk [tilespmem:v18+s4+$0x0], $0xffff  }
0x2f6: {  	v11 =	vld.idx.msk [tilespmem:v12+s4+$0x0], $0xffff;
	v12 =	vmul.f32 v10, v14  }
0x2f7: {  	v26 =	vld [tilespmem:s12+$0xFFFFFF30]  }
0x2f8: {  	v29 =	vld [tilespmem:s12+$0xFFFFFFB0];
	v18 =	vor.u32 v3, v13;
	v15 =	vmul.f32 v19, v15;
	[tilespmem:s12+$0x0] =	vst v12  }
0x2f9: {  	v12 =	vld.idx.msk [tilespmem:v16+s4+$0x0], $0xffff  }
0x2fa: {  	v30 =	vld [tilespmem:s12+$0x30];
	v17 =	vmul.f32 v23, v17;
	v15 =	vmul.f32 v20, v15  }
0x2fb: {  	v48 =	vld [tilespmem:s12+$0xFFFFFF50];
	v23 =	vor.u32 v3, v21  }
0x2fc: {  	v17 =	vmul.f32 v9, v17;
	[tilespmem:s12+$0x90] =	vst v15;
	v11 =	vmul.f32 v24, v11;
	v15 =	vor.u32 v3, v22;
	v24 =	vld [tilespmem:s12+$0xA0]  }
0x2fd: {  	v18 =	vld.idx.msk [tilespmem:v18+s4+$0x0], $0xffff  }
0x2fe: {  	v14 =	vld [tilespmem:s12+$0xFFFFFF20];
	[tilespmem:s12+$0xFFFFFF10] =	vst v17;
	v17 =	vor.u32 v3, v28;
	v11 =	vmul.f32 v27, v11;
	v12 =	vmul.f32 v25, v12  }
0x2ff: {  	v19 =	vld [tilespmem:s12+$0xFFFFFFA0]  }
0x300: {  	v23 =	vld.idx.msk [tilespmem:v23+s4+$0x0], $0xffff;
	[tilespmem:s12+$0xFFFFFF90] =	vst v11;
	v12 =	vmul.f32 v10, v12  }
0x301: {  	v11 =	vld.idx.msk [tilespmem:v15+s4+$0x0], $0xffff  }
0x302: {  	v16 =	vld [tilespmem:s12+$0x20];
	v18 =	vmul.f32 v24, v18;
	v24 =	vor.u32 v4, v13;
	[tilespmem:s12+$0x10] =	vst v12  }
0x303: {  	v12 =	vld.idx.msk [tilespmem:v17+s4+$0x0], $0xffff  }
0x304: {  	v49 =	vld [tilespmem:s12+$0xFFFFFFD0];
	v17 =	vmul.f32 v20, v18  }
0x305: {  	v35 =	vld [tilespmem:s12+$0xFFFFFFE0];
	v31 =	vor.u32 v4, v21;
	v14 =	vmul.f32 v14, v23  }
0x306: {  	v50 =	vld [tilespmem:s12+$0xC0];
	[tilespmem:s12+$0xA0] =	vst v17;
	v11 =	vmul.f32 v19, v11;
	v17 =	vor.u32 v4, v22  }
0x307: {  	v14 =	vmul.f32 v9, v14;
	v19 =	vld.idx.msk [tilespmem:v24+s4+$0x0], $0xffff  }
0x308: {  	v24 =	vld [tilespmem:s12+$0xB0];
	v11 =	vmul.f32 v27, v11;
	v12 =	vmul.f32 v16, v12;
	v16 =	vor.u32 v4, v28  }
0x309: {  	v32 =	vld [tilespmem:s12+$0x60];
	[tilespmem:s12+$0xFFFFFF20] =	vst v14  }
0x30a: {  	v14 =	vld.idx.msk [tilespmem:v31+s4+$0x0], $0xffff;
	[tilespmem:s12+$0xFFFFFFA0] =	vst v11;
	v11 =	vmul.f32 v10, v12  }
0x30b: {  	v12 =	vld.idx.msk [tilespmem:v17+s4+$0x0], $0xffff  }
0x30c: {  	v25 =	vld [tilespmem:s12+$0xFFFFFFC0];
	[tilespmem:s12+$0x20] =	vst v11  }
0x30d: {  	v17 =	vor.u32 v5, v13;
	v11 =	vmul.f32 v24, v19;
	v16 =	vld.idx.msk [tilespmem:v16+s4+$0x0], $0xffff  }
0x30e: {  	v15 =	vld [tilespmem:s12+$0xFFFFFF40]  }
0x30f: {  	s25 =	simm.s32 $0x4;
	v23 =	vld [tilespmem:s12+$0x50];
	v14 =	vmul.f32 v26, v14;
	v19 =	vor.u32 v5, v21;
	v11 =	vmul.f32 v20, v11  }
0x310: {  	v18 =	vld [tilespmem:s12+$0x40];
	v26 =	vor.u32 v5, v22;
	v12 =	vmul.f32 v29, v12;
	v29 =	vmov s25  }
0x311: {  	s31 =	simm.s32 $0x5;
	v31 =	vor.u32 v5, v28;
	v24 =	vld [tilespmem:s12+$0xFFFFFF60];
	[tilespmem:s12+$0xB0] =	vst v11;
	v11 =	vmul.f32 v9, v14;
	v14 =	vand.u32 $0x7C, v29  }
0x312: {  	v29 =	vmov s31;
	v17 =	vld.idx.msk [tilespmem:v17+s4+$0x0], $0xffff;
	v12 =	vmul.f32 v27, v12;
	v16 =	vmul.f32 v30, v16  }
0x313: {  	v14 =	vbroadcast v14, $0x0;
	[tilespmem:s12+$0xFFFFFF30] =	vst v11;
	v11 =	vand.u32 $0x7D, v29;
	v30 =	vld [tilespmem:s12+$0xFFFFFF70]  }
0x314: {  	s23 =	simm.s32 $0x6;
	v19 =	vld.idx.msk [tilespmem:v19+s4+$0x0], $0xffff;
	[tilespmem:s12+$0xFFFFFFB0] =	vst v12;
	v12 =	vbroadcast v11, $0x0;
	v11 =	vmul.f32 v10, v16  }
0x315: {  	v29 =	vmov s23;
	s23 =	simm.s32 $0x6780;
	v16 =	vld.idx.msk [tilespmem:v26+s4+$0x0], $0xffff;
	v26 =	vor.u32 $0x100, v14  }
0x316: {  	v44 =	vld [tilespmem:s23+$0xFFFFFF30];
	[tilespmem:s12+$0x30] =	vst v11  }
0x317: {  	s25 =	simm.s32 $0x7;
	v11 =	vand.u32 $0x7E, v29;
	v29 =	vld.idx.msk [tilespmem:v31+s4+$0x0], $0xffff  }
0x318: {  	v51 =	vor.u32 $0x100, v12;
	v53 =	vbroadcast v11, $0x0;
	v11 =	vmov s25;
	v31 =	vld [tilespmem:s12+$0xFFFFFFF0]  }
0x319: {  	v52 =	vor.u32 v6, v13;
	v17 =	vmul.f32 v50, v17;
	v55 =	vand.u32 $0x7F, v11;
	v11 =	vld [tilespmem:s12+$0x70]  }
0x31a: {  	v15 =	vmul.f32 v15, v19;
	v19 =	vld.idx.msk [tilespmem:v26+s9+$0x0], $0xffff  }
0x31b: {  	v17 =	vmul.f32 v20, v17;
	v56 =	vor.u32 $0x100, v53;
	v38 =	vor.u32 $0x180, v53;
	v53 =	vld [tilespmem:s23+$0xFFFFFF80]  }
0x31c: {  	v54 =	vor.u32 v6, v21;
	v26 =	vbroadcast v55, $0x0;
	v55 =	vld [tilespmem:s23+$0x0]  }
0x31d: {  	v12 =	vor.u32 $0x180, v12;
	v37 =	vld.idx.msk [tilespmem:v51+s9+$0x0], $0xffff;
	[tilespmem:s12+$0xC0] =	vst v17  }
0x31e: {  	v16 =	vmul.f32 v25, v16;
	v25 =	vor.u32 v6, v22;
	v15 =	vmul.f32 v9, v15;
	v36 =	vld.idx.msk [tilespmem:v52+s4+$0x0], $0xffff  }
0x31f: {  	v52 =	vld [tilespmem:s23+$0x80]  }
0x320: {  	v17 =	vor.u32 $0x100, v26;
	v16 =	vmul.f32 v27, v16;
	[tilespmem:s12+$0xFFFFFF40] =	vst v15;
	v15 =	vmul.f32 v18, v29;
	v29 =	vld [tilespmem:s12+$0xD0]  }
0x321: {  	v39 =	vld.idx.msk [tilespmem:v54+s4+$0x0], $0xffff  }
0x322: {  	[tilespmem:s12+$0xFFFFFFC0] =	vst v16;
	v16 =	vld.idx.msk [tilespmem:v12+s9+$0x0], $0xffff  }
0x323: {  	v57 =	vor.u32 $0x180, v14;
	v25 =	vld.idx.msk [tilespmem:v25+s4+$0x0], $0xffff  }
0x324: {  	v14 =	vshll.u32 v19, $0x7;
	v19 =	vld.idx.msk [tilespmem:v56+s9+$0x0], $0xffff  }
0x325: {  	v59 =	vld.idx.msk [tilespmem:v17+s9+$0x0], $0xffff  }
0x326: {  	v15 =	vmul.f32 v10, v15;
	v12 =	vld.idx.msk [tilespmem:v38+s9+$0x0], $0xffff;
	v17 =	vmul.f32 v29, v36;
	v29 =	vor.u32 v7, v13  }
0x327: {  	v18 =	vor.u32 v6, v28;
	v38 =	vld [tilespmem:s12+$0xF0];
	v58 =	vor.u32 v0, v14  }
0x328: {  	[tilespmem:s12+$0x40] =	vst v15;
	v15 =	vld.idx.msk [tilespmem:v57+s9+$0x0], $0xffff;
	v61 =	vmul.f32 v20, v17;
	v25 =	vmul.f32 v49, v25  }
0x329: {  	v57 =	vld [tilespmem:s23+$0xFFFFFF10];
	v33 =	vmul.f32 v48, v39  }
0x32a: {  	v48 =	vld [tilespmem:s12+$0xE0];
	v17 =	vshll.u32 v19, $0x7;
	[tilespmem:s12+$0xD0] =	vst v61;
	v19 =	vshll.u32 v59, $0x7;
	v25 =	vmul.f32 v27, v25  }
0x32b: {  	v29 =	vld.idx.msk [tilespmem:v29+s4+$0x0], $0xffff;
	v47 =	vor.u32 v0, v19  }
0x32c: {  	v43 =	vld.idx.msk [tilespmem:v18+s4+$0x0], $0xffff;
	[tilespmem:s12+$0xFFFFFFD0] =	vst v25;
	v25 =	vor.u32 $0x180, v26  }
0x32d: {  	v18 =	vshll.u32 v37, $0x7;
	v63 =	vld.idx.msk [tilespmem:v58+s4+$0x0], $0xffff;
	v33 =	vmul.f32 v9, v33  }
0x32e: {  	v45 =	vor.u32 v0, v18;
	v59 =	vld [tilespmem:s23+$0xFFFFFF90]  }
0x32f: {  	[tilespmem:s12+$0xFFFFFF50] =	vst v33;
	v33 =	vld [tilespmem:s23+$0xFFFFFFC0]  }
0x330: {  	v60 =	vor.u32 v7, v21;
	v50 =	vld.idx.msk [tilespmem:v47+s4+$0x0], $0xffff;
	v29 =	vmul.f32 v48, v29  }
0x331: {  	v51 =	vor.u32 v8, v13;
	v46 =	vor.u32 v0, v17;
	v13 =	vld.idx.msk [tilespmem:v25+s9+$0x0], $0xffff  }
0x332: {  	v25 =	vmul.f32 v20, v29;
	v29 =	vld [tilespmem:s23+$0xFFFFFF00]  }
0x333: {  	v62 =	vor.u32 v7, v22;
	v26 =	vld.idx.msk [tilespmem:v45+s4+$0x0], $0xffff  }
0x334: {  	v43 =	vmul.f32 v23, v43;
	v23 =	vld [tilespmem:s23+$0x50]  }
0x335: {  	v54 =	vor.u32 v2, v19;
	v36 =	vld.idx.msk [tilespmem:v60+s4+$0x0], $0xffff;
	[tilespmem:s12+$0xE0] =	vst v25;
	v25 =	vmul.f32 v52, v50  }
0x336: {  	v49 =	vld.idx.msk [tilespmem:v46+s4+$0x0], $0xffff  }
0x337: {  	v56 =	vor.u32 v2, v14;
	v60 =	vld [tilespmem:s23+$0x10];
	v29 =	vmul.f32 v29, v63;
	v25 =	vmul.f32 v13, v25  }
0x338: {  	v58 =	vor.u32 v2, v18;
	v41 =	vld.idx.msk [tilespmem:v62+s4+$0x0], $0xffff;
	v26 =	vmul.f32 v53, v26  }
0x339: {  	v62 =	vld [tilespmem:s23+$0x90];
	v29 =	vmul.f32 v15, v29;
	[tilespmem:s23+$0x80] =	vst v25  }
0x33a: {  	v25 =	vmul.f32 v16, v26;
	v26 =	vld.idx.msk [tilespmem:v54+s4+$0x0], $0xffff  }
0x33b: {  	v61 =	vor.u32 v2, v17;
	v47 =	vld [tilespmem:s23+$0x20];
	[tilespmem:s23+$0xFFFFFF00] =	vst v29;
	v29 =	vmul.f32 v55, v49  }
0x33c: {  	[tilespmem:s23+$0xFFFFFF80] =	vst v25;
	v37 =	vld.idx.msk [tilespmem:v56+s4+$0x0], $0xffff  }
0x33d: {  	v25 =	vld.idx.msk [tilespmem:v58+s4+$0x0], $0xffff;
	v29 =	vmul.f32 v12, v29  }
0x33e: {  	v48 =	vld [tilespmem:s23+$0xFFFFFFB0];
	v24 =	vmul.f32 v24, v36  }
0x33f: {  	v53 =	vor.u32 v3, v19;
	v42 =	vld.idx.msk [tilespmem:v51+s4+$0x0], $0xffff;
	[tilespmem:s23+$0x0] =	vst v29;
	v26 =	vmul.f32 v62, v26  }
0x340: {  	v24 =	vmul.f32 v9, v24;
	v29 =	vld.idx.msk [tilespmem:v61+s4+$0x0], $0xffff  }
0x341: {  	v52 =	vld [tilespmem:s23+$0xFFFFFFA0];
	v55 =	vor.u32 v3, v14;
	v54 =	vmul.f32 v57, v37;
	v26 =	vmul.f32 v13, v26  }
0x342: {  	[tilespmem:s12+$0xFFFFFF60] =	vst v24;
	v24 =	vld [tilespmem:s23+$0xFFFFFFE0];
	v56 =	vor.u32 v3, v18;
	v25 =	vmul.f32 v59, v25  }
0x343: {  	v58 =	vld [tilespmem:s23+$0xA0];
	v34 =	vmul.f32 v15, v54;
	[tilespmem:s23+$0x90] =	vst v26  }
0x344: {  	v25 =	vmul.f32 v16, v25;
	v26 =	vld.idx.msk [tilespmem:v53+s4+$0x0], $0xffff  }
0x345: {  	v63 =	vld [tilespmem:s23+$0xFFFFFF20];
	v57 =	vor.u32 v3, v17;
	[tilespmem:s23+$0xFFFFFF10] =	vst v34;
	v29 =	vmul.f32 v60, v29  }
0x346: {  	[tilespmem:s23+$0xFFFFFF90] =	vst v25;
	v37 =	vld.idx.msk [tilespmem:v55+s4+$0x0], $0xffff  }
0x347: {  	v25 =	vld.idx.msk [tilespmem:v56+s4+$0x0], $0xffff;
	v29 =	vmul.f32 v12, v29  }
0x348: {  	v49 =	vld [tilespmem:s23+$0x30]  }
0x349: {  	v61 =	vor.u32 v4, v19;
	v34 =	vld [tilespmem:s23+$0xFFFFFF40];
	[tilespmem:s23+$0x10] =	vst v29;
	v60 =	vmul.f32 v58, v26  }
0x34a: {  	v59 =	vld.idx.msk [tilespmem:v57+s4+$0x0], $0xffff  }
0x34b: {  	v62 =	vor.u32 v4, v14;
	v55 =	vld [tilespmem:s23+$0xB0];
	v37 =	vmul.f32 v63, v37;
	v46 =	vmul.f32 v13, v60  }
0x34c: {  	v29 =	vld [tilespmem:s23+$0x40];
	v40 =	vmul.f32 v52, v25;
	v63 =	vor.u32 v4, v18  }
0x34d: {  	v26 =	vld [tilespmem:s23+$0xFFFFFF50];
	v52 =	vor.u32 v7, v28;
	v37 =	vmul.f32 v15, v37;
	[tilespmem:s23+$0xA0] =	vst v46  }
0x34e: {  	v43 =	vmul.f32 v10, v43;
	v40 =	vmul.f32 v16, v40;
	v50 =	vld.idx.msk [tilespmem:v61+s4+$0x0], $0xffff  }
0x34f: {  	v54 =	vor.u32 v4, v17;
	v57 =	vor.u32 v8, v22;
	v22 =	vld [tilespmem:s23+$0xFFFFFF60];
	[tilespmem:s23+$0xFFFFFF20] =	vst v37;
	v53 =	vmul.f32 v47, v59  }
0x350: {  	[tilespmem:s23+$0xFFFFFFA0] =	vst v40;
	v39 =	vld.idx.msk [tilespmem:v62+s4+$0x0], $0xffff  }
0x351: {  	[tilespmem:s12+$0x50] =	vst v43;
	v35 =	vmul.f32 v35, v41;
	v56 =	vld.idx.msk [tilespmem:v63+s4+$0x0], $0xffff;
	v37 =	vmul.f32 v12, v53  }
0x352: {  	v59 =	vor.u32 v8, v21;
	v58 =	vld.idx.msk [tilespmem:v52+s4+$0x0], $0xffff  }
0x353: {  	v25 =	vld [tilespmem:s23+$0xFFFFFFD0];
	v21 =	vmul.f32 v27, v35;
	v62 =	vor.u32 v5, v19;
	[tilespmem:s23+$0x20] =	vst v37;
	v61 =	vmul.f32 v55, v50  }
0x354: {  	v38 =	vmul.f32 v38, v42;
	v60 =	vld.idx.msk [tilespmem:v54+s4+$0x0], $0xffff  }
0x355: {  	v63 =	vor.u32 v5, v14;
	[tilespmem:s12+$0xFFFFFFE0] =	vst v21;
	v21 =	vld [tilespmem:s23+$0x60];
	v39 =	vmul.f32 v44, v39;
	v43 =	vmul.f32 v13, v61  }
0x356: {  	s31 =	simm.s32 $0x8;
	v28 =	vor.u32 v8, v28;
	v52 =	vor.u32 v5, v18;
	v40 =	vld.idx.msk [tilespmem:v57+s4+$0x0], $0xffff;
	v36 =	vmul.f32 v48, v56  }
0x357: {  	v53 =	vmov s31;
	v54 =	vld.idx.msk [tilespmem:v59+s4+$0x0], $0xffff;
	v32 =	vmul.f32 v32, v58;
	[tilespmem:s23+$0xB0] =	vst v43;
	v39 =	vmul.f32 v15, v39  }
0x358: {  	s25 =	simm.s32 $0x9;
	v55 =	vand.u32 $0x7C, v53;
	v59 =	vor.u32 v5, v17;
	v57 =	vmul.f32 v16, v36;
	v58 =	vld.idx.msk [tilespmem:v62+s4+$0x0], $0xffff  }
0x359: {  	v56 =	vmov s25;
	v32 =	vmul.f32 v10, v32;
	[tilespmem:s23+$0xFFFFFF30] =	vst v39;
	v35 =	vmul.f32 v49, v60;
	v60 =	vld [tilespmem:s23+$0xC0]  }
0x35a: {  	v20 =	vmul.f32 v20, v38;
	s31 =	simm.s32 $0xA;
	v61 =	vand.u32 $0x7D, v56;
	v36 =	vbroadcast v55, $0x0;
	[tilespmem:s23+$0xFFFFFFB0] =	vst v57;
	v45 =	vld.idx.msk [tilespmem:v63+s4+$0x0], $0xffff  }
0x35b: {  	v37 =	vbroadcast v61, $0x0;
	v62 =	vmov s31;
	[tilespmem:s12+$0x60] =	vst v32;
	v44 =	vld.idx.msk [tilespmem:v52+s4+$0x0], $0xffff;
	v35 =	vmul.f32 v12, v35  }
0x35c: {  	[tilespmem:s12+$0xF0] =	vst v20;
	v38 =	vor.u32 $0x100, v36;
	v20 =	vand.u32 $0x7E, v62;
	v63 =	vmul.f32 v31, v40;
	v28 =	vld.idx.msk [tilespmem:v28+s4+$0x0], $0xffff  }
0x35d: {  	v39 =	vor.u32 $0x100, v37;
	v43 =	vbroadcast v20, $0x0;
	v20 =	vld [tilespmem:s23+$0xFFFFFF70];
	v31 =	vmul.f32 v30, v54;
	[tilespmem:s23+$0x30] =	vst v35  }
0x35e: {  	s18 =	simm.s32 $0xB;
	s25 =	simm.s32 $0xC;
	v40 =	vor.u32 v6, v19;
	v32 =	vmul.f32 v27, v63;
	v42 =	vld.idx.msk [tilespmem:v59+s4+$0x0], $0xffff;
	v41 =	vmul.f32 v60, v58  }
.LBB2_9:
0x35f: {  	p1 =	slt.u32 s25, $0x4C;
	v35 =	vmov s18;
	v46 =	vor.u32 v6, v14;
	v30 =	vld [tilespmem:s23+$0xFFFFFFF0];
	v31 =	vmul.f32 v9, v31;
	v9 =	vmovc v15;
	v27 =	vmovc v16  }
0x360: {  	v16 =	vmul.f32 v34, v45;
	v15 =	vand.u32 $0x7F, v35;
	v34 =	vld [tilespmem:s23+$0x70];
	v35 =	vmul.f32 v13, v41;
	[tilespmem:s12+$0xFFFFFFF0] =	vst v32  }
0x361: {  	v32 =	vld.idx.msk [tilespmem:v38+s9+$0x0], $0xffff;
	v38 =	vbroadcast v15, $0x0;
	v15 =	vmul.f32 v33, v44;
	v33 =	vor.u32 v6, v18;
	[tilespmem:s12+$0xFFFFFF70] =	vst v31  }
0x362: {  	v16 =	vmul.f32 v9, v16;
	v44 =	vmul.f32 v11, v28;
	v31 =	vld.idx.msk [tilespmem:v39+s9+$0x0], $0xffff;
	v39 =	vor.u32 $0x100, v43;
	[tilespmem:s23+$0xC0] =	vst v35  }
0x363: {  	v35 =	vor.u32 $0x100, v38;
	v15 =	vmul.f32 v27, v15;
	v40 =	vld.idx.msk [tilespmem:v40+s4+$0x0], $0xffff  }
0x364: {  	v28 =	vmul.f32 v10, v44;
	[tilespmem:s23+$0xFFFFFF40] =	vst v16;
	v16 =	vmul.f32 v29, v42;
	v29 =	vor.u32 v6, v17;
	v41 =	vld [tilespmem:s23+$0xD0]  }
0x365: {  	v36 =	vor.u32 $0x180, v36;
	v10 =	vmov v12;
	v42 =	vld.idx.msk [tilespmem:v46+s4+$0x0], $0xffff;
	[tilespmem:s23+$0xFFFFFFC0] =	vst v15;
	v11 =	vmov v34  }
0x366: {  	v12 =	vor.u32 $0x180, v37;
	v33 =	vld.idx.msk [tilespmem:v33+s4+$0x0], $0xffff;
	v15 =	vmul.f32 v10, v16;
	[tilespmem:s12+$0x70] =	vst v28;
	s12 =	smov.u32 s23  }
0x367: {  	v37 =	vor.u32 $0x180, v43;
	v28 =	vshll.u32 v32, $0x7;
	v34 =	vld.idx.msk [tilespmem:v39+s9+$0x0], $0xffff  }
0x368: {  	v39 =	vor.u32 v0, v28;
	v35 =	vld.idx.msk [tilespmem:v35+s9+$0x0], $0xffff;
	[tilespmem:s23+$0x40] =	vst v15  }
0x369: {  	v29 =	vld.idx.msk [tilespmem:v29+s4+$0x0], $0xffff;
	v32 =	vmul.f32 v41, v40;
	v40 =	vor.u32 v7, v19  }
0x36a: {  	v15 =	vld.idx.msk [tilespmem:v36+s9+$0x0], $0xffff  }
0x36b: {  	v26 =	vmul.f32 v26, v42;
	v36 =	vor.u32 v7, v14;
	v16 =	vld.idx.msk [tilespmem:v12+s9+$0x0], $0xffff;
	v41 =	vmul.f32 v13, v32  }
0x36c: {  	v32 =	vshll.u32 v31, $0x7;
	v25 =	vmul.f32 v25, v33;
	v33 =	vor.u32 v7, v18;
	v12 =	vld.idx.msk [tilespmem:v37+s9+$0x0], $0xffff  }
0x36d: {  	v31 =	vshll.u32 v34, $0x7;
	v26 =	vmul.f32 v9, v26;
	v37 =	vld.idx.msk [tilespmem:v39+s4+$0x0], $0xffff;
	v39 =	vor.u32 v0, v32;
	[tilespmem:s23+$0xD0] =	vst v41  }
0x36e: {  	v34 =	vor.u32 v0, v31;
	v35 =	vshll.u32 v35, $0x7;
	v25 =	vmul.f32 v27, v25;
	v40 =	vld.idx.msk [tilespmem:v40+s4+$0x0], $0xffff  }
0x36f: {  	v41 =	vor.u32 v0, v35;
	v23 =	vmul.f32 v23, v29;
	[tilespmem:s23+$0xFFFFFF50] =	vst v26;
	v26 =	vld [tilespmem:s23+$0xE0]  }
0x370: {  	v29 =	vld.idx.msk [tilespmem:v36+s4+$0x0], $0xffff;
	[tilespmem:s23+$0xFFFFFFD0] =	vst v25  }
0x371: {  	v25 =	vor.u32 $0x180, v38;
	v23 =	vmul.f32 v10, v23;
	v33 =	vld.idx.msk [tilespmem:v33+s4+$0x0], $0xffff  }
0x372: {  	v36 =	vld.idx.msk [tilespmem:v39+s4+$0x0], $0xffff  }
0x373: {  	v34 =	vld.idx.msk [tilespmem:v34+s4+$0x0], $0xffff;
	[tilespmem:s23+$0x50] =	vst v23  }
0x374: {  	v38 =	vor.u32 v8, v19;
	v19 =	vmov v35;
	s23 =	sadd.s32 $0x200, s23;
	v23 =	vld.idx.msk [tilespmem:v41+s4+$0x0], $0xffff;
	v26 =	vmul.f32 v26, v40  }
0x375: {  	v35 =	vld [tilespmem:s23+$0x80]  }
0x376: {  	v22 =	vmul.f32 v22, v29;
	v25 =	vld.idx.msk [tilespmem:v25+s9+$0x0], $0xffff;
	v26 =	vmul.f32 v13, v26  }
0x377: {  	v24 =	vmul.f32 v24, v33;
	v29 =	vld [tilespmem:s23+$0xFFFFFF00]  }
0x378: {  	v22 =	vmul.f32 v9, v22;
	v33 =	vld [tilespmem:s23+$0xFFFFFF80];
	[tilespmem:s12+$0xE0] =	vst v26  }
0x379: {  	v24 =	vmul.f32 v27, v24;
	v26 =	vld.idx.msk [tilespmem:v38+s4+$0x0], $0xffff  }
0x37a: {  	v23 =	vmul.f32 v35, v23;
	v35 =	vor.u32 v2, v19;
	[tilespmem:s12+$0xFFFFFF60] =	vst v22;
	v22 =	vld [tilespmem:s12+$0xF0]  }
0x37b: {  	v38 =	vld [tilespmem:s23+$0x0];
	[tilespmem:s12+$0xFFFFFFE0] =	vst v24  }
0x37c: {  	v24 =	vmul.f32 v29, v37;
	v29 =	vor.u32 v2, v28;
	v37 =	vld [tilespmem:s23+$0xFFFFFF10];
	v23 =	vmul.f32 v25, v23  }
0x37d: {  	v33 =	vmul.f32 v33, v36;
	v36 =	vor.u32 v2, v32;
	v39 =	vld [tilespmem:s23+$0xFFFFFF90]  }
0x37e: {  	v24 =	vmul.f32 v15, v24;
	v40 =	vld [tilespmem:s23+$0x10];
	[tilespmem:s23+$0x80] =	vst v23  }
0x37f: {  	v23 =	vmul.f32 v16, v33;
	v33 =	vld.idx.msk [tilespmem:v35+s4+$0x0], $0xffff;
	v22 =	vmul.f32 v22, v26  }
0x380: {  	v26 =	vor.u32 v2, v31;
	[tilespmem:s23+$0xFFFFFF00] =	vst v24;
	v24 =	vmul.f32 v38, v34;
	v34 =	vld [tilespmem:s23+$0x90]  }
0x381: {  	v29 =	vld.idx.msk [tilespmem:v29+s4+$0x0], $0xffff;
	[tilespmem:s23+$0xFFFFFF80] =	vst v23;
	v22 =	vmul.f32 v13, v22;
	v13 =	vmov v25  }
0x382: {  	v23 =	vld.idx.msk [tilespmem:v36+s4+$0x0], $0xffff;
	v24 =	vmul.f32 v12, v24  }
0x383: {  	v25 =	vld [tilespmem:s23+$0xFFFFFF20];
	[tilespmem:s12+$0xF0] =	vst v22  }
0x384: {  	v22 =	vld [tilespmem:s23+$0xFFFFFFA0];
	[tilespmem:s23+$0x0] =	vst v24  }
0x385: {  	v24 =	vld.idx.msk [tilespmem:v26+s4+$0x0], $0xffff;
	v26 =	vmul.f32 v34, v33;
	v33 =	vor.u32 v3, v19  }
0x386: {  	v35 =	vld [tilespmem:s23+$0x20]  }
0x387: {  	v34 =	vor.u32 v3, v28;
	v29 =	vmul.f32 v37, v29;
	v36 =	vld [tilespmem:s23+$0xFFFFFF30];
	v26 =	vmul.f32 v13, v26  }
0x388: {  	v37 =	vor.u32 v3, v32;
	v23 =	vmul.f32 v39, v23;
	v38 =	vld [tilespmem:s23+$0xFFFFFFB0]  }
0x389: {  	v29 =	vmul.f32 v15, v29;
	v39 =	vld [tilespmem:s23+$0x30];
	[tilespmem:s23+$0x90] =	vst v26  }
0x38a: {  	v23 =	vmul.f32 v16, v23;
	v26 =	vld.idx.msk [tilespmem:v33+s4+$0x0], $0xffff  }
0x38b: {  	v24 =	vmul.f32 v40, v24;
	[tilespmem:s23+$0xFFFFFF10] =	vst v29;
	v29 =	vor.u32 v3, v31;
	v40 =	vld [tilespmem:s23+$0xA0]  }
0x38c: {  	v41 =	vld.idx.msk [tilespmem:v34+s4+$0x0], $0xffff;
	[tilespmem:s23+$0xFFFFFF90] =	vst v23  }
0x38d: {  	v24 =	vmul.f32 v12, v24;
	v23 =	vld.idx.msk [tilespmem:v37+s4+$0x0], $0xffff  }
0x38e: {  	v34 =	vld [tilespmem:s23+$0xFFFFFF40]  }
0x38f: {  	v33 =	vld [tilespmem:s23+$0xFFFFFFC0];
	[tilespmem:s23+$0x10] =	vst v24  }
0x390: {  	v24 =	vld.idx.msk [tilespmem:v29+s4+$0x0], $0xffff;
	v37 =	vmul.f32 v40, v26;
	v40 =	vor.u32 v4, v19  }
0x391: {  	v29 =	vld [tilespmem:s23+$0x40]  }
0x392: {  	v42 =	vor.u32 v4, v28;
	v41 =	vmul.f32 v25, v41;
	v26 =	vld [tilespmem:s23+$0xFFFFFF50];
	v37 =	vmul.f32 v13, v37  }
0x393: {  	v43 =	vor.u32 v4, v32;
	v22 =	vmul.f32 v22, v23;
	v25 =	vld [tilespmem:s23+$0xFFFFFFD0]  }
0x394: {  	v41 =	vmul.f32 v15, v41;
	v23 =	vld [tilespmem:s23+$0x50];
	[tilespmem:s23+$0xA0] =	vst v37;
	v37 =	vor.u32 v7, v17  }
0x395: {  	v22 =	vmul.f32 v16, v22;
	v40 =	vld.idx.msk [tilespmem:v40+s4+$0x0], $0xffff  }
0x396: {  	v24 =	vmul.f32 v35, v24;
	v35 =	vor.u32 v4, v31;
	[tilespmem:s23+$0xFFFFFF20] =	vst v41;
	v41 =	vld [tilespmem:s23+$0xB0]  }
0x397: {  	v42 =	vld.idx.msk [tilespmem:v42+s4+$0x0], $0xffff;
	[tilespmem:s23+$0xFFFFFFA0] =	vst v22  }
0x398: {  	v24 =	vmul.f32 v12, v24;
	v43 =	vld.idx.msk [tilespmem:v43+s4+$0x0], $0xffff  }
0x399: {  	v44 =	vor.u32 v8, v18;
	v18 =	vmov v32;
	v37 =	vld.idx.msk [tilespmem:v37+s4+$0x0], $0xffff  }
0x39a: {  	v32 =	vor.u32 v8, v14;
	v14 =	vmov v28;
	v22 =	vld [tilespmem:s23+$0xFFFFFF60];
	[tilespmem:s23+$0x20] =	vst v24  }
0x39b: {  	v28 =	vld.idx.msk [tilespmem:v35+s4+$0x0], $0xffff;
	v35 =	vmul.f32 v41, v40;
	v40 =	vor.u32 v5, v19  }
0x39c: {  	v24 =	vld [tilespmem:s23+$0xFFFFFFE0]  }
0x39d: {  	v41 =	vor.u32 v5, v14;
	v36 =	vmul.f32 v36, v42;
	v42 =	vld [tilespmem:s23+$0x60];
	v35 =	vmul.f32 v13, v35  }
0x39e: {  	v47 =	vor.u32 v8, v17;
	v38 =	vmul.f32 v38, v43;
	v43 =	vor.u32 v5, v18;
	v46 =	vld.idx.msk [tilespmem:v44+s4+$0x0], $0xffff  }
0x39f: {  	s18 =	sadd.s32 $0x1, s25;
	v17 =	vmovc v31;
	v44 =	vmov s25;
	v36 =	vmul.f32 v15, v36;
	v50 =	vmul.f32 v21, v37;
	[tilespmem:s23+$0xB0] =	vst v35;
	v32 =	vld.idx.msk [tilespmem:v32+s4+$0x0], $0xffff  }
0x3a0: {  	v31 =	vand.u32 $0x7C, v44;
	v35 =	vmov s18;
	v37 =	vmul.f32 v16, v38;
	v40 =	vld.idx.msk [tilespmem:v40+s4+$0x0], $0xffff  }
0x3a1: {  	v48 =	vor.u32 v5, v17;
	v28 =	vmul.f32 v39, v28;
	v38 =	vmul.f32 v10, v50;
	[tilespmem:s23+$0xFFFFFF30] =	vst v36;
	v49 =	vld [tilespmem:s23+$0xC0]  }
.Ltmp3:
0x3a2: {  	s18 =	sadd.s32 $0x2, s25;
	v36 =	vbroadcast v31, $0x0;
	v31 =	vand.u32 $0x7D, v35;
	v45 =	vld.idx.msk [tilespmem:v41+s4+$0x0], $0xffff;
	[tilespmem:s23+$0xFFFFFFB0] =	vst v37;
	v21 =	vmov v42;
	(pc) =	sbr.rel @p1 .LBB2_9-.Ltmp3, $4  }
0x3a3: {  	v37 =	vbroadcast v31, $0x0;
	v31 =	vmov s18;
	v35 =	vmul.f32 v12, v28;
	v44 =	vld.idx.msk [tilespmem:v43+s4+$0x0], $0xffff;
	[tilespmem:s12+$0x60] =	vst v38  }
0x3a4: {  	v38 =	vor.u32 $0x100, v36;
	v31 =	vand.u32 $0x7E, v31;
	v30 =	vmul.f32 v30, v46;
	v28 =	vld.idx.msk [tilespmem:v47+s4+$0x0], $0xffff  }
0x3a5: {  	v39 =	vor.u32 $0x100, v37;
	v43 =	vbroadcast v31, $0x0;
	v31 =	vmul.f32 v20, v32;
	[tilespmem:s23+$0x30] =	vst v35;
	v20 =	vld [tilespmem:s23+$0xFFFFFF70]  }
0x3a6: {  	s18 =	sadd.s32 $0x3, s25;
	s25 =	sadd.s32 $0x4, s25;
	v32 =	vmul.f32 v27, v30;
	v42 =	vld.idx.msk [tilespmem:v48+s4+$0x0], $0xffff;
	v41 =	vmul.f32 v49, v40;
	v40 =	vor.u32 v6, v19  }
0x3a7: {  	v27 =	vmov s18  }
0x3a8: {  	v27 =	vand.u32 $0x7F, v27  }
0x3a9: {  	v30 =	vbroadcast v27, $0x0;
	_ =	sdelay $0x1  }
0x3aa: {  	v27 =	vor.u32 $0x100, v30;
	_ =	sdelay $0x4  }
0x3ab: {  	v46 =	vor.u32 $0x100, v43;
	v27 =	vld.idx.msk [tilespmem:v27+s9+$0x0], $0xffff;
	_ =	sdelay $0x1  }
0x3ac: {  	v35 =	vld [tilespmem:s23+$0xFFFFFFF0]  }
0x3ad: {  	v47 =	vld.idx.msk [tilespmem:v38+s9+$0x0], $0xffff  }
0x3ae: {  	v48 =	vld.idx.msk [tilespmem:v39+s9+$0x0], $0xffff  }
0x3af: {  	v46 =	vld.idx.msk [tilespmem:v46+s9+$0x0], $0xffff;
	v38 =	vshll.u32 v27, $0x7  }
0x3b0: {  	v52 =	vld [tilespmem:s23+$0xD0];
	s25 =	sadd.s32 $0x200, s23;
	v49 =	vor.u32 v0, v38  }
0x3b1: {  	v36 =	vor.u32 $0x180, v36;
	v41 =	vmul.f32 v13, v41;
	v54 =	vld [tilespmem:s25+$0x80]  }
0x3b2: {  	v61 =	vld [tilespmem:s25+$0xFFFFFF00];
	v51 =	vor.u32 $0x180, v30  }
0x3b3: {  	v53 =	vor.u32 $0x180, v37;
	v57 =	vld [tilespmem:s25+$0xFFFFFF80];
	[tilespmem:s23+$0xC0] =	vst v41;
	v39 =	vshll.u32 v47, $0x7  }
0x3b4: {  	v50 =	vld.idx.msk [tilespmem:v40+s4+$0x0], $0xffff;
	v47 =	vor.u32 v0, v39;
	v40 =	vshll.u32 v46, $0x7  }
0x3b5: {  	v41 =	vshll.u32 v48, $0x7;
	v46 =	vor.u32 v0, v40;
	v58 =	vld.idx.msk [tilespmem:v49+s4+$0x0], $0xffff  }
0x3b6: {  	v30 =	vld.idx.msk [tilespmem:v36+s9+$0x0], $0xffff;
	v59 =	vor.u32 v0, v41  }
0x3b7: {  	v37 =	vld.idx.msk [tilespmem:v51+s9+$0x0], $0xffff  }
0x3b8: {  	v34 =	vmul.f32 v34, v45;
	v43 =	vor.u32 $0x180, v43;
	v36 =	vld.idx.msk [tilespmem:v53+s9+$0x0], $0xffff  }
0x3b9: {  	v63 =	vor.u32 v6, v14;
	v33 =	vmul.f32 v33, v44;
	v47 =	vld.idx.msk [tilespmem:v47+s4+$0x0], $0xffff  }
0x3ba: {  	v34 =	vmul.f32 v15, v34;
	v60 =	vor.u32 v2, v38;
	v45 =	vld.idx.msk [tilespmem:v46+s4+$0x0], $0xffff;
	v48 =	vmul.f32 v54, v58  }
0x3bb: {  	v33 =	vmul.f32 v16, v33;
	v49 =	vld.idx.msk [tilespmem:v59+s4+$0x0], $0xffff  }
0x3bc: {  	[tilespmem:s23+$0xFFFFFF40] =	vst v34;
	v59 =	vld [tilespmem:s25+$0x0];
	v62 =	vmul.f32 v37, v48  }
0x3bd: {  	[tilespmem:s23+$0xFFFFFFC0] =	vst v33;
	v33 =	vld.idx.msk [tilespmem:v43+s9+$0x0], $0xffff  }
0x3be: {  	v43 =	vld.idx.msk [tilespmem:v63+s4+$0x0], $0xffff;
	v58 =	vor.u32 v6, v18;
	[tilespmem:s25+$0x80] =	vst v62  }
0x3bf: {  	v51 =	vld.idx.msk [tilespmem:v60+s4+$0x0], $0xffff;
	v60 =	vmul.f32 v61, v47;
	v61 =	vor.u32 v2, v39  }
0x3c0: {  	v63 =	vor.u32 v2, v41;
	v44 =	vmul.f32 v57, v49;
	v62 =	vld [tilespmem:s25+$0x90]  }
0x3c1: {  	v56 =	vld [tilespmem:s25+$0xFFFFFF10];
	v45 =	vmul.f32 v59, v45;
	v57 =	vor.u32 v2, v40;
	v34 =	vmul.f32 v30, v60  }
0x3c2: {  	v59 =	vld [tilespmem:s25+$0xFFFFFF90];
	v44 =	vmul.f32 v36, v44  }
0x3c3: {  	v45 =	vmul.f32 v33, v45;
	v49 =	vld.idx.msk [tilespmem:v58+s4+$0x0], $0xffff;
	[tilespmem:s25+$0xFFFFFF00] =	vst v34  }
0x3c4: {  	[tilespmem:s25+$0xFFFFFF80] =	vst v44;
	v47 =	vld.idx.msk [tilespmem:v61+s4+$0x0], $0xffff  }
0x3c5: {  	[tilespmem:s25+$0x0] =	vst v45;
	v58 =	vor.u32 v3, v38;
	v48 =	vld.idx.msk [tilespmem:v63+s4+$0x0], $0xffff;
	v51 =	vmul.f32 v62, v51  }
0x3c6: {  	v29 =	vmul.f32 v29, v42;
	v46 =	vld.idx.msk [tilespmem:v57+s4+$0x0], $0xffff  }
0x3c7: {  	v60 =	vor.u32 v6, v17;
	v61 =	vld [tilespmem:s25+$0x10];
	v51 =	vmul.f32 v37, v51  }
0x3c8: {  	v11 =	vmul.f32 v11, v28;
	v28 =	vld [tilespmem:s25+$0xF0];
	v29 =	vmul.f32 v12, v29  }
0x3c9: {  	v63 =	vld [tilespmem:s25+$0xA0];
	v62 =	vor.u32 v3, v39;
	[tilespmem:s25+$0x90] =	vst v51;
	v34 =	vmul.f32 v56, v47  }
0x3ca: {  	[tilespmem:s23+$0x40] =	vst v29;
	v29 =	vmul.f32 v59, v48;
	v51 =	vld.idx.msk [tilespmem:v58+s4+$0x0], $0xffff;
	v56 =	vor.u32 v3, v41  }
0x3cb: {  	v48 =	vld [tilespmem:s25+$0xFFFFFF20];
	v34 =	vmul.f32 v30, v34  }
0x3cc: {  	v42 =	vld.idx.msk [tilespmem:v60+s4+$0x0], $0xffff;
	v29 =	vmul.f32 v36, v29;
	v57 =	vmul.f32 v61, v46;
	v58 =	vor.u32 v3, v40  }
0x3cd: {  	v59 =	vmul.f32 v52, v50;
	v61 =	vld [tilespmem:s25+$0xFFFFFFA0];
	[tilespmem:s25+$0xFFFFFF10] =	vst v34  }
0x3ce: {  	v60 =	vor.u32 v7, v19;
	[tilespmem:s25+$0xFFFFFF90] =	vst v29;
	v29 =	vmul.f32 v33, v57;
	v47 =	vld.idx.msk [tilespmem:v62+s4+$0x0], $0xffff  }
0x3cf: {  	v62 =	vmul.f32 v63, v51;
	v44 =	vld.idx.msk [tilespmem:v56+s4+$0x0], $0xffff  }
0x3d0: {  	v46 =	vmul.f32 v13, v59;
	[tilespmem:s25+$0x10] =	vst v29;
	v56 =	vld [tilespmem:s25+$0x20]  }
0x3d1: {  	v63 =	vor.u32 v4, v38;
	v57 =	vld.idx.msk [tilespmem:v58+s4+$0x0], $0xffff;
	v29 =	vmul.f32 v37, v62  }
0x3d2: {  	v27 =	vld [tilespmem:s23+$0x70];
	[tilespmem:s23+$0xD0] =	vst v46  }
0x3d3: {  	v45 =	vld.idx.msk [tilespmem:v60+s4+$0x0], $0xffff;
	[tilespmem:s25+$0xA0] =	vst v29;
	v29 =	vmul.f32 v48, v47  }
0x3d4: {  	v59 =	vor.u32 v4, v41;
	v60 =	vld [tilespmem:s25+$0xB0];
	v44 =	vmul.f32 v61, v44  }
0x3d5: {  	v26 =	vmul.f32 v26, v43;
	v62 =	vld [tilespmem:s25+$0xFFFFFF30];
	v61 =	vor.u32 v4, v39;
	v29 =	vmul.f32 v30, v29  }
0x3d6: {  	v58 =	vld.idx.msk [tilespmem:v63+s4+$0x0], $0xffff;
	v34 =	vmul.f32 v56, v57;
	v63 =	vor.u32 v4, v40;
	v44 =	vmul.f32 v36, v44  }
0x3d7: {  	v55 =	vor.u32 v7, v14;
	v26 =	vmul.f32 v15, v26;
	v57 =	vld [tilespmem:s25+$0x30];
	[tilespmem:s25+$0xFFFFFF20] =	vst v29  }
0x3d8: {  	v34 =	vmul.f32 v33, v34;
	v29 =	vld [tilespmem:s25+$0xFFFFFFB0];
	[tilespmem:s25+$0xFFFFFFA0] =	vst v44  }
0x3d9: {  	[tilespmem:s23+$0xFFFFFF50] =	vst v26;
	v25 =	vmul.f32 v25, v49;
	v56 =	vor.u32 v7, v18;
	v47 =	vld.idx.msk [tilespmem:v59+s4+$0x0], $0xffff  }
0x3da: {  	[tilespmem:s25+$0x20] =	vst v34;
	v59 =	vld.idx.msk [tilespmem:v61+s4+$0x0], $0xffff  }
0x3db: {  	v25 =	vmul.f32 v16, v25;
	v46 =	vmul.f32 v60, v58;
	v58 =	vor.u32 v5, v38;
	v26 =	vld.idx.msk [tilespmem:v63+s4+$0x0], $0xffff  }
0x3dc: {  	v43 =	vld.idx.msk [tilespmem:v55+s4+$0x0], $0xffff  }
0x3dd: {  	v54 =	vld [tilespmem:s25+$0xFFFFFF40];
	[tilespmem:s23+$0xFFFFFFD0] =	vst v25;
	v46 =	vmul.f32 v37, v46  }
0x3de: {  	v25 =	vld.idx.msk [tilespmem:v56+s4+$0x0], $0xffff;
	v60 =	vor.u32 v5, v41;
	v29 =	vmul.f32 v29, v47  }
0x3df: {  	v63 =	vld [tilespmem:s25+$0xC0];
	[tilespmem:s25+$0xB0] =	vst v46;
	v34 =	vmul.f32 v62, v59;
	v62 =	vor.u32 v5, v39  }
0x3e0: {  	v55 =	vor.u32 v5, v40;
	v61 =	vld.idx.msk [tilespmem:v58+s4+$0x0], $0xffff;
	v26 =	vmul.f32 v57, v26;
	v29 =	vmul.f32 v36, v29  }
0x3e1: {  	v14 =	vor.u32 v8, v14;
	v22 =	vmul.f32 v22, v43;
	v56 =	vld [tilespmem:s25+$0xFFFFFFC0];
	v34 =	vmul.f32 v30, v34  }
0x3e2: {  	v26 =	vmul.f32 v33, v26;
	[tilespmem:s25+$0xFFFFFFB0] =	vst v29;
	v29 =	vld [tilespmem:s25+$0x40]  }
0x3e3: {  	v22 =	vmul.f32 v15, v22;
	[tilespmem:s25+$0xFFFFFF30] =	vst v34;
	v57 =	vld.idx.msk [tilespmem:v60+s4+$0x0], $0xffff  }
0x3e4: {  	[tilespmem:s25+$0x30] =	vst v26;
	v58 =	vld.idx.msk [tilespmem:v62+s4+$0x0], $0xffff  }
0x3e5: {  	[tilespmem:s23+$0xFFFFFF60] =	vst v22;
	v26 =	vmul.f32 v63, v61;
	v44 =	vld.idx.msk [tilespmem:v55+s4+$0x0], $0xffff  }
0x3e6: {  	v14 =	vld.idx.msk [tilespmem:v14+s4+$0x0], $0xffff;
	v59 =	vor.u32 v6, v38  }
0x3e7: {  	v50 =	vld [tilespmem:s23+$0xE0];
	v26 =	vmul.f32 v37, v26  }
0x3e8: {  	v48 =	vld [tilespmem:s25+$0xFFFFFF50];
	v60 =	vor.u32 v6, v41;
	v34 =	vmul.f32 v56, v57  }
0x3e9: {  	v62 =	vld [tilespmem:s25+$0xD0];
	[tilespmem:s25+$0xC0] =	vst v26;
	v26 =	vor.u32 v6, v39;
	v46 =	vmul.f32 v54, v58  }
0x3ea: {  	v61 =	vor.u32 v6, v40;
	v63 =	vld [tilespmem:s25+$0xFFFFFFD0];
	v29 =	vmul.f32 v29, v44;
	v34 =	vmul.f32 v36, v34  }
0x3eb: {  	v23 =	vmul.f32 v23, v42;
	v47 =	vld.idx.msk [tilespmem:v59+s4+$0x0], $0xffff;
	v46 =	vmul.f32 v30, v46  }
0x3ec: {  	v45 =	vmul.f32 v50, v45;
	v55 =	vld [tilespmem:s25+$0x50];
	v54 =	vor.u32 v7, v17;
	v29 =	vmul.f32 v33, v29;
	[tilespmem:s25+$0xFFFFFFC0] =	vst v34  }
0x3ed: {  	v23 =	vmul.f32 v12, v23;
	[tilespmem:s25+$0xFFFFFF40] =	vst v46;
	v56 =	vld.idx.msk [tilespmem:v60+s4+$0x0], $0xffff  }
0x3ee: {  	v45 =	vmul.f32 v13, v45;
	v24 =	vmul.f32 v24, v25;
	[tilespmem:s25+$0x40] =	vst v29;
	v25 =	vld.idx.msk [tilespmem:v26+s4+$0x0], $0xffff  }
0x3ef: {  	[tilespmem:s23+$0x50] =	vst v23;
	v23 =	vld.idx.msk [tilespmem:v61+s4+$0x0], $0xffff  }
0x3f0: {  	[tilespmem:s23+$0xE0] =	vst v45;
	v45 =	vld [tilespmem:s23+$0xF0];
	v24 =	vmul.f32 v16, v24;
	v29 =	vor.u32 v7, v38;
	v26 =	vmul.f32 v62, v47  }
0x3f1: {  	v57 =	vld.idx.msk [tilespmem:v54+s4+$0x0], $0xffff  }
0x3f2: {  	[tilespmem:s23+$0xFFFFFFE0] =	vst v24;
	v24 =	vld [tilespmem:s25+$0xFFFFFFE0];
	v59 =	vor.u32 v7, v41;
	v26 =	vmul.f32 v37, v26;
	v42 =	vmul.f32 v63, v56  }
0x3f3: {  	v58 =	vld [tilespmem:s25+$0xFFFFFF60];
	v60 =	vor.u32 v7, v39;
	v25 =	vmul.f32 v48, v25  }
0x3f4: {  	v61 =	vor.u32 v7, v40;
	v62 =	vld [tilespmem:s25+$0xE0];
	[tilespmem:s25+$0xD0] =	vst v26;
	v23 =	vmul.f32 v55, v23;
	v26 =	vmul.f32 v36, v42  }
0x3f5: {  	v19 =	vor.u32 v8, v19;
	v29 =	vld.idx.msk [tilespmem:v29+s4+$0x0], $0xffff;
	v25 =	vmul.f32 v30, v25  }
0x3f6: {  	v18 =	vor.u32 v8, v18;
	v63 =	vld [tilespmem:s25+$0x60];
	v21 =	vmul.f32 v21, v57;
	v23 =	vmul.f32 v33, v23;
	[tilespmem:s25+$0xFFFFFFD0] =	vst v26  }
0x3f7: {  	[tilespmem:s25+$0xFFFFFF50] =	vst v25;
	v25 =	vld.idx.msk [tilespmem:v59+s4+$0x0], $0xffff  }
0x3f8: {  	v17 =	vor.u32 v8, v17;
	v21 =	vmul.f32 v12, v21;
	[tilespmem:s25+$0x50] =	vst v23;
	v26 =	vld.idx.msk [tilespmem:v60+s4+$0x0], $0xffff  }
0x3f9: {  	v22 =	vld.idx.msk [tilespmem:v61+s4+$0x0], $0xffff  }
0x3fa: {  	v19 =	vld.idx.msk [tilespmem:v19+s4+$0x0], $0xffff;
	[tilespmem:s23+$0x60] =	vst v21;
	v21 =	vmul.f32 v62, v29  }
0x3fb: {  	v18 =	vld.idx.msk [tilespmem:v18+s4+$0x0], $0xffff;
	v23 =	vor.u32 v8, v38  }
0x3fc: {  	v44 =	vld [tilespmem:s25+$0xFFFFFFF0];
	v21 =	vmul.f32 v37, v21;
	v24 =	vmul.f32 v24, v25;
	v25 =	vor.u32 v8, v41  }
0x3fd: {  	v46 =	vor.u32 v8, v39;
	v17 =	vld.idx.msk [tilespmem:v17+s4+$0x0], $0xffff;
	v26 =	vmul.f32 v58, v26  }
0x3fe: {  	v47 =	vld [tilespmem:s25+$0x70];
	[tilespmem:s25+$0xE0] =	vst v21;
	v22 =	vmul.f32 v63, v22;
	v21 =	vmul.f32 v36, v24;
	v24 =	vor.u32 v8, v40  }
0x3ff: {  	[tilespmem:s12+$0xFFFFFFF0] =	vst v32;
	v29 =	vld [tilespmem:s25+$0xFFFFFF70];
	v26 =	vmul.f32 v30, v26  }
0x400: {  	v23 =	vld.idx.msk [tilespmem:v23+s4+$0x0], $0xffff;
	[tilespmem:s25+$0xFFFFFFE0] =	vst v21;
	v21 =	vmul.f32 v33, v22  }
0x401: {  	v9 =	vmul.f32 v9, v31;
	v19 =	vmul.f32 v45, v19;
	[tilespmem:s25+$0xFFFFFF60] =	vst v26;
	v22 =	vld.idx.msk [tilespmem:v25+s4+$0x0], $0xffff  }
0x402: {  	v10 =	vmul.f32 v10, v11;
	v11 =	vmul.f32 v35, v18;
	v18 =	vld.idx.msk [tilespmem:v46+s4+$0x0], $0xffff;
	[tilespmem:s25+$0x60] =	vst v21  }
0x403: {  	[tilespmem:s12+$0xFFFFFF70] =	vst v9;
	v9 =	vmul.f32 v13, v19;
	v13 =	vmul.f32 v20, v14;
	v14 =	vld.idx.msk [tilespmem:v24+s4+$0x0], $0xffff  }
0x404: {  	[tilespmem:s12+$0x70] =	vst v10;
	v10 =	vmul.f32 v16, v11;
	v11 =	vmul.f32 v27, v17  }
0x405: {  	p1 =	sge.u32 s8, s22;
	[tilespmem:s23+$0xF0] =	vst v9;
	v9 =	vmul.f32 v15, v13;
	v13 =	vmul.f32 v28, v23  }
0x406: {  	p2 =	sgt.u32 @!p1 s24, $0x7B;
	[tilespmem:s23+$0xFFFFFFF0] =	vst v10;
	v10 =	vmul.f32 v12, v11;
	v11 =	vmul.f32 v44, v22  }
0x407: {  	p3 =	seq.s32 @!p1 s3, $0x0;
	p2 =	por !p2, p1;
	s12 =	simm.s32 @!p1 $0x14;
	[tilespmem:s23+$0xFFFFFF70] =	vst v9;
	v9 =	vmul.f32 v37, v13;
	v12 =	vmul.f32 v29, v18  }
0x408: {  	s12 =	simm.s32 @p2 $0x4;
	p2 =	por !p3, p1;
	[tilespmem:s23+$0x70] =	vst v10;
	v10 =	vmul.f32 v36, v11;
	v11 =	vmul.f32 v47, v14  }
0x409: {  	s12 =	simm.s32 @p2 $0x4;
	[tilespmem:s25+$0xF0] =	vst v9;
	v9 =	vmul.f32 v30, v12  }
0x40a: {  	s12 =	sor.u32 @!p1 s12, s17;
	[tilespmem:s25+$0xFFFFFFF0] =	vst v10;
	v10 =	vmul.f32 v33, v11  }
0x40b: {  	s12 =	sadd.s32 @!p1 s24, s12;
	[tilespmem:s25+$0xFFFFFF70] =	vst v9  }
0x40c: {  	s18 =	simm.s32 @p1 $0x7;
	s12 =	sshll.u32 @!p1 s12, $0x6;
	[tilespmem:s25+$0x70] =	vst v10  }
0x40d: {  	[spmem:s2] =	stream.indirect.scatter.add.f32 [tilespmem:s26], [sflag:$0x7], $0x80, s9, s30, $0xb8;
	[tilespmem:$0x1FC80] =	vst v63  }
0x40e: {  	s12 =	sand.u32 @!p1 $0x1FFFFF00, s12;
	_ =	swait.ge @p1 [sflag:s18], $0x2800  }
0x40f: {  	s12 =	sadd.s32 @!p1 s5, s12;
	[sflag:s18] =	ssyncset.done @p1 $0x0  }
0x410: {  	s23 =	simm.s32 @!p1 $0xB480;
	[sflag:s18] =	ssyncadd.s32 @p1 $0xFFFFD800;
	s18 =	simm.s32 @!p1 $0x0  }
0x411: {  	[tilespmem:s23], [sflag:$0x3] =	stream.linear.gather @!p1 [hbm4b:s12+s18], $0x200, $0x38;
	[tilespmem:$0x1FC80] =	vst v63  }
0x412: {  	s12 =	simm.s32 @!p1 $0x7  }
0x413: {  	_ =	swait.ge @!p1 [sflag:s12], $0x2800  }
0x414: {  	s23 =	simm.s32 $0x3;
	[sflag:s12] =	ssyncset.done @!p1 $0x0  }
0x415: {  	s25 =	simm.s32 $0x0;
	v9 =	vmov s23;
	[sflag:s12] =	ssyncadd.s32 @!p1 $0xFFFFD800;
	s12 =	simm.s32 @!p1 $0x3  }
0x416: {  	v10 =	vmov s25;
	v9 =	vand.u32 $0x7F, v9;
	_ =	swait.ge @!p1 [sflag:s12], $0x200  }
0x417: {  	s31 =	simm.s32 $0x1;
	s25 =	simm.s32 @!p1 $0x6480;
	v11 =	vbroadcast v9, $0x0;
	v9 =	vand.u32 $0x7C, v10;
	[sflag:s12] =	ssyncset.done @!p1 $0x0  }
0x418: {  	s18 =	simm.s32 @!p1 $0x50;
	s23 =	simm.s32 @!p1 $0xB500;
	v9 =	vbroadcast v9, $0x0;
	[sflag:s12] =	ssyncadd.s32 @!p1 $0xFFFFFE00  }
0x419: {  	v10 =	vmov s31;
	v12 =	vor.u32 $0x100, v11;
	[tilespmem:s25], [sflag:$0x1] =	stream.indirect.gather @!p1 [hbm4b:s7+s18], $0x80, s23, s18, $0xb8;
	[tilespmem:$0x1FC80] =	vst v63  }
0x41a: {  	v10 =	vand.u32 $0x7D, v10;
	v13 =	vor.u32 $0x100, v9;
	s23 =	simm.s32 $0x2  }
0x41b: {  	v10 =	vbroadcast v10, $0x0;
	_ =	swait.ge [sflag:s13], $0x2800;
	v14 =	vmov s23  }
0x41c: {  	[sflag:s13] =	ssyncset.done $0x0;
	v14 =	vand.u32 $0x7E, v14  }
0x41d: {  	v15 =	vor.u32 $0x100, v10;
	[sflag:s13] =	ssyncadd.s32 $0xFFFFD800;
	v14 =	vbroadcast v14, $0x0  }
0x41e: {  	v12 =	vld.idx.msk [tilespmem:v12+s14+$0x0], $0xffff  }
0x41f: {  	v16 =	vld.idx.msk [tilespmem:v13+s14+$0x0], $0xffff;
	v17 =	vor.u32 $0x100, v14  }
0x420: {  	v9 =	vor.u32 $0x180, v9  }
0x421: {  	v11 =	vor.u32 $0x180, v11  }
0x422: {  	v10 =	vor.u32 $0x180, v10;
	v15 =	vld.idx.msk [tilespmem:v15+s14+$0x0], $0xffff  }
0x423: {  	v13 =	vshll.u32 v12, $0x7  }
0x424: {  	v21 =	vshll.u32 v16, $0x7;
	v12 =	vor.u32 v0, v13;
	v16 =	vld.idx.msk [tilespmem:v17+s14+$0x0], $0xffff  }
0x425: {  	v9 =	vld.idx.msk [tilespmem:v9+s14+$0x0], $0xffff  }
0x426: {  	v20 =	vld.idx.msk [tilespmem:v11+s14+$0x0], $0xffff  }
0x427: {  	s12 =	simm.s32 $0x8D80;
	v27 =	vld.idx.msk [tilespmem:v10+s14+$0x0], $0xffff;
	v17 =	vor.u32 v0, v21;
	v22 =	vshll.u32 v15, $0x7  }
0x428: {  	v15 =	vld [tilespmem:s12+$0x80];
	v10 =	vor.u32 v0, v22  }
0x429: {  	v14 =	vor.u32 $0x180, v14;
	v12 =	vld.idx.msk [tilespmem:v12+s4+$0x0], $0xffff;
	v28 =	vshll.u32 v16, $0x7  }
0x42a: {  	v18 =	vld [tilespmem:s12+$0xFFFFFF00];
	v16 =	vor.u32 v0, v28  }
0x42b: {  	v19 =	vld [tilespmem:s12+$0xFFFFFF80]  }
0x42c: {  	v17 =	vld.idx.msk [tilespmem:v17+s4+$0x0], $0xffff  }
0x42d: {  	v11 =	vld.idx.msk [tilespmem:v10+s4+$0x0], $0xffff  }
0x42e: {  	v10 =	vld.idx.msk [tilespmem:v14+s14+$0x0], $0xffff;
	v12 =	vmul.f32 v15, v12  }
0x42f: {  	v15 =	vor.u32 v2, v13;
	v14 =	vld.idx.msk [tilespmem:v16+s4+$0x0], $0xffff  }
0x430: {  	v16 =	vld [tilespmem:s12+$0x0];
	v12 =	vmul.f32 v20, v12  }
0x431: {  	v23 =	vld [tilespmem:s12+$0xFFFFFF10];
	v17 =	vmul.f32 v18, v17;
	v18 =	vor.u32 v2, v21  }
0x432: {  	v24 =	vld [tilespmem:s12+$0xFFFFFF90];
	v11 =	vmul.f32 v19, v11;
	[tilespmem:s12+$0x80] =	vst v12;
	v12 =	vor.u32 v2, v22  }
0x433: {  	v19 =	vld [tilespmem:s12+$0x90];
	v17 =	vmul.f32 v9, v17  }
0x434: {  	v11 =	vmul.f32 v27, v11;
	v15 =	vld.idx.msk [tilespmem:v15+s4+$0x0], $0xffff  }
0x435: {  	v25 =	vld [tilespmem:s12+$0x10];
	[tilespmem:s12+$0xFFFFFF00] =	vst v17;
	v14 =	vmul.f32 v16, v14;
	v16 =	vor.u32 v2, v28  }
0x436: {  	v17 =	vld.idx.msk [tilespmem:v18+s4+$0x0], $0xffff;
	[tilespmem:s12+$0xFFFFFF80] =	vst v11  }
0x437: {  	v11 =	vld.idx.msk [tilespmem:v12+s4+$0x0], $0xffff;
	v12 =	vmul.f32 v10, v14  }
0x438: {  	v26 =	vld [tilespmem:s12+$0xFFFFFF30]  }
0x439: {  	v29 =	vld [tilespmem:s12+$0xFFFFFFB0];
	v18 =	vor.u32 v3, v13;
	v15 =	vmul.f32 v19, v15;
	[tilespmem:s12+$0x0] =	vst v12  }
0x43a: {  	v12 =	vld.idx.msk [tilespmem:v16+s4+$0x0], $0xffff  }
0x43b: {  	v30 =	vld [tilespmem:s12+$0x30];
	v17 =	vmul.f32 v23, v17;
	v15 =	vmul.f32 v20, v15  }
0x43c: {  	v48 =	vld [tilespmem:s12+$0xFFFFFF50];
	v23 =	vor.u32 v3, v21  }
0x43d: {  	v17 =	vmul.f32 v9, v17;
	[tilespmem:s12+$0x90] =	vst v15;
	v11 =	vmul.f32 v24, v11;
	v15 =	vor.u32 v3, v22;
	v24 =	vld [tilespmem:s12+$0xA0]  }
0x43e: {  	v18 =	vld.idx.msk [tilespmem:v18+s4+$0x0], $0xffff  }
0x43f: {  	v14 =	vld [tilespmem:s12+$0xFFFFFF20];
	[tilespmem:s12+$0xFFFFFF10] =	vst v17;
	v17 =	vor.u32 v3, v28;
	v11 =	vmul.f32 v27, v11;
	v12 =	vmul.f32 v25, v12  }
0x440: {  	v19 =	vld [tilespmem:s12+$0xFFFFFFA0]  }
0x441: {  	v23 =	vld.idx.msk [tilespmem:v23+s4+$0x0], $0xffff;
	[tilespmem:s12+$0xFFFFFF90] =	vst v11;
	v12 =	vmul.f32 v10, v12  }
0x442: {  	v11 =	vld.idx.msk [tilespmem:v15+s4+$0x0], $0xffff  }
0x443: {  	v16 =	vld [tilespmem:s12+$0x20];
	v18 =	vmul.f32 v24, v18;
	v24 =	vor.u32 v4, v13;
	[tilespmem:s12+$0x10] =	vst v12  }
0x444: {  	v12 =	vld.idx.msk [tilespmem:v17+s4+$0x0], $0xffff  }
0x445: {  	v49 =	vld [tilespmem:s12+$0xFFFFFFD0];
	v17 =	vmul.f32 v20, v18  }
0x446: {  	v35 =	vld [tilespmem:s12+$0xFFFFFFE0];
	v31 =	vor.u32 v4, v21;
	v14 =	vmul.f32 v14, v23  }
0x447: {  	v50 =	vld [tilespmem:s12+$0xC0];
	[tilespmem:s12+$0xA0] =	vst v17;
	v11 =	vmul.f32 v19, v11;
	v17 =	vor.u32 v4, v22  }
0x448: {  	v14 =	vmul.f32 v9, v14;
	v19 =	vld.idx.msk [tilespmem:v24+s4+$0x0], $0xffff  }
0x449: {  	v24 =	vld [tilespmem:s12+$0xB0];
	v11 =	vmul.f32 v27, v11;
	v12 =	vmul.f32 v16, v12;
	v16 =	vor.u32 v4, v28  }
0x44a: {  	v32 =	vld [tilespmem:s12+$0x60];
	[tilespmem:s12+$0xFFFFFF20] =	vst v14  }
0x44b: {  	v14 =	vld.idx.msk [tilespmem:v31+s4+$0x0], $0xffff;
	[tilespmem:s12+$0xFFFFFFA0] =	vst v11;
	v11 =	vmul.f32 v10, v12  }
0x44c: {  	v12 =	vld.idx.msk [tilespmem:v17+s4+$0x0], $0xffff  }
0x44d: {  	v25 =	vld [tilespmem:s12+$0xFFFFFFC0];
	[tilespmem:s12+$0x20] =	vst v11  }
0x44e: {  	v17 =	vor.u32 v5, v13;
	v11 =	vmul.f32 v24, v19;
	v16 =	vld.idx.msk [tilespmem:v16+s4+$0x0], $0xffff  }
0x44f: {  	v15 =	vld [tilespmem:s12+$0xFFFFFF40]  }
0x450: {  	s25 =	simm.s32 $0x4;
	v23 =	vld [tilespmem:s12+$0x50];
	v14 =	vmul.f32 v26, v14;
	v19 =	vor.u32 v5, v21;
	v11 =	vmul.f32 v20, v11  }
0x451: {  	v18 =	vld [tilespmem:s12+$0x40];
	v26 =	vor.u32 v5, v22;
	v12 =	vmul.f32 v29, v12;
	v29 =	vmov s25  }
0x452: {  	s31 =	simm.s32 $0x5;
	v31 =	vor.u32 v5, v28;
	v24 =	vld [tilespmem:s12+$0xFFFFFF60];
	[tilespmem:s12+$0xB0] =	vst v11;
	v11 =	vmul.f32 v9, v14;
	v14 =	vand.u32 $0x7C, v29  }
0x453: {  	v29 =	vmov s31;
	v17 =	vld.idx.msk [tilespmem:v17+s4+$0x0], $0xffff;
	v12 =	vmul.f32 v27, v12;
	v16 =	vmul.f32 v30, v16  }
0x454: {  	v14 =	vbroadcast v14, $0x0;
	[tilespmem:s12+$0xFFFFFF30] =	vst v11;
	v11 =	vand.u32 $0x7D, v29;
	v30 =	vld [tilespmem:s12+$0xFFFFFF70]  }
0x455: {  	s23 =	simm.s32 $0x6;
	v19 =	vld.idx.msk [tilespmem:v19+s4+$0x0], $0xffff;
	[tilespmem:s12+$0xFFFFFFB0] =	vst v12;
	v12 =	vbroadcast v11, $0x0;
	v11 =	vmul.f32 v10, v16  }
0x456: {  	v29 =	vmov s23;
	s23 =	simm.s32 $0x8F80;
	v16 =	vld.idx.msk [tilespmem:v26+s4+$0x0], $0xffff;
	v26 =	vor.u32 $0x100, v14  }
0x457: {  	v44 =	vld [tilespmem:s23+$0xFFFFFF30];
	[tilespmem:s12+$0x30] =	vst v11  }
0x458: {  	s25 =	simm.s32 $0x7;
	v11 =	vand.u32 $0x7E, v29;
	v29 =	vld.idx.msk [tilespmem:v31+s4+$0x0], $0xffff  }
0x459: {  	v51 =	vor.u32 $0x100, v12;
	v53 =	vbroadcast v11, $0x0;
	v11 =	vmov s25;
	v31 =	vld [tilespmem:s12+$0xFFFFFFF0]  }
0x45a: {  	v52 =	vor.u32 v6, v13;
	v17 =	vmul.f32 v50, v17;
	v55 =	vand.u32 $0x7F, v11;
	v11 =	vld [tilespmem:s12+$0x70]  }
0x45b: {  	v15 =	vmul.f32 v15, v19;
	v19 =	vld.idx.msk [tilespmem:v26+s14+$0x0], $0xffff  }
0x45c: {  	v17 =	vmul.f32 v20, v17;
	v56 =	vor.u32 $0x100, v53;
	v38 =	vor.u32 $0x180, v53;
	v53 =	vld [tilespmem:s23+$0xFFFFFF80]  }
0x45d: {  	v54 =	vor.u32 v6, v21;
	v26 =	vbroadcast v55, $0x0;
	v55 =	vld [tilespmem:s23+$0x0]  }
0x45e: {  	v12 =	vor.u32 $0x180, v12;
	v37 =	vld.idx.msk [tilespmem:v51+s14+$0x0], $0xffff;
	[tilespmem:s12+$0xC0] =	vst v17  }
0x45f: {  	v16 =	vmul.f32 v25, v16;
	v25 =	vor.u32 v6, v22;
	v15 =	vmul.f32 v9, v15;
	v36 =	vld.idx.msk [tilespmem:v52+s4+$0x0], $0xffff  }
0x460: {  	v52 =	vld [tilespmem:s23+$0x80]  }
0x461: {  	v17 =	vor.u32 $0x100, v26;
	v16 =	vmul.f32 v27, v16;
	[tilespmem:s12+$0xFFFFFF40] =	vst v15;
	v15 =	vmul.f32 v18, v29;
	v29 =	vld [tilespmem:s12+$0xD0]  }
0x462: {  	v39 =	vld.idx.msk [tilespmem:v54+s4+$0x0], $0xffff  }
0x463: {  	[tilespmem:s12+$0xFFFFFFC0] =	vst v16;
	v16 =	vld.idx.msk [tilespmem:v12+s14+$0x0], $0xffff  }
0x464: {  	v57 =	vor.u32 $0x180, v14;
	v25 =	vld.idx.msk [tilespmem:v25+s4+$0x0], $0xffff  }
0x465: {  	v14 =	vshll.u32 v19, $0x7;
	v19 =	vld.idx.msk [tilespmem:v56+s14+$0x0], $0xffff  }
0x466: {  	v59 =	vld.idx.msk [tilespmem:v17+s14+$0x0], $0xffff  }
0x467: {  	v15 =	vmul.f32 v10, v15;
	v12 =	vld.idx.msk [tilespmem:v38+s14+$0x0], $0xffff;
	v17 =	vmul.f32 v29, v36;
	v29 =	vor.u32 v7, v13  }
0x468: {  	v18 =	vor.u32 v6, v28;
	v38 =	vld [tilespmem:s12+$0xF0];
	v58 =	vor.u32 v0, v14  }
0x469: {  	[tilespmem:s12+$0x40] =	vst v15;
	v15 =	vld.idx.msk [tilespmem:v57+s14+$0x0], $0xffff;
	v61 =	vmul.f32 v20, v17;
	v25 =	vmul.f32 v49, v25  }
0x46a: {  	v57 =	vld [tilespmem:s23+$0xFFFFFF10];
	v33 =	vmul.f32 v48, v39  }
0x46b: {  	v48 =	vld [tilespmem:s12+$0xE0];
	v17 =	vshll.u32 v19, $0x7;
	[tilespmem:s12+$0xD0] =	vst v61;
	v19 =	vshll.u32 v59, $0x7;
	v25 =	vmul.f32 v27, v25  }
0x46c: {  	v29 =	vld.idx.msk [tilespmem:v29+s4+$0x0], $0xffff;
	v47 =	vor.u32 v0, v19  }
0x46d: {  	v43 =	vld.idx.msk [tilespmem:v18+s4+$0x0], $0xffff;
	[tilespmem:s12+$0xFFFFFFD0] =	vst v25;
	v25 =	vor.u32 $0x180, v26  }
0x46e: {  	v18 =	vshll.u32 v37, $0x7;
	v63 =	vld.idx.msk [tilespmem:v58+s4+$0x0], $0xffff;
	v33 =	vmul.f32 v9, v33  }
0x46f: {  	v45 =	vor.u32 v0, v18;
	v59 =	vld [tilespmem:s23+$0xFFFFFF90]  }
0x470: {  	[tilespmem:s12+$0xFFFFFF50] =	vst v33;
	v33 =	vld [tilespmem:s23+$0xFFFFFFC0]  }
0x471: {  	v60 =	vor.u32 v7, v21;
	v50 =	vld.idx.msk [tilespmem:v47+s4+$0x0], $0xffff;
	v29 =	vmul.f32 v48, v29  }
0x472: {  	v51 =	vor.u32 v8, v13;
	v46 =	vor.u32 v0, v17;
	v13 =	vld.idx.msk [tilespmem:v25+s14+$0x0], $0xffff  }
0x473: {  	v25 =	vmul.f32 v20, v29;
	v29 =	vld [tilespmem:s23+$0xFFFFFF00]  }
0x474: {  	v62 =	vor.u32 v7, v22;
	v26 =	vld.idx.msk [tilespmem:v45+s4+$0x0], $0xffff  }
0x475: {  	v43 =	vmul.f32 v23, v43;
	v23 =	vld [tilespmem:s23+$0x50]  }
0x476: {  	v54 =	vor.u32 v2, v19;
	v36 =	vld.idx.msk [tilespmem:v60+s4+$0x0], $0xffff;
	[tilespmem:s12+$0xE0] =	vst v25;
	v25 =	vmul.f32 v52, v50  }
0x477: {  	v49 =	vld.idx.msk [tilespmem:v46+s4+$0x0], $0xffff  }
0x478: {  	v56 =	vor.u32 v2, v14;
	v60 =	vld [tilespmem:s23+$0x10];
	v29 =	vmul.f32 v29, v63;
	v25 =	vmul.f32 v13, v25  }
0x479: {  	v58 =	vor.u32 v2, v18;
	v41 =	vld.idx.msk [tilespmem:v62+s4+$0x0], $0xffff;
	v26 =	vmul.f32 v53, v26  }
0x47a: {  	v62 =	vld [tilespmem:s23+$0x90];
	v29 =	vmul.f32 v15, v29;
	[tilespmem:s23+$0x80] =	vst v25  }
0x47b: {  	v25 =	vmul.f32 v16, v26;
	v26 =	vld.idx.msk [tilespmem:v54+s4+$0x0], $0xffff  }
0x47c: {  	v61 =	vor.u32 v2, v17;
	v47 =	vld [tilespmem:s23+$0x20];
	[tilespmem:s23+$0xFFFFFF00] =	vst v29;
	v29 =	vmul.f32 v55, v49  }
0x47d: {  	[tilespmem:s23+$0xFFFFFF80] =	vst v25;
	v37 =	vld.idx.msk [tilespmem:v56+s4+$0x0], $0xffff  }
0x47e: {  	v25 =	vld.idx.msk [tilespmem:v58+s4+$0x0], $0xffff;
	v29 =	vmul.f32 v12, v29  }
0x47f: {  	v48 =	vld [tilespmem:s23+$0xFFFFFFB0];
	v24 =	vmul.f32 v24, v36  }
0x480: {  	v53 =	vor.u32 v3, v19;
	v42 =	vld.idx.msk [tilespmem:v51+s4+$0x0], $0xffff;
	[tilespmem:s23+$0x0] =	vst v29;
	v26 =	vmul.f32 v62, v26  }
0x481: {  	v24 =	vmul.f32 v9, v24;
	v29 =	vld.idx.msk [tilespmem:v61+s4+$0x0], $0xffff  }
0x482: {  	v52 =	vld [tilespmem:s23+$0xFFFFFFA0];
	v55 =	vor.u32 v3, v14;
	v54 =	vmul.f32 v57, v37;
	v26 =	vmul.f32 v13, v26  }
0x483: {  	[tilespmem:s12+$0xFFFFFF60] =	vst v24;
	v24 =	vld [tilespmem:s23+$0xFFFFFFE0];
	v56 =	vor.u32 v3, v18;
	v25 =	vmul.f32 v59, v25  }
0x484: {  	v58 =	vld [tilespmem:s23+$0xA0];
	v34 =	vmul.f32 v15, v54;
	[tilespmem:s23+$0x90] =	vst v26  }
0x485: {  	v25 =	vmul.f32 v16, v25;
	v26 =	vld.idx.msk [tilespmem:v53+s4+$0x0], $0xffff  }
0x486: {  	v63 =	vld [tilespmem:s23+$0xFFFFFF20];
	v57 =	vor.u32 v3, v17;
	[tilespmem:s23+$0xFFFFFF10] =	vst v34;
	v29 =	vmul.f32 v60, v29  }
0x487: {  	[tilespmem:s23+$0xFFFFFF90] =	vst v25;
	v37 =	vld.idx.msk [tilespmem:v55+s4+$0x0], $0xffff  }
0x488: {  	v25 =	vld.idx.msk [tilespmem:v56+s4+$0x0], $0xffff;
	v29 =	vmul.f32 v12, v29  }
0x489: {  	v49 =	vld [tilespmem:s23+$0x30]  }
0x48a: {  	v61 =	vor.u32 v4, v19;
	v34 =	vld [tilespmem:s23+$0xFFFFFF40];
	[tilespmem:s23+$0x10] =	vst v29;
	v60 =	vmul.f32 v58, v26  }
0x48b: {  	v59 =	vld.idx.msk [tilespmem:v57+s4+$0x0], $0xffff  }
0x48c: {  	v62 =	vor.u32 v4, v14;
	v55 =	vld [tilespmem:s23+$0xB0];
	v37 =	vmul.f32 v63, v37;
	v46 =	vmul.f32 v13, v60  }
0x48d: {  	v29 =	vld [tilespmem:s23+$0x40];
	v40 =	vmul.f32 v52, v25;
	v63 =	vor.u32 v4, v18  }
0x48e: {  	v26 =	vld [tilespmem:s23+$0xFFFFFF50];
	v52 =	vor.u32 v7, v28;
	v37 =	vmul.f32 v15, v37;
	[tilespmem:s23+$0xA0] =	vst v46  }
0x48f: {  	v43 =	vmul.f32 v10, v43;
	v40 =	vmul.f32 v16, v40;
	v50 =	vld.idx.msk [tilespmem:v61+s4+$0x0], $0xffff  }
0x490: {  	v54 =	vor.u32 v4, v17;
	v57 =	vor.u32 v8, v22;
	v22 =	vld [tilespmem:s23+$0xFFFFFF60];
	[tilespmem:s23+$0xFFFFFF20] =	vst v37;
	v53 =	vmul.f32 v47, v59  }
0x491: {  	[tilespmem:s23+$0xFFFFFFA0] =	vst v40;
	v39 =	vld.idx.msk [tilespmem:v62+s4+$0x0], $0xffff  }
0x492: {  	[tilespmem:s12+$0x50] =	vst v43;
	v35 =	vmul.f32 v35, v41;
	v56 =	vld.idx.msk [tilespmem:v63+s4+$0x0], $0xffff;
	v37 =	vmul.f32 v12, v53  }
0x493: {  	v59 =	vor.u32 v8, v21;
	v58 =	vld.idx.msk [tilespmem:v52+s4+$0x0], $0xffff  }
0x494: {  	v25 =	vld [tilespmem:s23+$0xFFFFFFD0];
	v21 =	vmul.f32 v27, v35;
	v62 =	vor.u32 v5, v19;
	[tilespmem:s23+$0x20] =	vst v37;
	v61 =	vmul.f32 v55, v50  }
0x495: {  	v38 =	vmul.f32 v38, v42;
	v60 =	vld.idx.msk [tilespmem:v54+s4+$0x0], $0xffff  }
0x496: {  	v63 =	vor.u32 v5, v14;
	[tilespmem:s12+$0xFFFFFFE0] =	vst v21;
	v21 =	vld [tilespmem:s23+$0x60];
	v39 =	vmul.f32 v44, v39;
	v43 =	vmul.f32 v13, v61  }
0x497: {  	s31 =	simm.s32 $0x8;
	v28 =	vor.u32 v8, v28;
	v52 =	vor.u32 v5, v18;
	v40 =	vld.idx.msk [tilespmem:v57+s4+$0x0], $0xffff;
	v36 =	vmul.f32 v48, v56  }
0x498: {  	v53 =	vmov s31;
	v54 =	vld.idx.msk [tilespmem:v59+s4+$0x0], $0xffff;
	v32 =	vmul.f32 v32, v58;
	[tilespmem:s23+$0xB0] =	vst v43;
	v39 =	vmul.f32 v15, v39  }
0x499: {  	s25 =	simm.s32 $0x9;
	v55 =	vand.u32 $0x7C, v53;
	v59 =	vor.u32 v5, v17;
	v57 =	vmul.f32 v16, v36;
	v58 =	vld.idx.msk [tilespmem:v62+s4+$0x0], $0xffff  }
0x49a: {  	v56 =	vmov s25;
	v32 =	vmul.f32 v10, v32;
	[tilespmem:s23+$0xFFFFFF30] =	vst v39;
	v35 =	vmul.f32 v49, v60;
	v60 =	vld [tilespmem:s23+$0xC0]  }
0x49b: {  	v20 =	vmul.f32 v20, v38;
	s31 =	simm.s32 $0xA;
	v61 =	vand.u32 $0x7D, v56;
	v36 =	vbroadcast v55, $0x0;
	[tilespmem:s23+$0xFFFFFFB0] =	vst v57;
	v45 =	vld.idx.msk [tilespmem:v63+s4+$0x0], $0xffff  }
0x49c: {  	v37 =	vbroadcast v61, $0x0;
	v62 =	vmov s31;
	[tilespmem:s12+$0x60] =	vst v32;
	v44 =	vld.idx.msk [tilespmem:v52+s4+$0x0], $0xffff;
	v35 =	vmul.f32 v12, v35  }
0x49d: {  	[tilespmem:s12+$0xF0] =	vst v20;
	v38 =	vor.u32 $0x100, v36;
	v20 =	vand.u32 $0x7E, v62;
	v63 =	vmul.f32 v31, v40;
	v28 =	vld.idx.msk [tilespmem:v28+s4+$0x0], $0xffff  }
0x49e: {  	v39 =	vor.u32 $0x100, v37;
	v43 =	vbroadcast v20, $0x0;
	v20 =	vld [tilespmem:s23+$0xFFFFFF70];
	v31 =	vmul.f32 v30, v54;
	[tilespmem:s23+$0x30] =	vst v35  }
0x49f: {  	s18 =	simm.s32 $0xB;
	s25 =	simm.s32 $0xC;
	v40 =	vor.u32 v6, v19;
	v32 =	vmul.f32 v27, v63;
	v42 =	vld.idx.msk [tilespmem:v59+s4+$0x0], $0xffff;
	v41 =	vmul.f32 v60, v58  }
.LBB2_11:
0x4a0: {  	p3 =	slt.u32 s25, $0x4C;
	v35 =	vmov s18;
	v46 =	vor.u32 v6, v14;
	v30 =	vld [tilespmem:s23+$0xFFFFFFF0];
	v31 =	vmul.f32 v9, v31;
	v9 =	vmovc v15;
	v27 =	vmovc v16  }
0x4a1: {  	v16 =	vmul.f32 v34, v45;
	v15 =	vand.u32 $0x7F, v35;
	v34 =	vld [tilespmem:s23+$0x70];
	v35 =	vmul.f32 v13, v41;
	[tilespmem:s12+$0xFFFFFFF0] =	vst v32  }
0x4a2: {  	v32 =	vld.idx.msk [tilespmem:v38+s14+$0x0], $0xffff;
	v38 =	vbroadcast v15, $0x0;
	v15 =	vmul.f32 v33, v44;
	v33 =	vor.u32 v6, v18;
	[tilespmem:s12+$0xFFFFFF70] =	vst v31  }
0x4a3: {  	v16 =	vmul.f32 v9, v16;
	v44 =	vmul.f32 v11, v28;
	v31 =	vld.idx.msk [tilespmem:v39+s14+$0x0], $0xffff;
	v39 =	vor.u32 $0x100, v43;
	[tilespmem:s23+$0xC0] =	vst v35  }
0x4a4: {  	v35 =	vor.u32 $0x100, v38;
	v15 =	vmul.f32 v27, v15;
	v40 =	vld.idx.msk [tilespmem:v40+s4+$0x0], $0xffff  }
0x4a5: {  	v28 =	vmul.f32 v10, v44;
	[tilespmem:s23+$0xFFFFFF40] =	vst v16;
	v16 =	vmul.f32 v29, v42;
	v29 =	vor.u32 v6, v17;
	v41 =	vld [tilespmem:s23+$0xD0]  }
0x4a6: {  	v36 =	vor.u32 $0x180, v36;
	v10 =	vmov v12;
	v42 =	vld.idx.msk [tilespmem:v46+s4+$0x0], $0xffff;
	[tilespmem:s23+$0xFFFFFFC0] =	vst v15;
	v11 =	vmov v34  }
0x4a7: {  	v12 =	vor.u32 $0x180, v37;
	v33 =	vld.idx.msk [tilespmem:v33+s4+$0x0], $0xffff;
	v15 =	vmul.f32 v10, v16;
	[tilespmem:s12+$0x70] =	vst v28;
	s12 =	smov.u32 s23  }
0x4a8: {  	v37 =	vor.u32 $0x180, v43;
	v28 =	vshll.u32 v32, $0x7;
	v34 =	vld.idx.msk [tilespmem:v39+s14+$0x0], $0xffff  }
0x4a9: {  	v39 =	vor.u32 v0, v28;
	v35 =	vld.idx.msk [tilespmem:v35+s14+$0x0], $0xffff;
	[tilespmem:s23+$0x40] =	vst v15  }
0x4aa: {  	v29 =	vld.idx.msk [tilespmem:v29+s4+$0x0], $0xffff;
	v32 =	vmul.f32 v41, v40;
	v40 =	vor.u32 v7, v19  }
0x4ab: {  	v15 =	vld.idx.msk [tilespmem:v36+s14+$0x0], $0xffff  }
0x4ac: {  	v26 =	vmul.f32 v26, v42;
	v36 =	vor.u32 v7, v14;
	v16 =	vld.idx.msk [tilespmem:v12+s14+$0x0], $0xffff;
	v41 =	vmul.f32 v13, v32  }
0x4ad: {  	v32 =	vshll.u32 v31, $0x7;
	v25 =	vmul.f32 v25, v33;
	v33 =	vor.u32 v7, v18;
	v12 =	vld.idx.msk [tilespmem:v37+s14+$0x0], $0xffff  }
0x4ae: {  	v31 =	vshll.u32 v34, $0x7;
	v26 =	vmul.f32 v9, v26;
	v37 =	vld.idx.msk [tilespmem:v39+s4+$0x0], $0xffff;
	v39 =	vor.u32 v0, v32;
	[tilespmem:s23+$0xD0] =	vst v41  }
0x4af: {  	v34 =	vor.u32 v0, v31;
	v35 =	vshll.u32 v35, $0x7;
	v25 =	vmul.f32 v27, v25;
	v40 =	vld.idx.msk [tilespmem:v40+s4+$0x0], $0xffff  }
0x4b0: {  	v41 =	vor.u32 v0, v35;
	v23 =	vmul.f32 v23, v29;
	[tilespmem:s23+$0xFFFFFF50] =	vst v26;
	v26 =	vld [tilespmem:s23+$0xE0]  }
0x4b1: {  	v29 =	vld.idx.msk [tilespmem:v36+s4+$0x0], $0xffff;
	[tilespmem:s23+$0xFFFFFFD0] =	vst v25  }
0x4b2: {  	v25 =	vor.u32 $0x180, v38;
	v23 =	vmul.f32 v10, v23;
	v33 =	vld.idx.msk [tilespmem:v33+s4+$0x0], $0xffff  }
0x4b3: {  	v36 =	vld.idx.msk [tilespmem:v39+s4+$0x0], $0xffff  }
0x4b4: {  	v34 =	vld.idx.msk [tilespmem:v34+s4+$0x0], $0xffff;
	[tilespmem:s23+$0x50] =	vst v23  }
0x4b5: {  	v38 =	vor.u32 v8, v19;
	v19 =	vmov v35;
	s23 =	sadd.s32 $0x200, s23;
	v23 =	vld.idx.msk [tilespmem:v41+s4+$0x0], $0xffff;
	v26 =	vmul.f32 v26, v40  }
0x4b6: {  	v35 =	vld [tilespmem:s23+$0x80]  }
0x4b7: {  	v22 =	vmul.f32 v22, v29;
	v25 =	vld.idx.msk [tilespmem:v25+s14+$0x0], $0xffff;
	v26 =	vmul.f32 v13, v26  }
0x4b8: {  	v24 =	vmul.f32 v24, v33;
	v29 =	vld [tilespmem:s23+$0xFFFFFF00]  }
0x4b9: {  	v22 =	vmul.f32 v9, v22;
	v33 =	vld [tilespmem:s23+$0xFFFFFF80];
	[tilespmem:s12+$0xE0] =	vst v26  }
0x4ba: {  	v24 =	vmul.f32 v27, v24;
	v26 =	vld.idx.msk [tilespmem:v38+s4+$0x0], $0xffff  }
0x4bb: {  	v23 =	vmul.f32 v35, v23;
	v35 =	vor.u32 v2, v19;
	[tilespmem:s12+$0xFFFFFF60] =	vst v22;
	v22 =	vld [tilespmem:s12+$0xF0]  }
0x4bc: {  	v38 =	vld [tilespmem:s23+$0x0];
	[tilespmem:s12+$0xFFFFFFE0] =	vst v24  }
0x4bd: {  	v24 =	vmul.f32 v29, v37;
	v29 =	vor.u32 v2, v28;
	v37 =	vld [tilespmem:s23+$0xFFFFFF10];
	v23 =	vmul.f32 v25, v23  }
0x4be: {  	v33 =	vmul.f32 v33, v36;
	v36 =	vor.u32 v2, v32;
	v39 =	vld [tilespmem:s23+$0xFFFFFF90]  }
0x4bf: {  	v24 =	vmul.f32 v15, v24;
	v40 =	vld [tilespmem:s23+$0x10];
	[tilespmem:s23+$0x80] =	vst v23  }
0x4c0: {  	v23 =	vmul.f32 v16, v33;
	v33 =	vld.idx.msk [tilespmem:v35+s4+$0x0], $0xffff;
	v22 =	vmul.f32 v22, v26  }
0x4c1: {  	v26 =	vor.u32 v2, v31;
	[tilespmem:s23+$0xFFFFFF00] =	vst v24;
	v24 =	vmul.f32 v38, v34;
	v34 =	vld [tilespmem:s23+$0x90]  }
0x4c2: {  	v29 =	vld.idx.msk [tilespmem:v29+s4+$0x0], $0xffff;
	[tilespmem:s23+$0xFFFFFF80] =	vst v23;
	v22 =	vmul.f32 v13, v22;
	v13 =	vmov v25  }
0x4c3: {  	v23 =	vld.idx.msk [tilespmem:v36+s4+$0x0], $0xffff;
	v24 =	vmul.f32 v12, v24  }
0x4c4: {  	v25 =	vld [tilespmem:s23+$0xFFFFFF20];
	[tilespmem:s12+$0xF0] =	vst v22  }
0x4c5: {  	v22 =	vld [tilespmem:s23+$0xFFFFFFA0];
	[tilespmem:s23+$0x0] =	vst v24  }
0x4c6: {  	v24 =	vld.idx.msk [tilespmem:v26+s4+$0x0], $0xffff;
	v26 =	vmul.f32 v34, v33;
	v33 =	vor.u32 v3, v19  }
0x4c7: {  	v35 =	vld [tilespmem:s23+$0x20]  }
0x4c8: {  	v34 =	vor.u32 v3, v28;
	v29 =	vmul.f32 v37, v29;
	v36 =	vld [tilespmem:s23+$0xFFFFFF30];
	v26 =	vmul.f32 v13, v26  }
0x4c9: {  	v37 =	vor.u32 v3, v32;
	v23 =	vmul.f32 v39, v23;
	v38 =	vld [tilespmem:s23+$0xFFFFFFB0]  }
0x4ca: {  	v29 =	vmul.f32 v15, v29;
	v39 =	vld [tilespmem:s23+$0x30];
	[tilespmem:s23+$0x90] =	vst v26  }
0x4cb: {  	v23 =	vmul.f32 v16, v23;
	v26 =	vld.idx.msk [tilespmem:v33+s4+$0x0], $0xffff  }
0x4cc: {  	v24 =	vmul.f32 v40, v24;
	[tilespmem:s23+$0xFFFFFF10] =	vst v29;
	v29 =	vor.u32 v3, v31;
	v40 =	vld [tilespmem:s23+$0xA0]  }
0x4cd: {  	v41 =	vld.idx.msk [tilespmem:v34+s4+$0x0], $0xffff;
	[tilespmem:s23+$0xFFFFFF90] =	vst v23  }
0x4ce: {  	v24 =	vmul.f32 v12, v24;
	v23 =	vld.idx.msk [tilespmem:v37+s4+$0x0], $0xffff  }
0x4cf: {  	v34 =	vld [tilespmem:s23+$0xFFFFFF40]  }
0x4d0: {  	v33 =	vld [tilespmem:s23+$0xFFFFFFC0];
	[tilespmem:s23+$0x10] =	vst v24  }
0x4d1: {  	v24 =	vld.idx.msk [tilespmem:v29+s4+$0x0], $0xffff;
	v37 =	vmul.f32 v40, v26;
	v40 =	vor.u32 v4, v19  }
0x4d2: {  	v29 =	vld [tilespmem:s23+$0x40]  }
0x4d3: {  	v42 =	vor.u32 v4, v28;
	v41 =	vmul.f32 v25, v41;
	v26 =	vld [tilespmem:s23+$0xFFFFFF50];
	v37 =	vmul.f32 v13, v37  }
0x4d4: {  	v43 =	vor.u32 v4, v32;
	v22 =	vmul.f32 v22, v23;
	v25 =	vld [tilespmem:s23+$0xFFFFFFD0]  }
0x4d5: {  	v41 =	vmul.f32 v15, v41;
	v23 =	vld [tilespmem:s23+$0x50];
	[tilespmem:s23+$0xA0] =	vst v37;
	v37 =	vor.u32 v7, v17  }
0x4d6: {  	v22 =	vmul.f32 v16, v22;
	v40 =	vld.idx.msk [tilespmem:v40+s4+$0x0], $0xffff  }
0x4d7: {  	v24 =	vmul.f32 v35, v24;
	v35 =	vor.u32 v4, v31;
	[tilespmem:s23+$0xFFFFFF20] =	vst v41;
	v41 =	vld [tilespmem:s23+$0xB0]  }
0x4d8: {  	v42 =	vld.idx.msk [tilespmem:v42+s4+$0x0], $0xffff;
	[tilespmem:s23+$0xFFFFFFA0] =	vst v22  }
0x4d9: {  	v24 =	vmul.f32 v12, v24;
	v43 =	vld.idx.msk [tilespmem:v43+s4+$0x0], $0xffff  }
0x4da: {  	v44 =	vor.u32 v8, v18;
	v18 =	vmov v32;
	v37 =	vld.idx.msk [tilespmem:v37+s4+$0x0], $0xffff  }
0x4db: {  	v32 =	vor.u32 v8, v14;
	v14 =	vmov v28;
	v22 =	vld [tilespmem:s23+$0xFFFFFF60];
	[tilespmem:s23+$0x20] =	vst v24  }
0x4dc: {  	v28 =	vld.idx.msk [tilespmem:v35+s4+$0x0], $0xffff;
	v35 =	vmul.f32 v41, v40;
	v40 =	vor.u32 v5, v19  }
0x4dd: {  	v24 =	vld [tilespmem:s23+$0xFFFFFFE0]  }
0x4de: {  	v41 =	vor.u32 v5, v14;
	v36 =	vmul.f32 v36, v42;
	v42 =	vld [tilespmem:s23+$0x60];
	v35 =	vmul.f32 v13, v35  }
0x4df: {  	v47 =	vor.u32 v8, v17;
	v38 =	vmul.f32 v38, v43;
	v43 =	vor.u32 v5, v18;
	v46 =	vld.idx.msk [tilespmem:v44+s4+$0x0], $0xffff  }
0x4e0: {  	s18 =	sadd.s32 $0x1, s25;
	v17 =	vmovc v31;
	v44 =	vmov s25;
	v36 =	vmul.f32 v15, v36;
	v50 =	vmul.f32 v21, v37;
	[tilespmem:s23+$0xB0] =	vst v35;
	v32 =	vld.idx.msk [tilespmem:v32+s4+$0x0], $0xffff  }
0x4e1: {  	v31 =	vand.u32 $0x7C, v44;
	v35 =	vmov s18;
	v37 =	vmul.f32 v16, v38;
	v40 =	vld.idx.msk [tilespmem:v40+s4+$0x0], $0xffff  }
0x4e2: {  	v48 =	vor.u32 v5, v17;
	v28 =	vmul.f32 v39, v28;
	v38 =	vmul.f32 v10, v50;
	[tilespmem:s23+$0xFFFFFF30] =	vst v36;
	v49 =	vld [tilespmem:s23+$0xC0]  }
.Ltmp4:
0x4e3: {  	s18 =	sadd.s32 $0x2, s25;
	v36 =	vbroadcast v31, $0x0;
	v31 =	vand.u32 $0x7D, v35;
	v45 =	vld.idx.msk [tilespmem:v41+s4+$0x0], $0xffff;
	[tilespmem:s23+$0xFFFFFFB0] =	vst v37;
	v21 =	vmov v42;
	(pc) =	sbr.rel @p3 .LBB2_11-.Ltmp4, $4  }
0x4e4: {  	v37 =	vbroadcast v31, $0x0;
	v31 =	vmov s18;
	v35 =	vmul.f32 v12, v28;
	v44 =	vld.idx.msk [tilespmem:v43+s4+$0x0], $0xffff;
	[tilespmem:s12+$0x60] =	vst v38  }
0x4e5: {  	v38 =	vor.u32 $0x100, v36;
	v31 =	vand.u32 $0x7E, v31;
	v30 =	vmul.f32 v30, v46;
	v28 =	vld.idx.msk [tilespmem:v47+s4+$0x0], $0xffff  }
0x4e6: {  	v39 =	vor.u32 $0x100, v37;
	v43 =	vbroadcast v31, $0x0;
	v31 =	vmul.f32 v20, v32;
	[tilespmem:s23+$0x30] =	vst v35;
	v20 =	vld [tilespmem:s23+$0xFFFFFF70]  }
0x4e7: {  	s18 =	sadd.s32 $0x3, s25;
	s25 =	sadd.s32 $0x4, s25;
	v32 =	vmul.f32 v27, v30;
	v42 =	vld.idx.msk [tilespmem:v48+s4+$0x0], $0xffff;
	v41 =	vmul.f32 v49, v40;
	v40 =	vor.u32 v6, v19  }
0x4e8: {  	v27 =	vmov s18  }
0x4e9: {  	v27 =	vand.u32 $0x7F, v27  }
0x4ea: {  	v30 =	vbroadcast v27, $0x0;
	_ =	sdelay $0x1  }
0x4eb: {  	v27 =	vor.u32 $0x100, v30;
	_ =	sdelay $0x4  }
0x4ec: {  	v27 =	vld.idx.msk [tilespmem:v27+s14+$0x0], $0xffff;
	_ =	sdelay $0x1  }
0x4ed: {  	v46 =	vor.u32 $0x100, v43;
	v35 =	vld [tilespmem:s23+$0xFFFFFFF0]  }
0x4ee: {  	v47 =	vld.idx.msk [tilespmem:v38+s14+$0x0], $0xffff  }
0x4ef: {  	v48 =	vld.idx.msk [tilespmem:v39+s14+$0x0], $0xffff  }
0x4f0: {  	v52 =	vld [tilespmem:s23+$0xD0];
	s25 =	sadd.s32 $0x200, s23;
	v38 =	vshll.u32 v27, $0x7  }
0x4f1: {  	v54 =	vld [tilespmem:s25+$0x80];
	v49 =	vor.u32 v0, v38  }
0x4f2: {  	v36 =	vor.u32 $0x180, v36;
	v41 =	vmul.f32 v13, v41;
	v46 =	vld.idx.msk [tilespmem:v46+s14+$0x0], $0xffff  }
0x4f3: {  	v59 =	vld [tilespmem:s25+$0xFFFFFF00];
	v51 =	vor.u32 $0x180, v30  }
0x4f4: {  	v53 =	vor.u32 $0x180, v37;
	v62 =	vld [tilespmem:s25+$0xFFFFFF80];
	[tilespmem:s23+$0xC0] =	vst v41  }
0x4f5: {  	v43 =	vor.u32 $0x180, v43;
	v50 =	vld.idx.msk [tilespmem:v40+s4+$0x0], $0xffff;
	v39 =	vshll.u32 v47, $0x7  }
0x4f6: {  	v33 =	vmul.f32 v33, v44;
	v41 =	vshll.u32 v48, $0x7;
	v47 =	vor.u32 v0, v39;
	v63 =	vld.idx.msk [tilespmem:v49+s4+$0x0], $0xffff  }
0x4f7: {  	v30 =	vld.idx.msk [tilespmem:v36+s14+$0x0], $0xffff;
	v57 =	vor.u32 v0, v41;
	v40 =	vshll.u32 v46, $0x7  }
0x4f8: {  	v33 =	vmul.f32 v16, v33;
	v37 =	vld.idx.msk [tilespmem:v51+s14+$0x0], $0xffff;
	v46 =	vor.u32 v0, v40  }
0x4f9: {  	v36 =	vld.idx.msk [tilespmem:v53+s14+$0x0], $0xffff  }
0x4fa: {  	v34 =	vmul.f32 v34, v45;
	v61 =	vor.u32 v6, v14;
	[tilespmem:s23+$0xFFFFFFC0] =	vst v33;
	v33 =	vld.idx.msk [tilespmem:v43+s14+$0x0], $0xffff  }
0x4fb: {  	v47 =	vld.idx.msk [tilespmem:v47+s4+$0x0], $0xffff;
	v58 =	vor.u32 v2, v38;
	v48 =	vmul.f32 v54, v63  }
0x4fc: {  	v34 =	vmul.f32 v15, v34;
	v49 =	vld.idx.msk [tilespmem:v57+s4+$0x0], $0xffff  }
0x4fd: {  	v45 =	vld.idx.msk [tilespmem:v46+s4+$0x0], $0xffff;
	v60 =	vmul.f32 v37, v48  }
0x4fe: {  	[tilespmem:s23+$0xFFFFFF40] =	vst v34;
	v57 =	vld [tilespmem:s25+$0x0];
	v63 =	vor.u32 v6, v18  }
0x4ff: {  	v43 =	vld.idx.msk [tilespmem:v61+s4+$0x0], $0xffff;
	[tilespmem:s25+$0x80] =	vst v60  }
0x500: {  	v51 =	vld.idx.msk [tilespmem:v58+s4+$0x0], $0xffff;
	v58 =	vmul.f32 v59, v47;
	v59 =	vor.u32 v2, v39  }
0x501: {  	v61 =	vor.u32 v2, v41;
	v44 =	vmul.f32 v62, v49;
	v62 =	vld [tilespmem:s25+$0xFFFFFF10]  }
0x502: {  	v60 =	vld [tilespmem:s25+$0x90];
	v34 =	vmul.f32 v30, v58  }
0x503: {  	v45 =	vmul.f32 v57, v45;
	v44 =	vmul.f32 v36, v44;
	v49 =	vld.idx.msk [tilespmem:v63+s4+$0x0], $0xffff;
	v63 =	vor.u32 v2, v40  }
0x504: {  	v57 =	vld [tilespmem:s25+$0xFFFFFF90];
	[tilespmem:s25+$0xFFFFFF00] =	vst v34  }
0x505: {  	v45 =	vmul.f32 v33, v45;
	[tilespmem:s25+$0xFFFFFF80] =	vst v44;
	v47 =	vld.idx.msk [tilespmem:v59+s4+$0x0], $0xffff  }
0x506: {  	v29 =	vmul.f32 v29, v42;
	v48 =	vld.idx.msk [tilespmem:v61+s4+$0x0], $0xffff;
	v58 =	vor.u32 v6, v17  }
0x507: {  	v56 =	vor.u32 v3, v38;
	[tilespmem:s25+$0x0] =	vst v45;
	v51 =	vmul.f32 v60, v51;
	v59 =	vld [tilespmem:s25+$0x10]  }
0x508: {  	v29 =	vmul.f32 v12, v29;
	v46 =	vld.idx.msk [tilespmem:v63+s4+$0x0], $0xffff  }
0x509: {  	v53 =	vld [tilespmem:s25+$0xFFFFFF60];
	v51 =	vmul.f32 v37, v51  }
0x50a: {  	[tilespmem:s23+$0x40] =	vst v29;
	v61 =	vld [tilespmem:s25+$0xA0];
	v60 =	vor.u32 v3, v39;
	v34 =	vmul.f32 v62, v47  }
0x50b: {  	v44 =	vor.u32 v3, v41;
	v42 =	vld.idx.msk [tilespmem:v58+s4+$0x0], $0xffff;
	[tilespmem:s25+$0x90] =	vst v51;
	v62 =	vmul.f32 v57, v48  }
0x50c: {  	v51 =	vld.idx.msk [tilespmem:v56+s4+$0x0], $0xffff;
	v34 =	vmul.f32 v30, v34  }
0x50d: {  	v48 =	vld [tilespmem:s25+$0xFFFFFF20];
	v63 =	vmul.f32 v59, v46;
	v56 =	vor.u32 v3, v40;
	v29 =	vmul.f32 v36, v62  }
0x50e: {  	v58 =	vor.u32 v7, v19;
	v59 =	vld [tilespmem:s25+$0xFFFFFFA0];
	[tilespmem:s25+$0xFFFFFF10] =	vst v34  }
0x50f: {  	v57 =	vmul.f32 v52, v50;
	[tilespmem:s25+$0xFFFFFF90] =	vst v29;
	v47 =	vld.idx.msk [tilespmem:v60+s4+$0x0], $0xffff;
	v60 =	vmul.f32 v33, v63  }
0x510: {  	v44 =	vld.idx.msk [tilespmem:v44+s4+$0x0], $0xffff  }
0x511: {  	v62 =	vor.u32 v4, v38;
	v46 =	vmul.f32 v13, v57;
	v61 =	vmul.f32 v61, v51;
	v63 =	vld [tilespmem:s25+$0x20];
	[tilespmem:s25+$0x10] =	vst v60  }
0x512: {  	v56 =	vld.idx.msk [tilespmem:v56+s4+$0x0], $0xffff  }
0x513: {  	v54 =	vld [tilespmem:s25+$0xFFFFFFB0];
	[tilespmem:s23+$0xD0] =	vst v46;
	v55 =	vmul.f32 v37, v61  }
0x514: {  	v45 =	vld.idx.msk [tilespmem:v58+s4+$0x0], $0xffff  }
0x515: {  	v60 =	vld [tilespmem:s25+$0xB0];
	[tilespmem:s25+$0xA0] =	vst v55;
	v44 =	vmul.f32 v59, v44;
	v59 =	vor.u32 v4, v41  }
0x516: {  	v61 =	vor.u32 v4, v39;
	v57 =	vmul.f32 v48, v47;
	v58 =	vld.idx.msk [tilespmem:v62+s4+$0x0], $0xffff  }
0x517: {  	v50 =	vld [tilespmem:s23+$0xE0];
	v62 =	vor.u32 v4, v40;
	v44 =	vmul.f32 v36, v44;
	v34 =	vmul.f32 v63, v56  }
0x518: {  	v52 =	vld [tilespmem:s25+$0xFFFFFF30];
	v29 =	vmul.f32 v30, v57  }
0x519: {  	v25 =	vmul.f32 v25, v49;
	v55 =	vor.u32 v7, v18;
	v56 =	vld [tilespmem:s25+$0x30];
	[tilespmem:s25+$0xFFFFFFA0] =	vst v44;
	v34 =	vmul.f32 v33, v34  }
0x51a: {  	v26 =	vmul.f32 v26, v43;
	v63 =	vor.u32 v7, v14;
	[tilespmem:s25+$0xFFFFFF20] =	vst v29;
	v47 =	vld.idx.msk [tilespmem:v59+s4+$0x0], $0xffff  }
0x51b: {  	v25 =	vmul.f32 v16, v25;
	v46 =	vmul.f32 v60, v58;
	v58 =	vld.idx.msk [tilespmem:v61+s4+$0x0], $0xffff;
	[tilespmem:s25+$0x20] =	vst v34  }
0x51c: {  	v26 =	vmul.f32 v15, v26;
	v57 =	vor.u32 v5, v38;
	v59 =	vld.idx.msk [tilespmem:v62+s4+$0x0], $0xffff  }
0x51d: {  	[tilespmem:s23+$0xFFFFFFD0] =	vst v25;
	v51 =	vld [tilespmem:s25+$0xFFFFFF40]  }
0x51e: {  	[tilespmem:s23+$0xFFFFFF50] =	vst v26;
	v25 =	vld.idx.msk [tilespmem:v55+s4+$0x0], $0xffff;
	v46 =	vmul.f32 v37, v46  }
0x51f: {  	v60 =	vor.u32 v5, v41;
	v43 =	vld.idx.msk [tilespmem:v63+s4+$0x0], $0xffff;
	v29 =	vmul.f32 v54, v47  }
0x520: {  	v62 =	vor.u32 v5, v39;
	v63 =	vld [tilespmem:s25+$0xC0];
	[tilespmem:s25+$0xB0] =	vst v46;
	v34 =	vmul.f32 v52, v58  }
0x521: {  	v61 =	vld.idx.msk [tilespmem:v57+s4+$0x0], $0xffff;
	v54 =	vor.u32 v5, v40;
	v29 =	vmul.f32 v36, v29;
	v26 =	vmul.f32 v56, v59  }
0x522: {  	v57 =	vld [tilespmem:s25+$0x40];
	v34 =	vmul.f32 v30, v34  }
0x523: {  	v56 =	vld [tilespmem:s25+$0xFFFFFFC0];
	[tilespmem:s25+$0xFFFFFFB0] =	vst v29;
	v26 =	vmul.f32 v33, v26  }
0x524: {  	v45 =	vmul.f32 v50, v45;
	v55 =	vor.u32 v8, v19;
	[tilespmem:s25+$0xFFFFFF30] =	vst v34;
	v58 =	vld.idx.msk [tilespmem:v60+s4+$0x0], $0xffff  }
0x525: {  	v59 =	vld.idx.msk [tilespmem:v62+s4+$0x0], $0xffff;
	[tilespmem:s25+$0x30] =	vst v26  }
0x526: {  	v45 =	vmul.f32 v13, v45;
	v60 =	vmul.f32 v63, v61;
	v61 =	vor.u32 v6, v38;
	v44 =	vld.idx.msk [tilespmem:v54+s4+$0x0], $0xffff  }
0x527: {  	v27 =	vld [tilespmem:s23+$0x70]  }
0x528: {  	v48 =	vld [tilespmem:s25+$0xFFFFFF50];
	[tilespmem:s23+$0xE0] =	vst v45;
	v26 =	vmul.f32 v37, v60  }
0x529: {  	v19 =	vld.idx.msk [tilespmem:v55+s4+$0x0], $0xffff;
	v62 =	vor.u32 v6, v41;
	v34 =	vmul.f32 v56, v58  }
0x52a: {  	v55 =	vld [tilespmem:s25+$0xD0];
	v63 =	vor.u32 v6, v39;
	[tilespmem:s25+$0xC0] =	vst v26;
	v46 =	vmul.f32 v51, v59  }
0x52b: {  	v54 =	vor.u32 v6, v40;
	v47 =	vld.idx.msk [tilespmem:v61+s4+$0x0], $0xffff;
	v34 =	vmul.f32 v36, v34;
	v29 =	vmul.f32 v57, v44  }
0x52c: {  	v56 =	vld [tilespmem:s25+$0xFFFFFFD0];
	v46 =	vmul.f32 v30, v46  }
0x52d: {  	v58 =	vld [tilespmem:s25+$0x50];
	[tilespmem:s25+$0xFFFFFFC0] =	vst v34;
	v29 =	vmul.f32 v33, v29  }
0x52e: {  	v23 =	vmul.f32 v23, v42;
	v57 =	vor.u32 v7, v17;
	[tilespmem:s25+$0xFFFFFF40] =	vst v46;
	v59 =	vld.idx.msk [tilespmem:v62+s4+$0x0], $0xffff  }
0x52f: {  	v26 =	vld.idx.msk [tilespmem:v63+s4+$0x0], $0xffff;
	[tilespmem:s25+$0x40] =	vst v29  }
0x530: {  	v23 =	vmul.f32 v12, v23;
	v61 =	vmul.f32 v55, v47;
	v62 =	vor.u32 v7, v38;
	v60 =	vld.idx.msk [tilespmem:v54+s4+$0x0], $0xffff  }
0x531: {  	v49 =	vld [tilespmem:s25+$0xFFFFFF70]  }
0x532: {  	[tilespmem:s23+$0x50] =	vst v23;
	v45 =	vld [tilespmem:s23+$0xF0];
	v24 =	vmul.f32 v24, v25;
	v29 =	vmul.f32 v37, v61  }
0x533: {  	v55 =	vor.u32 v7, v41;
	v63 =	vld.idx.msk [tilespmem:v57+s4+$0x0], $0xffff;
	v42 =	vmul.f32 v56, v59  }
0x534: {  	v24 =	vmul.f32 v16, v24;
	v61 =	vld [tilespmem:s25+$0xE0];
	v57 =	vor.u32 v7, v39;
	[tilespmem:s25+$0xD0] =	vst v29;
	v26 =	vmul.f32 v48, v26  }
0x535: {  	v44 =	vld.idx.msk [tilespmem:v62+s4+$0x0], $0xffff;
	v42 =	vmul.f32 v36, v42;
	v23 =	vmul.f32 v58, v60;
	v58 =	vor.u32 v7, v40  }
0x536: {  	v52 =	vor.u32 v8, v18;
	[tilespmem:s23+$0xFFFFFFE0] =	vst v24;
	v54 =	vld [tilespmem:s25+$0xFFFFFFE0];
	v60 =	vmul.f32 v30, v26  }
0x537: {  	v22 =	vmul.f32 v22, v43;
	v56 =	vld [tilespmem:s25+$0x60];
	[tilespmem:s25+$0xFFFFFFD0] =	vst v42;
	v23 =	vmul.f32 v33, v23  }
0x538: {  	v59 =	vor.u32 v8, v14;
	v21 =	vmul.f32 v21, v63;
	[tilespmem:s25+$0xFFFFFF50] =	vst v60;
	v63 =	vld.idx.msk [tilespmem:v55+s4+$0x0], $0xffff  }
0x539: {  	v22 =	vmul.f32 v15, v22;
	v62 =	vor.u32 v8, v17;
	v29 =	vld.idx.msk [tilespmem:v57+s4+$0x0], $0xffff;
	[tilespmem:s25+$0x50] =	vst v23  }
0x53a: {  	v47 =	vor.u32 v8, v38;
	v21 =	vmul.f32 v12, v21;
	v46 =	vmul.f32 v61, v44;
	v42 =	vld.idx.msk [tilespmem:v58+s4+$0x0], $0xffff  }
0x53b: {  	v18 =	vld.idx.msk [tilespmem:v52+s4+$0x0], $0xffff;
	[tilespmem:s23+$0xFFFFFF60] =	vst v22  }
0x53c: {  	v51 =	vld [tilespmem:s25+$0xFFFFFFF0];
	[tilespmem:s23+$0x60] =	vst v21;
	v21 =	vmul.f32 v37, v46  }
0x53d: {  	v50 =	vor.u32 v8, v41;
	v14 =	vld.idx.msk [tilespmem:v59+s4+$0x0], $0xffff;
	v24 =	vmul.f32 v54, v63  }
0x53e: {  	v52 =	vor.u32 v8, v39;
	v17 =	vld.idx.msk [tilespmem:v62+s4+$0x0], $0xffff;
	[tilespmem:s25+$0xE0] =	vst v21;
	v25 =	vmul.f32 v53, v29  }
0x53f: {  	v55 =	vor.u32 v8, v40;
	v23 =	vld.idx.msk [tilespmem:v47+s4+$0x0], $0xffff;
	v54 =	vmul.f32 v36, v24;
	v22 =	vmul.f32 v56, v42  }
0x540: {  	[tilespmem:s12+$0xFFFFFFF0] =	vst v32;
	v53 =	vld [tilespmem:s25+$0x70];
	v25 =	vmul.f32 v30, v25  }
0x541: {  	v11 =	vmul.f32 v11, v28;
	v56 =	vld [tilespmem:s25+$0xF0];
	[tilespmem:s25+$0xFFFFFFE0] =	vst v54;
	v57 =	vmul.f32 v33, v22  }
0x542: {  	v9 =	vmul.f32 v9, v31;
	v19 =	vmul.f32 v45, v19;
	[tilespmem:s25+$0xFFFFFF60] =	vst v25;
	v58 =	vld.idx.msk [tilespmem:v50+s4+$0x0], $0xffff  }
0x543: {  	v10 =	vmul.f32 v10, v11;
	v11 =	vmul.f32 v35, v18;
	v59 =	vld.idx.msk [tilespmem:v52+s4+$0x0], $0xffff;
	[tilespmem:s25+$0x60] =	vst v57  }
0x544: {  	[tilespmem:s12+$0xFFFFFF70] =	vst v9;
	v9 =	vmul.f32 v13, v19;
	v60 =	vmul.f32 v20, v14;
	v61 =	vld.idx.msk [tilespmem:v55+s4+$0x0], $0xffff  }
0x545: {  	[tilespmem:s12+$0x70] =	vst v10;
	v10 =	vmul.f32 v16, v11;
	v11 =	vmul.f32 v27, v17  }
0x546: {  	p3 =	sgt.u32 @!p1 s24, $0x7A;
	[tilespmem:s23+$0xF0] =	vst v9;
	v9 =	vmul.f32 v15, v60;
	v62 =	vmul.f32 v56, v23  }
0x547: {  	p3 =	por !p3, p1;
	s12 =	simm.s32 @!p1 $0x15;
	[tilespmem:s23+$0xFFFFFFF0] =	vst v10;
	v10 =	vmul.f32 v12, v11;
	v11 =	vmul.f32 v51, v58  }
0x548: {  	s12 =	simm.s32 @p3 $0x5;
	[tilespmem:s23+$0xFFFFFF70] =	vst v9;
	v9 =	vmul.f32 v37, v62;
	v63 =	vmul.f32 v49, v59  }
0x549: {  	s12 =	simm.s32 @p2 $0x5;
	[tilespmem:s23+$0x70] =	vst v10;
	v10 =	vmul.f32 v36, v11;
	v11 =	vmul.f32 v53, v61  }
0x54a: {  	s12 =	sor.u32 @!p1 s12, s17;
	[tilespmem:s25+$0xF0] =	vst v9;
	v9 =	vmul.f32 v30, v63  }
0x54b: {  	s12 =	sadd.s32 @!p1 s24, s12;
	[tilespmem:s25+$0xFFFFFFF0] =	vst v10;
	v10 =	vmul.f32 v33, v11  }
0x54c: {  	s12 =	sshll.u32 @!p1 s12, $0x6;
	[tilespmem:s25+$0xFFFFFF70] =	vst v9  }
0x54d: {  	s18 =	simm.s32 @!p1 $0x0;
	s12 =	sand.u32 @!p1 $0x1FFFFF40, s12;
	[tilespmem:s25+$0x70] =	vst v10  }
0x54e: {  	[spmem:s2] =	stream.indirect.scatter.add.f32 [tilespmem:s1], [sflag:$0x8], $0x80, s14, s30, $0xb8;
	[tilespmem:$0x1FC80] =	vst v63  }
0x54f: {  	s8 =	sadd.s32 $0x1, s8;
	s12 =	sadd.s32 @!p1 s5, s12;
	s23 =	simm.s32 @!p1 $0xB680  }
0x550: {  	[tilespmem:s23], [sflag:$0x4] =	stream.linear.gather @!p1 [hbm4b:s12+s18], $0x200, $0x38;
	[tilespmem:$0x1FC80] =	vst v63  }
0x551: {  	p1 =	sne.s32 s8, s16  }
.Ltmp5:
0x552: {  	_ = 	snop;
	(pc) =	sbr.rel @p1 .LBB2_4-.Ltmp5, $1  }
0x553: {  	_ =	sdelay $0x3  }
0x554: {  	_ =	swait.ge [sflag:s15], $0x2800  }
0x555: {  	[sflag:s15] =	ssyncset.done $0x0  }
0x556: {  	[sflag:s15] =	ssyncadd.s32 $0xFFFFD800  }
0x557: {  	s8 =	stileid.u32;
	[bflag:$0x0] =	sbarrier.arrive $0xFFFF  }
0x558: {  	s8 =	sshll.u32 s8, $0x6;
	s18 =	rddreg [dreg:$0x4]  }
0x559: {  	s8 =	sor.u32 $0x1C09, s8;
	s23 =	rddreg [dreg:$0xe];
	s12 =	sshrl.u32 s18, $0x3  }
0x55a: {  	[hbm:s23], [sflag:s8] =	dma.local [spmem:s12], $0x2800  }
0x55b: {  	s23 =	simm.s32 $0x9  }
0x55c: {  	_ =	swait.ge [sflag:s23], $0x2800  }
0x55d: {  	s25 =	rddreg [dreg:$0x10]  }
0x55e: {  	s31 =	rddreg [dreg:$0xf];
	s12 =	sadd.s32 $0x1, s25  }
0x55f: {  	p1 =	sne.s32 s12, s31  }
.Ltmp6:
0x560: {  	_ = 	snop;
	(pc) =	sbr.rel @p1 .LBB2_1-.Ltmp6, $3  }
0x561: {  	_ =	sdelay $0x1  }
0x562: {  	[sflag:s23] =	ssyncset.done $0x0  }
0x563: {  	[sflag:s23] =	ssyncadd.s32 $0xFFFFD800  }
0x564: {  	_ =	sfence.sel $0x180000  }
0x565: {  	[bflag:$0x0] =	sbarrier.arrive $0xFFFF  }
0x566: {  	_ =	strace $0x9000004D  }
0x567: {  	s0 =	stileid.u32;
	[bflag:$0x2] =	sbarrier.arrive $0xFFFF  }
0x568: {  	p0 =	sne.s32 s0, $0x0;
	s0 =	rddreg [dreg:$0x2]  }
0x569: {  	s0 =	sadd.s32 @!p0 $0x100000, s0  }
0x56a: {  	[sflag:s0] =	ssyncadd.tile.s32 @!p0 $0x1;
	_ =	shalt  }
.Lfunc_end2:
_tile_overlayer_lowered:
.L_overlay_start_2:
0x56b: {  	(tag) =	ssettag $0x2  }
0x56c: {  	s0 =	rddreg [dreg:$0x0];
	s2 =	stileid.u32  }
0x56d: {  	s1 =	rddreg [dreg:$0x1];
	p0 =	sne.s32 s2, $0x0  }
0x56e: {  	s3 =	rddreg [dreg:$0x2];
	[bflag:$0x3] =	sbarrier.arrive $0xFFFF;
	s2 =	simm.s32 @!p0 $0x1C09  }
0x56f: {  	[timem:s3], [sflag:s2] =	dma.local @!p0 [hbm:s0], s1  }
0x570: {  	s0 =	simm.s32 @!p0 $0x9  }
0x571: {  	_ =	swait.ge @!p0 [sflag:s0], s1  }
0x572: {  	s1 =	ssub.s32 @!p0 $0x0, s1;
	[sflag:s0] =	ssyncset.done @!p0 $0x0  }
0x573: {  	[sflag:s0] =	ssyncadd.s32 @!p0 s1  }
0x574: {  	[bflag:$0x3] =	sbarrier.arrive $0xFFFF  }
0x575: {  	_ =	shalt  }

// kernel: kernel.8.cloned.1.call-start
scs
__scs_entry_jumppad:
0x0: {  	(pc) =	sbr.rel $0x88, $3  }
0x1: {  	(tag) =	ssettag $0x0;
	lr =	simm.s32 $0x1  }
0x2: {  	[smem:$0x3F91] =	sst lr;
	_ =	strace $0xD0000000  }
0x3: {  	_ = 	snop  }
0x4: {  	_ = 	snop  }
0x5: {  	_ = 	snop  }
0x6: {  	_ = 	snop  }
0x7: {  	_ = 	snop  }
__scs_overlays_trampoline_lowered:
0x8: {  	[smem:$0x3FA0] =	sst s0  }
0x9: {  	[smem:$0x3FA1] =	sst s1  }
0xa: {  	[smem:$0x3FA2] =	sst s2  }
0xb: {  	[smem:$0x3FA3] =	sst s3  }
0xc: {  	[smem:$0x3FA4] =	sst s4  }
0xd: {  	[smem:$0x3FA5] =	sst s5  }
0xe: {  	[smem:$0x3FA6] =	sst s6  }
0xf: {  	[smem:$0x3FA7] =	sst s7  }
0x10: {  	[smem:$0x3FA8] =	sst s8  }
0x11: {  	[smem:$0x3FA9] =	sst s9;
	s0 =	simm.s32 @!p0 $0x0  }
0x12: {  	s1 =	sld [smem:$0x3F8F];
	s0 =	simm.s32 @p0 $0x1  }
0x13: {  	[smem:$0x3FAA] =	sst s0;
	s0 =	simm.s32 @!p1 $0x0  }
0x14: {  	s2 =	sld [smem:$0x3F8E];
	s0 =	simm.s32 @p1 $0x1  }
0x15: {  	[smem:$0x3FAB] =	sst s0;
	s0 =	simm.s32 @!p2 $0x0  }
0x16: {  	s3 =	sld [smem:$0x3FDB];
	s0 =	simm.s32 @p2 $0x1  }
0x17: {  	s4 =	simm.s32 $0x1BF5;
	[smem:$0x3FAD] =	sst s0  }
0x18: {  	s0 =	sld [smem:$0x3F90];
	_ =	swait.ge [sflag:s4], $0x0  }
0x19: {  	s7 =	sld [smem:$0x3F91]  }
0x1a: {  	s8 =	sadd.s32 $0xFFFFE003, lr  }
0x1b: {  	s9 =	sadd.s32 $0xFFFFFEF7, lr;
	s5 =	simm.s32 $0xFFFFFFFF;
	p2 =	slt.u32 s8, $0xFFFFF086  }
0x1c: {  	p1 =	slt.u32 s9, $0xF7A;
	s5 =	simm.s32 @!p2 $0x0  }
0x1d: {  	s5 =	simm.s32 @p1 $0x1;
	p0 =	seq.s32 s7, s2  }
0x1e: {  	s7 =	smul.u32 @!p0 $0xF7A, s2;
	p2 =	seq.s32 @!p0 s5, $0x0  }
0x1f: {  	s9 =	smul.u32 $0xF7A, s1;
	s8 =	simm.s32 @!p0 $0x1BF5;
	p2 =	por !p2, p0  }
0x20: {  	[sflag:s8] =	ssyncset.s32 @!p0 $0xFFFFF086;
	s6 =	sadd.s32 @!p0 s3, s7;
	s7 =	simm.s32 @!p0 $0x108  }
0x21: {  	s3 =	sadd.s32 s3, s9;
	s6 =	sadd.s32 @!p0 $0x88, s6;
	s7 =	simm.s32 @p2 $0x1082  }
0x22: {  	[simem:s7], [sflag:s8] =	dma.local @!p0 [hbm:s6], $0xF7A  }
0x23: {  	s9 =	sor.u32 $0xD0000000, s2;
	s6 =	simm.s32 $0x108;
	_ =	swait.ge @!p0 [sflag:s8], $0x0  }
0x24: {  	s3 =	sadd.s32 $0x88, s3;
	s6 =	simm.s32 @!p1 $0x1082;
	[sflag:s4] =	ssyncset.s32 $0xFFFFF086  }
0x25: {  	[simem:s6], [sflag:s4] =	dma.local [hbm:s3], $0xF7A  }
0x26: {  	[smem:$0x3F91] =	sst s1;
	(tag) =	ssettag s2;
	_ =	strace s9  }
0x27: {  	s1 =	sld [smem:$0x3FA1]  }
0x28: {  	s2 =	sld [smem:$0x3FA2]  }
0x29: {  	s4 =	sld [smem:$0x3FA4]  }
0x2a: {  	p0 =	seq.s32 s5, $0x0;
	s5 =	sld [smem:$0x3FA5]  }
0x2b: {  	s6 =	sld [smem:$0x3FA6]  }
0x2c: {  	s7 =	sld [smem:$0x3FA7]  }
0x2d: {  	s3 =	simm.s32 $0x108;
	s8 =	sld [smem:$0x3FA8]  }
0x2e: {  	s3 =	simm.s32 @!p0 $0x1082;
	s9 =	sld [smem:$0x3FA9]  }
0x2f: {  	lr =	sadd.s32 s0, s3;
	s0 =	sld [smem:$0x3FA0]  }
0x30: {  	s3 =	sld [smem:$0x3FA3]  }
0x31: {  	[smem:$0x3FAC] =	sst s10  }
0x32: {  	s10 =	sld [smem:$0x3FAA];
	_ =	sdelay $0x3  }
0x33: {  	p0 =	seq.s32 s10, $0x1;
	s10 =	sld [smem:$0x3FAC];
	_ =	sdelay $0x3  }
0x34: {  	[smem:$0x3FAC] =	sst s10  }
0x35: {  	s10 =	sld [smem:$0x3FAB];
	_ =	sdelay $0x3  }
0x36: {  	p1 =	seq.s32 s10, $0x1;
	s10 =	sld [smem:$0x3FAC];
	_ =	sdelay $0x3  }
0x37: {  	[smem:$0x3FAC] =	sst s10  }
0x38: {  	s10 =	sld [smem:$0x3FAD]  }
0x39: {  	_ = 	snop;
	(pc) =	sbr.ind lr, $3  }
0x3a: {  	_ = 	snop  }
0x3b: {  	_ = 	snop  }
0x3c: {  	p2 =	seq.s32 s10, $0x1;
	s10 =	sld [smem:$0x3FAC]  }
0x3d: {  	_ =	shalt  }
0x3e: {  	_ =	shalt  }
0x3f: {  	_ =	shalt  }
0x40: {  	_ =	shalt  }
0x41: {  	_ =	shalt  }
0x42: {  	_ =	shalt  }
0x43: {  	_ =	shalt  }
0x44: {  	_ =	shalt  }
0x45: {  	_ =	shalt  }
0x46: {  	_ =	shalt  }
0x47: {  	_ =	shalt  }
0x48: {  	_ =	shalt  }
0x49: {  	_ =	shalt  }
0x4a: {  	_ =	shalt  }
0x4b: {  	_ =	shalt  }
0x4c: {  	_ =	shalt  }
0x4d: {  	_ =	shalt  }
0x4e: {  	_ =	shalt  }
0x4f: {  	_ =	shalt  }
0x50: {  	_ =	shalt  }
0x51: {  	_ =	shalt  }
0x52: {  	_ =	shalt  }
0x53: {  	_ =	shalt  }
0x54: {  	_ =	shalt  }
0x55: {  	_ =	shalt  }
0x56: {  	_ =	shalt  }
0x57: {  	_ =	shalt  }
0x58: {  	_ =	shalt  }
0x59: {  	_ =	shalt  }
0x5a: {  	_ =	shalt  }
0x5b: {  	_ =	shalt  }
0x5c: {  	_ =	shalt  }
0x5d: {  	_ =	shalt  }
0x5e: {  	_ =	shalt  }
0x5f: {  	_ =	shalt  }
0x60: {  	_ =	shalt  }
0x61: {  	_ =	shalt  }
0x62: {  	_ =	shalt  }
0x63: {  	_ =	shalt  }
0x64: {  	_ =	shalt  }
0x65: {  	_ =	shalt  }
0x66: {  	_ =	shalt  }
0x67: {  	_ =	shalt  }
0x68: {  	_ =	shalt  }
0x69: {  	_ =	shalt  }
0x6a: {  	_ =	shalt  }
0x6b: {  	_ =	shalt  }
0x6c: {  	_ =	shalt  }
0x6d: {  	_ =	shalt  }
0x6e: {  	_ =	shalt  }
0x6f: {  	_ =	shalt  }
0x70: {  	_ =	shalt  }
0x71: {  	_ =	shalt  }
0x72: {  	_ =	shalt  }
0x73: {  	_ =	shalt  }
0x74: {  	_ =	shalt  }
0x75: {  	_ =	shalt  }
0x76: {  	_ =	shalt  }
0x77: {  	_ =	shalt  }
0x78: {  	_ =	shalt  }
0x79: {  	_ =	shalt  }
0x7a: {  	_ =	shalt  }
0x7b: {  	_ =	shalt  }
0x7c: {  	_ =	shalt  }
0x7d: {  	_ =	shalt  }
0x7e: {  	_ =	shalt  }
0x7f: {  	_ =	shalt  }
0x80: {  	_ =	shalt  }
0x81: {  	_ =	shalt  }
0x82: {  	_ =	shalt  }
0x83: {  	_ =	shalt  }
0x84: {  	_ =	shalt  }
0x85: {  	_ =	shalt  }
0x86: {  	_ =	shalt  }
0x87: {  	_ =	shalt  }
.Lfunc_end0:
.L_simem_size_0:
called_computation_lowered:
.L_overlay_start_0:
0x88: {  	s2 =	sld [smem:$0x3FD9]  }
0x89: {  	s3 =	sld [smem:$0x3FFE];
	_ =	sdelay $0x1  }
0x8a: {  	s1 =	srdreg.scid  }
0x8b: {  	s0 =	sand.u32 $0x1, s1  }
0x8c: {  	s14 =	sshll.u32 s0, $0xA;
	s2 =	sadd.s32 s3, s2  }
0x8d: {  	s2 =	sadd.s32 s2, s14  }
0x8e: {  	[smem:$0x3FB8] =	sst s2  }
0x8f: {  	_ = 	snop  }
0x90: {  	s2 =	sld [smem:$0x3FD0];
	_ =	sdelay $0x2  }
0x91: {  	s15 =	simm.s32 $0xA;
	s4 =	simm.s32 $0x10  }
0x92: {  	[smem:s4], [sflag:s15] =	dma.local [hbm:s2], $0x1  }
0x93: {  	_ =	swait.eq [sflag:s15], $0x1  }
0x94: {  	[sflag:s15] =	ssyncset.done $0x0  }
0x95: {  	s16 =	sld [smem:$0x10];
	[sflag:s15] =	ssyncadd.s32 $0xFFFFFFFF  }
0x96: {  	s17 =	sld [smem:$0x11];
	(tm) =	ssettm $0x1  }
0x97: {  	s18 =	sld [smem:$0x3FFB];
	_ =	sdelay $0x3  }
0x98: {  	_ =	strace s18  }
0x99: {  	s4 =	sld [smem:$0x3FFC];
	_ =	sdelay $0x3  }
0x9a: {  	_ =	strace s4  }
0x9b: {  	s4 =	sld [smem:$0x3FFD];
	_ =	sdelay $0x3  }
0x9c: {  	_ =	strace s4  }
0x9d: {  	_ =	strace $0x8FFFFFFF  }
0x9e: {  	s19 =	sld [smem:$0x3FDB];
	_ =	sdelay $0x1  }
0x9f: {  	s5 =	simm.s32 $_scs_section_size  }
0xa0: {  	s6 =	simm.s32 $_size__tile_overlayer_lowered;
	s7 =	simm.s32 $_tile_overlayer_lowered  }
0xa1: {  	s22 =	simm.s32 $0x1BFF;
	s21 =	sshll.u32 s7, $0x1;
	s4 =	sadd.s32 s5, s19  }
0xa2: {  	s8 =	simm.s32 $0x0;
	s20 =	sshll.u32 s6, $0x1;
	s6 =	sadd.s32 s21, s4  }
0xa3: {  	[timem:s8], [sflag:s22] =	dma.local [hbm:s6], s20  }
0xa4: {  	_ =	swait.ge [sflag:s22], s20  }
0xa5: {  	s5 =	ssub.s32 $0x0, s20;
	[sflag:s22] =	ssyncset.done $0x0  }
0xa6: {  	[sflag:s22] =	ssyncadd.s32 s5;
	_ =	sdelay $0x1  }
0xa7: {  	s23 =	simm.s32 $0x1B8B  }
0xa8: {  	_ =	swait.ge [sflag:s23], $0x1  }
0xa9: {  	[sflag:s23] =	ssyncset.done $0x0  }
0xaa: {  	s25 =	simm.s32 $0x1B8E;
	s24 =	sld [smem:$0x3FFE];
	[sflag:s23] =	ssyncadd.s32 $0xFFFFFFFF  }
0xab: {  	s26 =	simm.s32 $execute0_lowered;
	[smem:$0x3FD2] =	sst s25  }
0xac: {  	s6 =	sshll.u32 s26, $0x1;
	_ =	strace $0x80000046;
	[dreg:$0x1] =	wrdreg $0xFFFFFFFF  }
0xad: {  	s28 =	simm.s32 $_size_execute0_lowered;
	s4 =	sadd.s32 s4, s6;
	[dreg:$0x0] =	wrdreg $0x0  }
0xae: {  	s6 =	sshll.u32 s28, $0x1;
	[dreg:$0x2] =	wrdreg s4  }
0xaf: {  	[dreg:$0x3] =	wrdreg s6  }
0xb0: {  	[dreg:$0x4] =	wrdreg $0xC0  }
0xb1: {  	_ =	task [dreg:s8], $0x5FFFF  }
0xb2: {  	[dreg:$0x1] =	wrdreg $0xFFFFFFFF  }
0xb3: {  	[dreg:$0x0] =	wrdreg $0x60  }
0xb4: {  	[dreg:$0x2] =	wrdreg s16  }
0xb5: {  	[dreg:$0x3] =	wrdreg s24  }
0xb6: {  	[dreg:$0x4] =	wrdreg s17  }
0xb7: {  	[dreg:$0x5] =	wrdreg $0x9  }
0xb8: {  	_ =	task.clear_ibuf [dreg:s8], $0x6FFFF;
	_ =	strace $0x90000046  }
0xb9: {  	s29 =	simm.s32 $0x9;
	_ =	strace $0x80000048  }
0xba: {  	_ =	swait.ge [sflag:s29], $0x1  }
0xbb: {  	[sflag:s29] =	ssyncadd.s32 $0xFFFFFFFF  }
0xbc: {  	_ =	strace $0x90000048  }
0xbd: {  	_ =	sfence  }
0xbe: {  	s30 =	sld [smem:$0x0];
	_ =	sdelay $0x2  }
0xbf: {  	s31 =	sshll.u32 s1, $0xD;
	s1 =	sshrl.u32 s1, $0x2  }
0xc0: {  	s3 =	sand.u32 $0x4000, s31;
	s1 =	sadd.s32 s1, s30  }
0xc1: {  	s0 =	sor.u32 s3, s0;
	s1 =	sshll.u32 s1, $0x11  }
0xc2: {  	s0 =	sor.u32 s1, s0  }
0xc3: {  	s0 =	sadd.s32 $0x8F2B, s0  }
0xc4: {  	[sflag:s0] =	ssyncadd.remote.s32 $0x1  }
0xc5: {  	_ =	sfence.sel $0xFFFF  }
0xc6: {  	[dreg:$0x0] =	wrdreg $0xFFFFFFFF;
	(pc) =	sbr.abs _section_cstart, $3  }
0xc7: {  	[dreg:$0x1] =	wrdreg $0xFFFFFFFF  }
0xc8: {  	_ =	task.clear_ibuf [dreg:s8], $0x2FFFF;
	_ =	strace $0x9FFFFFFF  }
0xc9: {  	(tm) =	ssettm $0x7FFFFFFF  }
tec
execute0_lowered:
.L_overlay_start_1:
0x0: {  	(tag) =	ssettag $0x1  }
0x1: {  	s4 =	rddreg [dreg:$0x0]  }
0x2: {  	s5 =	rddreg [dreg:$0x1];
	s1 =	srdreg.scid  }
0x3: {  	s0 =	stileid.u32;
	s11 =	simm.s32 $0x80;
	s12 =	simm.s32 $0x400  }
0x4: {  	s13 =	simm.s32 $0x1;
	s14 =	simm.s32 $0x2800;
	s15 =	simm.s32 $0x5000  }
0x5: {  	s16 =	simm.s32 $0xA000;
	s17 =	simm.s32 $0xCA00;
	s18 =	simm.s32 $0xA200  }
0x6: {  	s19 =	simm.s32 $0x7800;
	s20 =	simm.s32 $0x0;
	s6 =	sand.u32 $0x1, s1  }
0x7: {  	s29 =	sshrl.u32 s0, $0x2;
	s2 =	sshll.u32 s0, $0x8;
	s1 =	rddreg [dreg:$0x3]  }
0x8: {  	s7 =	smul.u32 $0x14000, s29;
	s30 =	sshll.u32 s6, $0x7;
	s3 =	sand.u32 $0x300, s2  }
0x9: {  	s2 =	rddreg [dreg:$0x2];
	s6 =	ssub.s32 $0x2, s6;
	s8 =	sor.u32 s30, s3  }
0xa: {  	s3 =	simm.s32 $0x0;
	s31 =	sshrl.u32 s6, $0x1;
	s7 =	sor.u32 s7, s8  }
0xb: {  	[smem:$0x7FF] =	sst s3;
	s10 =	ssub.s32 s6, s31;
	s7 =	sshrl.u32 s7, $0x3  }
0xc: {  	_ =	strace $0x80000047;
	s10 =	smax.u32 s10, $0x1;
	s9 =	sadd.s32 s7, s5  }
0xd: {  	s4 =	sadd.s32 s4, s7;
	s5 =	sadd.s32 $0x4C00, s9;
	s6 =	sadd.s32 $0xEC00, s9  }
0xe: {  	v0 =	vimm.f32 $0.0e+00;
	v1 =	vimm.f32 $1.000000000e+00;
	s7 =	sadd.s32 $0x2CC00, s9;
	s8 =	sadd.s32 $0x18C00, s9;
	s9 =	sadd.s32 $0x22C00, s9  }
.LBB2_1:
0xf: {  	[tilespmem:s3], [sflag:$0x1] =	stream.strided.gather [hbm4b:s4+s11], $0x2800, s12, s11, $0x38;
	[tilespmem:$0xF200] =	vst v63  }
0x10: {  	_ =	swait.ge [sflag:s13], $0x2800  }
0x11: {  	[sflag:s13] =	ssyncset.done $0x0  }
0x12: {  	[sflag:s13] =	ssyncadd.s32 $0xFFFFD800  }
0x13: {  	[tilespmem:s14], [sflag:$0x1] =	stream.strided.gather [hbm4b:s5+s11], $0x2800, s12, s11, $0x38;
	[tilespmem:$0xF200] =	vst v63  }
0x14: {  	_ =	swait.ge [sflag:s13], $0x2800  }
0x15: {  	[sflag:s13] =	ssyncset.done $0x0  }
0x16: {  	[sflag:s13] =	ssyncadd.s32 $0xFFFFD800  }
0x17: {  	[tilespmem:s15], [sflag:$0x1] =	stream.strided.gather [hbm4b:s6+s11], $0x2800, s12, s11, $0x38;
	[tilespmem:$0xF200] =	vst v63  }
0x18: {  	_ =	swait.ge [sflag:s13], $0x2800  }
0x19: {  	[sflag:s13] =	ssyncset.done $0x0  }
0x1a: {  	[sflag:s13] =	ssyncadd.s32 $0xFFFFD800  }
0x1b: {  	[tilespmem:s16], [sflag:$0x1] =	stream.linear.gather [hbm4b:s2+s3], $0x200, $0x38;
	[tilespmem:$0xF200] =	vst v63  }
0x1c: {  	_ =	swait.ge [sflag:s13], $0x200  }
0x1d: {  	[sflag:s13] =	ssyncset.done $0x0  }
0x1e: {  	s21 =	simm.s32 $0x0;
	[sflag:s13] =	ssyncadd.s32 $0xFFFFFE00  }
.LBB2_2:
0x1f: {  	p0 =	sne.s32 s21, $0x9FC0  }
.Ltmp0:
0x20: {  	_ = 	snop;
	(pc) =	sbr.rel @p0 .LBB2_2-.Ltmp0, $4  }
0x21: {  	_ = 	snop  }
0x22: {  	s22 =	sshra.s32 s21, $0x2  }
0x23: {  	[tilespmem:s22+$0xA200] =	vst v0  }
0x24: {  	s21 =	sadd.s32 $0x40, s21;
	[tilespmem:s22+$0xCA00] =	vst v0  }
0x25: {  	s21 =	simm.s32 $0x0  }
0x26: {  	v3 =	vld [tilespmem:s21+$0x5000]  }
0x27: {  	s22 =	simm.s32 $0x40;
	v2 =	vld [tilespmem:s21+$0x2800]  }
.LBB2_4:
0x28: {  	p0 =	sne.s32 s22, $0x9FC0;
	_ =	sdelay $0x2  }
0x29: {  	v3 =	vadd.s32 $0x100, v3;
	_ =	sdelay $0x3  }
0x2a: {  	v2 =	vld.idx.msk [tilespmem:v2+s16+$0x0], $0xffff  }
0x2b: {  	v3 =	vld.idx.msk [tilespmem:v3+s16+$0x0], $0xffff;
	_ =	sdelay $0x5  }
0x2c: {  	v2 =	vadd.f32 v3, v2;
	_ =	sdelay $0x1  }
0x2d: {  	v3 =	vmul.f32 $9.999999770e-03, v2  }
0x2e: {  	vm0 =	vge.f32 v2, $0.0e+00  }
0x2f: {  	v2 =	vsel vm0, v2, v3  }
0x30: {  	v2 =	vmul.f32 $1.442695020e+00, v2;
	_ =	sdelay $0x1  }
0x31: {  	(erf) = vpow2.f32 v2;
	_ =	sdelay $0x2  }
0x32: {  	v2 =	vld [tilespmem:s21+$0x0];
	_ =	sdelay $0x5  }
0x33: {  	v3 =	vpop (erf)  }
.Ltmp1:
0x34: {  	[tilespmem:s21+$0x7800] =	vst v3;
	(pc) =	sbr.rel @p0 .LBB2_4-.Ltmp1, $4  }
0x35: {  	[tilespmem:v2+s17+$0x0] =	vst.idx.add.f32.msk $0xffff, v3  }
0x36: {  	s21 =	sshra.s32 s22, $0x2;
	[tilespmem:v2+s18+$0x0] =	vst.idx.add.f32.msk $0xffff, v1  }
0x37: {  	v3 =	vld [tilespmem:s21+$0x5000]  }
0x38: {  	s22 =	sadd.s32 $0x40, s22;
	v2 =	vld [tilespmem:s21+$0x2800]  }
0x39: {  	_ =	sdelay $0x3  }
0x3a: {  	v3 =	vadd.s32 $0x100, v3;
	_ =	sdelay $0x3  }
0x3b: {  	v2 =	vld.idx.msk [tilespmem:v2+s16+$0x0], $0xffff  }
0x3c: {  	v3 =	vld.idx.msk [tilespmem:v3+s16+$0x0], $0xffff;
	_ =	sdelay $0x4  }
0x3d: {  	v2 =	vadd.f32 v3, v2;
	_ =	sdelay $0x1  }
0x3e: {  	v3 =	vmul.f32 $9.999999770e-03, v2  }
0x3f: {  	vm0 =	vge.f32 v2, $0.0e+00  }
0x40: {  	v2 =	vsel vm0, v2, v3  }
0x41: {  	v2 =	vmul.f32 $1.442695020e+00, v2;
	_ =	sdelay $0x1  }
0x42: {  	(erf) = vpow2.f32 v2;
	_ =	sdelay $0x2  }
0x43: {  	v2 =	vld [tilespmem:s21+$0x0];
	_ =	sdelay $0x5  }
0x44: {  	v3 =	vpop (erf)  }
0x45: {  	[tilespmem:s21+$0x7800] =	vst v3  }
0x46: {  	[tilespmem:v2+s17+$0x0] =	vst.idx.add.f32.msk $0xffff, v3  }
0x47: {  	[tilespmem:v2+s18+$0x0] =	vst.idx.add.f32.msk $0xffff, v1  }
0x48: {  	[hbm4b:s7+s11] =	stream.strided.scatter [tilespmem:s19], [sflag:$0x1], $0x2800, s12, s11, $0x38;
	[tilespmem:$0xF200] =	vst v63  }
0x49: {  	_ =	swait.ge [sflag:s13], $0x2800  }
0x4a: {  	[sflag:s13] =	ssyncset.done $0x0  }
0x4b: {  	[sflag:s13] =	ssyncadd.s32 $0xFFFFD800  }
0x4c: {  	[hbm4b:s8+s11] =	stream.strided.scatter [tilespmem:s18], [sflag:$0x1], $0x2800, s12, s11, $0x38;
	[tilespmem:$0xF200] =	vst v63  }
0x4d: {  	s20 =	sadd.s32 $0x1, s20;
	_ =	swait.ge [sflag:s13], $0x2800  }
0x4e: {  	p0 =	sne.s32 s20, s10;
	[sflag:s13] =	ssyncset.done $0x0  }
.Ltmp2:
0x4f: {  	[sflag:s13] =	ssyncadd.s32 $0xFFFFD800;
	(pc) =	sbr.rel @p0 .LBB2_1-.Ltmp2, $4  }
0x50: {  	[hbm4b:s9+s11] =	stream.strided.scatter [tilespmem:s17], [sflag:$0x1], $0x2800, s12, s11, $0x38;
	[tilespmem:$0xF200] =	vst v63  }
0x51: {  	_ =	swait.ge [sflag:s13], $0x2800  }
0x52: {  	[sflag:s13] =	ssyncset.done $0x0  }
0x53: {  	[sflag:s13] =	ssyncadd.s32 $0xFFFFD800  }
0x54: {  	_ =	sfence.sel $0x180000  }
0x55: {  	[bflag:$0x0] =	sbarrier.arrive $0xFFFF  }
0x56: {  	p0 =	sne.s32 s0, $0x0;
	_ =	strace $0x90000047  }
0x57: {  	s0 =	sadd.s32 @!p0 $0x100000, s1;
	[bflag:$0x2] =	sbarrier.arrive $0xFFFF  }
0x58: {  	[sflag:s0] =	ssyncadd.tile.s32 @!p0 $0x1;
	_ =	shalt  }
.Lfunc_end2:
_tile_overlayer_lowered:
.L_overlay_start_2:
0x59: {  	(tag) =	ssettag $0x2  }
0x5a: {  	s0 =	rddreg [dreg:$0x0];
	s2 =	stileid.u32  }
0x5b: {  	s1 =	rddreg [dreg:$0x1];
	p0 =	sne.s32 s2, $0x0  }
0x5c: {  	s3 =	rddreg [dreg:$0x2];
	[bflag:$0x3] =	sbarrier.arrive $0xFFFF;
	s2 =	simm.s32 @!p0 $0x1C01  }
0x5d: {  	[timem:s3], [sflag:s2] =	dma.local @!p0 [hbm:s0], s1  }
0x5e: {  	s0 =	simm.s32 @!p0 $0x1  }
0x5f: {  	_ =	swait.ge @!p0 [sflag:s0], s1  }
0x60: {  	s1 =	ssub.s32 @!p0 $0x0, s1;
	[sflag:s0] =	ssyncset.done @!p0 $0x0  }
0x61: {  	[sflag:s0] =	ssyncadd.s32 @!p0 s1  }
0x62: {  	[bflag:$0x3] =	sbarrier.arrive $0xFFFF  }
0x63: {  	_ =	shalt  }

</sc_bundles>
